<compile_context>
chip_gen: v7x
topology: tpu7x:2x2x1
jax: 0.10.2.dev20260603
libtpu: 0.0.44.dev20260713+nightly
codegen_flags: <defaults>
</compile_context>

<pallas_src>
import functools

import jax
import jax.numpy as jnp
from jax import lax
from jax.experimental import pallas as pl
from jax.experimental.pallas import tpu as pltpu
from jax.experimental.pallas import tpu_sc as plsc

EMB = 128
NC = 2
NS = 16
NW = NC * NS
S = 2
CH = 128
NBUF = 4
LAG = 2

_MESH = plsc.VectorSubcoreMesh(core_axis_name="c", subcore_axis_name="s")


def _make_sc_gather(Bs, BKs):
    bpw = Bs // NW
    npw = BKs // NW
    n_chunks = npw // CH

    @functools.partial(
        pl.kernel,
        mesh=_MESH,
        out_type=[
            jax.ShapeDtypeStruct((Bs, EMB), jnp.float32),
            jax.ShapeDtypeStruct((Bs, EMB), jnp.float32),
            jax.ShapeDtypeStruct((Bs, EMB), jnp.float32),
            jax.ShapeDtypeStruct((Bs, EMB), jnp.float32),
            jax.ShapeDtypeStruct((BKs, EMB), jnp.float32),
            jax.ShapeDtypeStruct((BKs, EMB), jnp.float32),
        ],
        scratch_types=(
            [pltpu.VMEM((bpw,), jnp.int32),
             pltpu.VMEM((bpw,), jnp.int32),
             pltpu.VMEM((n_chunks, CH), jnp.int32)]
            + [pltpu.VMEM((CH, EMB), jnp.float32) for _ in range(NBUF)]
            + [pltpu.SemaphoreType.DMA for _ in range(2 * NBUF)]
        ),
    )
    def sc_gather(u1, v1, n3, Q_hbm, U_hbm, T_hbm, V_hbm,
                  q_out, ue_out, t_out, ve_out, tn_out, vn_out,
                  idxu, idxv, idxn, *bufs_and_sems):
        bufs = bufs_and_sems[:NBUF]
        gsems = bufs_and_sems[NBUF:2 * NBUF]
        wsems = bufs_and_sems[2 * NBUF:]
        cid = lax.axis_index("c")
        sid = lax.axis_index("s")
        wid = sid * NC + cid
        base = wid * bpw
        nbase = wid * npw

        pltpu.sync_copy(u1.at[pl.ds(base, bpw)], idxu)
        pltpu.sync_copy(v1.at[pl.ds(base, bpw)], idxv)
        pltpu.sync_copy(n3.at[wid], idxn)

        tasks = [
            (Q_hbm, idxu, q_out, base, bpw),
            (U_hbm, idxu, ue_out, base, bpw),
            (T_hbm, idxv, t_out, base, bpw),
            (V_hbm, idxv, ve_out, base, bpw),
        ]
        for j in range(n_chunks):
            tasks.append((T_hbm, idxn.at[j], tn_out, nbase + j * CH, CH))
            tasks.append((V_hbm, idxn.at[j], vn_out, nbase + j * CH, CH))

        gpend = [None] * NBUF
        wpend = [None] * NBUF
        views = [None] * NBUF

        def drain(j):
            p = j % NBUF
            gpend[p].wait()
            buf, out, off, ln = views[p]
            wpend[p] = pltpu.async_copy(buf, out.at[pl.ds(off, ln)], wsems[p])

        for j, (tbl, idx, out, off, ln) in enumerate(tasks):
            p = j % NBUF
            buf = bufs[p] if ln == CH else bufs[p].at[pl.ds(0, ln)]
            if wpend[p] is not None:
                wpend[p].wait()
            gpend[p] = pltpu.async_copy(tbl.at[idx], buf, gsems[p])
            views[p] = (buf, out, off, ln)
            if j >= LAG:
                drain(j - LAG)
        for j in range(len(tasks) - LAG, len(tasks)):
            drain(j)
        for p in range(NBUF):
            if wpend[p] is not None:
                wpend[p].wait()

    return sc_gather


def _tc_body(K, Bb, q_ref, ue_ref, t_ref, ve_ref, vn_ref, tn_ref, w_ref, b_ref,
             pred_ref, predn_ref):
    q = q_ref[...]
    ue = ue_ref[...]
    w = w_ref[...]
    b = b_ref[...]

    h = ue * ve_ref[...]
    hw = lax.dot_general(h, w, (((1,), (1,)), ((), ())),
                         preferred_element_type=jnp.float32)
    s = (q * (hw + b)) * h
    pred_ref[...] = jnp.sum(s * jax.nn.sigmoid(t_ref[...]), axis=1,
                            keepdims=True)

    hn = vn_ref[...] * ue[None]
    hnw = lax.dot_general(hn.reshape(K * Bb, EMB), w, (((1,), (1,)), ((), ())),
                          preferred_element_type=jnp.float32)
    an = (hnw.reshape(K, Bb, EMB) + b[None]) * q[None]
    sn = an * hn
    predn_ref[...] = jnp.sum(sn * jax.nn.sigmoid(tn_ref[...]), axis=2,
                             keepdims=True)


def _make_tc_compute(Bs, K, Bb=512):
    nb = Bs // Bb

    return pl.pallas_call(
        functools.partial(_tc_body, K, Bb),
        grid=(nb,),
        in_specs=[
            pl.BlockSpec((Bb, EMB), lambda i: (i, 0)),
            pl.BlockSpec((Bb, EMB), lambda i: (i, 0)),
            pl.BlockSpec((Bb, EMB), lambda i: (i, 0)),
            pl.BlockSpec((Bb, EMB), lambda i: (i, 0)),
            pl.BlockSpec((K, Bb, EMB), lambda i: (0, i, 0)),
            pl.BlockSpec((K, Bb, EMB), lambda i: (0, i, 0)),
            pl.BlockSpec((EMB, EMB), lambda i: (0, 0)),
            pl.BlockSpec((1, EMB), lambda i: (0, 0)),
        ],
        out_specs=[
            pl.BlockSpec((Bb, 1), lambda i: (i, 0)),
            pl.BlockSpec((K, Bb, 1), lambda i: (0, i, 0)),
        ],
        out_shape=[
            jax.ShapeDtypeStruct((Bs, 1), jnp.float32),
            jax.ShapeDtypeStruct((K, Bs, 1), jnp.float32),
        ],
    )


def kernel(u, v, n, U_emb, Q_emb, V_emb, T_emb, W, b):
    B = u.shape[0]
    K = n.shape[1]
    Bs = B // S
    BKs = Bs * K

    u1 = u.astype(jnp.int32)
    v1 = v.astype(jnp.int32)
    n32 = n.astype(jnp.int32)
    b2 = b.reshape(1, EMB)

    sc_gather = _make_sc_gather(Bs, BKs)
    tc = _make_tc_compute(Bs, K)

    preds = []
    predns = []
    for s in range(S):
        sl = slice(s * Bs, (s + 1) * Bs)
        nT = n32[sl].T.reshape(NW, BKs // NW // CH, CH)
        q, ue, t, ve, tn, vn = sc_gather(u1[sl], v1[sl], nT,
                                         Q_emb, U_emb, T_emb, V_emb)
        pred_s, prednT_s = tc(q, ue, t, ve,
                              vn.reshape(K, Bs, EMB), tn.reshape(K, Bs, EMB),
                              W, b2)
        preds.append(pred_s.reshape(Bs))
        predns.append(prednT_s.reshape(K, Bs).T)

    pred = jnp.concatenate(preds)
    predn = jnp.concatenate(predns).reshape(B * K)
    return (pred, predn)

# --- scband reference (transcript-rebuilt; emitter-appended) ---
"""Pipeline reference for scband-atcf-2199023255925 (READ-ONLY COPY).

The authoritative reference and input builder live on the scoring server;
editing this copy changes nothing except your own understanding.
"""

import jax, jax.numpy as jnp
import numpy as np

NUM_USER = 100000
NUM_ITEM = 100000
EMB = 128
B = 4096
K = 20


def setup_inputs(seed: int = 0) -> dict:
    key = jax.random.key(seed)
    ks = jax.random.split(key, 9)
    u = jax.random.randint(ks[0], (B,), 0, NUM_USER)
    v = jax.random.randint(ks[1], (B,), 0, NUM_ITEM)
    n = jax.random.randint(ks[2], (B, K), 0, NUM_ITEM)
    U_emb = jax.random.normal(ks[3], (NUM_USER, EMB), dtype=jnp.float32) * 0.05
    Q_emb = jax.random.normal(ks[4], (NUM_USER, EMB), dtype=jnp.float32) * 0.05
    V_emb = jax.random.normal(ks[5], (NUM_ITEM, EMB), dtype=jnp.float32) * 0.05
    T_emb = jax.random.normal(ks[6], (NUM_ITEM, EMB), dtype=jnp.float32) * 0.05
    W = jax.random.normal(ks[7], (EMB, EMB), dtype=jnp.float32) * (1.0 / np.sqrt(EMB))
    b = jax.random.normal(ks[8], (EMB,), dtype=jnp.float32) * 0.01
    return {"u": u, "v": v, "n": n, "U_emb": U_emb, "Q_emb": Q_emb, "V_emb": V_emb, "T_emb": T_emb, "W": W, "b": b}


def reference(u, v, n, U_emb, Q_emb, V_emb, T_emb, W, b):
    q = jnp.take(Q_emb, u, axis=0)
    ue = jnp.take(U_emb, u, axis=0)
    t = jnp.take(T_emb, v, axis=0)
    ve = jnp.take(V_emb, v, axis=0)
    t_n = jnp.take(T_emb, n, axis=0)
    v_n = jnp.take(V_emb, n, axis=0)
    h = ue * ve
    h_n = ue[:, None, :] * v_n
    a = q * (jnp.dot(h, W.T) + b)
    s = a * h
    a_n = q[:, None, :] * (jnp.dot(h_n, W.T) + b)
    s_n = a_n * h_n
    ts = jax.nn.sigmoid(t)
    pred = jnp.sum(s * ts, axis=1)
    tns = jax.nn.sigmoid(t_n)
    pred_n = jnp.sum(s_n.reshape(-1, s_n.shape[-1]) * tns.reshape(-1, tns.shape[-1]), axis=1)
    return (pred, pred_n)

if __name__ == "__main__":
    import jax
    _d = setup_inputs()
    print(jax.jit(kernel)(*tuple(_d.values())))

</pallas_src>

<mosaic_0001>
#map = affine_map<(d0, d1) -> (0)>
#map1 = affine_map<(d0, d1) -> (0, 0, 0)>
#map2 = affine_map<(d0, d1) -> (0, 0)>
module attributes {stable_mosaic.version = 14 : i64} {
  func.func @sc_gather(%arg0: i32, %arg1: i32, %arg2: memref<2048xi32, #tpu.memory_space<hbm>>, %arg3: memref<2048xi32, #tpu.memory_space<hbm>>, %arg4: memref<32x10x128xi32, #tpu.memory_space<hbm>>, %arg5: memref<100000x128xf32, #tpu.memory_space<hbm>>, %arg6: memref<100000x128xf32, #tpu.memory_space<hbm>>, %arg7: memref<100000x128xf32, #tpu.memory_space<hbm>>, %arg8: memref<100000x128xf32, #tpu.memory_space<hbm>>, %arg9: memref<2048x128xf32, #tpu.memory_space<hbm>>, %arg10: memref<2048x128xf32, #tpu.memory_space<hbm>>, %arg11: memref<2048x128xf32, #tpu.memory_space<hbm>>, %arg12: memref<2048x128xf32, #tpu.memory_space<hbm>>, %arg13: memref<40960x128xf32, #tpu.memory_space<hbm>>, %arg14: memref<40960x128xf32, #tpu.memory_space<hbm>>, %arg15: memref<64xi32, #tpu.memory_space<vmem>>, %arg16: memref<64xi32, #tpu.memory_space<vmem>>, %arg17: memref<10x128xi32, #tpu.memory_space<vmem>>, %arg18: memref<128x128xf32, #tpu.memory_space<vmem>>, %arg19: memref<128x128xf32, #tpu.memory_space<vmem>>, %arg20: memref<128x128xf32, #tpu.memory_space<vmem>>, %arg21: memref<128x128xf32, #tpu.memory_space<vmem>>, %arg22: memref<!tpu.dma_semaphore, #tpu.memory_space<semaphore_mem>>, %arg23: memref<!tpu.dma_semaphore, #tpu.memory_space<semaphore_mem>>, %arg24: memref<!tpu.dma_semaphore, #tpu.memory_space<semaphore_mem>>, %arg25: memref<!tpu.dma_semaphore, #tpu.memory_space<semaphore_mem>>, %arg26: memref<!tpu.dma_semaphore, #tpu.memory_space<semaphore_mem>>, %arg27: memref<!tpu.dma_semaphore, #tpu.memory_space<semaphore_mem>>, %arg28: memref<!tpu.dma_semaphore, #tpu.memory_space<semaphore_mem>>, %arg29: memref<!tpu.dma_semaphore, #tpu.memory_space<semaphore_mem>>) attributes {dimension_semantics = [#tpu.dimension_semantics<core_parallel>, #tpu.dimension_semantics<subcore_parallel>], iteration_bounds = array<i64: 2, 16>, scalar_prefetch = 0 : i64, scratch_operands = 15 : i64, tpu.core_type = #tpu.core_type<sc_vector_subcore>, window_params = [{transform_indices = #map}, {transform_indices = #map}, {transform_indices = #map1}, {transform_indices = #map2}, {transform_indices = #map2}, {transform_indices = #map2}, {transform_indices = #map2}, {transform_indices = #map2}, {transform_indices = #map2}, {transform_indices = #map2}, {transform_indices = #map2}, {transform_indices = #map2}, {transform_indices = #map2}]} {
    %mul3A = arith.constant 2 : i32
    %mul3A_0 = arith.muli %arg1, %mul3A : i32
    %add3A = arith.addi %mul3A_0, %arg0 : i32
    %mul3A_1 = arith.constant 64 : i32
    %mul3A_2 = arith.muli %add3A, %mul3A_1 : i32
    %mul3A_3 = arith.constant 1280 : i32
    %mul3A_4 = arith.muli %add3A, %mul3A_3 : i32
    "tpu.region"() ({
      %run_scoped3A = tpu.sem_alloc : memref<!tpu.dma_semaphore, #tpu.memory_space<semaphore_mem>>
      %dma_start3A_611 = tpu.memref_slice %arg2[%mul3A_2] : memref<2048xi32, #tpu.memory_space<hbm>> -> memref<64xi32, #tpu.memory_space<hbm>>
      %dma_start3A_612 = tpu.memref_slice %arg2[%mul3A_2] : memref<2048xi32, #tpu.memory_space<hbm>> -> memref<64xi32, #tpu.memory_space<hbm>>
      tpu.enqueue_dma source(%dma_start3A_612 : memref<64xi32, #tpu.memory_space<hbm>>) target(%arg15 : memref<64xi32, #tpu.memory_space<vmem>>) target_semaphore(%run_scoped3A : memref<!tpu.dma_semaphore, #tpu.memory_space<semaphore_mem>>)
      %dma_wait3A_613 = tpu.memref_slice %arg2[%mul3A_2] : memref<2048xi32, #tpu.memory_space<hbm>> -> memref<64xi32, #tpu.memory_space<hbm>>
      %dma_wait3A_614 = tpu.memref_slice %arg2[%mul3A_2] : memref<2048xi32, #tpu.memory_space<hbm>> -> memref<64xi32, #tpu.memory_space<hbm>>
      tpu.wait_dma2 semaphore(%run_scoped3A : memref<!tpu.dma_semaphore, #tpu.memory_space<semaphore_mem>>) src(%dma_wait3A_614 : memref<64xi32, #tpu.memory_space<hbm>>) dst(%arg15 : memref<64xi32, #tpu.memory_space<vmem>>)
      tpu.yield
    }) : () -> ()
    "tpu.region"() ({
      %run_scoped3A = tpu.sem_alloc : memref<!tpu.dma_semaphore, #tpu.memory_space<semaphore_mem>>
      %dma_start3A_611 = tpu.memref_slice %arg3[%mul3A_2] : memref<2048xi32, #tpu.memory_space<hbm>> -> memref<64xi32, #tpu.memory_space<hbm>>
      %dma_start3A_612 = tpu.memref_slice %arg3[%mul3A_2] : memref<2048xi32, #tpu.memory_space<hbm>> -> memref<64xi32, #tpu.memory_space<hbm>>
      tpu.enqueue_dma source(%dma_start3A_612 : memref<64xi32, #tpu.memory_space<hbm>>) target(%arg16 : memref<64xi32, #tpu.memory_space<vmem>>) target_semaphore(%run_scoped3A : memref<!tpu.dma_semaphore, #tpu.memory_space<semaphore_mem>>)
      %dma_wait3A_613 = tpu.memref_slice %arg3[%mul3A_2] : memref<2048xi32, #tpu.memory_space<hbm>> -> memref<64xi32, #tpu.memory_space<hbm>>
      %dma_wait3A_614 = tpu.memref_slice %arg3[%mul3A_2] : memref<2048xi32, #tpu.memory_space<hbm>> -> memref<64xi32, #tpu.memory_space<hbm>>
      tpu.wait_dma2 semaphore(%run_scoped3A : memref<!tpu.dma_semaphore, #tpu.memory_space<semaphore_mem>>) src(%dma_wait3A_614 : memref<64xi32, #tpu.memory_space<hbm>>) dst(%arg16 : memref<64xi32, #tpu.memory_space<vmem>>)
      tpu.yield
    }) : () -> ()
    "tpu.region"() ({
      %run_scoped3A = tpu.sem_alloc : memref<!tpu.dma_semaphore, #tpu.memory_space<semaphore_mem>>
      %dma_start3A_611 = arith.constant 0 : i32
      %dma_start3A_612 = arith.constant 0 : i32
      %dma_start3A_613 = tpu.memref_slice %arg4[%add3A, %dma_start3A_611, %dma_start3A_612] : memref<32x10x128xi32, #tpu.memory_space<hbm>> -> memref<1x10x128xi32, #tpu.memory_space<hbm>>
      %dma_start3A_614 = tpu.memref_squeeze %dma_start3A_613 : memref<1x10x128xi32, #tpu.memory_space<hbm>> -> memref<10x128xi32, #tpu.memory_space<hbm>>
      %dma_start3A_615 = arith.constant 0 : i32
      %dma_start3A_616 = arith.constant 0 : i32
      %dma_start3A_617 = tpu.memref_slice %arg4[%add3A, %dma_start3A_615, %dma_start3A_616] : memref<32x10x128xi32, #tpu.memory_space<hbm>> -> memref<1x10x128xi32, #tpu.memory_space<hbm>>
      %dma_start3A_618 = tpu.memref_squeeze %dma_start3A_617 : memref<1x10x128xi32, #tpu.memory_space<hbm>> -> memref<10x128xi32, #tpu.memory_space<hbm>>
      tpu.enqueue_dma source(%dma_start3A_618 : memref<10x128xi32, #tpu.memory_space<hbm>>) target(%arg17 : memref<10x128xi32, #tpu.memory_space<vmem>>) target_semaphore(%run_scoped3A : memref<!tpu.dma_semaphore, #tpu.memory_space<semaphore_mem>>)
      %dma_wait3A_619 = arith.constant 0 : i32
      %dma_wait3A_620 = arith.constant 0 : i32
      %dma_wait3A_621 = tpu.memref_slice %arg4[%add3A, %dma_wait3A_619, %dma_wait3A_620] : memref<32x10x128xi32, #tpu.memory_space<hbm>> -> memref<1x10x128xi32, #tpu.memory_space<hbm>>
      %dma_wait3A_622 = tpu.memref_squeeze %dma_wait3A_621 : memref<1x10x128xi32, #tpu.memory_space<hbm>> -> memref<10x128xi32, #tpu.memory_space<hbm>>
      %dma_wait3A_623 = arith.constant 0 : i32
      %dma_wait3A_624 = arith.constant 0 : i32
      %dma_wait3A_625 = tpu.memref_slice %arg4[%add3A, %dma_wait3A_623, %dma_wait3A_624] : memref<32x10x128xi32, #tpu.memory_space<hbm>> -> memref<1x10x128xi32, #tpu.memory_space<hbm>>
      %dma_wait3A_626 = tpu.memref_squeeze %dma_wait3A_625 : memref<1x10x128xi32, #tpu.memory_space<hbm>> -> memref<10x128xi32, #tpu.memory_space<hbm>>
      tpu.wait_dma2 semaphore(%run_scoped3A : memref<!tpu.dma_semaphore, #tpu.memory_space<semaphore_mem>>) src(%dma_wait3A_626 : memref<10x128xi32, #tpu.memory_space<hbm>>) dst(%arg17 : memref<10x128xi32, #tpu.memory_space<vmem>>)
      tpu.yield
    }) : () -> ()
    %add3A_5 = arith.constant 0 : i32
    %add3A_6 = arith.addi %mul3A_4, %add3A_5 : i32
    %add3A_7 = arith.constant 0 : i32
    %add3A_8 = arith.addi %mul3A_4, %add3A_7 : i32
    %add3A_9 = arith.constant 128 : i32
    %add3A_10 = arith.addi %mul3A_4, %add3A_9 : i32
    %add3A_11 = arith.constant 128 : i32
    %add3A_12 = arith.addi %mul3A_4, %add3A_11 : i32
    %add3A_13 = arith.constant 256 : i32
    %add3A_14 = arith.addi %mul3A_4, %add3A_13 : i32
    %add3A_15 = arith.constant 256 : i32
    %add3A_16 = arith.addi %mul3A_4, %add3A_15 : i32
    %add3A_17 = arith.constant 384 : i32
    %add3A_18 = arith.addi %mul3A_4, %add3A_17 : i32
    %add3A_19 = arith.constant 384 : i32
    %add3A_20 = arith.addi %mul3A_4, %add3A_19 : i32
    %add3A_21 = arith.constant 512 : i32
    %add3A_22 = arith.addi %mul3A_4, %add3A_21 : i32
    %add3A_23 = arith.constant 512 : i32
    %add3A_24 = arith.addi %mul3A_4, %add3A_23 : i32
    %add3A_25 = arith.constant 640 : i32
    %add3A_26 = arith.addi %mul3A_4, %add3A_25 : i32
    %add3A_27 = arith.constant 640 : i32
    %add3A_28 = arith.addi %mul3A_4, %add3A_27 : i32
    %add3A_29 = arith.constant 768 : i32
    %add3A_30 = arith.addi %mul3A_4, %add3A_29 : i32
    %add3A_31 = arith.constant 768 : i32
    %add3A_32 = arith.addi %mul3A_4, %add3A_31 : i32
    %add3A_33 = arith.constant 896 : i32
    %add3A_34 = arith.addi %mul3A_4, %add3A_33 : i32
    %add3A_35 = arith.constant 896 : i32
    %add3A_36 = arith.addi %mul3A_4, %add3A_35 : i32
    %add3A_37 = arith.constant 1024 : i32
    %add3A_38 = arith.addi %mul3A_4, %add3A_37 : i32
    %add3A_39 = arith.constant 1024 : i32
    %add3A_40 = arith.addi %mul3A_4, %add3A_39 : i32
    %add3A_41 = arith.constant 1152 : i32
    %add3A_42 = arith.addi %mul3A_4, %add3A_41 : i32
    %add3A_43 = arith.constant 1152 : i32
    %add3A_44 = arith.addi %mul3A_4, %add3A_43 : i32
    %dma_start3A = arith.constant 0 : i32
    %dma_start3A_45 = arith.constant 0 : i32
    %dma_start3A_46 = tpu.memref_slice %arg18[%dma_start3A, %dma_start3A_45] : memref<128x128xf32, #tpu.memory_space<vmem>> -> memref<64x128xf32, #tpu.memory_space<vmem>>
    %dma_start3A_47 = arith.constant 0 : i32
    %dma_start3A_48 = arith.constant 0 : i32
    %dma_start3A_49 = tpu.memref_slice %arg5[%dma_start3A_47, %dma_start3A_48] : memref<100000x128xf32, #tpu.memory_space<hbm>> -> memref<100000x128xf32, #tpu.memory_space<hbm>>
    tpu.enqueue_indirect_dma source(%dma_start3A_49 : memref<100000x128xf32, #tpu.memory_space<hbm>>) target(%dma_start3A_46 : memref<64x128xf32, #tpu.memory_space<vmem>>) offsets(%arg15 : memref<64xi32, #tpu.memory_space<vmem>>) semaphore(%arg22 : memref<!tpu.dma_semaphore, #tpu.memory_space<semaphore_mem>>)
    %dma_start3A_50 = arith.constant 0 : i32
    %dma_start3A_51 = arith.constant 0 : i32
    %dma_start3A_52 = tpu.memref_slice %arg19[%dma_start3A_50, %dma_start3A_51] : memref<128x128xf32, #tpu.memory_space<vmem>> -> memref<64x128xf32, #tpu.memory_space<vmem>>
    %dma_start3A_53 = arith.constant 0 : i32
    %dma_start3A_54 = arith.constant 0 : i32
    %dma_start3A_55 = tpu.memref_slice %arg6[%dma_start3A_53, %dma_start3A_54] : memref<100000x128xf32, #tpu.memory_space<hbm>> -> memref<100000x128xf32, #tpu.memory_space<hbm>>
    tpu.enqueue_indirect_dma source(%dma_start3A_55 : memref<100000x128xf32, #tpu.memory_space<hbm>>) target(%dma_start3A_52 : memref<64x128xf32, #tpu.memory_space<vmem>>) offsets(%arg15 : memref<64xi32, #tpu.memory_space<vmem>>) semaphore(%arg23 : memref<!tpu.dma_semaphore, #tpu.memory_space<semaphore_mem>>)
    %dma_start3A_56 = arith.constant 0 : i32
    %dma_start3A_57 = arith.constant 0 : i32
    %dma_start3A_58 = tpu.memref_slice %arg20[%dma_start3A_56, %dma_start3A_57] : memref<128x128xf32, #tpu.memory_space<vmem>> -> memref<64x128xf32, #tpu.memory_space<vmem>>
    %dma_start3A_59 = arith.constant 0 : i32
    %dma_start3A_60 = arith.constant 0 : i32
    %dma_start3A_61 = tpu.memref_slice %arg7[%dma_start3A_59, %dma_start3A_60] : memref<100000x128xf32, #tpu.memory_space<hbm>> -> memref<100000x128xf32, #tpu.memory_space<hbm>>
    tpu.enqueue_indirect_dma source(%dma_start3A_61 : memref<100000x128xf32, #tpu.memory_space<hbm>>) target(%dma_start3A_58 : memref<64x128xf32, #tpu.memory_space<vmem>>) offsets(%arg16 : memref<64xi32, #tpu.memory_space<vmem>>) semaphore(%arg24 : memref<!tpu.dma_semaphore, #tpu.memory_space<semaphore_mem>>)
    %dma_wait3A = arith.constant 0 : i32
    %dma_wait3A_62 = arith.constant 0 : i32
    %dma_wait3A_63 = tpu.memref_slice %arg18[%dma_wait3A, %dma_wait3A_62] : memref<128x128xf32, #tpu.memory_space<vmem>> -> memref<64x128xf32, #tpu.memory_space<vmem>>
    %dma_wait3A_64 = arith.constant 0 : i32
    %dma_wait3A_65 = arith.constant 0 : i32
    %dma_wait3A_66 = tpu.memref_slice %arg5[%dma_wait3A_64, %dma_wait3A_65] : memref<100000x128xf32, #tpu.memory_space<hbm>> -> memref<100000x128xf32, #tpu.memory_space<hbm>>
    tpu.wait_indirect_dma semaphore(%arg22 : memref<!tpu.dma_semaphore, #tpu.memory_space<semaphore_mem>>) src(%dma_wait3A_66 : memref<100000x128xf32, #tpu.memory_space<hbm>>) dst(%dma_wait3A_63 : memref<64x128xf32, #tpu.memory_space<vmem>>)
    %dma_start3A_67 = arith.constant 0 : i32
    %dma_start3A_68 = arith.constant 0 : i32
    %dma_start3A_69 = tpu.memref_slice %arg18[%dma_start3A_67, %dma_start3A_68] : memref<128x128xf32, #tpu.memory_space<vmem>> -> memref<64x128xf32, #tpu.memory_space<vmem>>
    %dma_start3A_70 = arith.constant 0 : i32
    %dma_start3A_71 = tpu.memref_slice %arg9[%mul3A_2, %dma_start3A_70] : memref<2048x128xf32, #tpu.memory_space<hbm>> -> memref<64x128xf32, #tpu.memory_space<hbm>>
    %dma_start3A_72 = arith.constant 0 : i32
    %dma_start3A_73 = tpu.memref_slice %arg9[%mul3A_2, %dma_start3A_72] : memref<2048x128xf32, #tpu.memory_space<hbm>> -> memref<64x128xf32, #tpu.memory_space<hbm>>
    %dma_start3A_74 = arith.constant 0 : i32
    %dma_start3A_75 = arith.constant 0 : i32
    %dma_start3A_76 = tpu.memref_slice %arg18[%dma_start3A_74, %dma_start3A_75] : memref<128x128xf32, #tpu.memory_space<vmem>> -> memref<64x128xf32, #tpu.memory_space<vmem>>
    tpu.enqueue_dma source(%dma_start3A_76 : memref<64x128xf32, #tpu.memory_space<vmem>>) target(%dma_start3A_73 : memref<64x128xf32, #tpu.memory_space<hbm>>) target_semaphore(%arg26 : memref<!tpu.dma_semaphore, #tpu.memory_space<semaphore_mem>>)
    %dma_start3A_77 = arith.constant 0 : i32
    %dma_start3A_78 = arith.constant 0 : i32
    %dma_start3A_79 = tpu.memref_slice %arg21[%dma_start3A_77, %dma_start3A_78] : memref<128x128xf32, #tpu.memory_space<vmem>> -> memref<64x128xf32, #tpu.memory_space<vmem>>
    %dma_start3A_80 = arith.constant 0 : i32
    %dma_start3A_81 = arith.constant 0 : i32
    %dma_start3A_82 = tpu.memref_slice %arg8[%dma_start3A_80, %dma_start3A_81] : memref<100000x128xf32, #tpu.memory_space<hbm>> -> memref<100000x128xf32, #tpu.memory_space<hbm>>
    tpu.enqueue_indirect_dma source(%dma_start3A_82 : memref<100000x128xf32, #tpu.memory_space<hbm>>) target(%dma_start3A_79 : memref<64x128xf32, #tpu.memory_space<vmem>>) offsets(%arg16 : memref<64xi32, #tpu.memory_space<vmem>>) semaphore(%arg25 : memref<!tpu.dma_semaphore, #tpu.memory_space<semaphore_mem>>)
    %dma_wait3A_83 = arith.constant 0 : i32
    %dma_wait3A_84 = arith.constant 0 : i32
    %dma_wait3A_85 = tpu.memref_slice %arg19[%dma_wait3A_83, %dma_wait3A_84] : memref<128x128xf32, #tpu.memory_space<vmem>> -> memref<64x128xf32, #tpu.memory_space<vmem>>
    %dma_wait3A_86 = arith.constant 0 : i32
    %dma_wait3A_87 = arith.constant 0 : i32
    %dma_wait3A_88 = tpu.memref_slice %arg6[%dma_wait3A_86, %dma_wait3A_87] : memref<100000x128xf32, #tpu.memory_space<hbm>> -> memref<100000x128xf32, #tpu.memory_space<hbm>>
    tpu.wait_indirect_dma semaphore(%arg23 : memref<!tpu.dma_semaphore, #tpu.memory_space<semaphore_mem>>) src(%dma_wait3A_88 : memref<100000x128xf32, #tpu.memory_space<hbm>>) dst(%dma_wait3A_85 : memref<64x128xf32, #tpu.memory_space<vmem>>)
    %dma_start3A_89 = arith.constant 0 : i32
    %dma_start3A_90 = arith.constant 0 : i32
    %dma_start3A_91 = tpu.memref_slice %arg19[%dma_start3A_89, %dma_start3A_90] : memref<128x128xf32, #tpu.memory_space<vmem>> -> memref<64x128xf32, #tpu.memory_space<vmem>>
    %dma_start3A_92 = arith.constant 0 : i32
    %dma_start3A_93 = tpu.memref_slice %arg10[%mul3A_2, %dma_start3A_92] : memref<2048x128xf32, #tpu.memory_space<hbm>> -> memref<64x128xf32, #tpu.memory_space<hbm>>
    %dma_start3A_94 = arith.constant 0 : i32
    %dma_start3A_95 = tpu.memref_slice %arg10[%mul3A_2, %dma_start3A_94] : memref<2048x128xf32, #tpu.memory_space<hbm>> -> memref<64x128xf32, #tpu.memory_space<hbm>>
    %dma_start3A_96 = arith.constant 0 : i32
    %dma_start3A_97 = arith.constant 0 : i32
    %dma_start3A_98 = tpu.memref_slice %arg19[%dma_start3A_96, %dma_start3A_97] : memref<128x128xf32, #tpu.memory_space<vmem>> -> memref<64x128xf32, #tpu.memory_space<vmem>>
    tpu.enqueue_dma source(%dma_start3A_98 : memref<64x128xf32, #tpu.memory_space<vmem>>) target(%dma_start3A_95 : memref<64x128xf32, #tpu.memory_space<hbm>>) target_semaphore(%arg27 : memref<!tpu.dma_semaphore, #tpu.memory_space<semaphore_mem>>)
    %dma_wait3A_99 = arith.constant 0 : i32
    %dma_wait3A_100 = arith.constant 0 : i32
    %dma_wait3A_101 = tpu.memref_slice %arg18[%dma_wait3A_99, %dma_wait3A_100] : memref<128x128xf32, #tpu.memory_space<vmem>> -> memref<64x128xf32, #tpu.memory_space<vmem>>
    %dma_wait3A_102 = arith.constant 0 : i32
    %dma_wait3A_103 = tpu.memref_slice %arg9[%mul3A_2, %dma_wait3A_102] : memref<2048x128xf32, #tpu.memory_space<hbm>> -> memref<64x128xf32, #tpu.memory_space<hbm>>
    %dma_wait3A_104 = arith.constant 0 : i32
    %dma_wait3A_105 = tpu.memref_slice %arg9[%mul3A_2, %dma_wait3A_104] : memref<2048x128xf32, #tpu.memory_space<hbm>> -> memref<64x128xf32, #tpu.memory_space<hbm>>
    %dma_wait3A_106 = arith.constant 0 : i32
    %dma_wait3A_107 = arith.constant 0 : i32
    %dma_wait3A_108 = tpu.memref_slice %arg18[%dma_wait3A_106, %dma_wait3A_107] : memref<128x128xf32, #tpu.memory_space<vmem>> -> memref<64x128xf32, #tpu.memory_space<vmem>>
    tpu.wait_dma2 semaphore(%arg26 : memref<!tpu.dma_semaphore, #tpu.memory_space<semaphore_mem>>) src(%dma_wait3A_108 : memref<64x128xf32, #tpu.memory_space<vmem>>) dst(%dma_wait3A_105 : memref<64x128xf32, #tpu.memory_space<hbm>>)
    %dma_start3A_109 = arith.constant 0 : i32
    %dma_start3A_110 = arith.constant 0 : i32
    %dma_start3A_111 = tpu.memref_slice %arg17[%dma_start3A_109, %dma_start3A_110] : memref<10x128xi32, #tpu.memory_space<vmem>> -> memref<1x128xi32, #tpu.memory_space<vmem>>
    %dma_start3A_112 = tpu.memref_squeeze %dma_start3A_111 : memref<1x128xi32, #tpu.memory_space<vmem>> -> memref<128xi32, #tpu.memory_space<vmem>>
    %dma_start3A_113 = arith.constant 0 : i32
    %dma_start3A_114 = arith.constant 0 : i32
    %dma_start3A_115 = tpu.memref_slice %arg7[%dma_start3A_113, %dma_start3A_114] : memref<100000x128xf32, #tpu.memory_space<hbm>> -> memref<100000x128xf32, #tpu.memory_space<hbm>>
    tpu.enqueue_indirect_dma source(%dma_start3A_115 : memref<100000x128xf32, #tpu.memory_space<hbm>>) target(%arg18 : memref<128x128xf32, #tpu.memory_space<vmem>>) offsets(%dma_start3A_112 : memref<128xi32, #tpu.memory_space<vmem>>) semaphore(%arg22 : memref<!tpu.dma_semaphore, #tpu.memory_space<semaphore_mem>>)
    %dma_wait3A_116 = arith.constant 0 : i32
    %dma_wait3A_117 = arith.constant 0 : i32
    %dma_wait3A_118 = tpu.memref_slice %arg20[%dma_wait3A_116, %dma_wait3A_117] : memref<128x128xf32, #tpu.memory_space<vmem>> -> memref<64x128xf32, #tpu.memory_space<vmem>>
    %dma_wait3A_119 = arith.constant 0 : i32
    %dma_wait3A_120 = arith.constant 0 : i32
    %dma_wait3A_121 = tpu.memref_slice %arg7[%dma_wait3A_119, %dma_wait3A_120] : memref<100000x128xf32, #tpu.memory_space<hbm>> -> memref<100000x128xf32, #tpu.memory_space<hbm>>
    tpu.wait_indirect_dma semaphore(%arg24 : memref<!tpu.dma_semaphore, #tpu.memory_space<semaphore_mem>>) src(%dma_wait3A_121 : memref<100000x128xf32, #tpu.memory_space<hbm>>) dst(%dma_wait3A_118 : memref<64x128xf32, #tpu.memory_space<vmem>>)
    %dma_start3A_122 = arith.constant 0 : i32
    %dma_start3A_123 = arith.constant 0 : i32
    %dma_start3A_124 = tpu.memref_slice %arg20[%dma_start3A_122, %dma_start3A_123] : memref<128x128xf32, #tpu.memory_space<vmem>> -> memref<64x128xf32, #tpu.memory_space<vmem>>
    %dma_start3A_125 = arith.constant 0 : i32
    %dma_start3A_126 = tpu.memref_slice %arg11[%mul3A_2, %dma_start3A_125] : memref<2048x128xf32, #tpu.memory_space<hbm>> -> memref<64x128xf32, #tpu.memory_space<hbm>>
    %dma_start3A_127 = arith.constant 0 : i32
    %dma_start3A_128 = tpu.memref_slice %arg11[%mul3A_2, %dma_start3A_127] : memref<2048x128xf32, #tpu.memory_space<hbm>> -> memref<64x128xf32, #tpu.memory_space<hbm>>
    %dma_start3A_129 = arith.constant 0 : i32
    %dma_start3A_130 = arith.constant 0 : i32
    %dma_start3A_131 = tpu.memref_slice %arg20[%dma_start3A_129, %dma_start3A_130] : memref<128x128xf32, #tpu.memory_space<vmem>> -> memref<64x128xf32, #tpu.memory_space<vmem>>
    tpu.enqueue_dma source(%dma_start3A_131 : memref<64x128xf32, #tpu.memory_space<vmem>>) target(%dma_start3A_128 : memref<64x128xf32, #tpu.memory_space<hbm>>) target_semaphore(%arg28 : memref<!tpu.dma_semaphore, #tpu.memory_space<semaphore_mem>>)
    %dma_wait3A_132 = arith.constant 0 : i32
    %dma_wait3A_133 = arith.constant 0 : i32
    %dma_wait3A_134 = tpu.memref_slice %arg19[%dma_wait3A_132, %dma_wait3A_133] : memref<128x128xf32, #tpu.memory_space<vmem>> -> memref<64x128xf32, #tpu.memory_space<vmem>>
    %dma_wait3A_135 = arith.constant 0 : i32
    %dma_wait3A_136 = tpu.memref_slice %arg10[%mul3A_2, %dma_wait3A_135] : memref<2048x128xf32, #tpu.memory_space<hbm>> -> memref<64x128xf32, #tpu.memory_space<hbm>>
    %dma_wait3A_137 = arith.constant 0 : i32
    %dma_wait3A_138 = tpu.memref_slice %arg10[%mul3A_2, %dma_wait3A_137] : memref<2048x128xf32, #tpu.memory_space<hbm>> -> memref<64x128xf32, #tpu.memory_space<hbm>>
    %dma_wait3A_139 = arith.constant 0 : i32
    %dma_wait3A_140 = arith.constant 0 : i32
    %dma_wait3A_141 = tpu.memref_slice %arg19[%dma_wait3A_139, %dma_wait3A_140] : memref<128x128xf32, #tpu.memory_space<vmem>> -> memref<64x128xf32, #tpu.memory_space<vmem>>
    tpu.wait_dma2 semaphore(%arg27 : memref<!tpu.dma_semaphore, #tpu.memory_space<semaphore_mem>>) src(%dma_wait3A_141 : memref<64x128xf32, #tpu.memory_space<vmem>>) dst(%dma_wait3A_138 : memref<64x128xf32, #tpu.memory_space<hbm>>)
    %dma_start3A_142 = arith.constant 0 : i32
    %dma_start3A_143 = arith.constant 0 : i32
    %dma_start3A_144 = tpu.memref_slice %arg17[%dma_start3A_142, %dma_start3A_143] : memref<10x128xi32, #tpu.memory_space<vmem>> -> memref<1x128xi32, #tpu.memory_space<vmem>>
    %dma_start3A_145 = tpu.memref_squeeze %dma_start3A_144 : memref<1x128xi32, #tpu.memory_space<vmem>> -> memref<128xi32, #tpu.memory_space<vmem>>
    %dma_start3A_146 = arith.constant 0 : i32
    %dma_start3A_147 = arith.constant 0 : i32
    %dma_start3A_148 = tpu.memref_slice %arg8[%dma_start3A_146, %dma_start3A_147] : memref<100000x128xf32, #tpu.memory_space<hbm>> -> memref<100000x128xf32, #tpu.memory_space<hbm>>
    tpu.enqueue_indirect_dma source(%dma_start3A_148 : memref<100000x128xf32, #tpu.memory_space<hbm>>) target(%arg19 : memref<128x128xf32, #tpu.memory_space<vmem>>) offsets(%dma_start3A_145 : memref<128xi32, #tpu.memory_space<vmem>>) semaphore(%arg23 : memref<!tpu.dma_semaphore, #tpu.memory_space<semaphore_mem>>)
    %dma_wait3A_149 = arith.constant 0 : i32
    %dma_wait3A_150 = arith.constant 0 : i32
    %dma_wait3A_151 = tpu.memref_slice %arg21[%dma_wait3A_149, %dma_wait3A_150] : memref<128x128xf32, #tpu.memory_space<vmem>> -> memref<64x128xf32, #tpu.memory_space<vmem>>
    %dma_wait3A_152 = arith.constant 0 : i32
    %dma_wait3A_153 = arith.constant 0 : i32
    %dma_wait3A_154 = tpu.memref_slice %arg8[%dma_wait3A_152, %dma_wait3A_153] : memref<100000x128xf32, #tpu.memory_space<hbm>> -> memref<100000x128xf32, #tpu.memory_space<hbm>>
    tpu.wait_indirect_dma semaphore(%arg25 : memref<!tpu.dma_semaphore, #tpu.memory_space<semaphore_mem>>) src(%dma_wait3A_154 : memref<100000x128xf32, #tpu.memory_space<hbm>>) dst(%dma_wait3A_151 : memref<64x128xf32, #tpu.memory_space<vmem>>)
    %dma_start3A_155 = arith.constant 0 : i32
    %dma_start3A_156 = arith.constant 0 : i32
    %dma_start3A_157 = tpu.memref_slice %arg21[%dma_start3A_155, %dma_start3A_156] : memref<128x128xf32, #tpu.memory_space<vmem>> -> memref<64x128xf32, #tpu.memory_space<vmem>>
    %dma_start3A_158 = arith.constant 0 : i32
    %dma_start3A_159 = tpu.memref_slice %arg12[%mul3A_2, %dma_start3A_158] : memref<2048x128xf32, #tpu.memory_space<hbm>> -> memref<64x128xf32, #tpu.memory_space<hbm>>
    %dma_start3A_160 = arith.constant 0 : i32
    %dma_start3A_161 = tpu.memref_slice %arg12[%mul3A_2, %dma_start3A_160] : memref<2048x128xf32, #tpu.memory_space<hbm>> -> memref<64x128xf32, #tpu.memory_space<hbm>>
    %dma_start3A_162 = arith.constant 0 : i32
    %dma_start3A_163 = arith.constant 0 : i32
    %dma_start3A_164 = tpu.memref_slice %arg21[%dma_start3A_162, %dma_start3A_163] : memref<128x128xf32, #tpu.memory_space<vmem>> -> memref<64x128xf32, #tpu.memory_space<vmem>>
    tpu.enqueue_dma source(%dma_start3A_164 : memref<64x128xf32, #tpu.memory_space<vmem>>) target(%dma_start3A_161 : memref<64x128xf32, #tpu.memory_space<hbm>>) target_semaphore(%arg29 : memref<!tpu.dma_semaphore, #tpu.memory_space<semaphore_mem>>)
    %dma_wait3A_165 = arith.constant 0 : i32
    %dma_wait3A_166 = arith.constant 0 : i32
    %dma_wait3A_167 = tpu.memref_slice %arg20[%dma_wait3A_165, %dma_wait3A_166] : memref<128x128xf32, #tpu.memory_space<vmem>> -> memref<64x128xf32, #tpu.memory_space<vmem>>
    %dma_wait3A_168 = arith.constant 0 : i32
    %dma_wait3A_169 = tpu.memref_slice %arg11[%mul3A_2, %dma_wait3A_168] : memref<2048x128xf32, #tpu.memory_space<hbm>> -> memref<64x128xf32, #tpu.memory_space<hbm>>
    %dma_wait3A_170 = arith.constant 0 : i32
    %dma_wait3A_171 = tpu.memref_slice %arg11[%mul3A_2, %dma_wait3A_170] : memref<2048x128xf32, #tpu.memory_space<hbm>> -> memref<64x128xf32, #tpu.memory_space<hbm>>
    %dma_wait3A_172 = arith.constant 0 : i32
    %dma_wait3A_173 = arith.constant 0 : i32
    %dma_wait3A_174 = tpu.memref_slice %arg20[%dma_wait3A_172, %dma_wait3A_173] : memref<128x128xf32, #tpu.memory_space<vmem>> -> memref<64x128xf32, #tpu.memory_space<vmem>>
    tpu.wait_dma2 semaphore(%arg28 : memref<!tpu.dma_semaphore, #tpu.memory_space<semaphore_mem>>) src(%dma_wait3A_174 : memref<64x128xf32, #tpu.memory_space<vmem>>) dst(%dma_wait3A_171 : memref<64x128xf32, #tpu.memory_space<hbm>>)
    %dma_start3A_175 = arith.constant 1 : i32
    %dma_start3A_176 = arith.constant 0 : i32
    %dma_start3A_177 = tpu.memref_slice %arg17[%dma_start3A_175, %dma_start3A_176] : memref<10x128xi32, #tpu.memory_space<vmem>> -> memref<1x128xi32, #tpu.memory_space<vmem>>
    %dma_start3A_178 = tpu.memref_squeeze %dma_start3A_177 : memref<1x128xi32, #tpu.memory_space<vmem>> -> memref<128xi32, #tpu.memory_space<vmem>>
    %dma_start3A_179 = arith.constant 0 : i32
    %dma_start3A_180 = arith.constant 0 : i32
    %dma_start3A_181 = tpu.memref_slice %arg7[%dma_start3A_179, %dma_start3A_180] : memref<100000x128xf32, #tpu.memory_space<hbm>> -> memref<100000x128xf32, #tpu.memory_space<hbm>>
    tpu.enqueue_indirect_dma source(%dma_start3A_181 : memref<100000x128xf32, #tpu.memory_space<hbm>>) target(%arg20 : memref<128x128xf32, #tpu.memory_space<vmem>>) offsets(%dma_start3A_178 : memref<128xi32, #tpu.memory_space<vmem>>) semaphore(%arg24 : memref<!tpu.dma_semaphore, #tpu.memory_space<semaphore_mem>>)
    %dma_wait3A_182 = arith.constant 0 : i32
    %dma_wait3A_183 = arith.constant 0 : i32
    %dma_wait3A_184 = tpu.memref_slice %arg17[%dma_wait3A_182, %dma_wait3A_183] : memref<10x128xi32, #tpu.memory_space<vmem>> -> memref<1x128xi32, #tpu.memory_space<vmem>>
    %dma_wait3A_185 = tpu.memref_squeeze %dma_wait3A_184 : memref<1x128xi32, #tpu.memory_space<vmem>> -> memref<128xi32, #tpu.memory_space<vmem>>
    %dma_wait3A_186 = arith.constant 0 : i32
    %dma_wait3A_187 = arith.constant 0 : i32
    %dma_wait3A_188 = tpu.memref_slice %arg7[%dma_wait3A_186, %dma_wait3A_187] : memref<100000x128xf32, #tpu.memory_space<hbm>> -> memref<100000x128xf32, #tpu.memory_space<hbm>>
    tpu.wait_indirect_dma semaphore(%arg22 : memref<!tpu.dma_semaphore, #tpu.memory_space<semaphore_mem>>) src(%dma_wait3A_188 : memref<100000x128xf32, #tpu.memory_space<hbm>>) dst(%arg18 : memref<128x128xf32, #tpu.memory_space<vmem>>)
    %dma_start3A_189 = arith.constant 0 : i32
    %dma_start3A_190 = tpu.memref_slice %arg13[%add3A_6, %dma_start3A_189] : memref<40960x128xf32, #tpu.memory_space<hbm>> -> memref<128x128xf32, #tpu.memory_space<hbm>>
    %dma_start3A_191 = arith.constant 0 : i32
    %dma_start3A_192 = tpu.memref_slice %arg13[%add3A_6, %dma_start3A_191] : memref<40960x128xf32, #tpu.memory_space<hbm>> -> memref<128x128xf32, #tpu.memory_space<hbm>>
    tpu.enqueue_dma source(%arg18 : memref<128x128xf32, #tpu.memory_space<vmem>>) target(%dma_start3A_192 : memref<128x128xf32, #tpu.memory_space<hbm>>) target_semaphore(%arg26 : memref<!tpu.dma_semaphore, #tpu.memory_space<semaphore_mem>>)
    %dma_wait3A_193 = arith.constant 0 : i32
    %dma_wait3A_194 = arith.constant 0 : i32
    %dma_wait3A_195 = tpu.memref_slice %arg21[%dma_wait3A_193, %dma_wait3A_194] : memref<128x128xf32, #tpu.memory_space<vmem>> -> memref<64x128xf32, #tpu.memory_space<vmem>>
    %dma_wait3A_196 = arith.constant 0 : i32
    %dma_wait3A_197 = tpu.memref_slice %arg12[%mul3A_2, %dma_wait3A_196] : memref<2048x128xf32, #tpu.memory_space<hbm>> -> memref<64x128xf32, #tpu.memory_space<hbm>>
    %dma_wait3A_198 = arith.constant 0 : i32
    %dma_wait3A_199 = tpu.memref_slice %arg12[%mul3A_2, %dma_wait3A_198] : memref<2048x128xf32, #tpu.memory_space<hbm>> -> memref<64x128xf32, #tpu.memory_space<hbm>>
    %dma_wait3A_200 = arith.constant 0 : i32
    %dma_wait3A_201 = arith.constant 0 : i32
    %dma_wait3A_202 = tpu.memref_slice %arg21[%dma_wait3A_200, %dma_wait3A_201] : memref<128x128xf32, #tpu.memory_space<vmem>> -> memref<64x128xf32, #tpu.memory_space<vmem>>
    tpu.wait_dma2 semaphore(%arg29 : memref<!tpu.dma_semaphore, #tpu.memory_space<semaphore_mem>>) src(%dma_wait3A_202 : memref<64x128xf32, #tpu.memory_space<vmem>>) dst(%dma_wait3A_199 : memref<64x128xf32, #tpu.memory_space<hbm>>)
    %dma_start3A_203 = arith.constant 1 : i32
    %dma_start3A_204 = arith.constant 0 : i32
    %dma_start3A_205 = tpu.memref_slice %arg17[%dma_start3A_203, %dma_start3A_204] : memref<10x128xi32, #tpu.memory_space<vmem>> -> memref<1x128xi32, #tpu.memory_space<vmem>>
    %dma_start3A_206 = tpu.memref_squeeze %dma_start3A_205 : memref<1x128xi32, #tpu.memory_space<vmem>> -> memref<128xi32, #tpu.memory_space<vmem>>
    %dma_start3A_207 = arith.constant 0 : i32
    %dma_start3A_208 = arith.constant 0 : i32
    %dma_start3A_209 = tpu.memref_slice %arg8[%dma_start3A_207, %dma_start3A_208] : memref<100000x128xf32, #tpu.memory_space<hbm>> -> memref<100000x128xf32, #tpu.memory_space<hbm>>
    tpu.enqueue_indirect_dma source(%dma_start3A_209 : memref<100000x128xf32, #tpu.memory_space<hbm>>) target(%arg21 : memref<128x128xf32, #tpu.memory_space<vmem>>) offsets(%dma_start3A_206 : memref<128xi32, #tpu.memory_space<vmem>>) semaphore(%arg25 : memref<!tpu.dma_semaphore, #tpu.memory_space<semaphore_mem>>)
    %dma_wait3A_210 = arith.constant 0 : i32
    %dma_wait3A_211 = arith.constant 0 : i32
    %dma_wait3A_212 = tpu.memref_slice %arg17[%dma_wait3A_210, %dma_wait3A_211] : memref<10x128xi32, #tpu.memory_space<vmem>> -> memref<1x128xi32, #tpu.memory_space<vmem>>
    %dma_wait3A_213 = tpu.memref_squeeze %dma_wait3A_212 : memref<1x128xi32, #tpu.memory_space<vmem>> -> memref<128xi32, #tpu.memory_space<vmem>>
    %dma_wait3A_214 = arith.constant 0 : i32
    %dma_wait3A_215 = arith.constant 0 : i32
    %dma_wait3A_216 = tpu.memref_slice %arg8[%dma_wait3A_214, %dma_wait3A_215] : memref<100000x128xf32, #tpu.memory_space<hbm>> -> memref<100000x128xf32, #tpu.memory_space<hbm>>
    tpu.wait_indirect_dma semaphore(%arg23 : memref<!tpu.dma_semaphore, #tpu.memory_space<semaphore_mem>>) src(%dma_wait3A_216 : memref<100000x128xf32, #tpu.memory_space<hbm>>) dst(%arg19 : memref<128x128xf32, #tpu.memory_space<vmem>>)
    %dma_start3A_217 = arith.constant 0 : i32
    %dma_start3A_218 = tpu.memref_slice %arg14[%add3A_8, %dma_start3A_217] : memref<40960x128xf32, #tpu.memory_space<hbm>> -> memref<128x128xf32, #tpu.memory_space<hbm>>
    %dma_start3A_219 = arith.constant 0 : i32
    %dma_start3A_220 = tpu.memref_slice %arg14[%add3A_8, %dma_start3A_219] : memref<40960x128xf32, #tpu.memory_space<hbm>> -> memref<128x128xf32, #tpu.memory_space<hbm>>
    tpu.enqueue_dma source(%arg19 : memref<128x128xf32, #tpu.memory_space<vmem>>) target(%dma_start3A_220 : memref<128x128xf32, #tpu.memory_space<hbm>>) target_semaphore(%arg27 : memref<!tpu.dma_semaphore, #tpu.memory_space<semaphore_mem>>)
    %dma_wait3A_221 = arith.constant 0 : i32
    %dma_wait3A_222 = tpu.memref_slice %arg13[%add3A_6, %dma_wait3A_221] : memref<40960x128xf32, #tpu.memory_space<hbm>> -> memref<128x128xf32, #tpu.memory_space<hbm>>
    %dma_wait3A_223 = arith.constant 0 : i32
    %dma_wait3A_224 = tpu.memref_slice %arg13[%add3A_6, %dma_wait3A_223] : memref<40960x128xf32, #tpu.memory_space<hbm>> -> memref<128x128xf32, #tpu.memory_space<hbm>>
    tpu.wait_dma2 semaphore(%arg26 : memref<!tpu.dma_semaphore, #tpu.memory_space<semaphore_mem>>) src(%arg18 : memref<128x128xf32, #tpu.memory_space<vmem>>) dst(%dma_wait3A_224 : memref<128x128xf32, #tpu.memory_space<hbm>>)
    %dma_start3A_225 = arith.constant 2 : i32
    %dma_start3A_226 = arith.constant 0 : i32
    %dma_start3A_227 = tpu.memref_slice %arg17[%dma_start3A_225, %dma_start3A_226] : memref<10x128xi32, #tpu.memory_space<vmem>> -> memref<1x128xi32, #tpu.memory_space<vmem>>
    %dma_start3A_228 = tpu.memref_squeeze %dma_start3A_227 : memref<1x128xi32, #tpu.memory_space<vmem>> -> memref<128xi32, #tpu.memory_space<vmem>>
    %dma_start3A_229 = arith.constant 0 : i32
    %dma_start3A_230 = arith.constant 0 : i32
    %dma_start3A_231 = tpu.memref_slice %arg7[%dma_start3A_229, %dma_start3A_230] : memref<100000x128xf32, #tpu.memory_space<hbm>> -> memref<100000x128xf32, #tpu.memory_space<hbm>>
    tpu.enqueue_indirect_dma source(%dma_start3A_231 : memref<100000x128xf32, #tpu.memory_space<hbm>>) target(%arg18 : memref<128x128xf32, #tpu.memory_space<vmem>>) offsets(%dma_start3A_228 : memref<128xi32, #tpu.memory_space<vmem>>) semaphore(%arg22 : memref<!tpu.dma_semaphore, #tpu.memory_space<semaphore_mem>>)
    %dma_wait3A_232 = arith.constant 1 : i32
    %dma_wait3A_233 = arith.constant 0 : i32
    %dma_wait3A_234 = tpu.memref_slice %arg17[%dma_wait3A_232, %dma_wait3A_233] : memref<10x128xi32, #tpu.memory_space<vmem>> -> memref<1x128xi32, #tpu.memory_space<vmem>>
    %dma_wait3A_235 = tpu.memref_squeeze %dma_wait3A_234 : memref<1x128xi32, #tpu.memory_space<vmem>> -> memref<128xi32, #tpu.memory_space<vmem>>
    %dma_wait3A_236 = arith.constant 0 : i32
    %dma_wait3A_237 = arith.constant 0 : i32
    %dma_wait3A_238 = tpu.memref_slice %arg7[%dma_wait3A_236, %dma_wait3A_237] : memref<100000x128xf32, #tpu.memory_space<hbm>> -> memref<100000x128xf32, #tpu.memory_space<hbm>>
    tpu.wait_indirect_dma semaphore(%arg24 : memref<!tpu.dma_semaphore, #tpu.memory_space<semaphore_mem>>) src(%dma_wait3A_238 : memref<100000x128xf32, #tpu.memory_space<hbm>>) dst(%arg20 : memref<128x128xf32, #tpu.memory_space<vmem>>)
    %dma_start3A_239 = arith.constant 0 : i32
    %dma_start3A_240 = tpu.memref_slice %arg13[%add3A_10, %dma_start3A_239] : memref<40960x128xf32, #tpu.memory_space<hbm>> -> memref<128x128xf32, #tpu.memory_space<hbm>>
    %dma_start3A_241 = arith.constant 0 : i32
    %dma_start3A_242 = tpu.memref_slice %arg13[%add3A_10, %dma_start3A_241] : memref<40960x128xf32, #tpu.memory_space<hbm>> -> memref<128x128xf32, #tpu.memory_space<hbm>>
    tpu.enqueue_dma source(%arg20 : memref<128x128xf32, #tpu.memory_space<vmem>>) target(%dma_start3A_242 : memref<128x128xf32, #tpu.memory_space<hbm>>) target_semaphore(%arg28 : memref<!tpu.dma_semaphore, #tpu.memory_space<semaphore_mem>>)
    %dma_wait3A_243 = arith.constant 0 : i32
    %dma_wait3A_244 = tpu.memref_slice %arg14[%add3A_8, %dma_wait3A_243] : memref<40960x128xf32, #tpu.memory_space<hbm>> -> memref<128x128xf32, #tpu.memory_space<hbm>>
    %dma_wait3A_245 = arith.constant 0 : i32
    %dma_wait3A_246 = tpu.memref_slice %arg14[%add3A_8, %dma_wait3A_245] : memref<40960x128xf32, #tpu.memory_space<hbm>> -> memref<128x128xf32, #tpu.memory_space<hbm>>
    tpu.wait_dma2 semaphore(%arg27 : memref<!tpu.dma_semaphore, #tpu.memory_space<semaphore_mem>>) src(%arg19 : memref<128x128xf32, #tpu.memory_space<vmem>>) dst(%dma_wait3A_246 : memref<128x128xf32, #tpu.memory_space<hbm>>)
    %dma_start3A_247 = arith.constant 2 : i32
    %dma_start3A_248 = arith.constant 0 : i32
    %dma_start3A_249 = tpu.memref_slice %arg17[%dma_start3A_247, %dma_start3A_248] : memref<10x128xi32, #tpu.memory_space<vmem>> -> memref<1x128xi32, #tpu.memory_space<vmem>>
    %dma_start3A_250 = tpu.memref_squeeze %dma_start3A_249 : memref<1x128xi32, #tpu.memory_space<vmem>> -> memref<128xi32, #tpu.memory_space<vmem>>
    %dma_start3A_251 = arith.constant 0 : i32
    %dma_start3A_252 = arith.constant 0 : i32
    %dma_start3A_253 = tpu.memref_slice %arg8[%dma_start3A_251, %dma_start3A_252] : memref<100000x128xf32, #tpu.memory_space<hbm>> -> memref<100000x128xf32, #tpu.memory_space<hbm>>
    tpu.enqueue_indirect_dma source(%dma_start3A_253 : memref<100000x128xf32, #tpu.memory_space<hbm>>) target(%arg19 : memref<128x128xf32, #tpu.memory_space<vmem>>) offsets(%dma_start3A_250 : memref<128xi32, #tpu.memory_space<vmem>>) semaphore(%arg23 : memref<!tpu.dma_semaphore, #tpu.memory_space<semaphore_mem>>)
    %dma_wait3A_254 = arith.constant 1 : i32
    %dma_wait3A_255 = arith.constant 0 : i32
    %dma_wait3A_256 = tpu.memref_slice %arg17[%dma_wait3A_254, %dma_wait3A_255] : memref<10x128xi32, #tpu.memory_space<vmem>> -> memref<1x128xi32, #tpu.memory_space<vmem>>
    %dma_wait3A_257 = tpu.memref_squeeze %dma_wait3A_256 : memref<1x128xi32, #tpu.memory_space<vmem>> -> memref<128xi32, #tpu.memory_space<vmem>>
    %dma_wait3A_258 = arith.constant 0 : i32
    %dma_wait3A_259 = arith.constant 0 : i32
    %dma_wait3A_260 = tpu.memref_slice %arg8[%dma_wait3A_258, %dma_wait3A_259] : memref<100000x128xf32, #tpu.memory_space<hbm>> -> memref<100000x128xf32, #tpu.memory_space<hbm>>
    tpu.wait_indirect_dma semaphore(%arg25 : memref<!tpu.dma_semaphore, #tpu.memory_space<semaphore_mem>>) src(%dma_wait3A_260 : memref<100000x128xf32, #tpu.memory_space<hbm>>) dst(%arg21 : memref<128x128xf32, #tpu.memory_space<vmem>>)
    %dma_start3A_261 = arith.constant 0 : i32
    %dma_start3A_262 = tpu.memref_slice %arg14[%add3A_12, %dma_start3A_261] : memref<40960x128xf32, #tpu.memory_space<hbm>> -> memref<128x128xf32, #tpu.memory_space<hbm>>
    %dma_start3A_263 = arith.constant 0 : i32
    %dma_start3A_264 = tpu.memref_slice %arg14[%add3A_12, %dma_start3A_263] : memref<40960x128xf32, #tpu.memory_space<hbm>> -> memref<128x128xf32, #tpu.memory_space<hbm>>
    tpu.enqueue_dma source(%arg21 : memref<128x128xf32, #tpu.memory_space<vmem>>) target(%dma_start3A_264 : memref<128x128xf32, #tpu.memory_space<hbm>>) target_semaphore(%arg29 : memref<!tpu.dma_semaphore, #tpu.memory_space<semaphore_mem>>)
    %dma_wait3A_265 = arith.constant 0 : i32
    %dma_wait3A_266 = tpu.memref_slice %arg13[%add3A_10, %dma_wait3A_265] : memref<40960x128xf32, #tpu.memory_space<hbm>> -> memref<128x128xf32, #tpu.memory_space<hbm>>
    %dma_wait3A_267 = arith.constant 0 : i32
    %dma_wait3A_268 = tpu.memref_slice %arg13[%add3A_10, %dma_wait3A_267] : memref<40960x128xf32, #tpu.memory_space<hbm>> -> memref<128x128xf32, #tpu.memory_space<hbm>>
    tpu.wait_dma2 semaphore(%arg28 : memref<!tpu.dma_semaphore, #tpu.memory_space<semaphore_mem>>) src(%arg20 : memref<128x128xf32, #tpu.memory_space<vmem>>) dst(%dma_wait3A_268 : memref<128x128xf32, #tpu.memory_space<hbm>>)
    %dma_start3A_269 = arith.constant 3 : i32
    %dma_start3A_270 = arith.constant 0 : i32
    %dma_start3A_271 = tpu.memref_slice %arg17[%dma_start3A_269, %dma_start3A_270] : memref<10x128xi32, #tpu.memory_space<vmem>> -> memref<1x128xi32, #tpu.memory_space<vmem>>
    %dma_start3A_272 = tpu.memref_squeeze %dma_start3A_271 : memref<1x128xi32, #tpu.memory_space<vmem>> -> memref<128xi32, #tpu.memory_space<vmem>>
    %dma_start3A_273 = arith.constant 0 : i32
    %dma_start3A_274 = arith.constant 0 : i32
    %dma_start3A_275 = tpu.memref_slice %arg7[%dma_start3A_273, %dma_start3A_274] : memref<100000x128xf32, #tpu.memory_space<hbm>> -> memref<100000x128xf32, #tpu.memory_space<hbm>>
    tpu.enqueue_indirect_dma source(%dma_start3A_275 : memref<100000x128xf32, #tpu.memory_space<hbm>>) target(%arg20 : memref<128x128xf32, #tpu.memory_space<vmem>>) offsets(%dma_start3A_272 : memref<128xi32, #tpu.memory_space<vmem>>) semaphore(%arg24 : memref<!tpu.dma_semaphore, #tpu.memory_space<semaphore_mem>>)
    %dma_wait3A_276 = arith.constant 2 : i32
    %dma_wait3A_277 = arith.constant 0 : i32
    %dma_wait3A_278 = tpu.memref_slice %arg17[%dma_wait3A_276, %dma_wait3A_277] : memref<10x128xi32, #tpu.memory_space<vmem>> -> memref<1x128xi32, #tpu.memory_space<vmem>>
    %dma_wait3A_279 = tpu.memref_squeeze %dma_wait3A_278 : memref<1x128xi32, #tpu.memory_space<vmem>> -> memref<128xi32, #tpu.memory_space<vmem>>
    %dma_wait3A_280 = arith.constant 0 : i32
    %dma_wait3A_281 = arith.constant 0 : i32
    %dma_wait3A_282 = tpu.memref_slice %arg7[%dma_wait3A_280, %dma_wait3A_281] : memref<100000x128xf32, #tpu.memory_space<hbm>> -> memref<100000x128xf32, #tpu.memory_space<hbm>>
    tpu.wait_indirect_dma semaphore(%arg22 : memref<!tpu.dma_semaphore, #tpu.memory_space<semaphore_mem>>) src(%dma_wait3A_282 : memref<100000x128xf32, #tpu.memory_space<hbm>>) dst(%arg18 : memref<128x128xf32, #tpu.memory_space<vmem>>)
    %dma_start3A_283 = arith.constant 0 : i32
    %dma_start3A_284 = tpu.memref_slice %arg13[%add3A_14, %dma_start3A_283] : memref<40960x128xf32, #tpu.memory_space<hbm>> -> memref<128x128xf32, #tpu.memory_space<hbm>>
    %dma_start3A_285 = arith.constant 0 : i32
    %dma_start3A_286 = tpu.memref_slice %arg13[%add3A_14, %dma_start3A_285] : memref<40960x128xf32, #tpu.memory_space<hbm>> -> memref<128x128xf32, #tpu.memory_space<hbm>>
    tpu.enqueue_dma source(%arg18 : memref<128x128xf32, #tpu.memory_space<vmem>>) target(%dma_start3A_286 : memref<128x128xf32, #tpu.memory_space<hbm>>) target_semaphore(%arg26 : memref<!tpu.dma_semaphore, #tpu.memory_space<semaphore_mem>>)
    %dma_wait3A_287 = arith.constant 0 : i32
    %dma_wait3A_288 = tpu.memref_slice %arg14[%add3A_12, %dma_wait3A_287] : memref<40960x128xf32, #tpu.memory_space<hbm>> -> memref<128x128xf32, #tpu.memory_space<hbm>>
    %dma_wait3A_289 = arith.constant 0 : i32
    %dma_wait3A_290 = tpu.memref_slice %arg14[%add3A_12, %dma_wait3A_289] : memref<40960x128xf32, #tpu.memory_space<hbm>> -> memref<128x128xf32, #tpu.memory_space<hbm>>
    tpu.wait_dma2 semaphore(%arg29 : memref<!tpu.dma_semaphore, #tpu.memory_space<semaphore_mem>>) src(%arg21 : memref<128x128xf32, #tpu.memory_space<vmem>>) dst(%dma_wait3A_290 : memref<128x128xf32, #tpu.memory_space<hbm>>)
    %dma_start3A_291 = arith.constant 3 : i32
    %dma_start3A_292 = arith.constant 0 : i32
    %dma_start3A_293 = tpu.memref_slice %arg17[%dma_start3A_291, %dma_start3A_292] : memref<10x128xi32, #tpu.memory_space<vmem>> -> memref<1x128xi32, #tpu.memory_space<vmem>>
    %dma_start3A_294 = tpu.memref_squeeze %dma_start3A_293 : memref<1x128xi32, #tpu.memory_space<vmem>> -> memref<128xi32, #tpu.memory_space<vmem>>
    %dma_start3A_295 = arith.constant 0 : i32
    %dma_start3A_296 = arith.constant 0 : i32
    %dma_start3A_297 = tpu.memref_slice %arg8[%dma_start3A_295, %dma_start3A_296] : memref<100000x128xf32, #tpu.memory_space<hbm>> -> memref<100000x128xf32, #tpu.memory_space<hbm>>
    tpu.enqueue_indirect_dma source(%dma_start3A_297 : memref<100000x128xf32, #tpu.memory_space<hbm>>) target(%arg21 : memref<128x128xf32, #tpu.memory_space<vmem>>) offsets(%dma_start3A_294 : memref<128xi32, #tpu.memory_space<vmem>>) semaphore(%arg25 : memref<!tpu.dma_semaphore, #tpu.memory_space<semaphore_mem>>)
    %dma_wait3A_298 = arith.constant 2 : i32
    %dma_wait3A_299 = arith.constant 0 : i32
    %dma_wait3A_300 = tpu.memref_slice %arg17[%dma_wait3A_298, %dma_wait3A_299] : memref<10x128xi32, #tpu.memory_space<vmem>> -> memref<1x128xi32, #tpu.memory_space<vmem>>
    %dma_wait3A_301 = tpu.memref_squeeze %dma_wait3A_300 : memref<1x128xi32, #tpu.memory_space<vmem>> -> memref<128xi32, #tpu.memory_space<vmem>>
    %dma_wait3A_302 = arith.constant 0 : i32
    %dma_wait3A_303 = arith.constant 0 : i32
    %dma_wait3A_304 = tpu.memref_slice %arg8[%dma_wait3A_302, %dma_wait3A_303] : memref<100000x128xf32, #tpu.memory_space<hbm>> -> memref<100000x128xf32, #tpu.memory_space<hbm>>
    tpu.wait_indirect_dma semaphore(%arg23 : memref<!tpu.dma_semaphore, #tpu.memory_space<semaphore_mem>>) src(%dma_wait3A_304 : memref<100000x128xf32, #tpu.memory_space<hbm>>) dst(%arg19 : memref<128x128xf32, #tpu.memory_space<vmem>>)
    %dma_start3A_305 = arith.constant 0 : i32
    %dma_start3A_306 = tpu.memref_slice %arg14[%add3A_16, %dma_start3A_305] : memref<40960x128xf32, #tpu.memory_space<hbm>> -> memref<128x128xf32, #tpu.memory_space<hbm>>
    %dma_start3A_307 = arith.constant 0 : i32
    %dma_start3A_308 = tpu.memref_slice %arg14[%add3A_16, %dma_start3A_307] : memref<40960x128xf32, #tpu.memory_space<hbm>> -> memref<128x128xf32, #tpu.memory_space<hbm>>
    tpu.enqueue_dma source(%arg19 : memref<128x128xf32, #tpu.memory_space<vmem>>) target(%dma_start3A_308 : memref<128x128xf32, #tpu.memory_space<hbm>>) target_semaphore(%arg27 : memref<!tpu.dma_semaphore, #tpu.memory_space<semaphore_mem>>)
    %dma_wait3A_309 = arith.constant 0 : i32
    %dma_wait3A_310 = tpu.memref_slice %arg13[%add3A_14, %dma_wait3A_309] : memref<40960x128xf32, #tpu.memory_space<hbm>> -> memref<128x128xf32, #tpu.memory_space<hbm>>
    %dma_wait3A_311 = arith.constant 0 : i32
    %dma_wait3A_312 = tpu.memref_slice %arg13[%add3A_14, %dma_wait3A_311] : memref<40960x128xf32, #tpu.memory_space<hbm>> -> memref<128x128xf32, #tpu.memory_space<hbm>>
    tpu.wait_dma2 semaphore(%arg26 : memref<!tpu.dma_semaphore, #tpu.memory_space<semaphore_mem>>) src(%arg18 : memref<128x128xf32, #tpu.memory_space<vmem>>) dst(%dma_wait3A_312 : memref<128x128xf32, #tpu.memory_space<hbm>>)
    %dma_start3A_313 = arith.constant 4 : i32
    %dma_start3A_314 = arith.constant 0 : i32
    %dma_start3A_315 = tpu.memref_slice %arg17[%dma_start3A_313, %dma_start3A_314] : memref<10x128xi32, #tpu.memory_space<vmem>> -> memref<1x128xi32, #tpu.memory_space<vmem>>
    %dma_start3A_316 = tpu.memref_squeeze %dma_start3A_315 : memref<1x128xi32, #tpu.memory_space<vmem>> -> memref<128xi32, #tpu.memory_space<vmem>>
    %dma_start3A_317 = arith.constant 0 : i32
    %dma_start3A_318 = arith.constant 0 : i32
    %dma_start3A_319 = tpu.memref_slice %arg7[%dma_start3A_317, %dma_start3A_318] : memref<100000x128xf32, #tpu.memory_space<hbm>> -> memref<100000x128xf32, #tpu.memory_space<hbm>>
    tpu.enqueue_indirect_dma source(%dma_start3A_319 : memref<100000x128xf32, #tpu.memory_space<hbm>>) target(%arg18 : memref<128x128xf32, #tpu.memory_space<vmem>>) offsets(%dma_start3A_316 : memref<128xi32, #tpu.memory_space<vmem>>) semaphore(%arg22 : memref<!tpu.dma_semaphore, #tpu.memory_space<semaphore_mem>>)
    %dma_wait3A_320 = arith.constant 3 : i32
    %dma_wait3A_321 = arith.constant 0 : i32
    %dma_wait3A_322 = tpu.memref_slice %arg17[%dma_wait3A_320, %dma_wait3A_321] : memref<10x128xi32, #tpu.memory_space<vmem>> -> memref<1x128xi32, #tpu.memory_space<vmem>>
    %dma_wait3A_323 = tpu.memref_squeeze %dma_wait3A_322 : memref<1x128xi32, #tpu.memory_space<vmem>> -> memref<128xi32, #tpu.memory_space<vmem>>
    %dma_wait3A_324 = arith.constant 0 : i32
    %dma_wait3A_325 = arith.constant 0 : i32
    %dma_wait3A_326 = tpu.memref_slice %arg7[%dma_wait3A_324, %dma_wait3A_325] : memref<100000x128xf32, #tpu.memory_space<hbm>> -> memref<100000x128xf32, #tpu.memory_space<hbm>>
    tpu.wait_indirect_dma semaphore(%arg24 : memref<!tpu.dma_semaphore, #tpu.memory_space<semaphore_mem>>) src(%dma_wait3A_326 : memref<100000x128xf32, #tpu.memory_space<hbm>>) dst(%arg20 : memref<128x128xf32, #tpu.memory_space<vmem>>)
    %dma_start3A_327 = arith.constant 0 : i32
    %dma_start3A_328 = tpu.memref_slice %arg13[%add3A_18, %dma_start3A_327] : memref<40960x128xf32, #tpu.memory_space<hbm>> -> memref<128x128xf32, #tpu.memory_space<hbm>>
    %dma_start3A_329 = arith.constant 0 : i32
    %dma_start3A_330 = tpu.memref_slice %arg13[%add3A_18, %dma_start3A_329] : memref<40960x128xf32, #tpu.memory_space<hbm>> -> memref<128x128xf32, #tpu.memory_space<hbm>>
    tpu.enqueue_dma source(%arg20 : memref<128x128xf32, #tpu.memory_space<vmem>>) target(%dma_start3A_330 : memref<128x128xf32, #tpu.memory_space<hbm>>) target_semaphore(%arg28 : memref<!tpu.dma_semaphore, #tpu.memory_space<semaphore_mem>>)
    %dma_wait3A_331 = arith.constant 0 : i32
    %dma_wait3A_332 = tpu.memref_slice %arg14[%add3A_16, %dma_wait3A_331] : memref<40960x128xf32, #tpu.memory_space<hbm>> -> memref<128x128xf32, #tpu.memory_space<hbm>>
    %dma_wait3A_333 = arith.constant 0 : i32
    %dma_wait3A_334 = tpu.memref_slice %arg14[%add3A_16, %dma_wait3A_333] : memref<40960x128xf32, #tpu.memory_space<hbm>> -> memref<128x128xf32, #tpu.memory_space<hbm>>
    tpu.wait_dma2 semaphore(%arg27 : memref<!tpu.dma_semaphore, #tpu.memory_space<semaphore_mem>>) src(%arg19 : memref<128x128xf32, #tpu.memory_space<vmem>>) dst(%dma_wait3A_334 : memref<128x128xf32, #tpu.memory_space<hbm>>)
    %dma_start3A_335 = arith.constant 4 : i32
    %dma_start3A_336 = arith.constant 0 : i32
    %dma_start3A_337 = tpu.memref_slice %arg17[%dma_start3A_335, %dma_start3A_336] : memref<10x128xi32, #tpu.memory_space<vmem>> -> memref<1x128xi32, #tpu.memory_space<vmem>>
    %dma_start3A_338 = tpu.memref_squeeze %dma_start3A_337 : memref<1x128xi32, #tpu.memory_space<vmem>> -> memref<128xi32, #tpu.memory_space<vmem>>
    %dma_start3A_339 = arith.constant 0 : i32
    %dma_start3A_340 = arith.constant 0 : i32
    %dma_start3A_341 = tpu.memref_slice %arg8[%dma_start3A_339, %dma_start3A_340] : memref<100000x128xf32, #tpu.memory_space<hbm>> -> memref<100000x128xf32, #tpu.memory_space<hbm>>
    tpu.enqueue_indirect_dma source(%dma_start3A_341 : memref<100000x128xf32, #tpu.memory_space<hbm>>) target(%arg19 : memref<128x128xf32, #tpu.memory_space<vmem>>) offsets(%dma_start3A_338 : memref<128xi32, #tpu.memory_space<vmem>>) semaphore(%arg23 : memref<!tpu.dma_semaphore, #tpu.memory_space<semaphore_mem>>)
    %dma_wait3A_342 = arith.constant 3 : i32
    %dma_wait3A_343 = arith.constant 0 : i32
    %dma_wait3A_344 = tpu.memref_slice %arg17[%dma_wait3A_342, %dma_wait3A_343] : memref<10x128xi32, #tpu.memory_space<vmem>> -> memref<1x128xi32, #tpu.memory_space<vmem>>
    %dma_wait3A_345 = tpu.memref_squeeze %dma_wait3A_344 : memref<1x128xi32, #tpu.memory_space<vmem>> -> memref<128xi32, #tpu.memory_space<vmem>>
    %dma_wait3A_346 = arith.constant 0 : i32
    %dma_wait3A_347 = arith.constant 0 : i32
    %dma_wait3A_348 = tpu.memref_slice %arg8[%dma_wait3A_346, %dma_wait3A_347] : memref<100000x128xf32, #tpu.memory_space<hbm>> -> memref<100000x128xf32, #tpu.memory_space<hbm>>
    tpu.wait_indirect_dma semaphore(%arg25 : memref<!tpu.dma_semaphore, #tpu.memory_space<semaphore_mem>>) src(%dma_wait3A_348 : memref<100000x128xf32, #tpu.memory_space<hbm>>) dst(%arg21 : memref<128x128xf32, #tpu.memory_space<vmem>>)
    %dma_start3A_349 = arith.constant 0 : i32
    %dma_start3A_350 = tpu.memref_slice %arg14[%add3A_20, %dma_start3A_349] : memref<40960x128xf32, #tpu.memory_space<hbm>> -> memref<128x128xf32, #tpu.memory_space<hbm>>
    %dma_start3A_351 = arith.constant 0 : i32
    %dma_start3A_352 = tpu.memref_slice %arg14[%add3A_20, %dma_start3A_351] : memref<40960x128xf32, #tpu.memory_space<hbm>> -> memref<128x128xf32, #tpu.memory_space<hbm>>
    tpu.enqueue_dma source(%arg21 : memref<128x128xf32, #tpu.memory_space<vmem>>) target(%dma_start3A_352 : memref<128x128xf32, #tpu.memory_space<hbm>>) target_semaphore(%arg29 : memref<!tpu.dma_semaphore, #tpu.memory_space<semaphore_mem>>)
    %dma_wait3A_353 = arith.constant 0 : i32
    %dma_wait3A_354 = tpu.memref_slice %arg13[%add3A_18, %dma_wait3A_353] : memref<40960x128xf32, #tpu.memory_space<hbm>> -> memref<128x128xf32, #tpu.memory_space<hbm>>
    %dma_wait3A_355 = arith.constant 0 : i32
    %dma_wait3A_356 = tpu.memref_slice %arg13[%add3A_18, %dma_wait3A_355] : memref<40960x128xf32, #tpu.memory_space<hbm>> -> memref<128x128xf32, #tpu.memory_space<hbm>>
    tpu.wait_dma2 semaphore(%arg28 : memref<!tpu.dma_semaphore, #tpu.memory_space<semaphore_mem>>) src(%arg20 : memref<128x128xf32, #tpu.memory_space<vmem>>) dst(%dma_wait3A_356 : memref<128x128xf32, #tpu.memory_space<hbm>>)
    %dma_start3A_357 = arith.constant 5 : i32
    %dma_start3A_358 = arith.constant 0 : i32
    %dma_start3A_359 = tpu.memref_slice %arg17[%dma_start3A_357, %dma_start3A_358] : memref<10x128xi32, #tpu.memory_space<vmem>> -> memref<1x128xi32, #tpu.memory_space<vmem>>
    %dma_start3A_360 = tpu.memref_squeeze %dma_start3A_359 : memref<1x128xi32, #tpu.memory_space<vmem>> -> memref<128xi32, #tpu.memory_space<vmem>>
    %dma_start3A_361 = arith.constant 0 : i32
    %dma_start3A_362 = arith.constant 0 : i32
    %dma_start3A_363 = tpu.memref_slice %arg7[%dma_start3A_361, %dma_start3A_362] : memref<100000x128xf32, #tpu.memory_space<hbm>> -> memref<100000x128xf32, #tpu.memory_space<hbm>>
    tpu.enqueue_indirect_dma source(%dma_start3A_363 : memref<100000x128xf32, #tpu.memory_space<hbm>>) target(%arg20 : memref<128x128xf32, #tpu.memory_space<vmem>>) offsets(%dma_start3A_360 : memref<128xi32, #tpu.memory_space<vmem>>) semaphore(%arg24 : memref<!tpu.dma_semaphore, #tpu.memory_space<semaphore_mem>>)
    %dma_wait3A_364 = arith.constant 4 : i32
    %dma_wait3A_365 = arith.constant 0 : i32
    %dma_wait3A_366 = tpu.memref_slice %arg17[%dma_wait3A_364, %dma_wait3A_365] : memref<10x128xi32, #tpu.memory_space<vmem>> -> memref<1x128xi32, #tpu.memory_space<vmem>>
    %dma_wait3A_367 = tpu.memref_squeeze %dma_wait3A_366 : memref<1x128xi32, #tpu.memory_space<vmem>> -> memref<128xi32, #tpu.memory_space<vmem>>
    %dma_wait3A_368 = arith.constant 0 : i32
    %dma_wait3A_369 = arith.constant 0 : i32
    %dma_wait3A_370 = tpu.memref_slice %arg7[%dma_wait3A_368, %dma_wait3A_369] : memref<100000x128xf32, #tpu.memory_space<hbm>> -> memref<100000x128xf32, #tpu.memory_space<hbm>>
    tpu.wait_indirect_dma semaphore(%arg22 : memref<!tpu.dma_semaphore, #tpu.memory_space<semaphore_mem>>) src(%dma_wait3A_370 : memref<100000x128xf32, #tpu.memory_space<hbm>>) dst(%arg18 : memref<128x128xf32, #tpu.memory_space<vmem>>)
    %dma_start3A_371 = arith.constant 0 : i32
    %dma_start3A_372 = tpu.memref_slice %arg13[%add3A_22, %dma_start3A_371] : memref<40960x128xf32, #tpu.memory_space<hbm>> -> memref<128x128xf32, #tpu.memory_space<hbm>>
    %dma_start3A_373 = arith.constant 0 : i32
    %dma_start3A_374 = tpu.memref_slice %arg13[%add3A_22, %dma_start3A_373] : memref<40960x128xf32, #tpu.memory_space<hbm>> -> memref<128x128xf32, #tpu.memory_space<hbm>>
    tpu.enqueue_dma source(%arg18 : memref<128x128xf32, #tpu.memory_space<vmem>>) target(%dma_start3A_374 : memref<128x128xf32, #tpu.memory_space<hbm>>) target_semaphore(%arg26 : memref<!tpu.dma_semaphore, #tpu.memory_space<semaphore_mem>>)
    %dma_wait3A_375 = arith.constant 0 : i32
    %dma_wait3A_376 = tpu.memref_slice %arg14[%add3A_20, %dma_wait3A_375] : memref<40960x128xf32, #tpu.memory_space<hbm>> -> memref<128x128xf32, #tpu.memory_space<hbm>>
    %dma_wait3A_377 = arith.constant 0 : i32
    %dma_wait3A_378 = tpu.memref_slice %arg14[%add3A_20, %dma_wait3A_377] : memref<40960x128xf32, #tpu.memory_space<hbm>> -> memref<128x128xf32, #tpu.memory_space<hbm>>
    tpu.wait_dma2 semaphore(%arg29 : memref<!tpu.dma_semaphore, #tpu.memory_space<semaphore_mem>>) src(%arg21 : memref<128x128xf32, #tpu.memory_space<vmem>>) dst(%dma_wait3A_378 : memref<128x128xf32, #tpu.memory_space<hbm>>)
    %dma_start3A_379 = arith.constant 5 : i32
    %dma_start3A_380 = arith.constant 0 : i32
    %dma_start3A_381 = tpu.memref_slice %arg17[%dma_start3A_379, %dma_start3A_380] : memref<10x128xi32, #tpu.memory_space<vmem>> -> memref<1x128xi32, #tpu.memory_space<vmem>>
    %dma_start3A_382 = tpu.memref_squeeze %dma_start3A_381 : memref<1x128xi32, #tpu.memory_space<vmem>> -> memref<128xi32, #tpu.memory_space<vmem>>
    %dma_start3A_383 = arith.constant 0 : i32
    %dma_start3A_384 = arith.constant 0 : i32
    %dma_start3A_385 = tpu.memref_slice %arg8[%dma_start3A_383, %dma_start3A_384] : memref<100000x128xf32, #tpu.memory_space<hbm>> -> memref<100000x128xf32, #tpu.memory_space<hbm>>
    tpu.enqueue_indirect_dma source(%dma_start3A_385 : memref<100000x128xf32, #tpu.memory_space<hbm>>) target(%arg21 : memref<128x128xf32, #tpu.memory_space<vmem>>) offsets(%dma_start3A_382 : memref<128xi32, #tpu.memory_space<vmem>>) semaphore(%arg25 : memref<!tpu.dma_semaphore, #tpu.memory_space<semaphore_mem>>)
    %dma_wait3A_386 = arith.constant 4 : i32
    %dma_wait3A_387 = arith.constant 0 : i32
    %dma_wait3A_388 = tpu.memref_slice %arg17[%dma_wait3A_386, %dma_wait3A_387] : memref<10x128xi32, #tpu.memory_space<vmem>> -> memref<1x128xi32, #tpu.memory_space<vmem>>
    %dma_wait3A_389 = tpu.memref_squeeze %dma_wait3A_388 : memref<1x128xi32, #tpu.memory_space<vmem>> -> memref<128xi32, #tpu.memory_space<vmem>>
    %dma_wait3A_390 = arith.constant 0 : i32
    %dma_wait3A_391 = arith.constant 0 : i32
    %dma_wait3A_392 = tpu.memref_slice %arg8[%dma_wait3A_390, %dma_wait3A_391] : memref<100000x128xf32, #tpu.memory_space<hbm>> -> memref<100000x128xf32, #tpu.memory_space<hbm>>
    tpu.wait_indirect_dma semaphore(%arg23 : memref<!tpu.dma_semaphore, #tpu.memory_space<semaphore_mem>>) src(%dma_wait3A_392 : memref<100000x128xf32, #tpu.memory_space<hbm>>) dst(%arg19 : memref<128x128xf32, #tpu.memory_space<vmem>>)
    %dma_start3A_393 = arith.constant 0 : i32
    %dma_start3A_394 = tpu.memref_slice %arg14[%add3A_24, %dma_start3A_393] : memref<40960x128xf32, #tpu.memory_space<hbm>> -> memref<128x128xf32, #tpu.memory_space<hbm>>
    %dma_start3A_395 = arith.constant 0 : i32
    %dma_start3A_396 = tpu.memref_slice %arg14[%add3A_24, %dma_start3A_395] : memref<40960x128xf32, #tpu.memory_space<hbm>> -> memref<128x128xf32, #tpu.memory_space<hbm>>
    tpu.enqueue_dma source(%arg19 : memref<128x128xf32, #tpu.memory_space<vmem>>) target(%dma_start3A_396 : memref<128x128xf32, #tpu.memory_space<hbm>>) target_semaphore(%arg27 : memref<!tpu.dma_semaphore, #tpu.memory_space<semaphore_mem>>)
    %dma_wait3A_397 = arith.constant 0 : i32
    %dma_wait3A_398 = tpu.memref_slice %arg13[%add3A_22, %dma_wait3A_397] : memref<40960x128xf32, #tpu.memory_space<hbm>> -> memref<128x128xf32, #tpu.memory_space<hbm>>
    %dma_wait3A_399 = arith.constant 0 : i32
    %dma_wait3A_400 = tpu.memref_slice %arg13[%add3A_22, %dma_wait3A_399] : memref<40960x128xf32, #tpu.memory_space<hbm>> -> memref<128x128xf32, #tpu.memory_space<hbm>>
    tpu.wait_dma2 semaphore(%arg26 : memref<!tpu.dma_semaphore, #tpu.memory_space<semaphore_mem>>) src(%arg18 : memref<128x128xf32, #tpu.memory_space<vmem>>) dst(%dma_wait3A_400 : memref<128x128xf32, #tpu.memory_space<hbm>>)
    %dma_start3A_401 = arith.constant 6 : i32
    %dma_start3A_402 = arith.constant 0 : i32
    %dma_start3A_403 = tpu.memref_slice %arg17[%dma_start3A_401, %dma_start3A_402] : memref<10x128xi32, #tpu.memory_space<vmem>> -> memref<1x128xi32, #tpu.memory_space<vmem>>
    %dma_start3A_404 = tpu.memref_squeeze %dma_start3A_403 : memref<1x128xi32, #tpu.memory_space<vmem>> -> memref<128xi32, #tpu.memory_space<vmem>>
    %dma_start3A_405 = arith.constant 0 : i32
    %dma_start3A_406 = arith.constant 0 : i32
    %dma_start3A_407 = tpu.memref_slice %arg7[%dma_start3A_405, %dma_start3A_406] : memref<100000x128xf32, #tpu.memory_space<hbm>> -> memref<100000x128xf32, #tpu.memory_space<hbm>>
    tpu.enqueue_indirect_dma source(%dma_start3A_407 : memref<100000x128xf32, #tpu.memory_space<hbm>>) target(%arg18 : memref<128x128xf32, #tpu.memory_space<vmem>>) offsets(%dma_start3A_404 : memref<128xi32, #tpu.memory_space<vmem>>) semaphore(%arg22 : memref<!tpu.dma_semaphore, #tpu.memory_space<semaphore_mem>>)
    %dma_wait3A_408 = arith.constant 5 : i32
    %dma_wait3A_409 = arith.constant 0 : i32
    %dma_wait3A_410 = tpu.memref_slice %arg17[%dma_wait3A_408, %dma_wait3A_409] : memref<10x128xi32, #tpu.memory_space<vmem>> -> memref<1x128xi32, #tpu.memory_space<vmem>>
    %dma_wait3A_411 = tpu.memref_squeeze %dma_wait3A_410 : memref<1x128xi32, #tpu.memory_space<vmem>> -> memref<128xi32, #tpu.memory_space<vmem>>
    %dma_wait3A_412 = arith.constant 0 : i32
    %dma_wait3A_413 = arith.constant 0 : i32
    %dma_wait3A_414 = tpu.memref_slice %arg7[%dma_wait3A_412, %dma_wait3A_413] : memref<100000x128xf32, #tpu.memory_space<hbm>> -> memref<100000x128xf32, #tpu.memory_space<hbm>>
    tpu.wait_indirect_dma semaphore(%arg24 : memref<!tpu.dma_semaphore, #tpu.memory_space<semaphore_mem>>) src(%dma_wait3A_414 : memref<100000x128xf32, #tpu.memory_space<hbm>>) dst(%arg20 : memref<128x128xf32, #tpu.memory_space<vmem>>)
    %dma_start3A_415 = arith.constant 0 : i32
    %dma_start3A_416 = tpu.memref_slice %arg13[%add3A_26, %dma_start3A_415] : memref<40960x128xf32, #tpu.memory_space<hbm>> -> memref<128x128xf32, #tpu.memory_space<hbm>>
    %dma_start3A_417 = arith.constant 0 : i32
    %dma_start3A_418 = tpu.memref_slice %arg13[%add3A_26, %dma_start3A_417] : memref<40960x128xf32, #tpu.memory_space<hbm>> -> memref<128x128xf32, #tpu.memory_space<hbm>>
    tpu.enqueue_dma source(%arg20 : memref<128x128xf32, #tpu.memory_space<vmem>>) target(%dma_start3A_418 : memref<128x128xf32, #tpu.memory_space<hbm>>) target_semaphore(%arg28 : memref<!tpu.dma_semaphore, #tpu.memory_space<semaphore_mem>>)
    %dma_wait3A_419 = arith.constant 0 : i32
    %dma_wait3A_420 = tpu.memref_slice %arg14[%add3A_24, %dma_wait3A_419] : memref<40960x128xf32, #tpu.memory_space<hbm>> -> memref<128x128xf32, #tpu.memory_space<hbm>>
    %dma_wait3A_421 = arith.constant 0 : i32
    %dma_wait3A_422 = tpu.memref_slice %arg14[%add3A_24, %dma_wait3A_421] : memref<40960x128xf32, #tpu.memory_space<hbm>> -> memref<128x128xf32, #tpu.memory_space<hbm>>
    tpu.wait_dma2 semaphore(%arg27 : memref<!tpu.dma_semaphore, #tpu.memory_space<semaphore_mem>>) src(%arg19 : memref<128x128xf32, #tpu.memory_space<vmem>>) dst(%dma_wait3A_422 : memref<128x128xf32, #tpu.memory_space<hbm>>)
    %dma_start3A_423 = arith.constant 6 : i32
    %dma_start3A_424 = arith.constant 0 : i32
    %dma_start3A_425 = tpu.memref_slice %arg17[%dma_start3A_423, %dma_start3A_424] : memref<10x128xi32, #tpu.memory_space<vmem>> -> memref<1x128xi32, #tpu.memory_space<vmem>>
    %dma_start3A_426 = tpu.memref_squeeze %dma_start3A_425 : memref<1x128xi32, #tpu.memory_space<vmem>> -> memref<128xi32, #tpu.memory_space<vmem>>
    %dma_start3A_427 = arith.constant 0 : i32
    %dma_start3A_428 = arith.constant 0 : i32
    %dma_start3A_429 = tpu.memref_slice %arg8[%dma_start3A_427, %dma_start3A_428] : memref<100000x128xf32, #tpu.memory_space<hbm>> -> memref<100000x128xf32, #tpu.memory_space<hbm>>
    tpu.enqueue_indirect_dma source(%dma_start3A_429 : memref<100000x128xf32, #tpu.memory_space<hbm>>) target(%arg19 : memref<128x128xf32, #tpu.memory_space<vmem>>) offsets(%dma_start3A_426 : memref<128xi32, #tpu.memory_space<vmem>>) semaphore(%arg23 : memref<!tpu.dma_semaphore, #tpu.memory_space<semaphore_mem>>)
    %dma_wait3A_430 = arith.constant 5 : i32
    %dma_wait3A_431 = arith.constant 0 : i32
    %dma_wait3A_432 = tpu.memref_slice %arg17[%dma_wait3A_430, %dma_wait3A_431] : memref<10x128xi32, #tpu.memory_space<vmem>> -> memref<1x128xi32, #tpu.memory_space<vmem>>
    %dma_wait3A_433 = tpu.memref_squeeze %dma_wait3A_432 : memref<1x128xi32, #tpu.memory_space<vmem>> -> memref<128xi32, #tpu.memory_space<vmem>>
    %dma_wait3A_434 = arith.constant 0 : i32
    %dma_wait3A_435 = arith.constant 0 : i32
    %dma_wait3A_436 = tpu.memref_slice %arg8[%dma_wait3A_434, %dma_wait3A_435] : memref<100000x128xf32, #tpu.memory_space<hbm>> -> memref<100000x128xf32, #tpu.memory_space<hbm>>
    tpu.wait_indirect_dma semaphore(%arg25 : memref<!tpu.dma_semaphore, #tpu.memory_space<semaphore_mem>>) src(%dma_wait3A_436 : memref<100000x128xf32, #tpu.memory_space<hbm>>) dst(%arg21 : memref<128x128xf32, #tpu.memory_space<vmem>>)
    %dma_start3A_437 = arith.constant 0 : i32
    %dma_start3A_438 = tpu.memref_slice %arg14[%add3A_28, %dma_start3A_437] : memref<40960x128xf32, #tpu.memory_space<hbm>> -> memref<128x128xf32, #tpu.memory_space<hbm>>
    %dma_start3A_439 = arith.constant 0 : i32
    %dma_start3A_440 = tpu.memref_slice %arg14[%add3A_28, %dma_start3A_439] : memref<40960x128xf32, #tpu.memory_space<hbm>> -> memref<128x128xf32, #tpu.memory_space<hbm>>
    tpu.enqueue_dma source(%arg21 : memref<128x128xf32, #tpu.memory_space<vmem>>) target(%dma_start3A_440 : memref<128x128xf32, #tpu.memory_space<hbm>>) target_semaphore(%arg29 : memref<!tpu.dma_semaphore, #tpu.memory_space<semaphore_mem>>)
    %dma_wait3A_441 = arith.constant 0 : i32
    %dma_wait3A_442 = tpu.memref_slice %arg13[%add3A_26, %dma_wait3A_441] : memref<40960x128xf32, #tpu.memory_space<hbm>> -> memref<128x128xf32, #tpu.memory_space<hbm>>
    %dma_wait3A_443 = arith.constant 0 : i32
    %dma_wait3A_444 = tpu.memref_slice %arg13[%add3A_26, %dma_wait3A_443] : memref<40960x128xf32, #tpu.memory_space<hbm>> -> memref<128x128xf32, #tpu.memory_space<hbm>>
    tpu.wait_dma2 semaphore(%arg28 : memref<!tpu.dma_semaphore, #tpu.memory_space<semaphore_mem>>) src(%arg20 : memref<128x128xf32, #tpu.memory_space<vmem>>) dst(%dma_wait3A_444 : memref<128x128xf32, #tpu.memory_space<hbm>>)
    %dma_start3A_445 = arith.constant 7 : i32
    %dma_start3A_446 = arith.constant 0 : i32
    %dma_start3A_447 = tpu.memref_slice %arg17[%dma_start3A_445, %dma_start3A_446] : memref<10x128xi32, #tpu.memory_space<vmem>> -> memref<1x128xi32, #tpu.memory_space<vmem>>
    %dma_start3A_448 = tpu.memref_squeeze %dma_start3A_447 : memref<1x128xi32, #tpu.memory_space<vmem>> -> memref<128xi32, #tpu.memory_space<vmem>>
    %dma_start3A_449 = arith.constant 0 : i32
    %dma_start3A_450 = arith.constant 0 : i32
    %dma_start3A_451 = tpu.memref_slice %arg7[%dma_start3A_449, %dma_start3A_450] : memref<100000x128xf32, #tpu.memory_space<hbm>> -> memref<100000x128xf32, #tpu.memory_space<hbm>>
    tpu.enqueue_indirect_dma source(%dma_start3A_451 : memref<100000x128xf32, #tpu.memory_space<hbm>>) target(%arg20 : memref<128x128xf32, #tpu.memory_space<vmem>>) offsets(%dma_start3A_448 : memref<128xi32, #tpu.memory_space<vmem>>) semaphore(%arg24 : memref<!tpu.dma_semaphore, #tpu.memory_space<semaphore_mem>>)
    %dma_wait3A_452 = arith.constant 6 : i32
    %dma_wait3A_453 = arith.constant 0 : i32
    %dma_wait3A_454 = tpu.memref_slice %arg17[%dma_wait3A_452, %dma_wait3A_453] : memref<10x128xi32, #tpu.memory_space<vmem>> -> memref<1x128xi32, #tpu.memory_space<vmem>>
    %dma_wait3A_455 = tpu.memref_squeeze %dma_wait3A_454 : memref<1x128xi32, #tpu.memory_space<vmem>> -> memref<128xi32, #tpu.memory_space<vmem>>
    %dma_wait3A_456 = arith.constant 0 : i32
    %dma_wait3A_457 = arith.constant 0 : i32
    %dma_wait3A_458 = tpu.memref_slice %arg7[%dma_wait3A_456, %dma_wait3A_457] : memref<100000x128xf32, #tpu.memory_space<hbm>> -> memref<100000x128xf32, #tpu.memory_space<hbm>>
    tpu.wait_indirect_dma semaphore(%arg22 : memref<!tpu.dma_semaphore, #tpu.memory_space<semaphore_mem>>) src(%dma_wait3A_458 : memref<100000x128xf32, #tpu.memory_space<hbm>>) dst(%arg18 : memref<128x128xf32, #tpu.memory_space<vmem>>)
    %dma_start3A_459 = arith.constant 0 : i32
    %dma_start3A_460 = tpu.memref_slice %arg13[%add3A_30, %dma_start3A_459] : memref<40960x128xf32, #tpu.memory_space<hbm>> -> memref<128x128xf32, #tpu.memory_space<hbm>>
    %dma_start3A_461 = arith.constant 0 : i32
    %dma_start3A_462 = tpu.memref_slice %arg13[%add3A_30, %dma_start3A_461] : memref<40960x128xf32, #tpu.memory_space<hbm>> -> memref<128x128xf32, #tpu.memory_space<hbm>>
    tpu.enqueue_dma source(%arg18 : memref<128x128xf32, #tpu.memory_space<vmem>>) target(%dma_start3A_462 : memref<128x128xf32, #tpu.memory_space<hbm>>) target_semaphore(%arg26 : memref<!tpu.dma_semaphore, #tpu.memory_space<semaphore_mem>>)
    %dma_wait3A_463 = arith.constant 0 : i32
    %dma_wait3A_464 = tpu.memref_slice %arg14[%add3A_28, %dma_wait3A_463] : memref<40960x128xf32, #tpu.memory_space<hbm>> -> memref<128x128xf32, #tpu.memory_space<hbm>>
    %dma_wait3A_465 = arith.constant 0 : i32
    %dma_wait3A_466 = tpu.memref_slice %arg14[%add3A_28, %dma_wait3A_465] : memref<40960x128xf32, #tpu.memory_space<hbm>> -> memref<128x128xf32, #tpu.memory_space<hbm>>
    tpu.wait_dma2 semaphore(%arg29 : memref<!tpu.dma_semaphore, #tpu.memory_space<semaphore_mem>>) src(%arg21 : memref<128x128xf32, #tpu.memory_space<vmem>>) dst(%dma_wait3A_466 : memref<128x128xf32, #tpu.memory_space<hbm>>)
    %dma_start3A_467 = arith.constant 7 : i32
    %dma_start3A_468 = arith.constant 0 : i32
    %dma_start3A_469 = tpu.memref_slice %arg17[%dma_start3A_467, %dma_start3A_468] : memref<10x128xi32, #tpu.memory_space<vmem>> -> memref<1x128xi32, #tpu.memory_space<vmem>>
    %dma_start3A_470 = tpu.memref_squeeze %dma_start3A_469 : memref<1x128xi32, #tpu.memory_space<vmem>> -> memref<128xi32, #tpu.memory_space<vmem>>
    %dma_start3A_471 = arith.constant 0 : i32
    %dma_start3A_472 = arith.constant 0 : i32
    %dma_start3A_473 = tpu.memref_slice %arg8[%dma_start3A_471, %dma_start3A_472] : memref<100000x128xf32, #tpu.memory_space<hbm>> -> memref<100000x128xf32, #tpu.memory_space<hbm>>
    tpu.enqueue_indirect_dma source(%dma_start3A_473 : memref<100000x128xf32, #tpu.memory_space<hbm>>) target(%arg21 : memref<128x128xf32, #tpu.memory_space<vmem>>) offsets(%dma_start3A_470 : memref<128xi32, #tpu.memory_space<vmem>>) semaphore(%arg25 : memref<!tpu.dma_semaphore, #tpu.memory_space<semaphore_mem>>)
    %dma_wait3A_474 = arith.constant 6 : i32
    %dma_wait3A_475 = arith.constant 0 : i32
    %dma_wait3A_476 = tpu.memref_slice %arg17[%dma_wait3A_474, %dma_wait3A_475] : memref<10x128xi32, #tpu.memory_space<vmem>> -> memref<1x128xi32, #tpu.memory_space<vmem>>
    %dma_wait3A_477 = tpu.memref_squeeze %dma_wait3A_476 : memref<1x128xi32, #tpu.memory_space<vmem>> -> memref<128xi32, #tpu.memory_space<vmem>>
    %dma_wait3A_478 = arith.constant 0 : i32
    %dma_wait3A_479 = arith.constant 0 : i32
    %dma_wait3A_480 = tpu.memref_slice %arg8[%dma_wait3A_478, %dma_wait3A_479] : memref<100000x128xf32, #tpu.memory_space<hbm>> -> memref<100000x128xf32, #tpu.memory_space<hbm>>
    tpu.wait_indirect_dma semaphore(%arg23 : memref<!tpu.dma_semaphore, #tpu.memory_space<semaphore_mem>>) src(%dma_wait3A_480 : memref<100000x128xf32, #tpu.memory_space<hbm>>) dst(%arg19 : memref<128x128xf32, #tpu.memory_space<vmem>>)
    %dma_start3A_481 = arith.constant 0 : i32
    %dma_start3A_482 = tpu.memref_slice %arg14[%add3A_32, %dma_start3A_481] : memref<40960x128xf32, #tpu.memory_space<hbm>> -> memref<128x128xf32, #tpu.memory_space<hbm>>
    %dma_start3A_483 = arith.constant 0 : i32
    %dma_start3A_484 = tpu.memref_slice %arg14[%add3A_32, %dma_start3A_483] : memref<40960x128xf32, #tpu.memory_space<hbm>> -> memref<128x128xf32, #tpu.memory_space<hbm>>
    tpu.enqueue_dma source(%arg19 : memref<128x128xf32, #tpu.memory_space<vmem>>) target(%dma_start3A_484 : memref<128x128xf32, #tpu.memory_space<hbm>>) target_semaphore(%arg27 : memref<!tpu.dma_semaphore, #tpu.memory_space<semaphore_mem>>)
    %dma_wait3A_485 = arith.constant 0 : i32
    %dma_wait3A_486 = tpu.memref_slice %arg13[%add3A_30, %dma_wait3A_485] : memref<40960x128xf32, #tpu.memory_space<hbm>> -> memref<128x128xf32, #tpu.memory_space<hbm>>
    %dma_wait3A_487 = arith.constant 0 : i32
    %dma_wait3A_488 = tpu.memref_slice %arg13[%add3A_30, %dma_wait3A_487] : memref<40960x128xf32, #tpu.memory_space<hbm>> -> memref<128x128xf32, #tpu.memory_space<hbm>>
    tpu.wait_dma2 semaphore(%arg26 : memref<!tpu.dma_semaphore, #tpu.memory_space<semaphore_mem>>) src(%arg18 : memref<128x128xf32, #tpu.memory_space<vmem>>) dst(%dma_wait3A_488 : memref<128x128xf32, #tpu.memory_space<hbm>>)
    %dma_start3A_489 = arith.constant 8 : i32
    %dma_start3A_490 = arith.constant 0 : i32
    %dma_start3A_491 = tpu.memref_slice %arg17[%dma_start3A_489, %dma_start3A_490] : memref<10x128xi32, #tpu.memory_space<vmem>> -> memref<1x128xi32, #tpu.memory_space<vmem>>
    %dma_start3A_492 = tpu.memref_squeeze %dma_start3A_491 : memref<1x128xi32, #tpu.memory_space<vmem>> -> memref<128xi32, #tpu.memory_space<vmem>>
    %dma_start3A_493 = arith.constant 0 : i32
    %dma_start3A_494 = arith.constant 0 : i32
    %dma_start3A_495 = tpu.memref_slice %arg7[%dma_start3A_493, %dma_start3A_494] : memref<100000x128xf32, #tpu.memory_space<hbm>> -> memref<100000x128xf32, #tpu.memory_space<hbm>>
    tpu.enqueue_indirect_dma source(%dma_start3A_495 : memref<100000x128xf32, #tpu.memory_space<hbm>>) target(%arg18 : memref<128x128xf32, #tpu.memory_space<vmem>>) offsets(%dma_start3A_492 : memref<128xi32, #tpu.memory_space<vmem>>) semaphore(%arg22 : memref<!tpu.dma_semaphore, #tpu.memory_space<semaphore_mem>>)
    %dma_wait3A_496 = arith.constant 7 : i32
    %dma_wait3A_497 = arith.constant 0 : i32
    %dma_wait3A_498 = tpu.memref_slice %arg17[%dma_wait3A_496, %dma_wait3A_497] : memref<10x128xi32, #tpu.memory_space<vmem>> -> memref<1x128xi32, #tpu.memory_space<vmem>>
    %dma_wait3A_499 = tpu.memref_squeeze %dma_wait3A_498 : memref<1x128xi32, #tpu.memory_space<vmem>> -> memref<128xi32, #tpu.memory_space<vmem>>
    %dma_wait3A_500 = arith.constant 0 : i32
    %dma_wait3A_501 = arith.constant 0 : i32
    %dma_wait3A_502 = tpu.memref_slice %arg7[%dma_wait3A_500, %dma_wait3A_501] : memref<100000x128xf32, #tpu.memory_space<hbm>> -> memref<100000x128xf32, #tpu.memory_space<hbm>>
    tpu.wait_indirect_dma semaphore(%arg24 : memref<!tpu.dma_semaphore, #tpu.memory_space<semaphore_mem>>) src(%dma_wait3A_502 : memref<100000x128xf32, #tpu.memory_space<hbm>>) dst(%arg20 : memref<128x128xf32, #tpu.memory_space<vmem>>)
    %dma_start3A_503 = arith.constant 0 : i32
    %dma_start3A_504 = tpu.memref_slice %arg13[%add3A_34, %dma_start3A_503] : memref<40960x128xf32, #tpu.memory_space<hbm>> -> memref<128x128xf32, #tpu.memory_space<hbm>>
    %dma_start3A_505 = arith.constant 0 : i32
    %dma_start3A_506 = tpu.memref_slice %arg13[%add3A_34, %dma_start3A_505] : memref<40960x128xf32, #tpu.memory_space<hbm>> -> memref<128x128xf32, #tpu.memory_space<hbm>>
    tpu.enqueue_dma source(%arg20 : memref<128x128xf32, #tpu.memory_space<vmem>>) target(%dma_start3A_506 : memref<128x128xf32, #tpu.memory_space<hbm>>) target_semaphore(%arg28 : memref<!tpu.dma_semaphore, #tpu.memory_space<semaphore_mem>>)
    %dma_wait3A_507 = arith.constant 0 : i32
    %dma_wait3A_508 = tpu.memref_slice %arg14[%add3A_32, %dma_wait3A_507] : memref<40960x128xf32, #tpu.memory_space<hbm>> -> memref<128x128xf32, #tpu.memory_space<hbm>>
    %dma_wait3A_509 = arith.constant 0 : i32
    %dma_wait3A_510 = tpu.memref_slice %arg14[%add3A_32, %dma_wait3A_509] : memref<40960x128xf32, #tpu.memory_space<hbm>> -> memref<128x128xf32, #tpu.memory_space<hbm>>
    tpu.wait_dma2 semaphore(%arg27 : memref<!tpu.dma_semaphore, #tpu.memory_space<semaphore_mem>>) src(%arg19 : memref<128x128xf32, #tpu.memory_space<vmem>>) dst(%dma_wait3A_510 : memref<128x128xf32, #tpu.memory_space<hbm>>)
    %dma_start3A_511 = arith.constant 8 : i32
    %dma_start3A_512 = arith.constant 0 : i32
    %dma_start3A_513 = tpu.memref_slice %arg17[%dma_start3A_511, %dma_start3A_512] : memref<10x128xi32, #tpu.memory_space<vmem>> -> memref<1x128xi32, #tpu.memory_space<vmem>>
    %dma_start3A_514 = tpu.memref_squeeze %dma_start3A_513 : memref<1x128xi32, #tpu.memory_space<vmem>> -> memref<128xi32, #tpu.memory_space<vmem>>
    %dma_start3A_515 = arith.constant 0 : i32
    %dma_start3A_516 = arith.constant 0 : i32
    %dma_start3A_517 = tpu.memref_slice %arg8[%dma_start3A_515, %dma_start3A_516] : memref<100000x128xf32, #tpu.memory_space<hbm>> -> memref<100000x128xf32, #tpu.memory_space<hbm>>
    tpu.enqueue_indirect_dma source(%dma_start3A_517 : memref<100000x128xf32, #tpu.memory_space<hbm>>) target(%arg19 : memref<128x128xf32, #tpu.memory_space<vmem>>) offsets(%dma_start3A_514 : memref<128xi32, #tpu.memory_space<vmem>>) semaphore(%arg23 : memref<!tpu.dma_semaphore, #tpu.memory_space<semaphore_mem>>)
    %dma_wait3A_518 = arith.constant 7 : i32
    %dma_wait3A_519 = arith.constant 0 : i32
    %dma_wait3A_520 = tpu.memref_slice %arg17[%dma_wait3A_518, %dma_wait3A_519] : memref<10x128xi32, #tpu.memory_space<vmem>> -> memref<1x128xi32, #tpu.memory_space<vmem>>
    %dma_wait3A_521 = tpu.memref_squeeze %dma_wait3A_520 : memref<1x128xi32, #tpu.memory_space<vmem>> -> memref<128xi32, #tpu.memory_space<vmem>>
    %dma_wait3A_522 = arith.constant 0 : i32
    %dma_wait3A_523 = arith.constant 0 : i32
    %dma_wait3A_524 = tpu.memref_slice %arg8[%dma_wait3A_522, %dma_wait3A_523] : memref<100000x128xf32, #tpu.memory_space<hbm>> -> memref<100000x128xf32, #tpu.memory_space<hbm>>
    tpu.wait_indirect_dma semaphore(%arg25 : memref<!tpu.dma_semaphore, #tpu.memory_space<semaphore_mem>>) src(%dma_wait3A_524 : memref<100000x128xf32, #tpu.memory_space<hbm>>) dst(%arg21 : memref<128x128xf32, #tpu.memory_space<vmem>>)
    %dma_start3A_525 = arith.constant 0 : i32
    %dma_start3A_526 = tpu.memref_slice %arg14[%add3A_36, %dma_start3A_525] : memref<40960x128xf32, #tpu.memory_space<hbm>> -> memref<128x128xf32, #tpu.memory_space<hbm>>
    %dma_start3A_527 = arith.constant 0 : i32
    %dma_start3A_528 = tpu.memref_slice %arg14[%add3A_36, %dma_start3A_527] : memref<40960x128xf32, #tpu.memory_space<hbm>> -> memref<128x128xf32, #tpu.memory_space<hbm>>
    tpu.enqueue_dma source(%arg21 : memref<128x128xf32, #tpu.memory_space<vmem>>) target(%dma_start3A_528 : memref<128x128xf32, #tpu.memory_space<hbm>>) target_semaphore(%arg29 : memref<!tpu.dma_semaphore, #tpu.memory_space<semaphore_mem>>)
    %dma_wait3A_529 = arith.constant 0 : i32
    %dma_wait3A_530 = tpu.memref_slice %arg13[%add3A_34, %dma_wait3A_529] : memref<40960x128xf32, #tpu.memory_space<hbm>> -> memref<128x128xf32, #tpu.memory_space<hbm>>
    %dma_wait3A_531 = arith.constant 0 : i32
    %dma_wait3A_532 = tpu.memref_slice %arg13[%add3A_34, %dma_wait3A_531] : memref<40960x128xf32, #tpu.memory_space<hbm>> -> memref<128x128xf32, #tpu.memory_space<hbm>>
    tpu.wait_dma2 semaphore(%arg28 : memref<!tpu.dma_semaphore, #tpu.memory_space<semaphore_mem>>) src(%arg20 : memref<128x128xf32, #tpu.memory_space<vmem>>) dst(%dma_wait3A_532 : memref<128x128xf32, #tpu.memory_space<hbm>>)
    %dma_start3A_533 = arith.constant 9 : i32
    %dma_start3A_534 = arith.constant 0 : i32
    %dma_start3A_535 = tpu.memref_slice %arg17[%dma_start3A_533, %dma_start3A_534] : memref<10x128xi32, #tpu.memory_space<vmem>> -> memref<1x128xi32, #tpu.memory_space<vmem>>
    %dma_start3A_536 = tpu.memref_squeeze %dma_start3A_535 : memref<1x128xi32, #tpu.memory_space<vmem>> -> memref<128xi32, #tpu.memory_space<vmem>>
    %dma_start3A_537 = arith.constant 0 : i32
    %dma_start3A_538 = arith.constant 0 : i32
    %dma_start3A_539 = tpu.memref_slice %arg7[%dma_start3A_537, %dma_start3A_538] : memref<100000x128xf32, #tpu.memory_space<hbm>> -> memref<100000x128xf32, #tpu.memory_space<hbm>>
    tpu.enqueue_indirect_dma source(%dma_start3A_539 : memref<100000x128xf32, #tpu.memory_space<hbm>>) target(%arg20 : memref<128x128xf32, #tpu.memory_space<vmem>>) offsets(%dma_start3A_536 : memref<128xi32, #tpu.memory_space<vmem>>) semaphore(%arg24 : memref<!tpu.dma_semaphore, #tpu.memory_space<semaphore_mem>>)
    %dma_wait3A_540 = arith.constant 8 : i32
    %dma_wait3A_541 = arith.constant 0 : i32
    %dma_wait3A_542 = tpu.memref_slice %arg17[%dma_wait3A_540, %dma_wait3A_541] : memref<10x128xi32, #tpu.memory_space<vmem>> -> memref<1x128xi32, #tpu.memory_space<vmem>>
    %dma_wait3A_543 = tpu.memref_squeeze %dma_wait3A_542 : memref<1x128xi32, #tpu.memory_space<vmem>> -> memref<128xi32, #tpu.memory_space<vmem>>
    %dma_wait3A_544 = arith.constant 0 : i32
    %dma_wait3A_545 = arith.constant 0 : i32
    %dma_wait3A_546 = tpu.memref_slice %arg7[%dma_wait3A_544, %dma_wait3A_545] : memref<100000x128xf32, #tpu.memory_space<hbm>> -> memref<100000x128xf32, #tpu.memory_space<hbm>>
    tpu.wait_indirect_dma semaphore(%arg22 : memref<!tpu.dma_semaphore, #tpu.memory_space<semaphore_mem>>) src(%dma_wait3A_546 : memref<100000x128xf32, #tpu.memory_space<hbm>>) dst(%arg18 : memref<128x128xf32, #tpu.memory_space<vmem>>)
    %dma_start3A_547 = arith.constant 0 : i32
    %dma_start3A_548 = tpu.memref_slice %arg13[%add3A_38, %dma_start3A_547] : memref<40960x128xf32, #tpu.memory_space<hbm>> -> memref<128x128xf32, #tpu.memory_space<hbm>>
    %dma_start3A_549 = arith.constant 0 : i32
    %dma_start3A_550 = tpu.memref_slice %arg13[%add3A_38, %dma_start3A_549] : memref<40960x128xf32, #tpu.memory_space<hbm>> -> memref<128x128xf32, #tpu.memory_space<hbm>>
    tpu.enqueue_dma source(%arg18 : memref<128x128xf32, #tpu.memory_space<vmem>>) target(%dma_start3A_550 : memref<128x128xf32, #tpu.memory_space<hbm>>) target_semaphore(%arg26 : memref<!tpu.dma_semaphore, #tpu.memory_space<semaphore_mem>>)
    %dma_wait3A_551 = arith.constant 0 : i32
    %dma_wait3A_552 = tpu.memref_slice %arg14[%add3A_36, %dma_wait3A_551] : memref<40960x128xf32, #tpu.memory_space<hbm>> -> memref<128x128xf32, #tpu.memory_space<hbm>>
    %dma_wait3A_553 = arith.constant 0 : i32
    %dma_wait3A_554 = tpu.memref_slice %arg14[%add3A_36, %dma_wait3A_553] : memref<40960x128xf32, #tpu.memory_space<hbm>> -> memref<128x128xf32, #tpu.memory_space<hbm>>
    tpu.wait_dma2 semaphore(%arg29 : memref<!tpu.dma_semaphore, #tpu.memory_space<semaphore_mem>>) src(%arg21 : memref<128x128xf32, #tpu.memory_space<vmem>>) dst(%dma_wait3A_554 : memref<128x128xf32, #tpu.memory_space<hbm>>)
    %dma_start3A_555 = arith.constant 9 : i32
    %dma_start3A_556 = arith.constant 0 : i32
    %dma_start3A_557 = tpu.memref_slice %arg17[%dma_start3A_555, %dma_start3A_556] : memref<10x128xi32, #tpu.memory_space<vmem>> -> memref<1x128xi32, #tpu.memory_space<vmem>>
    %dma_start3A_558 = tpu.memref_squeeze %dma_start3A_557 : memref<1x128xi32, #tpu.memory_space<vmem>> -> memref<128xi32, #tpu.memory_space<vmem>>
    %dma_start3A_559 = arith.constant 0 : i32
    %dma_start3A_560 = arith.constant 0 : i32
    %dma_start3A_561 = tpu.memref_slice %arg8[%dma_start3A_559, %dma_start3A_560] : memref<100000x128xf32, #tpu.memory_space<hbm>> -> memref<100000x128xf32, #tpu.memory_space<hbm>>
    tpu.enqueue_indirect_dma source(%dma_start3A_561 : memref<100000x128xf32, #tpu.memory_space<hbm>>) target(%arg21 : memref<128x128xf32, #tpu.memory_space<vmem>>) offsets(%dma_start3A_558 : memref<128xi32, #tpu.memory_space<vmem>>) semaphore(%arg25 : memref<!tpu.dma_semaphore, #tpu.memory_space<semaphore_mem>>)
    %dma_wait3A_562 = arith.constant 8 : i32
    %dma_wait3A_563 = arith.constant 0 : i32
    %dma_wait3A_564 = tpu.memref_slice %arg17[%dma_wait3A_562, %dma_wait3A_563] : memref<10x128xi32, #tpu.memory_space<vmem>> -> memref<1x128xi32, #tpu.memory_space<vmem>>
    %dma_wait3A_565 = tpu.memref_squeeze %dma_wait3A_564 : memref<1x128xi32, #tpu.memory_space<vmem>> -> memref<128xi32, #tpu.memory_space<vmem>>
    %dma_wait3A_566 = arith.constant 0 : i32
    %dma_wait3A_567 = arith.constant 0 : i32
    %dma_wait3A_568 = tpu.memref_slice %arg8[%dma_wait3A_566, %dma_wait3A_567] : memref<100000x128xf32, #tpu.memory_space<hbm>> -> memref<100000x128xf32, #tpu.memory_space<hbm>>
    tpu.wait_indirect_dma semaphore(%arg23 : memref<!tpu.dma_semaphore, #tpu.memory_space<semaphore_mem>>) src(%dma_wait3A_568 : memref<100000x128xf32, #tpu.memory_space<hbm>>) dst(%arg19 : memref<128x128xf32, #tpu.memory_space<vmem>>)
    %dma_start3A_569 = arith.constant 0 : i32
    %dma_start3A_570 = tpu.memref_slice %arg14[%add3A_40, %dma_start3A_569] : memref<40960x128xf32, #tpu.memory_space<hbm>> -> memref<128x128xf32, #tpu.memory_space<hbm>>
    %dma_start3A_571 = arith.constant 0 : i32
    %dma_start3A_572 = tpu.memref_slice %arg14[%add3A_40, %dma_start3A_571] : memref<40960x128xf32, #tpu.memory_space<hbm>> -> memref<128x128xf32, #tpu.memory_space<hbm>>
    tpu.enqueue_dma source(%arg19 : memref<128x128xf32, #tpu.memory_space<vmem>>) target(%dma_start3A_572 : memref<128x128xf32, #tpu.memory_space<hbm>>) target_semaphore(%arg27 : memref<!tpu.dma_semaphore, #tpu.memory_space<semaphore_mem>>)
    %dma_wait3A_573 = arith.constant 9 : i32
    %dma_wait3A_574 = arith.constant 0 : i32
    %dma_wait3A_575 = tpu.memref_slice %arg17[%dma_wait3A_573, %dma_wait3A_574] : memref<10x128xi32, #tpu.memory_space<vmem>> -> memref<1x128xi32, #tpu.memory_space<vmem>>
    %dma_wait3A_576 = tpu.memref_squeeze %dma_wait3A_575 : memref<1x128xi32, #tpu.memory_space<vmem>> -> memref<128xi32, #tpu.memory_space<vmem>>
    %dma_wait3A_577 = arith.constant 0 : i32
    %dma_wait3A_578 = arith.constant 0 : i32
    %dma_wait3A_579 = tpu.memref_slice %arg7[%dma_wait3A_577, %dma_wait3A_578] : memref<100000x128xf32, #tpu.memory_space<hbm>> -> memref<100000x128xf32, #tpu.memory_space<hbm>>
    tpu.wait_indirect_dma semaphore(%arg24 : memref<!tpu.dma_semaphore, #tpu.memory_space<semaphore_mem>>) src(%dma_wait3A_579 : memref<100000x128xf32, #tpu.memory_space<hbm>>) dst(%arg20 : memref<128x128xf32, #tpu.memory_space<vmem>>)
    %dma_start3A_580 = arith.constant 0 : i32
    %dma_start3A_581 = tpu.memref_slice %arg13[%add3A_42, %dma_start3A_580] : memref<40960x128xf32, #tpu.memory_space<hbm>> -> memref<128x128xf32, #tpu.memory_space<hbm>>
    %dma_start3A_582 = arith.constant 0 : i32
    %dma_start3A_583 = tpu.memref_slice %arg13[%add3A_42, %dma_start3A_582] : memref<40960x128xf32, #tpu.memory_space<hbm>> -> memref<128x128xf32, #tpu.memory_space<hbm>>
    tpu.enqueue_dma source(%arg20 : memref<128x128xf32, #tpu.memory_space<vmem>>) target(%dma_start3A_583 : memref<128x128xf32, #tpu.memory_space<hbm>>) target_semaphore(%arg28 : memref<!tpu.dma_semaphore, #tpu.memory_space<semaphore_mem>>)
    %dma_wait3A_584 = arith.constant 9 : i32
    %dma_wait3A_585 = arith.constant 0 : i32
    %dma_wait3A_586 = tpu.memref_slice %arg17[%dma_wait3A_584, %dma_wait3A_585] : memref<10x128xi32, #tpu.memory_space<vmem>> -> memref<1x128xi32, #tpu.memory_space<vmem>>
    %dma_wait3A_587 = tpu.memref_squeeze %dma_wait3A_586 : memref<1x128xi32, #tpu.memory_space<vmem>> -> memref<128xi32, #tpu.memory_space<vmem>>
    %dma_wait3A_588 = arith.constant 0 : i32
    %dma_wait3A_589 = arith.constant 0 : i32
    %dma_wait3A_590 = tpu.memref_slice %arg8[%dma_wait3A_588, %dma_wait3A_589] : memref<100000x128xf32, #tpu.memory_space<hbm>> -> memref<100000x128xf32, #tpu.memory_space<hbm>>
    tpu.wait_indirect_dma semaphore(%arg25 : memref<!tpu.dma_semaphore, #tpu.memory_space<semaphore_mem>>) src(%dma_wait3A_590 : memref<100000x128xf32, #tpu.memory_space<hbm>>) dst(%arg21 : memref<128x128xf32, #tpu.memory_space<vmem>>)
    %dma_start3A_591 = arith.constant 0 : i32
    %dma_start3A_592 = tpu.memref_slice %arg14[%add3A_44, %dma_start3A_591] : memref<40960x128xf32, #tpu.memory_space<hbm>> -> memref<128x128xf32, #tpu.memory_space<hbm>>
    %dma_start3A_593 = arith.constant 0 : i32
    %dma_start3A_594 = tpu.memref_slice %arg14[%add3A_44, %dma_start3A_593] : memref<40960x128xf32, #tpu.memory_space<hbm>> -> memref<128x128xf32, #tpu.memory_space<hbm>>
    tpu.enqueue_dma source(%arg21 : memref<128x128xf32, #tpu.memory_space<vmem>>) target(%dma_start3A_594 : memref<128x128xf32, #tpu.memory_space<hbm>>) target_semaphore(%arg29 : memref<!tpu.dma_semaphore, #tpu.memory_space<semaphore_mem>>)
    %dma_wait3A_595 = arith.constant 0 : i32
    %dma_wait3A_596 = tpu.memref_slice %arg13[%add3A_38, %dma_wait3A_595] : memref<40960x128xf32, #tpu.memory_space<hbm>> -> memref<128x128xf32, #tpu.memory_space<hbm>>
    %dma_wait3A_597 = arith.constant 0 : i32
    %dma_wait3A_598 = tpu.memref_slice %arg13[%add3A_38, %dma_wait3A_597] : memref<40960x128xf32, #tpu.memory_space<hbm>> -> memref<128x128xf32, #tpu.memory_space<hbm>>
    tpu.wait_dma2 semaphore(%arg26 : memref<!tpu.dma_semaphore, #tpu.memory_space<semaphore_mem>>) src(%arg18 : memref<128x128xf32, #tpu.memory_space<vmem>>) dst(%dma_wait3A_598 : memref<128x128xf32, #tpu.memory_space<hbm>>)
    %dma_wait3A_599 = arith.constant 0 : i32
    %dma_wait3A_600 = tpu.memref_slice %arg14[%add3A_40, %dma_wait3A_599] : memref<40960x128xf32, #tpu.memory_space<hbm>> -> memref<128x128xf32, #tpu.memory_space<hbm>>
    %dma_wait3A_601 = arith.constant 0 : i32
    %dma_wait3A_602 = tpu.memref_slice %arg14[%add3A_40, %dma_wait3A_601] : memref<40960x128xf32, #tpu.memory_space<hbm>> -> memref<128x128xf32, #tpu.memory_space<hbm>>
    tpu.wait_dma2 semaphore(%arg27 : memref<!tpu.dma_semaphore, #tpu.memory_space<semaphore_mem>>) src(%arg19 : memref<128x128xf32, #tpu.memory_space<vmem>>) dst(%dma_wait3A_602 : memref<128x128xf32, #tpu.memory_space<hbm>>)
    %dma_wait3A_603 = arith.constant 0 : i32
    %dma_wait3A_604 = tpu.memref_slice %arg13[%add3A_42, %dma_wait3A_603] : memref<40960x128xf32, #tpu.memory_space<hbm>> -> memref<128x128xf32, #tpu.memory_space<hbm>>
    %dma_wait3A_605 = arith.constant 0 : i32
    %dma_wait3A_606 = tpu.memref_slice %arg13[%add3A_42, %dma_wait3A_605] : memref<40960x128xf32, #tpu.memory_space<hbm>> -> memref<128x128xf32, #tpu.memory_space<hbm>>
    tpu.wait_dma2 semaphore(%arg28 : memref<!tpu.dma_semaphore, #tpu.memory_space<semaphore_mem>>) src(%arg20 : memref<128x128xf32, #tpu.memory_space<vmem>>) dst(%dma_wait3A_606 : memref<128x128xf32, #tpu.memory_space<hbm>>)
    %dma_wait3A_607 = arith.constant 0 : i32
    %dma_wait3A_608 = tpu.memref_slice %arg14[%add3A_44, %dma_wait3A_607] : memref<40960x128xf32, #tpu.memory_space<hbm>> -> memref<128x128xf32, #tpu.memory_space<hbm>>
    %dma_wait3A_609 = arith.constant 0 : i32
    %dma_wait3A_610 = tpu.memref_slice %arg14[%add3A_44, %dma_wait3A_609] : memref<40960x128xf32, #tpu.memory_space<hbm>> -> memref<128x128xf32, #tpu.memory_space<hbm>>
    tpu.wait_dma2 semaphore(%arg29 : memref<!tpu.dma_semaphore, #tpu.memory_space<semaphore_mem>>) src(%arg21 : memref<128x128xf32, #tpu.memory_space<vmem>>) dst(%dma_wait3A_610 : memref<128x128xf32, #tpu.memory_space<hbm>>)
    return
  }
}

#map = affine_map<(d0, d1) -> (0)>
#map1 = affine_map<(d0, d1) -> (0, 0, 0)>
#map2 = affine_map<(d0, d1) -> (0, 0)>
module attributes {stable_mosaic.version = 14 : i64} {
  func.func @sc_gather(%arg0: i32, %arg1: i32, %arg2: memref<2048xi32, #tpu.memory_space<hbm>>, %arg3: memref<2048xi32, #tpu.memory_space<hbm>>, %arg4: memref<32x10x128xi32, #tpu.memory_space<hbm>>, %arg5: memref<100000x128xf32, #tpu.memory_space<hbm>>, %arg6: memref<100000x128xf32, #tpu.memory_space<hbm>>, %arg7: memref<100000x128xf32, #tpu.memory_space<hbm>>, %arg8: memref<100000x128xf32, #tpu.memory_space<hbm>>, %arg9: memref<2048x128xf32, #tpu.memory_space<hbm>>, %arg10: memref<2048x128xf32, #tpu.memory_space<hbm>>, %arg11: memref<2048x128xf32, #tpu.memory_space<hbm>>, %arg12: memref<2048x128xf32, #tpu.memory_space<hbm>>, %arg13: memref<40960x128xf32, #tpu.memory_space<hbm>>, %arg14: memref<40960x128xf32, #tpu.memory_space<hbm>>, %arg15: memref<64xi32, #tpu.memory_space<vmem>>, %arg16: memref<64xi32, #tpu.memory_space<vmem>>, %arg17: memref<10x128xi32, #tpu.memory_space<vmem>>, %arg18: memref<128x128xf32, #tpu.memory_space<vmem>>, %arg19: memref<128x128xf32, #tpu.memory_space<vmem>>, %arg20: memref<128x128xf32, #tpu.memory_space<vmem>>, %arg21: memref<128x128xf32, #tpu.memory_space<vmem>>, %arg22: memref<!tpu.dma_semaphore, #tpu.memory_space<semaphore_mem>>, %arg23: memref<!tpu.dma_semaphore, #tpu.memory_space<semaphore_mem>>, %arg24: memref<!tpu.dma_semaphore, #tpu.memory_space<semaphore_mem>>, %arg25: memref<!tpu.dma_semaphore, #tpu.memory_space<semaphore_mem>>, %arg26: memref<!tpu.dma_semaphore, #tpu.memory_space<semaphore_mem>>, %arg27: memref<!tpu.dma_semaphore, #tpu.memory_space<semaphore_mem>>, %arg28: memref<!tpu.dma_semaphore, #tpu.memory_space<semaphore_mem>>, %arg29: memref<!tpu.dma_semaphore, #tpu.memory_space<semaphore_mem>>) attributes {dimension_semantics = [#tpu.dimension_semantics<core_parallel>, #tpu.dimension_semantics<subcore_parallel>], iteration_bounds = array<i64: 2, 16>, scalar_prefetch = 0 : i64, scratch_operands = 15 : i64, tpu.core_type = #tpu.core_type<sc_vector_subcore>, window_params = [{transform_indices = #map}, {transform_indices = #map}, {transform_indices = #map1}, {transform_indices = #map2}, {transform_indices = #map2}, {transform_indices = #map2}, {transform_indices = #map2}, {transform_indices = #map2}, {transform_indices = #map2}, {transform_indices = #map2}, {transform_indices = #map2}, {transform_indices = #map2}, {transform_indices = #map2}]} {
    %mul3A = arith.constant 2 : i32
    %mul3A_0 = arith.muli %arg1, %mul3A : i32
    %add3A = arith.addi %mul3A_0, %arg0 : i32
    %mul3A_1 = arith.constant 64 : i32
    %mul3A_2 = arith.muli %add3A, %mul3A_1 : i32
    %mul3A_3 = arith.constant 1280 : i32
    %mul3A_4 = arith.muli %add3A, %mul3A_3 : i32
    "tpu.region"() ({
      %run_scoped3A = tpu.sem_alloc : memref<!tpu.dma_semaphore, #tpu.memory_space<semaphore_mem>>
      %dma_start3A_611 = tpu.memref_slice %arg2[%mul3A_2] : memref<2048xi32, #tpu.memory_space<hbm>> -> memref<64xi32, #tpu.memory_space<hbm>>
      %dma_start3A_612 = tpu.memref_slice %arg2[%mul3A_2] : memref<2048xi32, #tpu.memory_space<hbm>> -> memref<64xi32, #tpu.memory_space<hbm>>
      tpu.enqueue_dma source(%dma_start3A_612 : memref<64xi32, #tpu.memory_space<hbm>>) target(%arg15 : memref<64xi32, #tpu.memory_space<vmem>>) target_semaphore(%run_scoped3A : memref<!tpu.dma_semaphore, #tpu.memory_space<semaphore_mem>>)
      %dma_wait3A_613 = tpu.memref_slice %arg2[%mul3A_2] : memref<2048xi32, #tpu.memory_space<hbm>> -> memref<64xi32, #tpu.memory_space<hbm>>
      %dma_wait3A_614 = tpu.memref_slice %arg2[%mul3A_2] : memref<2048xi32, #tpu.memory_space<hbm>> -> memref<64xi32, #tpu.memory_space<hbm>>
      tpu.wait_dma2 semaphore(%run_scoped3A : memref<!tpu.dma_semaphore, #tpu.memory_space<semaphore_mem>>) src(%dma_wait3A_614 : memref<64xi32, #tpu.memory_space<hbm>>) dst(%arg15 : memref<64xi32, #tpu.memory_space<vmem>>)
      tpu.yield
    }) : () -> ()
    "tpu.region"() ({
      %run_scoped3A = tpu.sem_alloc : memref<!tpu.dma_semaphore, #tpu.memory_space<semaphore_mem>>
      %dma_start3A_611 = tpu.memref_slice %arg3[%mul3A_2] : memref<2048xi32, #tpu.memory_space<hbm>> -> memref<64xi32, #tpu.memory_space<hbm>>
      %dma_start3A_612 = tpu.memref_slice %arg3[%mul3A_2] : memref<2048xi32, #tpu.memory_space<hbm>> -> memref<64xi32, #tpu.memory_space<hbm>>
      tpu.enqueue_dma source(%dma_start3A_612 : memref<64xi32, #tpu.memory_space<hbm>>) target(%arg16 : memref<64xi32, #tpu.memory_space<vmem>>) target_semaphore(%run_scoped3A : memref<!tpu.dma_semaphore, #tpu.memory_space<semaphore_mem>>)
      %dma_wait3A_613 = tpu.memref_slice %arg3[%mul3A_2] : memref<2048xi32, #tpu.memory_space<hbm>> -> memref<64xi32, #tpu.memory_space<hbm>>
      %dma_wait3A_614 = tpu.memref_slice %arg3[%mul3A_2] : memref<2048xi32, #tpu.memory_space<hbm>> -> memref<64xi32, #tpu.memory_space<hbm>>
      tpu.wait_dma2 semaphore(%run_scoped3A : memref<!tpu.dma_semaphore, #tpu.memory_space<semaphore_mem>>) src(%dma_wait3A_614 : memref<64xi32, #tpu.memory_space<hbm>>) dst(%arg16 : memref<64xi32, #tpu.memory_space<vmem>>)
      tpu.yield
    }) : () -> ()
    "tpu.region"() ({
      %run_scoped3A = tpu.sem_alloc : memref<!tpu.dma_semaphore, #tpu.memory_space<semaphore_mem>>
      %dma_start3A_611 = arith.constant 0 : i32
      %dma_start3A_612 = arith.constant 0 : i32
      %dma_start3A_613 = tpu.memref_slice %arg4[%add3A, %dma_start3A_611, %dma_start3A_612] : memref<32x10x128xi32, #tpu.memory_space<hbm>> -> memref<1x10x128xi32, #tpu.memory_space<hbm>>
      %dma_start3A_614 = tpu.memref_squeeze %dma_start3A_613 : memref<1x10x128xi32, #tpu.memory_space<hbm>> -> memref<10x128xi32, #tpu.memory_space<hbm>>
      %dma_start3A_615 = arith.constant 0 : i32
      %dma_start3A_616 = arith.constant 0 : i32
      %dma_start3A_617 = tpu.memref_slice %arg4[%add3A, %dma_start3A_615, %dma_start3A_616] : memref<32x10x128xi32, #tpu.memory_space<hbm>> -> memref<1x10x128xi32, #tpu.memory_space<hbm>>
      %dma_start3A_618 = tpu.memref_squeeze %dma_start3A_617 : memref<1x10x128xi32, #tpu.memory_space<hbm>> -> memref<10x128xi32, #tpu.memory_space<hbm>>
      tpu.enqueue_dma source(%dma_start3A_618 : memref<10x128xi32, #tpu.memory_space<hbm>>) target(%arg17 : memref<10x128xi32, #tpu.memory_space<vmem>>) target_semaphore(%run_scoped3A : memref<!tpu.dma_semaphore, #tpu.memory_space<semaphore_mem>>)
      %dma_wait3A_619 = arith.constant 0 : i32
      %dma_wait3A_620 = arith.constant 0 : i32
      %dma_wait3A_621 = tpu.memref_slice %arg4[%add3A, %dma_wait3A_619, %dma_wait3A_620] : memref<32x10x128xi32, #tpu.memory_space<hbm>> -> memref<1x10x128xi32, #tpu.memory_space<hbm>>
      %dma_wait3A_622 = tpu.memref_squeeze %dma_wait3A_621 : memref<1x10x128xi32, #tpu.memory_space<hbm>> -> memref<10x128xi32, #tpu.memory_space<hbm>>
      %dma_wait3A_623 = arith.constant 0 : i32
      %dma_wait3A_624 = arith.constant 0 : i32
      %dma_wait3A_625 = tpu.memref_slice %arg4[%add3A, %dma_wait3A_623, %dma_wait3A_624] : memref<32x10x128xi32, #tpu.memory_space<hbm>> -> memref<1x10x128xi32, #tpu.memory_space<hbm>>
      %dma_wait3A_626 = tpu.memref_squeeze %dma_wait3A_625 : memref<1x10x128xi32, #tpu.memory_space<hbm>> -> memref<10x128xi32, #tpu.memory_space<hbm>>
      tpu.wait_dma2 semaphore(%run_scoped3A : memref<!tpu.dma_semaphore, #tpu.memory_space<semaphore_mem>>) src(%dma_wait3A_626 : memref<10x128xi32, #tpu.memory_space<hbm>>) dst(%arg17 : memref<10x128xi32, #tpu.memory_space<vmem>>)
      tpu.yield
    }) : () -> ()
    %add3A_5 = arith.constant 0 : i32
    %add3A_6 = arith.addi %mul3A_4, %add3A_5 : i32
    %add3A_7 = arith.constant 0 : i32
    %add3A_8 = arith.addi %mul3A_4, %add3A_7 : i32
    %add3A_9 = arith.constant 128 : i32
    %add3A_10 = arith.addi %mul3A_4, %add3A_9 : i32
    %add3A_11 = arith.constant 128 : i32
    %add3A_12 = arith.addi %mul3A_4, %add3A_11 : i32
    %add3A_13 = arith.constant 256 : i32
    %add3A_14 = arith.addi %mul3A_4, %add3A_13 : i32
    %add3A_15 = arith.constant 256 : i32
    %add3A_16 = arith.addi %mul3A_4, %add3A_15 : i32
    %add3A_17 = arith.constant 384 : i32
    %add3A_18 = arith.addi %mul3A_4, %add3A_17 : i32
    %add3A_19 = arith.constant 384 : i32
    %add3A_20 = arith.addi %mul3A_4, %add3A_19 : i32
    %add3A_21 = arith.constant 512 : i32
    %add3A_22 = arith.addi %mul3A_4, %add3A_21 : i32
    %add3A_23 = arith.constant 512 : i32
    %add3A_24 = arith.addi %mul3A_4, %add3A_23 : i32
    %add3A_25 = arith.constant 640 : i32
    %add3A_26 = arith.addi %mul3A_4, %add3A_25 : i32
    %add3A_27 = arith.constant 640 : i32
    %add3A_28 = arith.addi %mul3A_4, %add3A_27 : i32
    %add3A_29 = arith.constant 768 : i32
    %add3A_30 = arith.addi %mul3A_4, %add3A_29 : i32
    %add3A_31 = arith.constant 768 : i32
    %add3A_32 = arith.addi %mul3A_4, %add3A_31 : i32
    %add3A_33 = arith.constant 896 : i32
    %add3A_34 = arith.addi %mul3A_4, %add3A_33 : i32
    %add3A_35 = arith.constant 896 : i32
    %add3A_36 = arith.addi %mul3A_4, %add3A_35 : i32
    %add3A_37 = arith.constant 1024 : i32
    %add3A_38 = arith.addi %mul3A_4, %add3A_37 : i32
    %add3A_39 = arith.constant 1024 : i32
    %add3A_40 = arith.addi %mul3A_4, %add3A_39 : i32
    %add3A_41 = arith.constant 1152 : i32
    %add3A_42 = arith.addi %mul3A_4, %add3A_41 : i32
    %add3A_43 = arith.constant 1152 : i32
    %add3A_44 = arith.addi %mul3A_4, %add3A_43 : i32
    %dma_start3A = arith.constant 0 : i32
    %dma_start3A_45 = arith.constant 0 : i32
    %dma_start3A_46 = tpu.memref_slice %arg18[%dma_start3A, %dma_start3A_45] : memref<128x128xf32, #tpu.memory_space<vmem>> -> memref<64x128xf32, #tpu.memory_space<vmem>>
    %dma_start3A_47 = arith.constant 0 : i32
    %dma_start3A_48 = arith.constant 0 : i32
    %dma_start3A_49 = tpu.memref_slice %arg5[%dma_start3A_47, %dma_start3A_48] : memref<100000x128xf32, #tpu.memory_space<hbm>> -> memref<100000x128xf32, #tpu.memory_space<hbm>>
    tpu.enqueue_indirect_dma source(%dma_start3A_49 : memref<100000x128xf32, #tpu.memory_space<hbm>>) target(%dma_start3A_46 : memref<64x128xf32, #tpu.memory_space<vmem>>) offsets(%arg15 : memref<64xi32, #tpu.memory_space<vmem>>) semaphore(%arg22 : memref<!tpu.dma_semaphore, #tpu.memory_space<semaphore_mem>>)
    %dma_start3A_50 = arith.constant 0 : i32
    %dma_start3A_51 = arith.constant 0 : i32
    %dma_start3A_52 = tpu.memref_slice %arg19[%dma_start3A_50, %dma_start3A_51] : memref<128x128xf32, #tpu.memory_space<vmem>> -> memref<64x128xf32, #tpu.memory_space<vmem>>
    %dma_start3A_53 = arith.constant 0 : i32
    %dma_start3A_54 = arith.constant 0 : i32
    %dma_start3A_55 = tpu.memref_slice %arg6[%dma_start3A_53, %dma_start3A_54] : memref<100000x128xf32, #tpu.memory_space<hbm>> -> memref<100000x128xf32, #tpu.memory_space<hbm>>
    tpu.enqueue_indirect_dma source(%dma_start3A_55 : memref<100000x128xf32, #tpu.memory_space<hbm>>) target(%dma_start3A_52 : memref<64x128xf32, #tpu.memory_space<vmem>>) offsets(%arg15 : memref<64xi32, #tpu.memory_space<vmem>>) semaphore(%arg23 : memref<!tpu.dma_semaphore, #tpu.memory_space<semaphore_mem>>)
    %dma_start3A_56 = arith.constant 0 : i32
    %dma_start3A_57 = arith.constant 0 : i32
    %dma_start3A_58 = tpu.memref_slice %arg20[%dma_start3A_56, %dma_start3A_57] : memref<128x128xf32, #tpu.memory_space<vmem>> -> memref<64x128xf32, #tpu.memory_space<vmem>>
    %dma_start3A_59 = arith.constant 0 : i32
    %dma_start3A_60 = arith.constant 0 : i32
    %dma_start3A_61 = tpu.memref_slice %arg7[%dma_start3A_59, %dma_start3A_60] : memref<100000x128xf32, #tpu.memory_space<hbm>> -> memref<100000x128xf32, #tpu.memory_space<hbm>>
    tpu.enqueue_indirect_dma source(%dma_start3A_61 : memref<100000x128xf32, #tpu.memory_space<hbm>>) target(%dma_start3A_58 : memref<64x128xf32, #tpu.memory_space<vmem>>) offsets(%arg16 : memref<64xi32, #tpu.memory_space<vmem>>) semaphore(%arg24 : memref<!tpu.dma_semaphore, #tpu.memory_space<semaphore_mem>>)
    %dma_wait3A = arith.constant 0 : i32
    %dma_wait3A_62 = arith.constant 0 : i32
    %dma_wait3A_63 = tpu.memref_slice %arg18[%dma_wait3A, %dma_wait3A_62] : memref<128x128xf32, #tpu.memory_space<vmem>> -> memref<64x128xf32, #tpu.memory_space<vmem>>
    %dma_wait3A_64 = arith.constant 0 : i32
    %dma_wait3A_65 = arith.constant 0 : i32
    %dma_wait3A_66 = tpu.memref_slice %arg5[%dma_wait3A_64, %dma_wait3A_65] : memref<100000x128xf32, #tpu.memory_space<hbm>> -> memref<100000x128xf32, #tpu.memory_space<hbm>>
    tpu.wait_indirect_dma semaphore(%arg22 : memref<!tpu.dma_semaphore, #tpu.memory_space<semaphore_mem>>) src(%dma_wait3A_66 : memref<100000x128xf32, #tpu.memory_space<hbm>>) dst(%dma_wait3A_63 : memref<64x128xf32, #tpu.memory_space<vmem>>)
    %dma_start3A_67 = arith.constant 0 : i32
    %dma_start3A_68 = arith.constant 0 : i32
    %dma_start3A_69 = tpu.memref_slice %arg18[%dma_start3A_67, %dma_start3A_68] : memref<128x128xf32, #tpu.memory_space<vmem>> -> memref<64x128xf32, #tpu.memory_space<vmem>>
    %dma_start3A_70 = arith.constant 0 : i32
    %dma_start3A_71 = tpu.memref_slice %arg9[%mul3A_2, %dma_start3A_70] : memref<2048x128xf32, #tpu.memory_space<hbm>> -> memref<64x128xf32, #tpu.memory_space<hbm>>
    %dma_start3A_72 = arith.constant 0 : i32
    %dma_start3A_73 = tpu.memref_slice %arg9[%mul3A_2, %dma_start3A_72] : memref<2048x128xf32, #tpu.memory_space<hbm>> -> memref<64x128xf32, #tpu.memory_space<hbm>>
    %dma_start3A_74 = arith.constant 0 : i32
    %dma_start3A_75 = arith.constant 0 : i32
    %dma_start3A_76 = tpu.memref_slice %arg18[%dma_start3A_74, %dma_start3A_75] : memref<128x128xf32, #tpu.memory_space<vmem>> -> memref<64x128xf32, #tpu.memory_space<vmem>>
    tpu.enqueue_dma source(%dma_start3A_76 : memref<64x128xf32, #tpu.memory_space<vmem>>) target(%dma_start3A_73 : memref<64x128xf32, #tpu.memory_space<hbm>>) target_semaphore(%arg26 : memref<!tpu.dma_semaphore, #tpu.memory_space<semaphore_mem>>)
    %dma_start3A_77 = arith.constant 0 : i32
    %dma_start3A_78 = arith.constant 0 : i32
    %dma_start3A_79 = tpu.memref_slice %arg21[%dma_start3A_77, %dma_start3A_78] : memref<128x128xf32, #tpu.memory_space<vmem>> -> memref<64x128xf32, #tpu.memory_space<vmem>>
    %dma_start3A_80 = arith.constant 0 : i32
    %dma_start3A_81 = arith.constant 0 : i32
    %dma_start3A_82 = tpu.memref_slice %arg8[%dma_start3A_80, %dma_start3A_81] : memref<100000x128xf32, #tpu.memory_space<hbm>> -> memref<100000x128xf32, #tpu.memory_space<hbm>>
    tpu.enqueue_indirect_dma source(%dma_start3A_82 : memref<100000x128xf32, #tpu.memory_space<hbm>>) target(%dma_start3A_79 : memref<64x128xf32, #tpu.memory_space<vmem>>) offsets(%arg16 : memref<64xi32, #tpu.memory_space<vmem>>) semaphore(%arg25 : memref<!tpu.dma_semaphore, #tpu.memory_space<semaphore_mem>>)
    %dma_wait3A_83 = arith.constant 0 : i32
    %dma_wait3A_84 = arith.constant 0 : i32
    %dma_wait3A_85 = tpu.memref_slice %arg19[%dma_wait3A_83, %dma_wait3A_84] : memref<128x128xf32, #tpu.memory_space<vmem>> -> memref<64x128xf32, #tpu.memory_space<vmem>>
    %dma_wait3A_86 = arith.constant 0 : i32
    %dma_wait3A_87 = arith.constant 0 : i32
    %dma_wait3A_88 = tpu.memref_slice %arg6[%dma_wait3A_86, %dma_wait3A_87] : memref<100000x128xf32, #tpu.memory_space<hbm>> -> memref<100000x128xf32, #tpu.memory_space<hbm>>
    tpu.wait_indirect_dma semaphore(%arg23 : memref<!tpu.dma_semaphore, #tpu.memory_space<semaphore_mem>>) src(%dma_wait3A_88 : memref<100000x128xf32, #tpu.memory_space<hbm>>) dst(%dma_wait3A_85 : memref<64x128xf32, #tpu.memory_space<vmem>>)
    %dma_start3A_89 = arith.constant 0 : i32
    %dma_start3A_90 = arith.constant 0 : i32
    %dma_start3A_91 = tpu.memref_slice %arg19[%dma_start3A_89, %dma_start3A_90] : memref<128x128xf32, #tpu.memory_space<vmem>> -> memref<64x128xf32, #tpu.memory_space<vmem>>
    %dma_start3A_92 = arith.constant 0 : i32
    %dma_start3A_93 = tpu.memref_slice %arg10[%mul3A_2, %dma_start3A_92] : memref<2048x128xf32, #tpu.memory_space<hbm>> -> memref<64x128xf32, #tpu.memory_space<hbm>>
    %dma_start3A_94 = arith.constant 0 : i32
    %dma_start3A_95 = tpu.memref_slice %arg10[%mul3A_2, %dma_start3A_94] : memref<2048x128xf32, #tpu.memory_space<hbm>> -> memref<64x128xf32, #tpu.memory_space<hbm>>
    %dma_start3A_96 = arith.constant 0 : i32
    %dma_start3A_97 = arith.constant 0 : i32
    %dma_start3A_98 = tpu.memref_slice %arg19[%dma_start3A_96, %dma_start3A_97] : memref<128x128xf32, #tpu.memory_space<vmem>> -> memref<64x128xf32, #tpu.memory_space<vmem>>
    tpu.enqueue_dma source(%dma_start3A_98 : memref<64x128xf32, #tpu.memory_space<vmem>>) target(%dma_start3A_95 : memref<64x128xf32, #tpu.memory_space<hbm>>) target_semaphore(%arg27 : memref<!tpu.dma_semaphore, #tpu.memory_space<semaphore_mem>>)
    %dma_wait3A_99 = arith.constant 0 : i32
    %dma_wait3A_100 = arith.constant 0 : i32
    %dma_wait3A_101 = tpu.memref_slice %arg18[%dma_wait3A_99, %dma_wait3A_100] : memref<128x128xf32, #tpu.memory_space<vmem>> -> memref<64x128xf32, #tpu.memory_space<vmem>>
    %dma_wait3A_102 = arith.constant 0 : i32
    %dma_wait3A_103 = tpu.memref_slice %arg9[%mul3A_2, %dma_wait3A_102] : memref<2048x128xf32, #tpu.memory_space<hbm>> -> memref<64x128xf32, #tpu.memory_space<hbm>>
    %dma_wait3A_104 = arith.constant 0 : i32
    %dma_wait3A_105 = tpu.memref_slice %arg9[%mul3A_2, %dma_wait3A_104] : memref<2048x128xf32, #tpu.memory_space<hbm>> -> memref<64x128xf32, #tpu.memory_space<hbm>>
    %dma_wait3A_106 = arith.constant 0 : i32
    %dma_wait3A_107 = arith.constant 0 : i32
    %dma_wait3A_108 = tpu.memref_slice %arg18[%dma_wait3A_106, %dma_wait3A_107] : memref<128x128xf32, #tpu.memory_space<vmem>> -> memref<64x128xf32, #tpu.memory_space<vmem>>
    tpu.wait_dma2 semaphore(%arg26 : memref<!tpu.dma_semaphore, #tpu.memory_space<semaphore_mem>>) src(%dma_wait3A_108 : memref<64x128xf32, #tpu.memory_space<vmem>>) dst(%dma_wait3A_105 : memref<64x128xf32, #tpu.memory_space<hbm>>)
    %dma_start3A_109 = arith.constant 0 : i32
    %dma_start3A_110 = arith.constant 0 : i32
    %dma_start3A_111 = tpu.memref_slice %arg17[%dma_start3A_109, %dma_start3A_110] : memref<10x128xi32, #tpu.memory_space<vmem>> -> memref<1x128xi32, #tpu.memory_space<vmem>>
    %dma_start3A_112 = tpu.memref_squeeze %dma_start3A_111 : memref<1x128xi32, #tpu.memory_space<vmem>> -> memref<128xi32, #tpu.memory_space<vmem>>
    %dma_start3A_113 = arith.constant 0 : i32
    %dma_start3A_114 = arith.constant 0 : i32
    %dma_start3A_115 = tpu.memref_slice %arg7[%dma_start3A_113, %dma_start3A_114] : memref<100000x128xf32, #tpu.memory_space<hbm>> -> memref<100000x128xf32, #tpu.memory_space<hbm>>
    tpu.enqueue_indirect_dma source(%dma_start3A_115 : memref<100000x128xf32, #tpu.memory_space<hbm>>) target(%arg18 : memref<128x128xf32, #tpu.memory_space<vmem>>) offsets(%dma_start3A_112 : memref<128xi32, #tpu.memory_space<vmem>>) semaphore(%arg22 : memref<!tpu.dma_semaphore, #tpu.memory_space<semaphore_mem>>)
    %dma_wait3A_116 = arith.constant 0 : i32
    %dma_wait3A_117 = arith.constant 0 : i32
    %dma_wait3A_118 = tpu.memref_slice %arg20[%dma_wait3A_116, %dma_wait3A_117] : memref<128x128xf32, #tpu.memory_space<vmem>> -> memref<64x128xf32, #tpu.memory_space<vmem>>
    %dma_wait3A_119 = arith.constant 0 : i32
    %dma_wait3A_120 = arith.constant 0 : i32
    %dma_wait3A_121 = tpu.memref_slice %arg7[%dma_wait3A_119, %dma_wait3A_120] : memref<100000x128xf32, #tpu.memory_space<hbm>> -> memref<100000x128xf32, #tpu.memory_space<hbm>>
    tpu.wait_indirect_dma semaphore(%arg24 : memref<!tpu.dma_semaphore, #tpu.memory_space<semaphore_mem>>) src(%dma_wait3A_121 : memref<100000x128xf32, #tpu.memory_space<hbm>>) dst(%dma_wait3A_118 : memref<64x128xf32, #tpu.memory_space<vmem>>)
    %dma_start3A_122 = arith.constant 0 : i32
    %dma_start3A_123 = arith.constant 0 : i32
    %dma_start3A_124 = tpu.memref_slice %arg20[%dma_start3A_122, %dma_start3A_123] : memref<128x128xf32, #tpu.memory_space<vmem>> -> memref<64x128xf32, #tpu.memory_space<vmem>>
    %dma_start3A_125 = arith.constant 0 : i32
    %dma_start3A_126 = tpu.memref_slice %arg11[%mul3A_2, %dma_start3A_125] : memref<2048x128xf32, #tpu.memory_space<hbm>> -> memref<64x128xf32, #tpu.memory_space<hbm>>
    %dma_start3A_127 = arith.constant 0 : i32
    %dma_start3A_128 = tpu.memref_slice %arg11[%mul3A_2, %dma_start3A_127] : memref<2048x128xf32, #tpu.memory_space<hbm>> -> memref<64x128xf32, #tpu.memory_space<hbm>>
    %dma_start3A_129 = arith.constant 0 : i32
    %dma_start3A_130 = arith.constant 0 : i32
    %dma_start3A_131 = tpu.memref_slice %arg20[%dma_start3A_129, %dma_start3A_130] : memref<128x128xf32, #tpu.memory_space<vmem>> -> memref<64x128xf32, #tpu.memory_space<vmem>>
    tpu.enqueue_dma source(%dma_start3A_131 : memref<64x128xf32, #tpu.memory_space<vmem>>) target(%dma_start3A_128 : memref<64x128xf32, #tpu.memory_space<hbm>>) target_semaphore(%arg28 : memref<!tpu.dma_semaphore, #tpu.memory_space<semaphore_mem>>)
    %dma_wait3A_132 = arith.constant 0 : i32
    %dma_wait3A_133 = arith.constant 0 : i32
    %dma_wait3A_134 = tpu.memref_slice %arg19[%dma_wait3A_132, %dma_wait3A_133] : memref<128x128xf32, #tpu.memory_space<vmem>> -> memref<64x128xf32, #tpu.memory_space<vmem>>
    %dma_wait3A_135 = arith.constant 0 : i32
    %dma_wait3A_136 = tpu.memref_slice %arg10[%mul3A_2, %dma_wait3A_135] : memref<2048x128xf32, #tpu.memory_space<hbm>> -> memref<64x128xf32, #tpu.memory_space<hbm>>
    %dma_wait3A_137 = arith.constant 0 : i32
    %dma_wait3A_138 = tpu.memref_slice %arg10[%mul3A_2, %dma_wait3A_137] : memref<2048x128xf32, #tpu.memory_space<hbm>> -> memref<64x128xf32, #tpu.memory_space<hbm>>
    %dma_wait3A_139 = arith.constant 0 : i32
    %dma_wait3A_140 = arith.constant 0 : i32
    %dma_wait3A_141 = tpu.memref_slice %arg19[%dma_wait3A_139, %dma_wait3A_140] : memref<128x128xf32, #tpu.memory_space<vmem>> -> memref<64x128xf32, #tpu.memory_space<vmem>>
    tpu.wait_dma2 semaphore(%arg27 : memref<!tpu.dma_semaphore, #tpu.memory_space<semaphore_mem>>) src(%dma_wait3A_141 : memref<64x128xf32, #tpu.memory_space<vmem>>) dst(%dma_wait3A_138 : memref<64x128xf32, #tpu.memory_space<hbm>>)
    %dma_start3A_142 = arith.constant 0 : i32
    %dma_start3A_143 = arith.constant 0 : i32
    %dma_start3A_144 = tpu.memref_slice %arg17[%dma_start3A_142, %dma_start3A_143] : memref<10x128xi32, #tpu.memory_space<vmem>> -> memref<1x128xi32, #tpu.memory_space<vmem>>
    %dma_start3A_145 = tpu.memref_squeeze %dma_start3A_144 : memref<1x128xi32, #tpu.memory_space<vmem>> -> memref<128xi32, #tpu.memory_space<vmem>>
    %dma_start3A_146 = arith.constant 0 : i32
    %dma_start3A_147 = arith.constant 0 : i32
    %dma_start3A_148 = tpu.memref_slice %arg8[%dma_start3A_146, %dma_start3A_147] : memref<100000x128xf32, #tpu.memory_space<hbm>> -> memref<100000x128xf32, #tpu.memory_space<hbm>>
    tpu.enqueue_indirect_dma source(%dma_start3A_148 : memref<100000x128xf32, #tpu.memory_space<hbm>>) target(%arg19 : memref<128x128xf32, #tpu.memory_space<vmem>>) offsets(%dma_start3A_145 : memref<128xi32, #tpu.memory_space<vmem>>) semaphore(%arg23 : memref<!tpu.dma_semaphore, #tpu.memory_space<semaphore_mem>>)
    %dma_wait3A_149 = arith.constant 0 : i32
    %dma_wait3A_150 = arith.constant 0 : i32
    %dma_wait3A_151 = tpu.memref_slice %arg21[%dma_wait3A_149, %dma_wait3A_150] : memref<128x128xf32, #tpu.memory_space<vmem>> -> memref<64x128xf32, #tpu.memory_space<vmem>>
    %dma_wait3A_152 = arith.constant 0 : i32
    %dma_wait3A_153 = arith.constant 0 : i32
    %dma_wait3A_154 = tpu.memref_slice %arg8[%dma_wait3A_152, %dma_wait3A_153] : memref<100000x128xf32, #tpu.memory_space<hbm>> -> memref<100000x128xf32, #tpu.memory_space<hbm>>
    tpu.wait_indirect_dma semaphore(%arg25 : memref<!tpu.dma_semaphore, #tpu.memory_space<semaphore_mem>>) src(%dma_wait3A_154 : memref<100000x128xf32, #tpu.memory_space<hbm>>) dst(%dma_wait3A_151 : memref<64x128xf32, #tpu.memory_space<vmem>>)
    %dma_start3A_155 = arith.constant 0 : i32
    %dma_start3A_156 = arith.constant 0 : i32
    %dma_start3A_157 = tpu.memref_slice %arg21[%dma_start3A_155, %dma_start3A_156] : memref<128x128xf32, #tpu.memory_space<vmem>> -> memref<64x128xf32, #tpu.memory_space<vmem>>
    %dma_start3A_158 = arith.constant 0 : i32
    %dma_start3A_159 = tpu.memref_slice %arg12[%mul3A_2, %dma_start3A_158] : memref<2048x128xf32, #tpu.memory_space<hbm>> -> memref<64x128xf32, #tpu.memory_space<hbm>>
    %dma_start3A_160 = arith.constant 0 : i32
    %dma_start3A_161 = tpu.memref_slice %arg12[%mul3A_2, %dma_start3A_160] : memref<2048x128xf32, #tpu.memory_space<hbm>> -> memref<64x128xf32, #tpu.memory_space<hbm>>
    %dma_start3A_162 = arith.constant 0 : i32
    %dma_start3A_163 = arith.constant 0 : i32
    %dma_start3A_164 = tpu.memref_slice %arg21[%dma_start3A_162, %dma_start3A_163] : memref<128x128xf32, #tpu.memory_space<vmem>> -> memref<64x128xf32, #tpu.memory_space<vmem>>
    tpu.enqueue_dma source(%dma_start3A_164 : memref<64x128xf32, #tpu.memory_space<vmem>>) target(%dma_start3A_161 : memref<64x128xf32, #tpu.memory_space<hbm>>) target_semaphore(%arg29 : memref<!tpu.dma_semaphore, #tpu.memory_space<semaphore_mem>>)
    %dma_wait3A_165 = arith.constant 0 : i32
    %dma_wait3A_166 = arith.constant 0 : i32
    %dma_wait3A_167 = tpu.memref_slice %arg20[%dma_wait3A_165, %dma_wait3A_166] : memref<128x128xf32, #tpu.memory_space<vmem>> -> memref<64x128xf32, #tpu.memory_space<vmem>>
    %dma_wait3A_168 = arith.constant 0 : i32
    %dma_wait3A_169 = tpu.memref_slice %arg11[%mul3A_2, %dma_wait3A_168] : memref<2048x128xf32, #tpu.memory_space<hbm>> -> memref<64x128xf32, #tpu.memory_space<hbm>>
    %dma_wait3A_170 = arith.constant 0 : i32
    %dma_wait3A_171 = tpu.memref_slice %arg11[%mul3A_2, %dma_wait3A_170] : memref<2048x128xf32, #tpu.memory_space<hbm>> -> memref<64x128xf32, #tpu.memory_space<hbm>>
    %dma_wait3A_172 = arith.constant 0 : i32
    %dma_wait3A_173 = arith.constant 0 : i32
    %dma_wait3A_174 = tpu.memref_slice %arg20[%dma_wait3A_172, %dma_wait3A_173] : memref<128x128xf32, #tpu.memory_space<vmem>> -> memref<64x128xf32, #tpu.memory_space<vmem>>
    tpu.wait_dma2 semaphore(%arg28 : memref<!tpu.dma_semaphore, #tpu.memory_space<semaphore_mem>>) src(%dma_wait3A_174 : memref<64x128xf32, #tpu.memory_space<vmem>>) dst(%dma_wait3A_171 : memref<64x128xf32, #tpu.memory_space<hbm>>)
    %dma_start3A_175 = arith.constant 1 : i32
    %dma_start3A_176 = arith.constant 0 : i32
    %dma_start3A_177 = tpu.memref_slice %arg17[%dma_start3A_175, %dma_start3A_176] : memref<10x128xi32, #tpu.memory_space<vmem>> -> memref<1x128xi32, #tpu.memory_space<vmem>>
    %dma_start3A_178 = tpu.memref_squeeze %dma_start3A_177 : memref<1x128xi32, #tpu.memory_space<vmem>> -> memref<128xi32, #tpu.memory_space<vmem>>
    %dma_start3A_179 = arith.constant 0 : i32
    %dma_start3A_180 = arith.constant 0 : i32
    %dma_start3A_181 = tpu.memref_slice %arg7[%dma_start3A_179, %dma_start3A_180] : memref<100000x128xf32, #tpu.memory_space<hbm>> -> memref<100000x128xf32, #tpu.memory_space<hbm>>
    tpu.enqueue_indirect_dma source(%dma_start3A_181 : memref<100000x128xf32, #tpu.memory_space<hbm>>) target(%arg20 : memref<128x128xf32, #tpu.memory_space<vmem>>) offsets(%dma_start3A_178 : memref<128xi32, #tpu.memory_space<vmem>>) semaphore(%arg24 : memref<!tpu.dma_semaphore, #tpu.memory_space<semaphore_mem>>)
    %dma_wait3A_182 = arith.constant 0 : i32
    %dma_wait3A_183 = arith.constant 0 : i32
    %dma_wait3A_184 = tpu.memref_slice %arg17[%dma_wait3A_182, %dma_wait3A_183] : memref<10x128xi32, #tpu.memory_space<vmem>> -> memref<1x128xi32, #tpu.memory_space<vmem>>
    %dma_wait3A_185 = tpu.memref_squeeze %dma_wait3A_184 : memref<1x128xi32, #tpu.memory_space<vmem>> -> memref<128xi32, #tpu.memory_space<vmem>>
    %dma_wait3A_186 = arith.constant 0 : i32
    %dma_wait3A_187 = arith.constant 0 : i32
    %dma_wait3A_188 = tpu.memref_slice %arg7[%dma_wait3A_186, %dma_wait3A_187] : memref<100000x128xf32, #tpu.memory_space<hbm>> -> memref<100000x128xf32, #tpu.memory_space<hbm>>
    tpu.wait_indirect_dma semaphore(%arg22 : memref<!tpu.dma_semaphore, #tpu.memory_space<semaphore_mem>>) src(%dma_wait3A_188 : memref<100000x128xf32, #tpu.memory_space<hbm>>) dst(%arg18 : memref<128x128xf32, #tpu.memory_space<vmem>>)
    %dma_start3A_189 = arith.constant 0 : i32
    %dma_start3A_190 = tpu.memref_slice %arg13[%add3A_6, %dma_start3A_189] : memref<40960x128xf32, #tpu.memory_space<hbm>> -> memref<128x128xf32, #tpu.memory_space<hbm>>
    %dma_start3A_191 = arith.constant 0 : i32
    %dma_start3A_192 = tpu.memref_slice %arg13[%add3A_6, %dma_start3A_191] : memref<40960x128xf32, #tpu.memory_space<hbm>> -> memref<128x128xf32, #tpu.memory_space<hbm>>
    tpu.enqueue_dma source(%arg18 : memref<128x128xf32, #tpu.memory_space<vmem>>) target(%dma_start3A_192 : memref<128x128xf32, #tpu.memory_space<hbm>>) target_semaphore(%arg26 : memref<!tpu.dma_semaphore, #tpu.memory_space<semaphore_mem>>)
    %dma_wait3A_193 = arith.constant 0 : i32
    %dma_wait3A_194 = arith.constant 0 : i32
    %dma_wait3A_195 = tpu.memref_slice %arg21[%dma_wait3A_193, %dma_wait3A_194] : memref<128x128xf32, #tpu.memory_space<vmem>> -> memref<64x128xf32, #tpu.memory_space<vmem>>
    %dma_wait3A_196 = arith.constant 0 : i32
    %dma_wait3A_197 = tpu.memref_slice %arg12[%mul3A_2, %dma_wait3A_196] : memref<2048x128xf32, #tpu.memory_space<hbm>> -> memref<64x128xf32, #tpu.memory_space<hbm>>
    %dma_wait3A_198 = arith.constant 0 : i32
    %dma_wait3A_199 = tpu.memref_slice %arg12[%mul3A_2, %dma_wait3A_198] : memref<2048x128xf32, #tpu.memory_space<hbm>> -> memref<64x128xf32, #tpu.memory_space<hbm>>
    %dma_wait3A_200 = arith.constant 0 : i32
    %dma_wait3A_201 = arith.constant 0 : i32
    %dma_wait3A_202 = tpu.memref_slice %arg21[%dma_wait3A_200, %dma_wait3A_201] : memref<128x128xf32, #tpu.memory_space<vmem>> -> memref<64x128xf32, #tpu.memory_space<vmem>>
    tpu.wait_dma2 semaphore(%arg29 : memref<!tpu.dma_semaphore, #tpu.memory_space<semaphore_mem>>) src(%dma_wait3A_202 : memref<64x128xf32, #tpu.memory_space<vmem>>) dst(%dma_wait3A_199 : memref<64x128xf32, #tpu.memory_space<hbm>>)
    %dma_start3A_203 = arith.constant 1 : i32
    %dma_start3A_204 = arith.constant 0 : i32
    %dma_start3A_205 = tpu.memref_slice %arg17[%dma_start3A_203, %dma_start3A_204] : memref<10x128xi32, #tpu.memory_space<vmem>> -> memref<1x128xi32, #tpu.memory_space<vmem>>
    %dma_start3A_206 = tpu.memref_squeeze %dma_start3A_205 : memref<1x128xi32, #tpu.memory_space<vmem>> -> memref<128xi32, #tpu.memory_space<vmem>>
    %dma_start3A_207 = arith.constant 0 : i32
    %dma_start3A_208 = arith.constant 0 : i32
    %dma_start3A_209 = tpu.memref_slice %arg8[%dma_start3A_207, %dma_start3A_208] : memref<100000x128xf32, #tpu.memory_space<hbm>> -> memref<100000x128xf32, #tpu.memory_space<hbm>>
    tpu.enqueue_indirect_dma source(%dma_start3A_209 : memref<100000x128xf32, #tpu.memory_space<hbm>>) target(%arg21 : memref<128x128xf32, #tpu.memory_space<vmem>>) offsets(%dma_start3A_206 : memref<128xi32, #tpu.memory_space<vmem>>) semaphore(%arg25 : memref<!tpu.dma_semaphore, #tpu.memory_space<semaphore_mem>>)
    %dma_wait3A_210 = arith.constant 0 : i32
    %dma_wait3A_211 = arith.constant 0 : i32
    %dma_wait3A_212 = tpu.memref_slice %arg17[%dma_wait3A_210, %dma_wait3A_211] : memref<10x128xi32, #tpu.memory_space<vmem>> -> memref<1x128xi32, #tpu.memory_space<vmem>>
    %dma_wait3A_213 = tpu.memref_squeeze %dma_wait3A_212 : memref<1x128xi32, #tpu.memory_space<vmem>> -> memref<128xi32, #tpu.memory_space<vmem>>
    %dma_wait3A_214 = arith.constant 0 : i32
    %dma_wait3A_215 = arith.constant 0 : i32
    %dma_wait3A_216 = tpu.memref_slice %arg8[%dma_wait3A_214, %dma_wait3A_215] : memref<100000x128xf32, #tpu.memory_space<hbm>> -> memref<100000x128xf32, #tpu.memory_space<hbm>>
    tpu.wait_indirect_dma semaphore(%arg23 : memref<!tpu.dma_semaphore, #tpu.memory_space<semaphore_mem>>) src(%dma_wait3A_216 : memref<100000x128xf32, #tpu.memory_space<hbm>>) dst(%arg19 : memref<128x128xf32, #tpu.memory_space<vmem>>)
    %dma_start3A_217 = arith.constant 0 : i32
    %dma_start3A_218 = tpu.memref_slice %arg14[%add3A_8, %dma_start3A_217] : memref<40960x128xf32, #tpu.memory_space<hbm>> -> memref<128x128xf32, #tpu.memory_space<hbm>>
    %dma_start3A_219 = arith.constant 0 : i32
    %dma_start3A_220 = tpu.memref_slice %arg14[%add3A_8, %dma_start3A_219] : memref<40960x128xf32, #tpu.memory_space<hbm>> -> memref<128x128xf32, #tpu.memory_space<hbm>>
    tpu.enqueue_dma source(%arg19 : memref<128x128xf32, #tpu.memory_space<vmem>>) target(%dma_start3A_220 : memref<128x128xf32, #tpu.memory_space<hbm>>) target_semaphore(%arg27 : memref<!tpu.dma_semaphore, #tpu.memory_space<semaphore_mem>>)
    %dma_wait3A_221 = arith.constant 0 : i32
    %dma_wait3A_222 = tpu.memref_slice %arg13[%add3A_6, %dma_wait3A_221] : memref<40960x128xf32, #tpu.memory_space<hbm>> -> memref<128x128xf32, #tpu.memory_space<hbm>>
    %dma_wait3A_223 = arith.constant 0 : i32
    %dma_wait3A_224 = tpu.memref_slice %arg13[%add3A_6, %dma_wait3A_223] : memref<40960x128xf32, #tpu.memory_space<hbm>> -> memref<128x128xf32, #tpu.memory_space<hbm>>
    tpu.wait_dma2 semaphore(%arg26 : memref<!tpu.dma_semaphore, #tpu.memory_space<semaphore_mem>>) src(%arg18 : memref<128x128xf32, #tpu.memory_space<vmem>>) dst(%dma_wait3A_224 : memref<128x128xf32, #tpu.memory_space<hbm>>)
    %dma_start3A_225 = arith.constant 2 : i32
    %dma_start3A_226 = arith.constant 0 : i32
    %dma_start3A_227 = tpu.memref_slice %arg17[%dma_start3A_225, %dma_start3A_226] : memref<10x128xi32, #tpu.memory_space<vmem>> -> memref<1x128xi32, #tpu.memory_space<vmem>>
    %dma_start3A_228 = tpu.memref_squeeze %dma_start3A_227 : memref<1x128xi32, #tpu.memory_space<vmem>> -> memref<128xi32, #tpu.memory_space<vmem>>
    %dma_start3A_229 = arith.constant 0 : i32
    %dma_start3A_230 = arith.constant 0 : i32
    %dma_start3A_231 = tpu.memref_slice %arg7[%dma_start3A_229, %dma_start3A_230] : memref<100000x128xf32, #tpu.memory_space<hbm>> -> memref<100000x128xf32, #tpu.memory_space<hbm>>
    tpu.enqueue_indirect_dma source(%dma_start3A_231 : memref<100000x128xf32, #tpu.memory_space<hbm>>) target(%arg18 : memref<128x128xf32, #tpu.memory_space<vmem>>) offsets(%dma_start3A_228 : memref<128xi32, #tpu.memory_space<vmem>>) semaphore(%arg22 : memref<!tpu.dma_semaphore, #tpu.memory_space<semaphore_mem>>)
    %dma_wait3A_232 = arith.constant 1 : i32
    %dma_wait3A_233 = arith.constant 0 : i32
    %dma_wait3A_234 = tpu.memref_slice %arg17[%dma_wait3A_232, %dma_wait3A_233] : memref<10x128xi32, #tpu.memory_space<vmem>> -> memref<1x128xi32, #tpu.memory_space<vmem>>
    %dma_wait3A_235 = tpu.memref_squeeze %dma_wait3A_234 : memref<1x128xi32, #tpu.memory_space<vmem>> -> memref<128xi32, #tpu.memory_space<vmem>>
    %dma_wait3A_236 = arith.constant 0 : i32
    %dma_wait3A_237 = arith.constant 0 : i32
    %dma_wait3A_238 = tpu.memref_slice %arg7[%dma_wait3A_236, %dma_wait3A_237] : memref<100000x128xf32, #tpu.memory_space<hbm>> -> memref<100000x128xf32, #tpu.memory_space<hbm>>
    tpu.wait_indirect_dma semaphore(%arg24 : memref<!tpu.dma_semaphore, #tpu.memory_space<semaphore_mem>>) src(%dma_wait3A_238 : memref<100000x128xf32, #tpu.memory_space<hbm>>) dst(%arg20 : memref<128x128xf32, #tpu.memory_space<vmem>>)
    %dma_start3A_239 = arith.constant 0 : i32
    %dma_start3A_240 = tpu.memref_slice %arg13[%add3A_10, %dma_start3A_239] : memref<40960x128xf32, #tpu.memory_space<hbm>> -> memref<128x128xf32, #tpu.memory_space<hbm>>
    %dma_start3A_241 = arith.constant 0 : i32
    %dma_start3A_242 = tpu.memref_slice %arg13[%add3A_10, %dma_start3A_241] : memref<40960x128xf32, #tpu.memory_space<hbm>> -> memref<128x128xf32, #tpu.memory_space<hbm>>
    tpu.enqueue_dma source(%arg20 : memref<128x128xf32, #tpu.memory_space<vmem>>) target(%dma_start3A_242 : memref<128x128xf32, #tpu.memory_space<hbm>>) target_semaphore(%arg28 : memref<!tpu.dma_semaphore, #tpu.memory_space<semaphore_mem>>)
    %dma_wait3A_243 = arith.constant 0 : i32
    %dma_wait3A_244 = tpu.memref_slice %arg14[%add3A_8, %dma_wait3A_243] : memref<40960x128xf32, #tpu.memory_space<hbm>> -> memref<128x128xf32, #tpu.memory_space<hbm>>
    %dma_wait3A_245 = arith.constant 0 : i32
    %dma_wait3A_246 = tpu.memref_slice %arg14[%add3A_8, %dma_wait3A_245] : memref<40960x128xf32, #tpu.memory_space<hbm>> -> memref<128x128xf32, #tpu.memory_space<hbm>>
    tpu.wait_dma2 semaphore(%arg27 : memref<!tpu.dma_semaphore, #tpu.memory_space<semaphore_mem>>) src(%arg19 : memref<128x128xf32, #tpu.memory_space<vmem>>) dst(%dma_wait3A_246 : memref<128x128xf32, #tpu.memory_space<hbm>>)
    %dma_start3A_247 = arith.constant 2 : i32
    %dma_start3A_248 = arith.constant 0 : i32
    %dma_start3A_249 = tpu.memref_slice %arg17[%dma_start3A_247, %dma_start3A_248] : memref<10x128xi32, #tpu.memory_space<vmem>> -> memref<1x128xi32, #tpu.memory_space<vmem>>
    %dma_start3A_250 = tpu.memref_squeeze %dma_start3A_249 : memref<1x128xi32, #tpu.memory_space<vmem>> -> memref<128xi32, #tpu.memory_space<vmem>>
    %dma_start3A_251 = arith.constant 0 : i32
    %dma_start3A_252 = arith.constant 0 : i32
    %dma_start3A_253 = tpu.memref_slice %arg8[%dma_start3A_251, %dma_start3A_252] : memref<100000x128xf32, #tpu.memory_space<hbm>> -> memref<100000x128xf32, #tpu.memory_space<hbm>>
    tpu.enqueue_indirect_dma source(%dma_start3A_253 : memref<100000x128xf32, #tpu.memory_space<hbm>>) target(%arg19 : memref<128x128xf32, #tpu.memory_space<vmem>>) offsets(%dma_start3A_250 : memref<128xi32, #tpu.memory_space<vmem>>) semaphore(%arg23 : memref<!tpu.dma_semaphore, #tpu.memory_space<semaphore_mem>>)
    %dma_wait3A_254 = arith.constant 1 : i32
    %dma_wait3A_255 = arith.constant 0 : i32
    %dma_wait3A_256 = tpu.memref_slice %arg17[%dma_wait3A_254, %dma_wait3A_255] : memref<10x128xi32, #tpu.memory_space<vmem>> -> memref<1x128xi32, #tpu.memory_space<vmem>>
    %dma_wait3A_257 = tpu.memref_squeeze %dma_wait3A_256 : memref<1x128xi32, #tpu.memory_space<vmem>> -> memref<128xi32, #tpu.memory_space<vmem>>
    %dma_wait3A_258 = arith.constant 0 : i32
    %dma_wait3A_259 = arith.constant 0 : i32
    %dma_wait3A_260 = tpu.memref_slice %arg8[%dma_wait3A_258, %dma_wait3A_259] : memref<100000x128xf32, #tpu.memory_space<hbm>> -> memref<100000x128xf32, #tpu.memory_space<hbm>>
    tpu.wait_indirect_dma semaphore(%arg25 : memref<!tpu.dma_semaphore, #tpu.memory_space<semaphore_mem>>) src(%dma_wait3A_260 : memref<100000x128xf32, #tpu.memory_space<hbm>>) dst(%arg21 : memref<128x128xf32, #tpu.memory_space<vmem>>)
    %dma_start3A_261 = arith.constant 0 : i32
    %dma_start3A_262 = tpu.memref_slice %arg14[%add3A_12, %dma_start3A_261] : memref<40960x128xf32, #tpu.memory_space<hbm>> -> memref<128x128xf32, #tpu.memory_space<hbm>>
    %dma_start3A_263 = arith.constant 0 : i32
    %dma_start3A_264 = tpu.memref_slice %arg14[%add3A_12, %dma_start3A_263] : memref<40960x128xf32, #tpu.memory_space<hbm>> -> memref<128x128xf32, #tpu.memory_space<hbm>>
    tpu.enqueue_dma source(%arg21 : memref<128x128xf32, #tpu.memory_space<vmem>>) target(%dma_start3A_264 : memref<128x128xf32, #tpu.memory_space<hbm>>) target_semaphore(%arg29 : memref<!tpu.dma_semaphore, #tpu.memory_space<semaphore_mem>>)
    %dma_wait3A_265 = arith.constant 0 : i32
    %dma_wait3A_266 = tpu.memref_slice %arg13[%add3A_10, %dma_wait3A_265] : memref<40960x128xf32, #tpu.memory_space<hbm>> -> memref<128x128xf32, #tpu.memory_space<hbm>>
    %dma_wait3A_267 = arith.constant 0 : i32
    %dma_wait3A_268 = tpu.memref_slice %arg13[%add3A_10, %dma_wait3A_267] : memref<40960x128xf32, #tpu.memory_space<hbm>> -> memref<128x128xf32, #tpu.memory_space<hbm>>
    tpu.wait_dma2 semaphore(%arg28 : memref<!tpu.dma_semaphore, #tpu.memory_space<semaphore_mem>>) src(%arg20 : memref<128x128xf32, #tpu.memory_space<vmem>>) dst(%dma_wait3A_268 : memref<128x128xf32, #tpu.memory_space<hbm>>)
    %dma_start3A_269 = arith.constant 3 : i32
    %dma_start3A_270 = arith.constant 0 : i32
    %dma_start3A_271 = tpu.memref_slice %arg17[%dma_start3A_269, %dma_start3A_270] : memref<10x128xi32, #tpu.memory_space<vmem>> -> memref<1x128xi32, #tpu.memory_space<vmem>>
    %dma_start3A_272 = tpu.memref_squeeze %dma_start3A_271 : memref<1x128xi32, #tpu.memory_space<vmem>> -> memref<128xi32, #tpu.memory_space<vmem>>
    %dma_start3A_273 = arith.constant 0 : i32
    %dma_start3A_274 = arith.constant 0 : i32
    %dma_start3A_275 = tpu.memref_slice %arg7[%dma_start3A_273, %dma_start3A_274] : memref<100000x128xf32, #tpu.memory_space<hbm>> -> memref<100000x128xf32, #tpu.memory_space<hbm>>
    tpu.enqueue_indirect_dma source(%dma_start3A_275 : memref<100000x128xf32, #tpu.memory_space<hbm>>) target(%arg20 : memref<128x128xf32, #tpu.memory_space<vmem>>) offsets(%dma_start3A_272 : memref<128xi32, #tpu.memory_space<vmem>>) semaphore(%arg24 : memref<!tpu.dma_semaphore, #tpu.memory_space<semaphore_mem>>)
    %dma_wait3A_276 = arith.constant 2 : i32
    %dma_wait3A_277 = arith.constant 0 : i32
    %dma_wait3A_278 = tpu.memref_slice %arg17[%dma_wait3A_276, %dma_wait3A_277] : memref<10x128xi32, #tpu.memory_space<vmem>> -> memref<1x128xi32, #tpu.memory_space<vmem>>
    %dma_wait3A_279 = tpu.memref_squeeze %dma_wait3A_278 : memref<1x128xi32, #tpu.memory_space<vmem>> -> memref<128xi32, #tpu.memory_space<vmem>>
    %dma_wait3A_280 = arith.constant 0 : i32
    %dma_wait3A_281 = arith.constant 0 : i32
    %dma_wait3A_282 = tpu.memref_slice %arg7[%dma_wait3A_280, %dma_wait3A_281] : memref<100000x128xf32, #tpu.memory_space<hbm>> -> memref<100000x128xf32, #tpu.memory_space<hbm>>
    tpu.wait_indirect_dma semaphore(%arg22 : memref<!tpu.dma_semaphore, #tpu.memory_space<semaphore_mem>>) src(%dma_wait3A_282 : memref<100000x128xf32, #tpu.memory_space<hbm>>) dst(%arg18 : memref<128x128xf32, #tpu.memory_space<vmem>>)
    %dma_start3A_283 = arith.constant 0 : i32
    %dma_start3A_284 = tpu.memref_slice %arg13[%add3A_14, %dma_start3A_283] : memref<40960x128xf32, #tpu.memory_space<hbm>> -> memref<128x128xf32, #tpu.memory_space<hbm>>
    %dma_start3A_285 = arith.constant 0 : i32
    %dma_start3A_286 = tpu.memref_slice %arg13[%add3A_14, %dma_start3A_285] : memref<40960x128xf32, #tpu.memory_space<hbm>> -> memref<128x128xf32, #tpu.memory_space<hbm>>
    tpu.enqueue_dma source(%arg18 : memref<128x128xf32, #tpu.memory_space<vmem>>) target(%dma_start3A_286 : memref<128x128xf32, #tpu.memory_space<hbm>>) target_semaphore(%arg26 : memref<!tpu.dma_semaphore, #tpu.memory_space<semaphore_mem>>)
    %dma_wait3A_287 = arith.constant 0 : i32
    %dma_wait3A_288 = tpu.memref_slice %arg14[%add3A_12, %dma_wait3A_287] : memref<40960x128xf32, #tpu.memory_space<hbm>> -> memref<128x128xf32, #tpu.memory_space<hbm>>
    %dma_wait3A_289 = arith.constant 0 : i32
    %dma_wait3A_290 = tpu.memref_slice %arg14[%add3A_12, %dma_wait3A_289] : memref<40960x128xf32, #tpu.memory_space<hbm>> -> memref<128x128xf32, #tpu.memory_space<hbm>>
    tpu.wait_dma2 semaphore(%arg29 : memref<!tpu.dma_semaphore, #tpu.memory_space<semaphore_mem>>) src(%arg21 : memref<128x128xf32, #tpu.memory_space<vmem>>) dst(%dma_wait3A_290 : memref<128x128xf32, #tpu.memory_space<hbm>>)
    %dma_start3A_291 = arith.constant 3 : i32
    %dma_start3A_292 = arith.constant 0 : i32
    %dma_start3A_293 = tpu.memref_slice %arg17[%dma_start3A_291, %dma_start3A_292] : memref<10x128xi32, #tpu.memory_space<vmem>> -> memref<1x128xi32, #tpu.memory_space<vmem>>
    %dma_start3A_294 = tpu.memref_squeeze %dma_start3A_293 : memref<1x128xi32, #tpu.memory_space<vmem>> -> memref<128xi32, #tpu.memory_space<vmem>>
    %dma_start3A_295 = arith.constant 0 : i32
    %dma_start3A_296 = arith.constant 0 : i32
    %dma_start3A_297 = tpu.memref_slice %arg8[%dma_start3A_295, %dma_start3A_296] : memref<100000x128xf32, #tpu.memory_space<hbm>> -> memref<100000x128xf32, #tpu.memory_space<hbm>>
    tpu.enqueue_indirect_dma source(%dma_start3A_297 : memref<100000x128xf32, #tpu.memory_space<hbm>>) target(%arg21 : memref<128x128xf32, #tpu.memory_space<vmem>>) offsets(%dma_start3A_294 : memref<128xi32, #tpu.memory_space<vmem>>) semaphore(%arg25 : memref<!tpu.dma_semaphore, #tpu.memory_space<semaphore_mem>>)
    %dma_wait3A_298 = arith.constant 2 : i32
    %dma_wait3A_299 = arith.constant 0 : i32
    %dma_wait3A_300 = tpu.memref_slice %arg17[%dma_wait3A_298, %dma_wait3A_299] : memref<10x128xi32, #tpu.memory_space<vmem>> -> memref<1x128xi32, #tpu.memory_space<vmem>>
    %dma_wait3A_301 = tpu.memref_squeeze %dma_wait3A_300 : memref<1x128xi32, #tpu.memory_space<vmem>> -> memref<128xi32, #tpu.memory_space<vmem>>
    %dma_wait3A_302 = arith.constant 0 : i32
    %dma_wait3A_303 = arith.constant 0 : i32
    %dma_wait3A_304 = tpu.memref_slice %arg8[%dma_wait3A_302, %dma_wait3A_303] : memref<100000x128xf32, #tpu.memory_space<hbm>> -> memref<100000x128xf32, #tpu.memory_space<hbm>>
    tpu.wait_indirect_dma semaphore(%arg23 : memref<!tpu.dma_semaphore, #tpu.memory_space<semaphore_mem>>) src(%dma_wait3A_304 : memref<100000x128xf32, #tpu.memory_space<hbm>>) dst(%arg19 : memref<128x128xf32, #tpu.memory_space<vmem>>)
    %dma_start3A_305 = arith.constant 0 : i32
    %dma_start3A_306 = tpu.memref_slice %arg14[%add3A_16, %dma_start3A_305] : memref<40960x128xf32, #tpu.memory_space<hbm>> -> memref<128x128xf32, #tpu.memory_space<hbm>>
    %dma_start3A_307 = arith.constant 0 : i32
    %dma_start3A_308 = tpu.memref_slice %arg14[%add3A_16, %dma_start3A_307] : memref<40960x128xf32, #tpu.memory_space<hbm>> -> memref<128x128xf32, #tpu.memory_space<hbm>>
    tpu.enqueue_dma source(%arg19 : memref<128x128xf32, #tpu.memory_space<vmem>>) target(%dma_start3A_308 : memref<128x128xf32, #tpu.memory_space<hbm>>) target_semaphore(%arg27 : memref<!tpu.dma_semaphore, #tpu.memory_space<semaphore_mem>>)
    %dma_wait3A_309 = arith.constant 0 : i32
    %dma_wait3A_310 = tpu.memref_slice %arg13[%add3A_14, %dma_wait3A_309] : memref<40960x128xf32, #tpu.memory_space<hbm>> -> memref<128x128xf32, #tpu.memory_space<hbm>>
    %dma_wait3A_311 = arith.constant 0 : i32
    %dma_wait3A_312 = tpu.memref_slice %arg13[%add3A_14, %dma_wait3A_311] : memref<40960x128xf32, #tpu.memory_space<hbm>> -> memref<128x128xf32, #tpu.memory_space<hbm>>
    tpu.wait_dma2 semaphore(%arg26 : memref<!tpu.dma_semaphore, #tpu.memory_space<semaphore_mem>>) src(%arg18 : memref<128x128xf32, #tpu.memory_space<vmem>>) dst(%dma_wait3A_312 : memref<128x128xf32, #tpu.memory_space<hbm>>)
    %dma_start3A_313 = arith.constant 4 : i32
    %dma_start3A_314 = arith.constant 0 : i32
    %dma_start3A_315 = tpu.memref_slice %arg17[%dma_start3A_313, %dma_start3A_314] : memref<10x128xi32, #tpu.memory_space<vmem>> -> memref<1x128xi32, #tpu.memory_space<vmem>>
    %dma_start3A_316 = tpu.memref_squeeze %dma_start3A_315 : memref<1x128xi32, #tpu.memory_space<vmem>> -> memref<128xi32, #tpu.memory_space<vmem>>
    %dma_start3A_317 = arith.constant 0 : i32
    %dma_start3A_318 = arith.constant 0 : i32
    %dma_start3A_319 = tpu.memref_slice %arg7[%dma_start3A_317, %dma_start3A_318] : memref<100000x128xf32, #tpu.memory_space<hbm>> -> memref<100000x128xf32, #tpu.memory_space<hbm>>
    tpu.enqueue_indirect_dma source(%dma_start3A_319 : memref<100000x128xf32, #tpu.memory_space<hbm>>) target(%arg18 : memref<128x128xf32, #tpu.memory_space<vmem>>) offsets(%dma_start3A_316 : memref<128xi32, #tpu.memory_space<vmem>>) semaphore(%arg22 : memref<!tpu.dma_semaphore, #tpu.memory_space<semaphore_mem>>)
    %dma_wait3A_320 = arith.constant 3 : i32
    %dma_wait3A_321 = arith.constant 0 : i32
    %dma_wait3A_322 = tpu.memref_slice %arg17[%dma_wait3A_320, %dma_wait3A_321] : memref<10x128xi32, #tpu.memory_space<vmem>> -> memref<1x128xi32, #tpu.memory_space<vmem>>
    %dma_wait3A_323 = tpu.memref_squeeze %dma_wait3A_322 : memref<1x128xi32, #tpu.memory_space<vmem>> -> memref<128xi32, #tpu.memory_space<vmem>>
    %dma_wait3A_324 = arith.constant 0 : i32
    %dma_wait3A_325 = arith.constant 0 : i32
    %dma_wait3A_326 = tpu.memref_slice %arg7[%dma_wait3A_324, %dma_wait3A_325] : memref<100000x128xf32, #tpu.memory_space<hbm>> -> memref<100000x128xf32, #tpu.memory_space<hbm>>
    tpu.wait_indirect_dma semaphore(%arg24 : memref<!tpu.dma_semaphore, #tpu.memory_space<semaphore_mem>>) src(%dma_wait3A_326 : memref<100000x128xf32, #tpu.memory_space<hbm>>) dst(%arg20 : memref<128x128xf32, #tpu.memory_space<vmem>>)
    %dma_start3A_327 = arith.constant 0 : i32
    %dma_start3A_328 = tpu.memref_slice %arg13[%add3A_18, %dma_start3A_327] : memref<40960x128xf32, #tpu.memory_space<hbm>> -> memref<128x128xf32, #tpu.memory_space<hbm>>
    %dma_start3A_329 = arith.constant 0 : i32
    %dma_start3A_330 = tpu.memref_slice %arg13[%add3A_18, %dma_start3A_329] : memref<40960x128xf32, #tpu.memory_space<hbm>> -> memref<128x128xf32, #tpu.memory_space<hbm>>
    tpu.enqueue_dma source(%arg20 : memref<128x128xf32, #tpu.memory_space<vmem>>) target(%dma_start3A_330 : memref<128x128xf32, #tpu.memory_space<hbm>>) target_semaphore(%arg28 : memref<!tpu.dma_semaphore, #tpu.memory_space<semaphore_mem>>)
    %dma_wait3A_331 = arith.constant 0 : i32
    %dma_wait3A_332 = tpu.memref_slice %arg14[%add3A_16, %dma_wait3A_331] : memref<40960x128xf32, #tpu.memory_space<hbm>> -> memref<128x128xf32, #tpu.memory_space<hbm>>
    %dma_wait3A_333 = arith.constant 0 : i32
    %dma_wait3A_334 = tpu.memref_slice %arg14[%add3A_16, %dma_wait3A_333] : memref<40960x128xf32, #tpu.memory_space<hbm>> -> memref<128x128xf32, #tpu.memory_space<hbm>>
    tpu.wait_dma2 semaphore(%arg27 : memref<!tpu.dma_semaphore, #tpu.memory_space<semaphore_mem>>) src(%arg19 : memref<128x128xf32, #tpu.memory_space<vmem>>) dst(%dma_wait3A_334 : memref<128x128xf32, #tpu.memory_space<hbm>>)
    %dma_start3A_335 = arith.constant 4 : i32
    %dma_start3A_336 = arith.constant 0 : i32
    %dma_start3A_337 = tpu.memref_slice %arg17[%dma_start3A_335, %dma_start3A_336] : memref<10x128xi32, #tpu.memory_space<vmem>> -> memref<1x128xi32, #tpu.memory_space<vmem>>
    %dma_start3A_338 = tpu.memref_squeeze %dma_start3A_337 : memref<1x128xi32, #tpu.memory_space<vmem>> -> memref<128xi32, #tpu.memory_space<vmem>>
    %dma_start3A_339 = arith.constant 0 : i32
    %dma_start3A_340 = arith.constant 0 : i32
    %dma_start3A_341 = tpu.memref_slice %arg8[%dma_start3A_339, %dma_start3A_340] : memref<100000x128xf32, #tpu.memory_space<hbm>> -> memref<100000x128xf32, #tpu.memory_space<hbm>>
    tpu.enqueue_indirect_dma source(%dma_start3A_341 : memref<100000x128xf32, #tpu.memory_space<hbm>>) target(%arg19 : memref<128x128xf32, #tpu.memory_space<vmem>>) offsets(%dma_start3A_338 : memref<128xi32, #tpu.memory_space<vmem>>) semaphore(%arg23 : memref<!tpu.dma_semaphore, #tpu.memory_space<semaphore_mem>>)
    %dma_wait3A_342 = arith.constant 3 : i32
    %dma_wait3A_343 = arith.constant 0 : i32
    %dma_wait3A_344 = tpu.memref_slice %arg17[%dma_wait3A_342, %dma_wait3A_343] : memref<10x128xi32, #tpu.memory_space<vmem>> -> memref<1x128xi32, #tpu.memory_space<vmem>>
    %dma_wait3A_345 = tpu.memref_squeeze %dma_wait3A_344 : memref<1x128xi32, #tpu.memory_space<vmem>> -> memref<128xi32, #tpu.memory_space<vmem>>
    %dma_wait3A_346 = arith.constant 0 : i32
    %dma_wait3A_347 = arith.constant 0 : i32
    %dma_wait3A_348 = tpu.memref_slice %arg8[%dma_wait3A_346, %dma_wait3A_347] : memref<100000x128xf32, #tpu.memory_space<hbm>> -> memref<100000x128xf32, #tpu.memory_space<hbm>>
    tpu.wait_indirect_dma semaphore(%arg25 : memref<!tpu.dma_semaphore, #tpu.memory_space<semaphore_mem>>) src(%dma_wait3A_348 : memref<100000x128xf32, #tpu.memory_space<hbm>>) dst(%arg21 : memref<128x128xf32, #tpu.memory_space<vmem>>)
    %dma_start3A_349 = arith.constant 0 : i32
    %dma_start3A_350 = tpu.memref_slice %arg14[%add3A_20, %dma_start3A_349] : memref<40960x128xf32, #tpu.memory_space<hbm>> -> memref<128x128xf32, #tpu.memory_space<hbm>>
    %dma_start3A_351 = arith.constant 0 : i32
    %dma_start3A_352 = tpu.memref_slice %arg14[%add3A_20, %dma_start3A_351] : memref<40960x128xf32, #tpu.memory_space<hbm>> -> memref<128x128xf32, #tpu.memory_space<hbm>>
    tpu.enqueue_dma source(%arg21 : memref<128x128xf32, #tpu.memory_space<vmem>>) target(%dma_start3A_352 : memref<128x128xf32, #tpu.memory_space<hbm>>) target_semaphore(%arg29 : memref<!tpu.dma_semaphore, #tpu.memory_space<semaphore_mem>>)
    %dma_wait3A_353 = arith.constant 0 : i32
    %dma_wait3A_354 = tpu.memref_slice %arg13[%add3A_18, %dma_wait3A_353] : memref<40960x128xf32, #tpu.memory_space<hbm>> -> memref<128x128xf32, #tpu.memory_space<hbm>>
    %dma_wait3A_355 = arith.constant 0 : i32
    %dma_wait3A_356 = tpu.memref_slice %arg13[%add3A_18, %dma_wait3A_355] : memref<40960x128xf32, #tpu.memory_space<hbm>> -> memref<128x128xf32, #tpu.memory_space<hbm>>
    tpu.wait_dma2 semaphore(%arg28 : memref<!tpu.dma_semaphore, #tpu.memory_space<semaphore_mem>>) src(%arg20 : memref<128x128xf32, #tpu.memory_space<vmem>>) dst(%dma_wait3A_356 : memref<128x128xf32, #tpu.memory_space<hbm>>)
    %dma_start3A_357 = arith.constant 5 : i32
    %dma_start3A_358 = arith.constant 0 : i32
    %dma_start3A_359 = tpu.memref_slice %arg17[%dma_start3A_357, %dma_start3A_358] : memref<10x128xi32, #tpu.memory_space<vmem>> -> memref<1x128xi32, #tpu.memory_space<vmem>>
    %dma_start3A_360 = tpu.memref_squeeze %dma_start3A_359 : memref<1x128xi32, #tpu.memory_space<vmem>> -> memref<128xi32, #tpu.memory_space<vmem>>
    %dma_start3A_361 = arith.constant 0 : i32
    %dma_start3A_362 = arith.constant 0 : i32
    %dma_start3A_363 = tpu.memref_slice %arg7[%dma_start3A_361, %dma_start3A_362] : memref<100000x128xf32, #tpu.memory_space<hbm>> -> memref<100000x128xf32, #tpu.memory_space<hbm>>
    tpu.enqueue_indirect_dma source(%dma_start3A_363 : memref<100000x128xf32, #tpu.memory_space<hbm>>) target(%arg20 : memref<128x128xf32, #tpu.memory_space<vmem>>) offsets(%dma_start3A_360 : memref<128xi32, #tpu.memory_space<vmem>>) semaphore(%arg24 : memref<!tpu.dma_semaphore, #tpu.memory_space<semaphore_mem>>)
    %dma_wait3A_364 = arith.constant 4 : i32
    %dma_wait3A_365 = arith.constant 0 : i32
    %dma_wait3A_366 = tpu.memref_slice %arg17[%dma_wait3A_364, %dma_wait3A_365] : memref<10x128xi32, #tpu.memory_space<vmem>> -> memref<1x128xi32, #tpu.memory_space<vmem>>
    %dma_wait3A_367 = tpu.memref_squeeze %dma_wait3A_366 : memref<1x128xi32, #tpu.memory_space<vmem>> -> memref<128xi32, #tpu.memory_space<vmem>>
    %dma_wait3A_368 = arith.constant 0 : i32
    %dma_wait3A_369 = arith.constant 0 : i32
    %dma_wait3A_370 = tpu.memref_slice %arg7[%dma_wait3A_368, %dma_wait3A_369] : memref<100000x128xf32, #tpu.memory_space<hbm>> -> memref<100000x128xf32, #tpu.memory_space<hbm>>
    tpu.wait_indirect_dma semaphore(%arg22 : memref<!tpu.dma_semaphore, #tpu.memory_space<semaphore_mem>>) src(%dma_wait3A_370 : memref<100000x128xf32, #tpu.memory_space<hbm>>) dst(%arg18 : memref<128x128xf32, #tpu.memory_space<vmem>>)
    %dma_start3A_371 = arith.constant 0 : i32
    %dma_start3A_372 = tpu.memref_slice %arg13[%add3A_22, %dma_start3A_371] : memref<40960x128xf32, #tpu.memory_space<hbm>> -> memref<128x128xf32, #tpu.memory_space<hbm>>
    %dma_start3A_373 = arith.constant 0 : i32
    %dma_start3A_374 = tpu.memref_slice %arg13[%add3A_22, %dma_start3A_373] : memref<40960x128xf32, #tpu.memory_space<hbm>> -> memref<128x128xf32, #tpu.memory_space<hbm>>
    tpu.enqueue_dma source(%arg18 : memref<128x128xf32, #tpu.memory_space<vmem>>) target(%dma_start3A_374 : memref<128x128xf32, #tpu.memory_space<hbm>>) target_semaphore(%arg26 : memref<!tpu.dma_semaphore, #tpu.memory_space<semaphore_mem>>)
    %dma_wait3A_375 = arith.constant 0 : i32
    %dma_wait3A_376 = tpu.memref_slice %arg14[%add3A_20, %dma_wait3A_375] : memref<40960x128xf32, #tpu.memory_space<hbm>> -> memref<128x128xf32, #tpu.memory_space<hbm>>
    %dma_wait3A_377 = arith.constant 0 : i32
    %dma_wait3A_378 = tpu.memref_slice %arg14[%add3A_20, %dma_wait3A_377] : memref<40960x128xf32, #tpu.memory_space<hbm>> -> memref<128x128xf32, #tpu.memory_space<hbm>>
    tpu.wait_dma2 semaphore(%arg29 : memref<!tpu.dma_semaphore, #tpu.memory_space<semaphore_mem>>) src(%arg21 : memref<128x128xf32, #tpu.memory_space<vmem>>) dst(%dma_wait3A_378 : memref<128x128xf32, #tpu.memory_space<hbm>>)
    %dma_start3A_379 = arith.constant 5 : i32
    %dma_start3A_380 = arith.constant 0 : i32
    %dma_start3A_381 = tpu.memref_slice %arg17[%dma_start3A_379, %dma_start3A_380] : memref<10x128xi32, #tpu.memory_space<vmem>> -> memref<1x128xi32, #tpu.memory_space<vmem>>
    %dma_start3A_382 = tpu.memref_squeeze %dma_start3A_381 : memref<1x128xi32, #tpu.memory_space<vmem>> -> memref<128xi32, #tpu.memory_space<vmem>>
    %dma_start3A_383 = arith.constant 0 : i32
    %dma_start3A_384 = arith.constant 0 : i32
    %dma_start3A_385 = tpu.memref_slice %arg8[%dma_start3A_383, %dma_start3A_384] : memref<100000x128xf32, #tpu.memory_space<hbm>> -> memref<100000x128xf32, #tpu.memory_space<hbm>>
    tpu.enqueue_indirect_dma source(%dma_start3A_385 : memref<100000x128xf32, #tpu.memory_space<hbm>>) target(%arg21 : memref<128x128xf32, #tpu.memory_space<vmem>>) offsets(%dma_start3A_382 : memref<128xi32, #tpu.memory_space<vmem>>) semaphore(%arg25 : memref<!tpu.dma_semaphore, #tpu.memory_space<semaphore_mem>>)
    %dma_wait3A_386 = arith.constant 4 : i32
    %dma_wait3A_387 = arith.constant 0 : i32
    %dma_wait3A_388 = tpu.memref_slice %arg17[%dma_wait3A_386, %dma_wait3A_387] : memref<10x128xi32, #tpu.memory_space<vmem>> -> memref<1x128xi32, #tpu.memory_space<vmem>>
    %dma_wait3A_389 = tpu.memref_squeeze %dma_wait3A_388 : memref<1x128xi32, #tpu.memory_space<vmem>> -> memref<128xi32, #tpu.memory_space<vmem>>
    %dma_wait3A_390 = arith.constant 0 : i32
    %dma_wait3A_391 = arith.constant 0 : i32
    %dma_wait3A_392 = tpu.memref_slice %arg8[%dma_wait3A_390, %dma_wait3A_391] : memref<100000x128xf32, #tpu.memory_space<hbm>> -> memref<100000x128xf32, #tpu.memory_space<hbm>>
    tpu.wait_indirect_dma semaphore(%arg23 : memref<!tpu.dma_semaphore, #tpu.memory_space<semaphore_mem>>) src(%dma_wait3A_392 : memref<100000x128xf32, #tpu.memory_space<hbm>>) dst(%arg19 : memref<128x128xf32, #tpu.memory_space<vmem>>)
    %dma_start3A_393 = arith.constant 0 : i32
    %dma_start3A_394 = tpu.memref_slice %arg14[%add3A_24, %dma_start3A_393] : memref<40960x128xf32, #tpu.memory_space<hbm>> -> memref<128x128xf32, #tpu.memory_space<hbm>>
    %dma_start3A_395 = arith.constant 0 : i32
    %dma_start3A_396 = tpu.memref_slice %arg14[%add3A_24, %dma_start3A_395] : memref<40960x128xf32, #tpu.memory_space<hbm>> -> memref<128x128xf32, #tpu.memory_space<hbm>>
    tpu.enqueue_dma source(%arg19 : memref<128x128xf32, #tpu.memory_space<vmem>>) target(%dma_start3A_396 : memref<128x128xf32, #tpu.memory_space<hbm>>) target_semaphore(%arg27 : memref<!tpu.dma_semaphore, #tpu.memory_space<semaphore_mem>>)
    %dma_wait3A_397 = arith.constant 0 : i32
    %dma_wait3A_398 = tpu.memref_slice %arg13[%add3A_22, %dma_wait3A_397] : memref<40960x128xf32, #tpu.memory_space<hbm>> -> memref<128x128xf32, #tpu.memory_space<hbm>>
    %dma_wait3A_399 = arith.constant 0 : i32
    %dma_wait3A_400 = tpu.memref_slice %arg13[%add3A_22, %dma_wait3A_399] : memref<40960x128xf32, #tpu.memory_space<hbm>> -> memref<128x128xf32, #tpu.memory_space<hbm>>
    tpu.wait_dma2 semaphore(%arg26 : memref<!tpu.dma_semaphore, #tpu.memory_space<semaphore_mem>>) src(%arg18 : memref<128x128xf32, #tpu.memory_space<vmem>>) dst(%dma_wait3A_400 : memref<128x128xf32, #tpu.memory_space<hbm>>)
    %dma_start3A_401 = arith.constant 6 : i32
    %dma_start3A_402 = arith.constant 0 : i32
    %dma_start3A_403 = tpu.memref_slice %arg17[%dma_start3A_401, %dma_start3A_402] : memref<10x128xi32, #tpu.memory_space<vmem>> -> memref<1x128xi32, #tpu.memory_space<vmem>>
    %dma_start3A_404 = tpu.memref_squeeze %dma_start3A_403 : memref<1x128xi32, #tpu.memory_space<vmem>> -> memref<128xi32, #tpu.memory_space<vmem>>
    %dma_start3A_405 = arith.constant 0 : i32
    %dma_start3A_406 = arith.constant 0 : i32
    %dma_start3A_407 = tpu.memref_slice %arg7[%dma_start3A_405, %dma_start3A_406] : memref<100000x128xf32, #tpu.memory_space<hbm>> -> memref<100000x128xf32, #tpu.memory_space<hbm>>
    tpu.enqueue_indirect_dma source(%dma_start3A_407 : memref<100000x128xf32, #tpu.memory_space<hbm>>) target(%arg18 : memref<128x128xf32, #tpu.memory_space<vmem>>) offsets(%dma_start3A_404 : memref<128xi32, #tpu.memory_space<vmem>>) semaphore(%arg22 : memref<!tpu.dma_semaphore, #tpu.memory_space<semaphore_mem>>)
    %dma_wait3A_408 = arith.constant 5 : i32
    %dma_wait3A_409 = arith.constant 0 : i32
    %dma_wait3A_410 = tpu.memref_slice %arg17[%dma_wait3A_408, %dma_wait3A_409] : memref<10x128xi32, #tpu.memory_space<vmem>> -> memref<1x128xi32, #tpu.memory_space<vmem>>
    %dma_wait3A_411 = tpu.memref_squeeze %dma_wait3A_410 : memref<1x128xi32, #tpu.memory_space<vmem>> -> memref<128xi32, #tpu.memory_space<vmem>>
    %dma_wait3A_412 = arith.constant 0 : i32
    %dma_wait3A_413 = arith.constant 0 : i32
    %dma_wait3A_414 = tpu.memref_slice %arg7[%dma_wait3A_412, %dma_wait3A_413] : memref<100000x128xf32, #tpu.memory_space<hbm>> -> memref<100000x128xf32, #tpu.memory_space<hbm>>
    tpu.wait_indirect_dma semaphore(%arg24 : memref<!tpu.dma_semaphore, #tpu.memory_space<semaphore_mem>>) src(%dma_wait3A_414 : memref<100000x128xf32, #tpu.memory_space<hbm>>) dst(%arg20 : memref<128x128xf32, #tpu.memory_space<vmem>>)
    %dma_start3A_415 = arith.constant 0 : i32
    %dma_start3A_416 = tpu.memref_slice %arg13[%add3A_26, %dma_start3A_415] : memref<40960x128xf32, #tpu.memory_space<hbm>> -> memref<128x128xf32, #tpu.memory_space<hbm>>
    %dma_start3A_417 = arith.constant 0 : i32
    %dma_start3A_418 = tpu.memref_slice %arg13[%add3A_26, %dma_start3A_417] : memref<40960x128xf32, #tpu.memory_space<hbm>> -> memref<128x128xf32, #tpu.memory_space<hbm>>
    tpu.enqueue_dma source(%arg20 : memref<128x128xf32, #tpu.memory_space<vmem>>) target(%dma_start3A_418 : memref<128x128xf32, #tpu.memory_space<hbm>>) target_semaphore(%arg28 : memref<!tpu.dma_semaphore, #tpu.memory_space<semaphore_mem>>)
    %dma_wait3A_419 = arith.constant 0 : i32
    %dma_wait3A_420 = tpu.memref_slice %arg14[%add3A_24, %dma_wait3A_419] : memref<40960x128xf32, #tpu.memory_space<hbm>> -> memref<128x128xf32, #tpu.memory_space<hbm>>
    %dma_wait3A_421 = arith.constant 0 : i32
    %dma_wait3A_422 = tpu.memref_slice %arg14[%add3A_24, %dma_wait3A_421] : memref<40960x128xf32, #tpu.memory_space<hbm>> -> memref<128x128xf32, #tpu.memory_space<hbm>>
    tpu.wait_dma2 semaphore(%arg27 : memref<!tpu.dma_semaphore, #tpu.memory_space<semaphore_mem>>) src(%arg19 : memref<128x128xf32, #tpu.memory_space<vmem>>) dst(%dma_wait3A_422 : memref<128x128xf32, #tpu.memory_space<hbm>>)
    %dma_start3A_423 = arith.constant 6 : i32
    %dma_start3A_424 = arith.constant 0 : i32
    %dma_start3A_425 = tpu.memref_slice %arg17[%dma_start3A_423, %dma_start3A_424] : memref<10x128xi32, #tpu.memory_space<vmem>> -> memref<1x128xi32, #tpu.memory_space<vmem>>
    %dma_start3A_426 = tpu.memref_squeeze %dma_start3A_425 : memref<1x128xi32, #tpu.memory_space<vmem>> -> memref<128xi32, #tpu.memory_space<vmem>>
    %dma_start3A_427 = arith.constant 0 : i32
    %dma_start3A_428 = arith.constant 0 : i32
    %dma_start3A_429 = tpu.memref_slice %arg8[%dma_start3A_427, %dma_start3A_428] : memref<100000x128xf32, #tpu.memory_space<hbm>> -> memref<100000x128xf32, #tpu.memory_space<hbm>>
    tpu.enqueue_indirect_dma source(%dma_start3A_429 : memref<100000x128xf32, #tpu.memory_space<hbm>>) target(%arg19 : memref<128x128xf32, #tpu.memory_space<vmem>>) offsets(%dma_start3A_426 : memref<128xi32, #tpu.memory_space<vmem>>) semaphore(%arg23 : memref<!tpu.dma_semaphore, #tpu.memory_space<semaphore_mem>>)
    %dma_wait3A_430 = arith.constant 5 : i32
    %dma_wait3A_431 = arith.constant 0 : i32
    %dma_wait3A_432 = tpu.memref_slice %arg17[%dma_wait3A_430, %dma_wait3A_431] : memref<10x128xi32, #tpu.memory_space<vmem>> -> memref<1x128xi32, #tpu.memory_space<vmem>>
    %dma_wait3A_433 = tpu.memref_squeeze %dma_wait3A_432 : memref<1x128xi32, #tpu.memory_space<vmem>> -> memref<128xi32, #tpu.memory_space<vmem>>
    %dma_wait3A_434 = arith.constant 0 : i32
    %dma_wait3A_435 = arith.constant 0 : i32
    %dma_wait3A_436 = tpu.memref_slice %arg8[%dma_wait3A_434, %dma_wait3A_435] : memref<100000x128xf32, #tpu.memory_space<hbm>> -> memref<100000x128xf32, #tpu.memory_space<hbm>>
    tpu.wait_indirect_dma semaphore(%arg25 : memref<!tpu.dma_semaphore, #tpu.memory_space<semaphore_mem>>) src(%dma_wait3A_436 : memref<100000x128xf32, #tpu.memory_space<hbm>>) dst(%arg21 : memref<128x128xf32, #tpu.memory_space<vmem>>)
    %dma_start3A_437 = arith.constant 0 : i32
    %dma_start3A_438 = tpu.memref_slice %arg14[%add3A_28, %dma_start3A_437] : memref<40960x128xf32, #tpu.memory_space<hbm>> -> memref<128x128xf32, #tpu.memory_space<hbm>>
    %dma_start3A_439 = arith.constant 0 : i32
    %dma_start3A_440 = tpu.memref_slice %arg14[%add3A_28, %dma_start3A_439] : memref<40960x128xf32, #tpu.memory_space<hbm>> -> memref<128x128xf32, #tpu.memory_space<hbm>>
    tpu.enqueue_dma source(%arg21 : memref<128x128xf32, #tpu.memory_space<vmem>>) target(%dma_start3A_440 : memref<128x128xf32, #tpu.memory_space<hbm>>) target_semaphore(%arg29 : memref<!tpu.dma_semaphore, #tpu.memory_space<semaphore_mem>>)
    %dma_wait3A_441 = arith.constant 0 : i32
    %dma_wait3A_442 = tpu.memref_slice %arg13[%add3A_26, %dma_wait3A_441] : memref<40960x128xf32, #tpu.memory_space<hbm>> -> memref<128x128xf32, #tpu.memory_space<hbm>>
    %dma_wait3A_443 = arith.constant 0 : i32
    %dma_wait3A_444 = tpu.memref_slice %arg13[%add3A_26, %dma_wait3A_443] : memref<40960x128xf32, #tpu.memory_space<hbm>> -> memref<128x128xf32, #tpu.memory_space<hbm>>
    tpu.wait_dma2 semaphore(%arg28 : memref<!tpu.dma_semaphore, #tpu.memory_space<semaphore_mem>>) src(%arg20 : memref<128x128xf32, #tpu.memory_space<vmem>>) dst(%dma_wait3A_444 : memref<128x128xf32, #tpu.memory_space<hbm>>)
    %dma_start3A_445 = arith.constant 7 : i32
    %dma_start3A_446 = arith.constant 0 : i32
    %dma_start3A_447 = tpu.memref_slice %arg17[%dma_start3A_445, %dma_start3A_446] : memref<10x128xi32, #tpu.memory_space<vmem>> -> memref<1x128xi32, #tpu.memory_space<vmem>>
    %dma_start3A_448 = tpu.memref_squeeze %dma_start3A_447 : memref<1x128xi32, #tpu.memory_space<vmem>> -> memref<128xi32, #tpu.memory_space<vmem>>
    %dma_start3A_449 = arith.constant 0 : i32
    %dma_start3A_450 = arith.constant 0 : i32
    %dma_start3A_451 = tpu.memref_slice %arg7[%dma_start3A_449, %dma_start3A_450] : memref<100000x128xf32, #tpu.memory_space<hbm>> -> memref<100000x128xf32, #tpu.memory_space<hbm>>
    tpu.enqueue_indirect_dma source(%dma_start3A_451 : memref<100000x128xf32, #tpu.memory_space<hbm>>) target(%arg20 : memref<128x128xf32, #tpu.memory_space<vmem>>) offsets(%dma_start3A_448 : memref<128xi32, #tpu.memory_space<vmem>>) semaphore(%arg24 : memref<!tpu.dma_semaphore, #tpu.memory_space<semaphore_mem>>)
    %dma_wait3A_452 = arith.constant 6 : i32
    %dma_wait3A_453 = arith.constant 0 : i32
    %dma_wait3A_454 = tpu.memref_slice %arg17[%dma_wait3A_452, %dma_wait3A_453] : memref<10x128xi32, #tpu.memory_space<vmem>> -> memref<1x128xi32, #tpu.memory_space<vmem>>
    %dma_wait3A_455 = tpu.memref_squeeze %dma_wait3A_454 : memref<1x128xi32, #tpu.memory_space<vmem>> -> memref<128xi32, #tpu.memory_space<vmem>>
    %dma_wait3A_456 = arith.constant 0 : i32
    %dma_wait3A_457 = arith.constant 0 : i32
    %dma_wait3A_458 = tpu.memref_slice %arg7[%dma_wait3A_456, %dma_wait3A_457] : memref<100000x128xf32, #tpu.memory_space<hbm>> -> memref<100000x128xf32, #tpu.memory_space<hbm>>
    tpu.wait_indirect_dma semaphore(%arg22 : memref<!tpu.dma_semaphore, #tpu.memory_space<semaphore_mem>>) src(%dma_wait3A_458 : memref<100000x128xf32, #tpu.memory_space<hbm>>) dst(%arg18 : memref<128x128xf32, #tpu.memory_space<vmem>>)
    %dma_start3A_459 = arith.constant 0 : i32
    %dma_start3A_460 = tpu.memref_slice %arg13[%add3A_30, %dma_start3A_459] : memref<40960x128xf32, #tpu.memory_space<hbm>> -> memref<128x128xf32, #tpu.memory_space<hbm>>
    %dma_start3A_461 = arith.constant 0 : i32
    %dma_start3A_462 = tpu.memref_slice %arg13[%add3A_30, %dma_start3A_461] : memref<40960x128xf32, #tpu.memory_space<hbm>> -> memref<128x128xf32, #tpu.memory_space<hbm>>
    tpu.enqueue_dma source(%arg18 : memref<128x128xf32, #tpu.memory_space<vmem>>) target(%dma_start3A_462 : memref<128x128xf32, #tpu.memory_space<hbm>>) target_semaphore(%arg26 : memref<!tpu.dma_semaphore, #tpu.memory_space<semaphore_mem>>)
    %dma_wait3A_463 = arith.constant 0 : i32
    %dma_wait3A_464 = tpu.memref_slice %arg14[%add3A_28, %dma_wait3A_463] : memref<40960x128xf32, #tpu.memory_space<hbm>> -> memref<128x128xf32, #tpu.memory_space<hbm>>
    %dma_wait3A_465 = arith.constant 0 : i32
    %dma_wait3A_466 = tpu.memref_slice %arg14[%add3A_28, %dma_wait3A_465] : memref<40960x128xf32, #tpu.memory_space<hbm>> -> memref<128x128xf32, #tpu.memory_space<hbm>>
    tpu.wait_dma2 semaphore(%arg29 : memref<!tpu.dma_semaphore, #tpu.memory_space<semaphore_mem>>) src(%arg21 : memref<128x128xf32, #tpu.memory_space<vmem>>) dst(%dma_wait3A_466 : memref<128x128xf32, #tpu.memory_space<hbm>>)
    %dma_start3A_467 = arith.constant 7 : i32
    %dma_start3A_468 = arith.constant 0 : i32
    %dma_start3A_469 = tpu.memref_slice %arg17[%dma_start3A_467, %dma_start3A_468] : memref<10x128xi32, #tpu.memory_space<vmem>> -> memref<1x128xi32, #tpu.memory_space<vmem>>
    %dma_start3A_470 = tpu.memref_squeeze %dma_start3A_469 : memref<1x128xi32, #tpu.memory_space<vmem>> -> memref<128xi32, #tpu.memory_space<vmem>>
    %dma_start3A_471 = arith.constant 0 : i32
    %dma_start3A_472 = arith.constant 0 : i32
    %dma_start3A_473 = tpu.memref_slice %arg8[%dma_start3A_471, %dma_start3A_472] : memref<100000x128xf32, #tpu.memory_space<hbm>> -> memref<100000x128xf32, #tpu.memory_space<hbm>>
    tpu.enqueue_indirect_dma source(%dma_start3A_473 : memref<100000x128xf32, #tpu.memory_space<hbm>>) target(%arg21 : memref<128x128xf32, #tpu.memory_space<vmem>>) offsets(%dma_start3A_470 : memref<128xi32, #tpu.memory_space<vmem>>) semaphore(%arg25 : memref<!tpu.dma_semaphore, #tpu.memory_space<semaphore_mem>>)
    %dma_wait3A_474 = arith.constant 6 : i32
    %dma_wait3A_475 = arith.constant 0 : i32
    %dma_wait3A_476 = tpu.memref_slice %arg17[%dma_wait3A_474, %dma_wait3A_475] : memref<10x128xi32, #tpu.memory_space<vmem>> -> memref<1x128xi32, #tpu.memory_space<vmem>>
    %dma_wait3A_477 = tpu.memref_squeeze %dma_wait3A_476 : memref<1x128xi32, #tpu.memory_space<vmem>> -> memref<128xi32, #tpu.memory_space<vmem>>
    %dma_wait3A_478 = arith.constant 0 : i32
    %dma_wait3A_479 = arith.constant 0 : i32
    %dma_wait3A_480 = tpu.memref_slice %arg8[%dma_wait3A_478, %dma_wait3A_479] : memref<100000x128xf32, #tpu.memory_space<hbm>> -> memref<100000x128xf32, #tpu.memory_space<hbm>>
    tpu.wait_indirect_dma semaphore(%arg23 : memref<!tpu.dma_semaphore, #tpu.memory_space<semaphore_mem>>) src(%dma_wait3A_480 : memref<100000x128xf32, #tpu.memory_space<hbm>>) dst(%arg19 : memref<128x128xf32, #tpu.memory_space<vmem>>)
    %dma_start3A_481 = arith.constant 0 : i32
    %dma_start3A_482 = tpu.memref_slice %arg14[%add3A_32, %dma_start3A_481] : memref<40960x128xf32, #tpu.memory_space<hbm>> -> memref<128x128xf32, #tpu.memory_space<hbm>>
    %dma_start3A_483 = arith.constant 0 : i32
    %dma_start3A_484 = tpu.memref_slice %arg14[%add3A_32, %dma_start3A_483] : memref<40960x128xf32, #tpu.memory_space<hbm>> -> memref<128x128xf32, #tpu.memory_space<hbm>>
    tpu.enqueue_dma source(%arg19 : memref<128x128xf32, #tpu.memory_space<vmem>>) target(%dma_start3A_484 : memref<128x128xf32, #tpu.memory_space<hbm>>) target_semaphore(%arg27 : memref<!tpu.dma_semaphore, #tpu.memory_space<semaphore_mem>>)
    %dma_wait3A_485 = arith.constant 0 : i32
    %dma_wait3A_486 = tpu.memref_slice %arg13[%add3A_30, %dma_wait3A_485] : memref<40960x128xf32, #tpu.memory_space<hbm>> -> memref<128x128xf32, #tpu.memory_space<hbm>>
    %dma_wait3A_487 = arith.constant 0 : i32
    %dma_wait3A_488 = tpu.memref_slice %arg13[%add3A_30, %dma_wait3A_487] : memref<40960x128xf32, #tpu.memory_space<hbm>> -> memref<128x128xf32, #tpu.memory_space<hbm>>
    tpu.wait_dma2 semaphore(%arg26 : memref<!tpu.dma_semaphore, #tpu.memory_space<semaphore_mem>>) src(%arg18 : memref<128x128xf32, #tpu.memory_space<vmem>>) dst(%dma_wait3A_488 : memref<128x128xf32, #tpu.memory_space<hbm>>)
    %dma_start3A_489 = arith.constant 8 : i32
    %dma_start3A_490 = arith.constant 0 : i32
    %dma_start3A_491 = tpu.memref_slice %arg17[%dma_start3A_489, %dma_start3A_490] : memref<10x128xi32, #tpu.memory_space<vmem>> -> memref<1x128xi32, #tpu.memory_space<vmem>>
    %dma_start3A_492 = tpu.memref_squeeze %dma_start3A_491 : memref<1x128xi32, #tpu.memory_space<vmem>> -> memref<128xi32, #tpu.memory_space<vmem>>
    %dma_start3A_493 = arith.constant 0 : i32
    %dma_start3A_494 = arith.constant 0 : i32
    %dma_start3A_495 = tpu.memref_slice %arg7[%dma_start3A_493, %dma_start3A_494] : memref<100000x128xf32, #tpu.memory_space<hbm>> -> memref<100000x128xf32, #tpu.memory_space<hbm>>
    tpu.enqueue_indirect_dma source(%dma_start3A_495 : memref<100000x128xf32, #tpu.memory_space<hbm>>) target(%arg18 : memref<128x128xf32, #tpu.memory_space<vmem>>) offsets(%dma_start3A_492 : memref<128xi32, #tpu.memory_space<vmem>>) semaphore(%arg22 : memref<!tpu.dma_semaphore, #tpu.memory_space<semaphore_mem>>)
    %dma_wait3A_496 = arith.constant 7 : i32
    %dma_wait3A_497 = arith.constant 0 : i32
    %dma_wait3A_498 = tpu.memref_slice %arg17[%dma_wait3A_496, %dma_wait3A_497] : memref<10x128xi32, #tpu.memory_space<vmem>> -> memref<1x128xi32, #tpu.memory_space<vmem>>
    %dma_wait3A_499 = tpu.memref_squeeze %dma_wait3A_498 : memref<1x128xi32, #tpu.memory_space<vmem>> -> memref<128xi32, #tpu.memory_space<vmem>>
    %dma_wait3A_500 = arith.constant 0 : i32
    %dma_wait3A_501 = arith.constant 0 : i32
    %dma_wait3A_502 = tpu.memref_slice %arg7[%dma_wait3A_500, %dma_wait3A_501] : memref<100000x128xf32, #tpu.memory_space<hbm>> -> memref<100000x128xf32, #tpu.memory_space<hbm>>
    tpu.wait_indirect_dma semaphore(%arg24 : memref<!tpu.dma_semaphore, #tpu.memory_space<semaphore_mem>>) src(%dma_wait3A_502 : memref<100000x128xf32, #tpu.memory_space<hbm>>) dst(%arg20 : memref<128x128xf32, #tpu.memory_space<vmem>>)
    %dma_start3A_503 = arith.constant 0 : i32
    %dma_start3A_504 = tpu.memref_slice %arg13[%add3A_34, %dma_start3A_503] : memref<40960x128xf32, #tpu.memory_space<hbm>> -> memref<128x128xf32, #tpu.memory_space<hbm>>
    %dma_start3A_505 = arith.constant 0 : i32
    %dma_start3A_506 = tpu.memref_slice %arg13[%add3A_34, %dma_start3A_505] : memref<40960x128xf32, #tpu.memory_space<hbm>> -> memref<128x128xf32, #tpu.memory_space<hbm>>
    tpu.enqueue_dma source(%arg20 : memref<128x128xf32, #tpu.memory_space<vmem>>) target(%dma_start3A_506 : memref<128x128xf32, #tpu.memory_space<hbm>>) target_semaphore(%arg28 : memref<!tpu.dma_semaphore, #tpu.memory_space<semaphore_mem>>)
    %dma_wait3A_507 = arith.constant 0 : i32
    %dma_wait3A_508 = tpu.memref_slice %arg14[%add3A_32, %dma_wait3A_507] : memref<40960x128xf32, #tpu.memory_space<hbm>> -> memref<128x128xf32, #tpu.memory_space<hbm>>
    %dma_wait3A_509 = arith.constant 0 : i32
    %dma_wait3A_510 = tpu.memref_slice %arg14[%add3A_32, %dma_wait3A_509] : memref<40960x128xf32, #tpu.memory_space<hbm>> -> memref<128x128xf32, #tpu.memory_space<hbm>>
    tpu.wait_dma2 semaphore(%arg27 : memref<!tpu.dma_semaphore, #tpu.memory_space<semaphore_mem>>) src(%arg19 : memref<128x128xf32, #tpu.memory_space<vmem>>) dst(%dma_wait3A_510 : memref<128x128xf32, #tpu.memory_space<hbm>>)
    %dma_start3A_511 = arith.constant 8 : i32
    %dma_start3A_512 = arith.constant 0 : i32
    %dma_start3A_513 = tpu.memref_slice %arg17[%dma_start3A_511, %dma_start3A_512] : memref<10x128xi32, #tpu.memory_space<vmem>> -> memref<1x128xi32, #tpu.memory_space<vmem>>
    %dma_start3A_514 = tpu.memref_squeeze %dma_start3A_513 : memref<1x128xi32, #tpu.memory_space<vmem>> -> memref<128xi32, #tpu.memory_space<vmem>>
    %dma_start3A_515 = arith.constant 0 : i32
    %dma_start3A_516 = arith.constant 0 : i32
    %dma_start3A_517 = tpu.memref_slice %arg8[%dma_start3A_515, %dma_start3A_516] : memref<100000x128xf32, #tpu.memory_space<hbm>> -> memref<100000x128xf32, #tpu.memory_space<hbm>>
    tpu.enqueue_indirect_dma source(%dma_start3A_517 : memref<100000x128xf32, #tpu.memory_space<hbm>>) target(%arg19 : memref<128x128xf32, #tpu.memory_space<vmem>>) offsets(%dma_start3A_514 : memref<128xi32, #tpu.memory_space<vmem>>) semaphore(%arg23 : memref<!tpu.dma_semaphore, #tpu.memory_space<semaphore_mem>>)
    %dma_wait3A_518 = arith.constant 7 : i32
    %dma_wait3A_519 = arith.constant 0 : i32
    %dma_wait3A_520 = tpu.memref_slice %arg17[%dma_wait3A_518, %dma_wait3A_519] : memref<10x128xi32, #tpu.memory_space<vmem>> -> memref<1x128xi32, #tpu.memory_space<vmem>>
    %dma_wait3A_521 = tpu.memref_squeeze %dma_wait3A_520 : memref<1x128xi32, #tpu.memory_space<vmem>> -> memref<128xi32, #tpu.memory_space<vmem>>
    %dma_wait3A_522 = arith.constant 0 : i32
    %dma_wait3A_523 = arith.constant 0 : i32
    %dma_wait3A_524 = tpu.memref_slice %arg8[%dma_wait3A_522, %dma_wait3A_523] : memref<100000x128xf32, #tpu.memory_space<hbm>> -> memref<100000x128xf32, #tpu.memory_space<hbm>>
    tpu.wait_indirect_dma semaphore(%arg25 : memref<!tpu.dma_semaphore, #tpu.memory_space<semaphore_mem>>) src(%dma_wait3A_524 : memref<100000x128xf32, #tpu.memory_space<hbm>>) dst(%arg21 : memref<128x128xf32, #tpu.memory_space<vmem>>)
    %dma_start3A_525 = arith.constant 0 : i32
    %dma_start3A_526 = tpu.memref_slice %arg14[%add3A_36, %dma_start3A_525] : memref<40960x128xf32, #tpu.memory_space<hbm>> -> memref<128x128xf32, #tpu.memory_space<hbm>>
    %dma_start3A_527 = arith.constant 0 : i32
    %dma_start3A_528 = tpu.memref_slice %arg14[%add3A_36, %dma_start3A_527] : memref<40960x128xf32, #tpu.memory_space<hbm>> -> memref<128x128xf32, #tpu.memory_space<hbm>>
    tpu.enqueue_dma source(%arg21 : memref<128x128xf32, #tpu.memory_space<vmem>>) target(%dma_start3A_528 : memref<128x128xf32, #tpu.memory_space<hbm>>) target_semaphore(%arg29 : memref<!tpu.dma_semaphore, #tpu.memory_space<semaphore_mem>>)
    %dma_wait3A_529 = arith.constant 0 : i32
    %dma_wait3A_530 = tpu.memref_slice %arg13[%add3A_34, %dma_wait3A_529] : memref<40960x128xf32, #tpu.memory_space<hbm>> -> memref<128x128xf32, #tpu.memory_space<hbm>>
    %dma_wait3A_531 = arith.constant 0 : i32
    %dma_wait3A_532 = tpu.memref_slice %arg13[%add3A_34, %dma_wait3A_531] : memref<40960x128xf32, #tpu.memory_space<hbm>> -> memref<128x128xf32, #tpu.memory_space<hbm>>
    tpu.wait_dma2 semaphore(%arg28 : memref<!tpu.dma_semaphore, #tpu.memory_space<semaphore_mem>>) src(%arg20 : memref<128x128xf32, #tpu.memory_space<vmem>>) dst(%dma_wait3A_532 : memref<128x128xf32, #tpu.memory_space<hbm>>)
    %dma_start3A_533 = arith.constant 9 : i32
    %dma_start3A_534 = arith.constant 0 : i32
    %dma_start3A_535 = tpu.memref_slice %arg17[%dma_start3A_533, %dma_start3A_534] : memref<10x128xi32, #tpu.memory_space<vmem>> -> memref<1x128xi32, #tpu.memory_space<vmem>>
    %dma_start3A_536 = tpu.memref_squeeze %dma_start3A_535 : memref<1x128xi32, #tpu.memory_space<vmem>> -> memref<128xi32, #tpu.memory_space<vmem>>
    %dma_start3A_537 = arith.constant 0 : i32
    %dma_start3A_538 = arith.constant 0 : i32
    %dma_start3A_539 = tpu.memref_slice %arg7[%dma_start3A_537, %dma_start3A_538] : memref<100000x128xf32, #tpu.memory_space<hbm>> -> memref<100000x128xf32, #tpu.memory_space<hbm>>
    tpu.enqueue_indirect_dma source(%dma_start3A_539 : memref<100000x128xf32, #tpu.memory_space<hbm>>) target(%arg20 : memref<128x128xf32, #tpu.memory_space<vmem>>) offsets(%dma_start3A_536 : memref<128xi32, #tpu.memory_space<vmem>>) semaphore(%arg24 : memref<!tpu.dma_semaphore, #tpu.memory_space<semaphore_mem>>)
    %dma_wait3A_540 = arith.constant 8 : i32
    %dma_wait3A_541 = arith.constant 0 : i32
    %dma_wait3A_542 = tpu.memref_slice %arg17[%dma_wait3A_540, %dma_wait3A_541] : memref<10x128xi32, #tpu.memory_space<vmem>> -> memref<1x128xi32, #tpu.memory_space<vmem>>
    %dma_wait3A_543 = tpu.memref_squeeze %dma_wait3A_542 : memref<1x128xi32, #tpu.memory_space<vmem>> -> memref<128xi32, #tpu.memory_space<vmem>>
    %dma_wait3A_544 = arith.constant 0 : i32
    %dma_wait3A_545 = arith.constant 0 : i32
    %dma_wait3A_546 = tpu.memref_slice %arg7[%dma_wait3A_544, %dma_wait3A_545] : memref<100000x128xf32, #tpu.memory_space<hbm>> -> memref<100000x128xf32, #tpu.memory_space<hbm>>
    tpu.wait_indirect_dma semaphore(%arg22 : memref<!tpu.dma_semaphore, #tpu.memory_space<semaphore_mem>>) src(%dma_wait3A_546 : memref<100000x128xf32, #tpu.memory_space<hbm>>) dst(%arg18 : memref<128x128xf32, #tpu.memory_space<vmem>>)
    %dma_start3A_547 = arith.constant 0 : i32
    %dma_start3A_548 = tpu.memref_slice %arg13[%add3A_38, %dma_start3A_547] : memref<40960x128xf32, #tpu.memory_space<hbm>> -> memref<128x128xf32, #tpu.memory_space<hbm>>
    %dma_start3A_549 = arith.constant 0 : i32
    %dma_start3A_550 = tpu.memref_slice %arg13[%add3A_38, %dma_start3A_549] : memref<40960x128xf32, #tpu.memory_space<hbm>> -> memref<128x128xf32, #tpu.memory_space<hbm>>
    tpu.enqueue_dma source(%arg18 : memref<128x128xf32, #tpu.memory_space<vmem>>) target(%dma_start3A_550 : memref<128x128xf32, #tpu.memory_space<hbm>>) target_semaphore(%arg26 : memref<!tpu.dma_semaphore, #tpu.memory_space<semaphore_mem>>)
    %dma_wait3A_551 = arith.constant 0 : i32
    %dma_wait3A_552 = tpu.memref_slice %arg14[%add3A_36, %dma_wait3A_551] : memref<40960x128xf32, #tpu.memory_space<hbm>> -> memref<128x128xf32, #tpu.memory_space<hbm>>
    %dma_wait3A_553 = arith.constant 0 : i32
    %dma_wait3A_554 = tpu.memref_slice %arg14[%add3A_36, %dma_wait3A_553] : memref<40960x128xf32, #tpu.memory_space<hbm>> -> memref<128x128xf32, #tpu.memory_space<hbm>>
    tpu.wait_dma2 semaphore(%arg29 : memref<!tpu.dma_semaphore, #tpu.memory_space<semaphore_mem>>) src(%arg21 : memref<128x128xf32, #tpu.memory_space<vmem>>) dst(%dma_wait3A_554 : memref<128x128xf32, #tpu.memory_space<hbm>>)
    %dma_start3A_555 = arith.constant 9 : i32
    %dma_start3A_556 = arith.constant 0 : i32
    %dma_start3A_557 = tpu.memref_slice %arg17[%dma_start3A_555, %dma_start3A_556] : memref<10x128xi32, #tpu.memory_space<vmem>> -> memref<1x128xi32, #tpu.memory_space<vmem>>
    %dma_start3A_558 = tpu.memref_squeeze %dma_start3A_557 : memref<1x128xi32, #tpu.memory_space<vmem>> -> memref<128xi32, #tpu.memory_space<vmem>>
    %dma_start3A_559 = arith.constant 0 : i32
    %dma_start3A_560 = arith.constant 0 : i32
    %dma_start3A_561 = tpu.memref_slice %arg8[%dma_start3A_559, %dma_start3A_560] : memref<100000x128xf32, #tpu.memory_space<hbm>> -> memref<100000x128xf32, #tpu.memory_space<hbm>>
    tpu.enqueue_indirect_dma source(%dma_start3A_561 : memref<100000x128xf32, #tpu.memory_space<hbm>>) target(%arg21 : memref<128x128xf32, #tpu.memory_space<vmem>>) offsets(%dma_start3A_558 : memref<128xi32, #tpu.memory_space<vmem>>) semaphore(%arg25 : memref<!tpu.dma_semaphore, #tpu.memory_space<semaphore_mem>>)
    %dma_wait3A_562 = arith.constant 8 : i32
    %dma_wait3A_563 = arith.constant 0 : i32
    %dma_wait3A_564 = tpu.memref_slice %arg17[%dma_wait3A_562, %dma_wait3A_563] : memref<10x128xi32, #tpu.memory_space<vmem>> -> memref<1x128xi32, #tpu.memory_space<vmem>>
    %dma_wait3A_565 = tpu.memref_squeeze %dma_wait3A_564 : memref<1x128xi32, #tpu.memory_space<vmem>> -> memref<128xi32, #tpu.memory_space<vmem>>
    %dma_wait3A_566 = arith.constant 0 : i32
    %dma_wait3A_567 = arith.constant 0 : i32
    %dma_wait3A_568 = tpu.memref_slice %arg8[%dma_wait3A_566, %dma_wait3A_567] : memref<100000x128xf32, #tpu.memory_space<hbm>> -> memref<100000x128xf32, #tpu.memory_space<hbm>>
    tpu.wait_indirect_dma semaphore(%arg23 : memref<!tpu.dma_semaphore, #tpu.memory_space<semaphore_mem>>) src(%dma_wait3A_568 : memref<100000x128xf32, #tpu.memory_space<hbm>>) dst(%arg19 : memref<128x128xf32, #tpu.memory_space<vmem>>)
    %dma_start3A_569 = arith.constant 0 : i32
    %dma_start3A_570 = tpu.memref_slice %arg14[%add3A_40, %dma_start3A_569] : memref<40960x128xf32, #tpu.memory_space<hbm>> -> memref<128x128xf32, #tpu.memory_space<hbm>>
    %dma_start3A_571 = arith.constant 0 : i32
    %dma_start3A_572 = tpu.memref_slice %arg14[%add3A_40, %dma_start3A_571] : memref<40960x128xf32, #tpu.memory_space<hbm>> -> memref<128x128xf32, #tpu.memory_space<hbm>>
    tpu.enqueue_dma source(%arg19 : memref<128x128xf32, #tpu.memory_space<vmem>>) target(%dma_start3A_572 : memref<128x128xf32, #tpu.memory_space<hbm>>) target_semaphore(%arg27 : memref<!tpu.dma_semaphore, #tpu.memory_space<semaphore_mem>>)
    %dma_wait3A_573 = arith.constant 9 : i32
    %dma_wait3A_574 = arith.constant 0 : i32
    %dma_wait3A_575 = tpu.memref_slice %arg17[%dma_wait3A_573, %dma_wait3A_574] : memref<10x128xi32, #tpu.memory_space<vmem>> -> memref<1x128xi32, #tpu.memory_space<vmem>>
    %dma_wait3A_576 = tpu.memref_squeeze %dma_wait3A_575 : memref<1x128xi32, #tpu.memory_space<vmem>> -> memref<128xi32, #tpu.memory_space<vmem>>
    %dma_wait3A_577 = arith.constant 0 : i32
    %dma_wait3A_578 = arith.constant 0 : i32
    %dma_wait3A_579 = tpu.memref_slice %arg7[%dma_wait3A_577, %dma_wait3A_578] : memref<100000x128xf32, #tpu.memory_space<hbm>> -> memref<100000x128xf32, #tpu.memory_space<hbm>>
    tpu.wait_indirect_dma semaphore(%arg24 : memref<!tpu.dma_semaphore, #tpu.memory_space<semaphore_mem>>) src(%dma_wait3A_579 : memref<100000x128xf32, #tpu.memory_space<hbm>>) dst(%arg20 : memref<128x128xf32, #tpu.memory_space<vmem>>)
    %dma_start3A_580 = arith.constant 0 : i32
    %dma_start3A_581 = tpu.memref_slice %arg13[%add3A_42, %dma_start3A_580] : memref<40960x128xf32, #tpu.memory_space<hbm>> -> memref<128x128xf32, #tpu.memory_space<hbm>>
    %dma_start3A_582 = arith.constant 0 : i32
    %dma_start3A_583 = tpu.memref_slice %arg13[%add3A_42, %dma_start3A_582] : memref<40960x128xf32, #tpu.memory_space<hbm>> -> memref<128x128xf32, #tpu.memory_space<hbm>>
    tpu.enqueue_dma source(%arg20 : memref<128x128xf32, #tpu.memory_space<vmem>>) target(%dma_start3A_583 : memref<128x128xf32, #tpu.memory_space<hbm>>) target_semaphore(%arg28 : memref<!tpu.dma_semaphore, #tpu.memory_space<semaphore_mem>>)
    %dma_wait3A_584 = arith.constant 9 : i32
    %dma_wait3A_585 = arith.constant 0 : i32
    %dma_wait3A_586 = tpu.memref_slice %arg17[%dma_wait3A_584, %dma_wait3A_585] : memref<10x128xi32, #tpu.memory_space<vmem>> -> memref<1x128xi32, #tpu.memory_space<vmem>>
    %dma_wait3A_587 = tpu.memref_squeeze %dma_wait3A_586 : memref<1x128xi32, #tpu.memory_space<vmem>> -> memref<128xi32, #tpu.memory_space<vmem>>
    %dma_wait3A_588 = arith.constant 0 : i32
    %dma_wait3A_589 = arith.constant 0 : i32
    %dma_wait3A_590 = tpu.memref_slice %arg8[%dma_wait3A_588, %dma_wait3A_589] : memref<100000x128xf32, #tpu.memory_space<hbm>> -> memref<100000x128xf32, #tpu.memory_space<hbm>>
    tpu.wait_indirect_dma semaphore(%arg25 : memref<!tpu.dma_semaphore, #tpu.memory_space<semaphore_mem>>) src(%dma_wait3A_590 : memref<100000x128xf32, #tpu.memory_space<hbm>>) dst(%arg21 : memref<128x128xf32, #tpu.memory_space<vmem>>)
    %dma_start3A_591 = arith.constant 0 : i32
    %dma_start3A_592 = tpu.memref_slice %arg14[%add3A_44, %dma_start3A_591] : memref<40960x128xf32, #tpu.memory_space<hbm>> -> memref<128x128xf32, #tpu.memory_space<hbm>>
    %dma_start3A_593 = arith.constant 0 : i32
    %dma_start3A_594 = tpu.memref_slice %arg14[%add3A_44, %dma_start3A_593] : memref<40960x128xf32, #tpu.memory_space<hbm>> -> memref<128x128xf32, #tpu.memory_space<hbm>>
    tpu.enqueue_dma source(%arg21 : memref<128x128xf32, #tpu.memory_space<vmem>>) target(%dma_start3A_594 : memref<128x128xf32, #tpu.memory_space<hbm>>) target_semaphore(%arg29 : memref<!tpu.dma_semaphore, #tpu.memory_space<semaphore_mem>>)
    %dma_wait3A_595 = arith.constant 0 : i32
    %dma_wait3A_596 = tpu.memref_slice %arg13[%add3A_38, %dma_wait3A_595] : memref<40960x128xf32, #tpu.memory_space<hbm>> -> memref<128x128xf32, #tpu.memory_space<hbm>>
    %dma_wait3A_597 = arith.constant 0 : i32
    %dma_wait3A_598 = tpu.memref_slice %arg13[%add3A_38, %dma_wait3A_597] : memref<40960x128xf32, #tpu.memory_space<hbm>> -> memref<128x128xf32, #tpu.memory_space<hbm>>
    tpu.wait_dma2 semaphore(%arg26 : memref<!tpu.dma_semaphore, #tpu.memory_space<semaphore_mem>>) src(%arg18 : memref<128x128xf32, #tpu.memory_space<vmem>>) dst(%dma_wait3A_598 : memref<128x128xf32, #tpu.memory_space<hbm>>)
    %dma_wait3A_599 = arith.constant 0 : i32
    %dma_wait3A_600 = tpu.memref_slice %arg14[%add3A_40, %dma_wait3A_599] : memref<40960x128xf32, #tpu.memory_space<hbm>> -> memref<128x128xf32, #tpu.memory_space<hbm>>
    %dma_wait3A_601 = arith.constant 0 : i32
    %dma_wait3A_602 = tpu.memref_slice %arg14[%add3A_40, %dma_wait3A_601] : memref<40960x128xf32, #tpu.memory_space<hbm>> -> memref<128x128xf32, #tpu.memory_space<hbm>>
    tpu.wait_dma2 semaphore(%arg27 : memref<!tpu.dma_semaphore, #tpu.memory_space<semaphore_mem>>) src(%arg19 : memref<128x128xf32, #tpu.memory_space<vmem>>) dst(%dma_wait3A_602 : memref<128x128xf32, #tpu.memory_space<hbm>>)
    %dma_wait3A_603 = arith.constant 0 : i32
    %dma_wait3A_604 = tpu.memref_slice %arg13[%add3A_42, %dma_wait3A_603] : memref<40960x128xf32, #tpu.memory_space<hbm>> -> memref<128x128xf32, #tpu.memory_space<hbm>>
    %dma_wait3A_605 = arith.constant 0 : i32
    %dma_wait3A_606 = tpu.memref_slice %arg13[%add3A_42, %dma_wait3A_605] : memref<40960x128xf32, #tpu.memory_space<hbm>> -> memref<128x128xf32, #tpu.memory_space<hbm>>
    tpu.wait_dma2 semaphore(%arg28 : memref<!tpu.dma_semaphore, #tpu.memory_space<semaphore_mem>>) src(%arg20 : memref<128x128xf32, #tpu.memory_space<vmem>>) dst(%dma_wait3A_606 : memref<128x128xf32, #tpu.memory_space<hbm>>)
    %dma_wait3A_607 = arith.constant 0 : i32
    %dma_wait3A_608 = tpu.memref_slice %arg14[%add3A_44, %dma_wait3A_607] : memref<40960x128xf32, #tpu.memory_space<hbm>> -> memref<128x128xf32, #tpu.memory_space<hbm>>
    %dma_wait3A_609 = arith.constant 0 : i32
    %dma_wait3A_610 = tpu.memref_slice %arg14[%add3A_44, %dma_wait3A_609] : memref<40960x128xf32, #tpu.memory_space<hbm>> -> memref<128x128xf32, #tpu.memory_space<hbm>>
    tpu.wait_dma2 semaphore(%arg29 : memref<!tpu.dma_semaphore, #tpu.memory_space<semaphore_mem>>) src(%arg21 : memref<128x128xf32, #tpu.memory_space<vmem>>) dst(%dma_wait3A_610 : memref<128x128xf32, #tpu.memory_space<hbm>>)
    return
  }
}

module attributes {stable_mosaic.version = 14 : i64} {
  func.func @_tc_body(%arg0: i32, %arg1: memref<512x128xf32, #tpu.memory_space<vmem>>, %arg2: memref<512x128xf32, #tpu.memory_space<vmem>>, %arg3: memref<512x128xf32, #tpu.memory_space<vmem>>, %arg4: memref<512x128xf32, #tpu.memory_space<vmem>>, %arg5: memref<20x512x128xf32, #tpu.memory_space<vmem>>, %arg6: memref<20x512x128xf32, #tpu.memory_space<vmem>>, %arg7: memref<128x128xf32, #tpu.memory_space<vmem>>, %arg8: memref<1x128xf32, #tpu.memory_space<vmem>>, %arg9: memref<512x1xf32, #tpu.memory_space<vmem>>, %arg10: memref<20x512x1xf32, #tpu.memory_space<vmem>>) attributes {dimension_semantics = [#tpu.dimension_semantics<arbitrary>], iteration_bounds = array<i64: 4>, scalar_prefetch = 0 : i64, scratch_operands = 0 : i64, tpu.core_type = #tpu.core_type<tc>, window_params = [{transform_indices = @transform_0, window_bounds = array<i64: 512, 128>}, {transform_indices = @transform_1, window_bounds = array<i64: 512, 128>}, {transform_indices = @transform_2, window_bounds = array<i64: 512, 128>}, {transform_indices = @transform_3, window_bounds = array<i64: 512, 128>}, {transform_indices = @transform_4, window_bounds = array<i64: 20, 512, 128>}, {transform_indices = @transform_5, window_bounds = array<i64: 20, 512, 128>}, {pipeline_mode = #tpu.pipeline_mode<synchronous>, transform_indices = @transform_6, window_bounds = array<i64: 128, 128>}, {pipeline_mode = #tpu.pipeline_mode<synchronous>, transform_indices = @transform_7, window_bounds = array<i64: 1, 128>}, {transform_indices = @transform_8, window_bounds = array<i64: 512, 1>}, {transform_indices = @transform_9, window_bounds = array<i64: 20, 512, 1>}]} {
    %get3A = arith.constant 0 : index
    %get3A_0 = arith.constant 0 : index
    %get3A_1 = vector.load %arg1[%get3A, %get3A_0] : memref<512x128xf32, #tpu.memory_space<vmem>>, vector<512x128xf32>
    %get3A_2 = arith.constant 0 : index
    %get3A_3 = arith.constant 0 : index
    %get3A_4 = vector.load %arg2[%get3A_2, %get3A_3] : memref<512x128xf32, #tpu.memory_space<vmem>>, vector<512x128xf32>
    %get3A_5 = arith.constant 0 : index
    %get3A_6 = arith.constant 0 : index
    %get3A_7 = vector.load %arg7[%get3A_5, %get3A_6] : memref<128x128xf32, #tpu.memory_space<vmem>>, vector<128x128xf32>
    %get3A_8 = arith.constant 0 : index
    %get3A_9 = arith.constant 0 : index
    %get3A_10 = vector.load %arg8[%get3A_8, %get3A_9] : memref<1x128xf32, #tpu.memory_space<vmem>>, vector<1x128xf32>
    %get3A_11 = arith.constant 0 : index
    %get3A_12 = arith.constant 0 : index
    %get3A_13 = vector.load %arg4[%get3A_11, %get3A_12] : memref<512x128xf32, #tpu.memory_space<vmem>>, vector<512x128xf32>
    %mul3A = arith.mulf %get3A_4, %get3A_13 : vector<512x128xf32>
    %dot_general3A = arith.constant dense<0.000000e+00> : vector<512x128xf32>
    %dot_general3A_14 = tpu.matmul %mul3A, %get3A_7, %dot_general3A {dimension_numbers = #tpu.dot_dimension_numbers<[1], [1], [0], [0], [0, 0, 1, 0], [], []>, transpose_lhs_hint = false} : vector<512x128xf32>, vector<128x128xf32>, vector<512x128xf32> -> vector<512x128xf32>
    %add3A = vector.broadcast %get3A_10 : vector<1x128xf32> to vector<512x128xf32>
    %add3A_15 = arith.addf %dot_general3A_14, %add3A : vector<512x128xf32>
    %mul3A_16 = arith.mulf %get3A_1, %add3A_15 : vector<512x128xf32>
    %mul3A_17 = arith.mulf %mul3A_16, %mul3A : vector<512x128xf32>
    %get3A_18 = arith.constant 0 : index
    %get3A_19 = arith.constant 0 : index
    %get3A_20 = vector.load %arg3[%get3A_18, %get3A_19] : memref<512x128xf32, #tpu.memory_space<vmem>>, vector<512x128xf32>
    %logistic3A = arith.negf %get3A_20 : vector<512x128xf32>
    %logistic3A_21 = math.exp %logistic3A : vector<512x128xf32>
    %logistic3A_22 = arith.constant 1.000000e+00 : f32
    %logistic3A_23 = vector.broadcast %logistic3A_22 : f32 to vector<512x128xf32>
    %logistic3A_24 = arith.addf %logistic3A_23, %logistic3A_21 : vector<512x128xf32>
    %logistic3A_25 = arith.divf %logistic3A_23, %logistic3A_24 : vector<512x128xf32>
    %mul3A_26 = arith.mulf %mul3A_17, %logistic3A_25 : vector<512x128xf32>
    %reduce_sum3A = arith.constant dense<0.000000e+00> : vector<512xf32>
    %reduce_sum3A_27 = vector.multi_reduction <add>, %mul3A_26, %reduce_sum3A [1] : vector<512x128xf32> to vector<512xf32>
    %broadcast_in_dim3A = vector.shape_cast %reduce_sum3A_27 : vector<512xf32> to vector<512x1xf32>
    %swap3A = arith.constant 0 : index
    %swap3A_28 = arith.constant 0 : index
    %swap3A_29 = vector.load %arg9[%swap3A, %swap3A_28] : memref<512x1xf32, #tpu.memory_space<vmem>>, vector<512x1xf32>
    tpu.vector_store %arg9[%swap3A, %swap3A_28], %broadcast_in_dim3A {strides = array<i32>} : memref<512x1xf32, #tpu.memory_space<vmem>>, vector<512x1xf32>,
    %get3A_30 = arith.constant 0 : index
    %get3A_31 = arith.constant 0 : index
    %get3A_32 = arith.constant 0 : index
    %get3A_33 = vector.load %arg5[%get3A_30, %get3A_31, %get3A_32] : memref<20x512x128xf32, #tpu.memory_space<vmem>>, vector<20x512x128xf32>
    %broadcast_in_dim3A_34 = vector.shape_cast %get3A_4 : vector<512x128xf32> to vector<1x512x128xf32>
    %mul3A_35 = vector.broadcast %broadcast_in_dim3A_34 : vector<1x512x128xf32> to vector<20x512x128xf32>
    %mul3A_36 = arith.mulf %get3A_33, %mul3A_35 : vector<20x512x128xf32>
    %reshape3A = vector.shape_cast %mul3A_36 : vector<20x512x128xf32> to vector<10240x128xf32>
    %dot_general3A_37 = arith.constant dense<0.000000e+00> : vector<10240x128xf32>
    %dot_general3A_38 = tpu.matmul %reshape3A, %get3A_7, %dot_general3A_37 {dimension_numbers = #tpu.dot_dimension_numbers<[1], [1], [0], [0], [0, 0, 1, 0], [], []>, transpose_lhs_hint = false} : vector<10240x128xf32>, vector<128x128xf32>, vector<10240x128xf32> -> vector<10240x128xf32>
    %reshape3A_39 = vector.shape_cast %dot_general3A_38 : vector<10240x128xf32> to vector<20x512x128xf32>
    %broadcast_in_dim3A_40 = vector.shape_cast %get3A_10 : vector<1x128xf32> to vector<1x1x128xf32>
    %add3A_41 = vector.broadcast %broadcast_in_dim3A_40 : vector<1x1x128xf32> to vector<20x512x128xf32>
    %add3A_42 = arith.addf %reshape3A_39, %add3A_41 : vector<20x512x128xf32>
    %broadcast_in_dim3A_43 = vector.shape_cast %get3A_1 : vector<512x128xf32> to vector<1x512x128xf32>
    %mul3A_44 = vector.broadcast %broadcast_in_dim3A_43 : vector<1x512x128xf32> to vector<20x512x128xf32>
    %mul3A_45 = arith.mulf %add3A_42, %mul3A_44 : vector<20x512x128xf32>
    %mul3A_46 = arith.mulf %mul3A_45, %mul3A_36 : vector<20x512x128xf32>
    %get3A_47 = arith.constant 0 : index
    %get3A_48 = arith.constant 0 : index
    %get3A_49 = arith.constant 0 : index
    %get3A_50 = vector.load %arg6[%get3A_47, %get3A_48, %get3A_49] : memref<20x512x128xf32, #tpu.memory_space<vmem>>, vector<20x512x128xf32>
    %logistic3A_51 = arith.negf %get3A_50 : vector<20x512x128xf32>
    %logistic3A_52 = math.exp %logistic3A_51 : vector<20x512x128xf32>
    %logistic3A_53 = arith.constant 1.000000e+00 : f32
    %logistic3A_54 = vector.broadcast %logistic3A_53 : f32 to vector<20x512x128xf32>
    %logistic3A_55 = arith.addf %logistic3A_54, %logistic3A_52 : vector<20x512x128xf32>
    %logistic3A_56 = arith.divf %logistic3A_54, %logistic3A_55 : vector<20x512x128xf32>
    %mul3A_57 = arith.mulf %mul3A_46, %logistic3A_56 : vector<20x512x128xf32>
    %reduce_sum3A_58 = arith.constant dense<0.000000e+00> : vector<20x512xf32>
    %reduce_sum3A_59 = vector.multi_reduction <add>, %mul3A_57, %reduce_sum3A_58 [2] : vector<20x512x128xf32> to vector<20x512xf32>
    %broadcast_in_dim3A_60 = vector.shape_cast %reduce_sum3A_59 : vector<20x512xf32> to vector<20x512x1xf32>
    %swap3A_61 = arith.constant 0 : index
    %swap3A_62 = arith.constant 0 : index
    %swap3A_63 = arith.constant 0 : index
    %swap3A_64 = vector.load %arg10[%swap3A_61, %swap3A_62, %swap3A_63] : memref<20x512x1xf32, #tpu.memory_space<vmem>>, vector<20x512x1xf32>
    tpu.vector_store %arg10[%swap3A_61, %swap3A_62, %swap3A_63], %broadcast_in_dim3A_60 {strides = array<i32>} : memref<20x512x1xf32, #tpu.memory_space<vmem>>, vector<20x512x1xf32>,
    return
  }
  func.func @transform_0(%arg0: i32) -> (i32, i32) {
    %c0_i32 = arith.constant 0 : i32
    %c0_i32_0 = arith.constant 0 : i32
    return %arg0, %c0_i32 : i32, i32
  }
  func.func @transform_1(%arg0: i32) -> (i32, i32) {
    %c0_i32 = arith.constant 0 : i32
    %c0_i32_0 = arith.constant 0 : i32
    return %arg0, %c0_i32 : i32, i32
  }
  func.func @transform_2(%arg0: i32) -> (i32, i32) {
    %c0_i32 = arith.constant 0 : i32
    %c0_i32_0 = arith.constant 0 : i32
    return %arg0, %c0_i32 : i32, i32
  }
  func.func @transform_3(%arg0: i32) -> (i32, i32) {
    %c0_i32 = arith.constant 0 : i32
    %c0_i32_0 = arith.constant 0 : i32
    return %arg0, %c0_i32 : i32, i32
  }
  func.func @transform_4(%arg0: i32) -> (i32, i32, i32) {
    %c0_i32 = arith.constant 0 : i32
    %c0_i32_0 = arith.constant 0 : i32
    %c0_i32_1 = arith.constant 0 : i32
    return %c0_i32, %arg0, %c0_i32_0 : i32, i32, i32
  }
  func.func @transform_5(%arg0: i32) -> (i32, i32, i32) {
    %c0_i32 = arith.constant 0 : i32
    %c0_i32_0 = arith.constant 0 : i32
    %c0_i32_1 = arith.constant 0 : i32
    return %c0_i32, %arg0, %c0_i32_0 : i32, i32, i32
  }
  func.func @transform_6(%arg0: i32) -> (i32, i32) {
    %c0_i32 = arith.constant 0 : i32
    %c0_i32_0 = arith.constant 0 : i32
    %c0_i32_1 = arith.constant 0 : i32
    return %c0_i32, %c0_i32_0 : i32, i32
  }
  func.func @transform_7(%arg0: i32) -> (i32, i32) {
    %c0_i32 = arith.constant 0 : i32
    %c0_i32_0 = arith.constant 0 : i32
    %c0_i32_1 = arith.constant 0 : i32
    return %c0_i32, %c0_i32_0 : i32, i32
  }
  func.func @transform_8(%arg0: i32) -> (i32, i32) {
    %c0_i32 = arith.constant 0 : i32
    %c0_i32_0 = arith.constant 0 : i32
    return %arg0, %c0_i32 : i32, i32
  }
  func.func @transform_9(%arg0: i32) -> (i32, i32, i32) {
    %c0_i32 = arith.constant 0 : i32
    %c0_i32_0 = arith.constant 0 : i32
    %c0_i32_1 = arith.constant 0 : i32
    return %c0_i32, %arg0, %c0_i32_0 : i32, i32, i32
  }
}

</mosaic_0001>

<sc_bundles>
// kernel: kernel.6.cloned.1.call-start
scs
__scs_entry_jumppad:
0x0: {  	(pc) =	sbr.rel $0x88, $3  }
0x1: {  	(tag) =	ssettag $0x0;
	lr =	simm.s32 $0x1  }
0x2: {  	[smem:$0x3F98] =	sst lr;
	_ =	strace $0xD0000000  }
0x3: {  	_ = 	snop  }
0x4: {  	_ = 	snop  }
0x5: {  	_ = 	snop  }
0x6: {  	_ = 	snop  }
0x7: {  	_ = 	snop  }
__scs_overlays_trampoline_lowered:
0x8: {  	[smem:$0x3FA7] =	sst s0  }
0x9: {  	[smem:$0x3FA8] =	sst s1  }
0xa: {  	[smem:$0x3FA9] =	sst s2  }
0xb: {  	[smem:$0x3FAA] =	sst s3  }
0xc: {  	[smem:$0x3FAB] =	sst s4  }
0xd: {  	[smem:$0x3FAC] =	sst s5  }
0xe: {  	[smem:$0x3FAD] =	sst s6  }
0xf: {  	[smem:$0x3FAE] =	sst s7  }
0x10: {  	[smem:$0x3FAF] =	sst s8  }
0x11: {  	[smem:$0x3FB0] =	sst s9;
	s0 =	simm.s32 @!p0 $0x0  }
0x12: {  	s1 =	sld [smem:$0x3F96];
	s0 =	simm.s32 @p0 $0x1  }
0x13: {  	[smem:$0x3FB1] =	sst s0;
	s0 =	simm.s32 @!p1 $0x0  }
0x14: {  	s2 =	sld [smem:$0x3F95];
	s0 =	simm.s32 @p1 $0x1  }
0x15: {  	[smem:$0x3FB2] =	sst s0;
	s0 =	simm.s32 @!p2 $0x0  }
0x16: {  	s3 =	sld [smem:$0x3FDB];
	s0 =	simm.s32 @p2 $0x1  }
0x17: {  	s4 =	simm.s32 $0x1BF5;
	[smem:$0x3FB4] =	sst s0  }
0x18: {  	s0 =	sld [smem:$0x3F97];
	_ =	swait.ge [sflag:s4], $0x0  }
0x19: {  	s7 =	sld [smem:$0x3F98]  }
0x1a: {  	s8 =	sadd.s32 $0xFFFFE003, lr  }
0x1b: {  	s9 =	sadd.s32 $0xFFFFFEF7, lr;
	s5 =	simm.s32 $0xFFFFFFFF;
	p2 =	slt.u32 s8, $0xFFFFF086  }
0x1c: {  	p1 =	slt.u32 s9, $0xF7A;
	s5 =	simm.s32 @!p2 $0x0  }
0x1d: {  	s5 =	simm.s32 @p1 $0x1;
	p0 =	seq.s32 s7, s2  }
0x1e: {  	s7 =	smul.u32 @!p0 $0xF7A, s2;
	p2 =	seq.s32 @!p0 s5, $0x0  }
0x1f: {  	s9 =	smul.u32 $0xF7A, s1;
	s8 =	simm.s32 @!p0 $0x1BF5;
	p2 =	por !p2, p0  }
0x20: {  	[sflag:s8] =	ssyncset.s32 @!p0 $0xFFFFF086;
	s6 =	sadd.s32 @!p0 s3, s7;
	s7 =	simm.s32 @!p0 $0x108  }
0x21: {  	s3 =	sadd.s32 s3, s9;
	s6 =	sadd.s32 @!p0 $0x88, s6;
	s7 =	simm.s32 @p2 $0x1082  }
0x22: {  	[simem:s7], [sflag:s8] =	dma.local @!p0 [hbm:s6], $0xF7A  }
0x23: {  	s9 =	sor.u32 $0xD0000000, s2;
	s6 =	simm.s32 $0x108;
	_ =	swait.ge @!p0 [sflag:s8], $0x0  }
0x24: {  	s3 =	sadd.s32 $0x88, s3;
	s6 =	simm.s32 @!p1 $0x1082;
	[sflag:s4] =	ssyncset.s32 $0xFFFFF086  }
0x25: {  	[simem:s6], [sflag:s4] =	dma.local [hbm:s3], $0xF7A  }
0x26: {  	[smem:$0x3F98] =	sst s1;
	(tag) =	ssettag s2;
	_ =	strace s9  }
0x27: {  	s1 =	sld [smem:$0x3FA8]  }
0x28: {  	s2 =	sld [smem:$0x3FA9]  }
0x29: {  	s4 =	sld [smem:$0x3FAB]  }
0x2a: {  	p0 =	seq.s32 s5, $0x0;
	s5 =	sld [smem:$0x3FAC]  }
0x2b: {  	s6 =	sld [smem:$0x3FAD]  }
0x2c: {  	s7 =	sld [smem:$0x3FAE]  }
0x2d: {  	s3 =	simm.s32 $0x108;
	s8 =	sld [smem:$0x3FAF]  }
0x2e: {  	s3 =	simm.s32 @!p0 $0x1082;
	s9 =	sld [smem:$0x3FB0]  }
0x2f: {  	lr =	sadd.s32 s0, s3;
	s0 =	sld [smem:$0x3FA7]  }
0x30: {  	s3 =	sld [smem:$0x3FAA]  }
0x31: {  	[smem:$0x3FB3] =	sst s10  }
0x32: {  	s10 =	sld [smem:$0x3FB1];
	_ =	sdelay $0x3  }
0x33: {  	p0 =	seq.s32 s10, $0x1;
	s10 =	sld [smem:$0x3FB3];
	_ =	sdelay $0x3  }
0x34: {  	[smem:$0x3FB3] =	sst s10  }
0x35: {  	s10 =	sld [smem:$0x3FB2];
	_ =	sdelay $0x3  }
0x36: {  	p1 =	seq.s32 s10, $0x1;
	s10 =	sld [smem:$0x3FB3];
	_ =	sdelay $0x3  }
0x37: {  	[smem:$0x3FB3] =	sst s10  }
0x38: {  	s10 =	sld [smem:$0x3FB4]  }
0x39: {  	_ = 	snop;
	(pc) =	sbr.ind lr, $3  }
0x3a: {  	_ = 	snop  }
0x3b: {  	_ = 	snop  }
0x3c: {  	p2 =	seq.s32 s10, $0x1;
	s10 =	sld [smem:$0x3FB3]  }
0x3d: {  	_ =	shalt  }
0x3e: {  	_ =	shalt  }
0x3f: {  	_ =	shalt  }
0x40: {  	_ =	shalt  }
0x41: {  	_ =	shalt  }
0x42: {  	_ =	shalt  }
0x43: {  	_ =	shalt  }
0x44: {  	_ =	shalt  }
0x45: {  	_ =	shalt  }
0x46: {  	_ =	shalt  }
0x47: {  	_ =	shalt  }
0x48: {  	_ =	shalt  }
0x49: {  	_ =	shalt  }
0x4a: {  	_ =	shalt  }
0x4b: {  	_ =	shalt  }
0x4c: {  	_ =	shalt  }
0x4d: {  	_ =	shalt  }
0x4e: {  	_ =	shalt  }
0x4f: {  	_ =	shalt  }
0x50: {  	_ =	shalt  }
0x51: {  	_ =	shalt  }
0x52: {  	_ =	shalt  }
0x53: {  	_ =	shalt  }
0x54: {  	_ =	shalt  }
0x55: {  	_ =	shalt  }
0x56: {  	_ =	shalt  }
0x57: {  	_ =	shalt  }
0x58: {  	_ =	shalt  }
0x59: {  	_ =	shalt  }
0x5a: {  	_ =	shalt  }
0x5b: {  	_ =	shalt  }
0x5c: {  	_ =	shalt  }
0x5d: {  	_ =	shalt  }
0x5e: {  	_ =	shalt  }
0x5f: {  	_ =	shalt  }
0x60: {  	_ =	shalt  }
0x61: {  	_ =	shalt  }
0x62: {  	_ =	shalt  }
0x63: {  	_ =	shalt  }
0x64: {  	_ =	shalt  }
0x65: {  	_ =	shalt  }
0x66: {  	_ =	shalt  }
0x67: {  	_ =	shalt  }
0x68: {  	_ =	shalt  }
0x69: {  	_ =	shalt  }
0x6a: {  	_ =	shalt  }
0x6b: {  	_ =	shalt  }
0x6c: {  	_ =	shalt  }
0x6d: {  	_ =	shalt  }
0x6e: {  	_ =	shalt  }
0x6f: {  	_ =	shalt  }
0x70: {  	_ =	shalt  }
0x71: {  	_ =	shalt  }
0x72: {  	_ =	shalt  }
0x73: {  	_ =	shalt  }
0x74: {  	_ =	shalt  }
0x75: {  	_ =	shalt  }
0x76: {  	_ =	shalt  }
0x77: {  	_ =	shalt  }
0x78: {  	_ =	shalt  }
0x79: {  	_ =	shalt  }
0x7a: {  	_ =	shalt  }
0x7b: {  	_ =	shalt  }
0x7c: {  	_ =	shalt  }
0x7d: {  	_ =	shalt  }
0x7e: {  	_ =	shalt  }
0x7f: {  	_ =	shalt  }
0x80: {  	_ =	shalt  }
0x81: {  	_ =	shalt  }
0x82: {  	_ =	shalt  }
0x83: {  	_ =	shalt  }
0x84: {  	_ =	shalt  }
0x85: {  	_ =	shalt  }
0x86: {  	_ =	shalt  }
0x87: {  	_ =	shalt  }
.Lfunc_end0:
.L_simem_size_0:
called_computation_lowered:
.L_overlay_start_0:
0x88: {  	s2 =	sld [smem:$0x3FD9]  }
0x89: {  	s3 =	sld [smem:$0x3FFE];
	_ =	sdelay $0x1  }
0x8a: {  	s1 =	srdreg.scid  }
0x8b: {  	s0 =	sand.u32 $0x1, s1  }
0x8c: {  	s15 =	sshll.u32 s0, $0xA;
	s2 =	sadd.s32 s3, s2  }
0x8d: {  	s2 =	sadd.s32 s2, s15  }
0x8e: {  	[smem:$0x3FBF] =	sst s2  }
0x8f: {  	_ = 	snop  }
0x90: {  	s2 =	sld [smem:$0x3FC6]  }
0x91: {  	s6 =	sld [smem:$0x3FD0]  }
0x92: {  	s4 =	sld [smem:$0x3FC5]  }
0x93: {  	s16 =	sld [smem:$0x3FC4]  }
0x94: {  	s7 =	simm.s32 $0xB;
	s8 =	simm.s32 $0x10;
	s5 =	sld [smem:$0x3FC3]  }
0x95: {  	[smem:s8], [sflag:s7] =	dma.local [hbm:s6], $0x1  }
0x96: {  	_ =	swait.eq [sflag:s7], $0x1  }
0x97: {  	[sflag:s7] =	ssyncset.done $0x0  }
0x98: {  	[sflag:s7] =	ssyncadd.s32 $0xFFFFFFFF  }
0x99: {  	s17 =	sld [smem:$0x10];
	(tm) =	ssettm $0x1  }
0x9a: {  	s18 =	sld [smem:$0x3FFB];
	_ =	sdelay $0x3  }
0x9b: {  	_ =	strace s18  }
0x9c: {  	s6 =	sld [smem:$0x3FFC];
	_ =	sdelay $0x3  }
0x9d: {  	_ =	strace s6  }
0x9e: {  	s6 =	sld [smem:$0x3FFD];
	_ =	sdelay $0x3  }
0x9f: {  	_ =	strace s6  }
0xa0: {  	_ =	strace $0x8FFFFFFF  }
0xa1: {  	s19 =	sld [smem:$0x3FDB];
	_ =	sdelay $0x1  }
0xa2: {  	s20 =	simm.s32 $_scs_section_size  }
0xa3: {  	s9 =	simm.s32 $_size__tile_overlayer_lowered;
	s10 =	simm.s32 $_tile_overlayer_lowered  }
0xa4: {  	s11 =	simm.s32 $0x1BFF;
	s21 =	sshll.u32 s10, $0x1;
	s8 =	sadd.s32 s20, s19  }
0xa5: {  	s22 =	simm.s32 $0x0;
	s9 =	sshll.u32 s9, $0x1;
	s10 =	sadd.s32 s21, s8  }
0xa6: {  	[timem:s22], [sflag:s11] =	dma.local [hbm:s10], s9  }
0xa7: {  	_ =	swait.ge [sflag:s11], s9  }
0xa8: {  	s9 =	ssub.s32 $0x0, s9;
	[sflag:s11] =	ssyncset.done $0x0  }
0xa9: {  	[sflag:s11] =	ssyncadd.s32 s9;
	_ =	sdelay $0x1  }
0xaa: {  	s23 =	simm.s32 $0x1B8B  }
0xab: {  	_ =	swait.ge [sflag:s23], $0x1  }
0xac: {  	[sflag:s23] =	ssyncset.done $0x0  }
0xad: {  	[sflag:s23] =	ssyncadd.s32 $0xFFFFFFFF  }
0xae: {  	s9 =	sld [smem:$0x0]  }
0xaf: {  	s10 =	sand.u32 $0xFFFFFFFE, s1  }
0xb0: {  	p0 =	sne.s32 s1, s10  }
0xb1: {  	s10 =	sshll.u32 @p0 s10, $0xE  }
0xb2: {  	s10 =	sadd.s32 @p0 $0x11B8D, s10;
	s11 =	sshll.u32 @p0 s9, $0x11  }
0xb3: {  	s10 =	sor.u32 @p0 s11, s10  }
0xb4: {  	[sflag:s10] =	ssyncadd.remote.s32 @p0 $0x1;
	_ =	sdelay $0x1  }
0xb5: {  	s10 =	simm.s32 @p0 $0x1B8D  }
0xb6: {  	_ =	swait.eq @p0 [sflag:s10], $0x1  }
0xb7: {  	[sflag:s10] =	ssyncadd.s32 @p0 $0xFFFFFFFF  }
0xb8: {  	s11 =	sshll.u32 @!p0 s1, $0xE  }
0xb9: {  	s11 =	sor.u32 @!p0 $0x4000, s11;
	s10 =	simm.s32 @!p0 $0x1B8D  }
0xba: {  	s9 =	sshll.u32 @!p0 s9, $0x11;
	s11 =	sadd.s32 @!p0 $0x11B8D, s11;
	_ =	swait.eq @!p0 [sflag:s10], $0x1  }
0xbb: {  	s9 =	sor.u32 @!p0 s9, s11;
	[sflag:s10] =	ssyncadd.s32 @!p0 $0xFFFFFFFF  }
0xbc: {  	s25 =	simm.s32 $0x1B8E;
	s24 =	sld [smem:$0x3FFE];
	[sflag:s9] =	ssyncadd.remote.s32 @!p0 $0x1  }
0xbd: {  	s26 =	simm.s32 $execute0_lowered;
	[smem:$0x3FD2] =	sst s25  }
0xbe: {  	s10 =	sshll.u32 s26, $0x1;
	_ =	strace $0x80000049;
	[dreg:$0x1] =	wrdreg $0xFFFFFFFF  }
0xbf: {  	s28 =	simm.s32 $_size_execute0_lowered;
	s8 =	sadd.s32 s8, s10;
	[dreg:$0x0] =	wrdreg $0x0  }
0xc0: {  	s10 =	sshll.u32 s28, $0x1;
	[dreg:$0x2] =	wrdreg s8  }
0xc1: {  	[dreg:$0x3] =	wrdreg s10  }
0xc2: {  	[dreg:$0x4] =	wrdreg $0xC0  }
0xc3: {  	_ =	task [dreg:s22], $0x5FFFF  }
0xc4: {  	[dreg:$0x1] =	wrdreg $0xFFFFFFFF  }
0xc5: {  	[dreg:$0x0] =	wrdreg $0x60  }
0xc6: {  	[dreg:$0x2] =	wrdreg s24  }
0xc7: {  	[dreg:$0x3] =	wrdreg s17  }
0xc8: {  	[dreg:$0x4] =	wrdreg s4  }
0xc9: {  	[dreg:$0x5] =	wrdreg s2  }
0xca: {  	[dreg:$0x6] =	wrdreg s5  }
0xcb: {  	[dreg:$0x7] =	wrdreg s16  }
0xcc: {  	[dreg:$0x8] =	wrdreg $0x9  }
0xcd: {  	_ =	task.clear_ibuf [dreg:s22], $0x9FFFF;
	_ =	strace $0x90000049  }
0xce: {  	s29 =	simm.s32 $0x9;
	_ =	strace $0x8000004B  }
0xcf: {  	_ =	swait.ge [sflag:s29], $0x1  }
0xd0: {  	[sflag:s29] =	ssyncadd.s32 $0xFFFFFFFF  }
0xd1: {  	_ =	strace $0x9000004B  }
0xd2: {  	_ =	sfence  }
0xd3: {  	s30 =	sld [smem:$0x0];
	_ =	sdelay $0x2  }
0xd4: {  	s31 =	sshll.u32 s1, $0xD;
	s1 =	sshrl.u32 s1, $0x2  }
0xd5: {  	s3 =	sand.u32 $0x4000, s31;
	s1 =	sadd.s32 s1, s30  }
0xd6: {  	s0 =	sor.u32 s3, s0;
	s1 =	sshll.u32 s1, $0x11  }
0xd7: {  	s0 =	sor.u32 s1, s0  }
0xd8: {  	s0 =	sadd.s32 $0x8F2B, s0  }
0xd9: {  	[sflag:s0] =	ssyncadd.remote.s32 $0x1  }
0xda: {  	_ =	sfence.sel $0xFFFF  }
0xdb: {  	[dreg:$0x0] =	wrdreg $0xFFFFFFFF;
	(pc) =	sbr.abs _section_cstart, $3  }
0xdc: {  	[dreg:$0x1] =	wrdreg $0xFFFFFFFF  }
0xdd: {  	_ =	task.clear_ibuf [dreg:s22], $0x2FFFF;
	_ =	strace $0x9FFFFFFF  }
0xde: {  	(tm) =	ssettm $0x7FFFFFFF  }
0xdf: {  	_ =	shalt  }
tec
execute0_lowered:
.L_overlay_start_1:
0x0: {  	(tag) =	ssettag $0x1  }
0x1: {  	s0 =	rddreg [dreg:$0x0]  }
0x2: {  	s5 =	rddreg [dreg:$0x1]  }
0x3: {  	s1 =	rddreg [dreg:$0x2]  }
0x4: {  	s24 =	rddreg [dreg:$0x3]  }
0x5: {  	s25 =	srdreg.scid;
	s4 =	rddreg [dreg:$0x4]  }
0x6: {  	s2 =	stileid.u32;
	s3 =	rddreg [dreg:$0x5];
	s31 =	simm.s32 $0x9  }
0x7: {  	s29 =	simm.s32 $0x100;
	s30 =	simm.s32 $0x40;
	s28 =	simm.s32 $0x180  }
0x8: {  	[dreg:$0x7] =	wrdreg s1;
	s1 =	sand.u32 $0x1, s25;
	s2 =	sshll.u32 s2, $0x1  }
0x9: {  	p0 =	por $0x0, $0x0;
	[dreg:$0x8] =	wrdreg s24;
	s6 =	sor.u32 s1, s2  }
0xa: {  	s2 =	simm.s32 $0x0;
	s1 =	ssub.s32 $0x2, s1;
	s7 =	sshll.u32 s6, $0x3  }
0xb: {  	[smem:$0x7FF] =	sst s2;
	s9 =	sshll.u32 s6, $0x8;
	s10 =	sshll.u32 s6, $0xA  }
0xc: {  	s8 =	sadd.s32 s7, s0;
	_ =	strace $0x8000004A;
	s5 =	sadd.s32 s5, s7  }
0xd: {  	s26 =	sadd.s32 s10, s0;
	s8 =	sadd.s32 $0x3400, s8;
	[dreg:$0xa] =	wrdreg s5  }
0xe: {  	s12 =	smul.u32 $0x5000, s6;
	s10 =	sadd.s32 $0x16D600, s26;
	[dreg:$0x9] =	wrdreg s8  }
0xf: {  	s6 =	smul.u32 $0x28000, s6;
	s11 =	sadd.s32 $0x175600, s26;
	[dreg:$0xd] =	wrdreg s10  }
0x10: {  	s9 =	sadd.s32 s9, s0;
	s13 =	sadd.s32 $0x17D600, s26;
	[dreg:$0xe] =	wrdreg s11  }
0x11: {  	s7 =	simm.s32 $0x7;
	s8 =	sadd.s32 $0x163600, s9;
	[dreg:$0xf] =	wrdreg s13  }
0x12: {  	s9 =	sadd.s32 $0x165600, s26;
	[dreg:$0xb] =	wrdreg s8;
	s8 =	sadd.s32 $0x185600, s0  }
0x13: {  	[dreg:$0xc] =	wrdreg s9;
	s0 =	sadd.s32 $0x225600, s0;
	s14 =	sadd.s32 s8, s12  }
0x14: {  	s16 =	sor.u32 $0x800, s12;
	s15 =	sadd.s32 s0, s12;
	[dreg:$0x10] =	wrdreg s14  }
0x15: {  	s6 =	sshrl.u32 s6, $0x3;
	s17 =	sadd.s32 s8, s16;
	[dreg:$0x11] =	wrdreg s15  }
0x16: {  	s19 =	sadd.s32 $0x1000, s6;
	s18 =	sadd.s32 s0, s16;
	[dreg:$0x12] =	wrdreg s17  }
0x17: {  	s22 =	sadd.s32 $0x1800, s6;
	s20 =	sadd.s32 s8, s19;
	[dreg:$0x13] =	wrdreg s18  }
0x18: {  	s25 =	sadd.s32 $0x2000, s6;
	s21 =	sadd.s32 s0, s19;
	[dreg:$0x14] =	wrdreg s20  }
0x19: {  	s10 =	sadd.s32 $0x2800, s6;
	s23 =	sadd.s32 s8, s22;
	[dreg:$0x15] =	wrdreg s21  }
0x1a: {  	s13 =	sadd.s32 $0x3000, s6;
	s24 =	sadd.s32 s0, s22;
	[dreg:$0x16] =	wrdreg s23  }
0x1b: {  	s26 =	sadd.s32 s8, s25;
	s9 =	sadd.s32 s0, s25;
	[dreg:$0x17] =	wrdreg s24  }
0x1c: {  	s11 =	sadd.s32 s8, s10;
	s12 =	sadd.s32 s0, s10;
	[dreg:$0x18] =	wrdreg s26  }
0x1d: {  	s16 =	sadd.s32 $0x3800, s6;
	s19 =	sadd.s32 $0x4000, s6;
	[dreg:$0x19] =	wrdreg s9  }
0x1e: {  	s6 =	sadd.s32 $0x4800, s6;
	s22 =	sshrl.u32 s1, $0x1;
	[dreg:$0x1a] =	wrdreg s11  }
0x1f: {  	s10 =	simm.s32 $0xC900;
	s25 =	simm.s32 $0x280;
	[dreg:$0x1b] =	wrdreg s12  }
0x20: {  	s14 =	sadd.s32 s8, s13;
	s15 =	sadd.s32 s0, s13;
	s17 =	sadd.s32 s8, s16  }
0x21: {  	s18 =	sadd.s32 s0, s16;
	s20 =	sadd.s32 s8, s19;
	s21 =	sadd.s32 s0, s19  }
0x22: {  	s23 =	sadd.s32 s8, s6;
	s5 =	sadd.s32 s0, s6;
	s0 =	rddreg [dreg:$0x9]  }
0x23: {  	s1 =	ssub.s32 s1, s22;
	s12 =	simm.s32 $0x4900;
	[dreg:$0x1c] =	wrdreg s14  }
0x24: {  	s11 =	simm.s32 $0x8900;
	s16 =	simm.s32 $0x2;
	[dreg:$0x1d] =	wrdreg s15  }
0x25: {  	s9 =	simm.s32 $0x5;
	s8 =	simm.s32 $0x6;
	[dreg:$0x1e] =	wrdreg s17  }
0x26: {  	s13 =	simm.s32 $0x4;
	[dreg:$0x1f] =	wrdreg s18;
	s24 =	smax.u32 s1, $0x1  }
0x27: {  	s6 =	simm.s32 $0x8;
	[smem:$0x7FB] =	sst s20;
	p1 =	sne.s32 s24, $0x1  }
.Ltmp0:
0x28: {  	s26 =	simm.s32 $0x200;
	[smem:$0x7FC] =	sst s21;
	(pc) =	sbr.rel @!p1 .LBB2_3-.Ltmp0, $4  }
0x29: {  	s22 =	simm.s32 $0x400;
	s19 =	simm.s32 $0x580;
	[smem:$0x7FD] =	sst s23  }
0x2a: {  	s14 =	simm.s32 $0x80;
	s17 =	simm.s32 $0x900;
	s18 =	simm.s32 $0x1  }
0x2b: {  	s15 =	simm.s32 $0x3;
	s23 =	simm.s32 $0x380;
	s21 =	simm.s32 $0x480  }
0x2c: {  	s20 =	simm.s32 $0x500;
	s1 =	sadd.s32 $0xFFFFFFFF, s24;
	s24 =	simm.s32 $0x300  }
0x2d: {  	[tilespmem:s2], [sflag:$0x9] =	stream.linear.gather [hbm4b:s0+s2], $0x40, $0x38;
	[tilespmem:$0x10900] =	vst v63  }
0x2e: {  	_ =	swait.ge [sflag:s31], $0x40  }
0x2f: {  	[sflag:s31] =	ssyncset.done $0x0  }
0x30: {  	s0 =	rddreg [dreg:$0xa];
	[sflag:s31] =	ssyncadd.s32 $0xFFFFFFC0  }
0x31: {  	[tilespmem:s14], [sflag:$0x9] =	stream.linear.gather [hbm4b:s0+s2], $0x40, $0x38;
	[tilespmem:$0x10900] =	vst v63  }
0x32: {  	_ =	swait.ge [sflag:s31], $0x40  }
0x33: {  	[sflag:s31] =	ssyncset.done $0x0  }
0x34: {  	s0 =	rddreg [dreg:$0xb];
	[sflag:s31] =	ssyncadd.s32 $0xFFFFFFC0  }
0x35: {  	[tilespmem:s29], [sflag:$0x9] =	stream.linear.gather [hbm4b:s0+s2], $0x500, $0x38;
	[tilespmem:$0x10900] =	vst v63  }
0x36: {  	_ =	swait.ge [sflag:s31], $0x500  }
0x37: {  	s0 =	rddreg [dreg:$0x7];
	[sflag:s31] =	ssyncset.done $0x0  }
0x38: {  	[smem:$0x7FA] =	sst s1;
	[sflag:s31] =	ssyncadd.s32 $0xFFFFFB00  }
0x39: {  	[tilespmem:s17], [sflag:$0x1] =	stream.indirect.gather [hbm4b:s0+s30], $0x80, s2, s30, $0xb8;
	[tilespmem:$0x10900] =	vst v63  }
0x3a: {  	s1 =	rddreg [dreg:$0x8]  }
0x3b: {  	[tilespmem:s12], [sflag:$0x2] =	stream.indirect.gather [hbm4b:s1+s30], $0x80, s2, s30, $0xb8;
	[tilespmem:$0x10900] =	vst v63  }
0x3c: {  	_ = 	snop  }
0x3d: {  	[tilespmem:s11], [sflag:$0x3] =	stream.indirect.gather [hbm4b:s4+s30], $0x80, s14, s30, $0xb8;
	[tilespmem:$0x10900] =	vst v63  }
0x3e: {  	_ =	swait.ge [sflag:s18], $0x2000  }
0x3f: {  	[sflag:s18] =	ssyncset.done $0x0  }
0x40: {  	s1 =	rddreg [dreg:$0xc];
	[sflag:s18] =	ssyncadd.s32 $0xFFFFE000  }
0x41: {  	[hbm4b:s1+s2] =	stream.linear.scatter [tilespmem:s17], [sflag:$0x5], $0x2000, $0x38;
	[tilespmem:$0x10900] =	vst v63  }
0x42: {  	_ = 	snop  }
0x43: {  	[tilespmem:s10], [sflag:$0x4] =	stream.indirect.gather [hbm4b:s3+s30], $0x80, s14, s30, $0xb8;
	[tilespmem:$0x10900] =	vst v63  }
0x44: {  	_ =	swait.ge [sflag:s16], $0x2000  }
0x45: {  	[sflag:s16] =	ssyncset.done $0x0  }
0x46: {  	s1 =	rddreg [dreg:$0xd];
	[sflag:s16] =	ssyncadd.s32 $0xFFFFE000  }
0x47: {  	[hbm4b:s1+s2] =	stream.linear.scatter [tilespmem:s12], [sflag:$0x6], $0x2000, $0x38;
	[tilespmem:$0x10900] =	vst v63  }
0x48: {  	_ =	swait.ge [sflag:s9], $0x2000  }
0x49: {  	[sflag:s9] =	ssyncset.done $0x0  }
0x4a: {  	[sflag:s9] =	ssyncadd.s32 $0xFFFFE000  }
0x4b: {  	[tilespmem:s17], [sflag:$0x1] =	stream.indirect.gather [hbm4b:s4+s14], $0x80, s29, s14, $0xb8;
	[tilespmem:$0x10900] =	vst v63  }
0x4c: {  	_ =	swait.ge [sflag:s15], $0x2000  }
0x4d: {  	[sflag:s15] =	ssyncset.done $0x0  }
0x4e: {  	s1 =	rddreg [dreg:$0xe];
	[sflag:s15] =	ssyncadd.s32 $0xFFFFE000  }
0x4f: {  	[hbm4b:s1+s2] =	stream.linear.scatter [tilespmem:s11], [sflag:$0x7], $0x2000, $0x38;
	[tilespmem:$0x10900] =	vst v63  }
0x50: {  	_ =	swait.ge [sflag:s8], $0x2000  }
0x51: {  	[sflag:s8] =	ssyncset.done $0x0  }
0x52: {  	[sflag:s8] =	ssyncadd.s32 $0xFFFFE000  }
0x53: {  	[tilespmem:s12], [sflag:$0x2] =	stream.indirect.gather [hbm4b:s3+s14], $0x80, s29, s14, $0xb8;
	[tilespmem:$0x10900] =	vst v63  }
0x54: {  	_ =	swait.ge [sflag:s13], $0x2000  }
0x55: {  	[sflag:s13] =	ssyncset.done $0x0  }
0x56: {  	s1 =	rddreg [dreg:$0xf];
	[sflag:s13] =	ssyncadd.s32 $0xFFFFE000  }
0x57: {  	[hbm4b:s1+s2] =	stream.linear.scatter [tilespmem:s10], [sflag:$0x8], $0x2000, $0x38;
	[tilespmem:$0x10900] =	vst v63  }
0x58: {  	_ =	swait.ge [sflag:s7], $0x2000  }
0x59: {  	[sflag:s7] =	ssyncset.done $0x0  }
0x5a: {  	[sflag:s7] =	ssyncadd.s32 $0xFFFFE000  }
0x5b: {  	[tilespmem:s11], [sflag:$0x3] =	stream.indirect.gather [hbm4b:s4+s14], $0x80, s28, s14, $0xb8;
	[tilespmem:$0x10900] =	vst v63  }
0x5c: {  	_ =	swait.ge [sflag:s18], $0x4000  }
0x5d: {  	[sflag:s18] =	ssyncset.done $0x0  }
0x5e: {  	s1 =	rddreg [dreg:$0x10];
	[sflag:s18] =	ssyncadd.s32 $0xFFFFC000  }
0x5f: {  	[hbm4b:s1+s2] =	stream.linear.scatter [tilespmem:s17], [sflag:$0x5], $0x4000, $0x38;
	[tilespmem:$0x10900] =	vst v63  }
0x60: {  	_ =	swait.ge [sflag:s6], $0x2000  }
0x61: {  	[sflag:s6] =	ssyncset.done $0x0  }
0x62: {  	[sflag:s6] =	ssyncadd.s32 $0xFFFFE000  }
0x63: {  	[tilespmem:s10], [sflag:$0x4] =	stream.indirect.gather [hbm4b:s3+s14], $0x80, s28, s14, $0xb8;
	[tilespmem:$0x10900] =	vst v63  }
0x64: {  	_ =	swait.ge [sflag:s16], $0x4000  }
0x65: {  	[sflag:s16] =	ssyncset.done $0x0  }
0x66: {  	s1 =	rddreg [dreg:$0x11];
	[sflag:s16] =	ssyncadd.s32 $0xFFFFC000  }
0x67: {  	[hbm4b:s1+s2] =	stream.linear.scatter [tilespmem:s12], [sflag:$0x6], $0x4000, $0x38;
	[tilespmem:$0x10900] =	vst v63  }
0x68: {  	_ =	swait.ge [sflag:s9], $0x4000  }
0x69: {  	[sflag:s9] =	ssyncset.done $0x0  }
0x6a: {  	[sflag:s9] =	ssyncadd.s32 $0xFFFFC000  }
0x6b: {  	[tilespmem:s17], [sflag:$0x1] =	stream.indirect.gather [hbm4b:s4+s14], $0x80, s26, s14, $0xb8;
	[tilespmem:$0x10900] =	vst v63  }
0x6c: {  	_ =	swait.ge [sflag:s15], $0x4000  }
0x6d: {  	[sflag:s15] =	ssyncset.done $0x0  }
0x6e: {  	s1 =	rddreg [dreg:$0x12];
	[sflag:s15] =	ssyncadd.s32 $0xFFFFC000  }
0x6f: {  	[hbm4b:s1+s2] =	stream.linear.scatter [tilespmem:s11], [sflag:$0x7], $0x4000, $0x38;
	[tilespmem:$0x10900] =	vst v63  }
0x70: {  	_ =	swait.ge [sflag:s8], $0x4000  }
0x71: {  	[sflag:s8] =	ssyncset.done $0x0  }
0x72: {  	[sflag:s8] =	ssyncadd.s32 $0xFFFFC000  }
0x73: {  	[tilespmem:s12], [sflag:$0x2] =	stream.indirect.gather [hbm4b:s3+s14], $0x80, s26, s14, $0xb8;
	[tilespmem:$0x10900] =	vst v63  }
0x74: {  	_ =	swait.ge [sflag:s13], $0x4000  }
0x75: {  	[sflag:s13] =	ssyncset.done $0x0  }
0x76: {  	s1 =	rddreg [dreg:$0x13];
	[sflag:s13] =	ssyncadd.s32 $0xFFFFC000  }
0x77: {  	[hbm4b:s1+s2] =	stream.linear.scatter [tilespmem:s10], [sflag:$0x8], $0x4000, $0x38;
	[tilespmem:$0x10900] =	vst v63  }
0x78: {  	_ =	swait.ge [sflag:s7], $0x4000  }
0x79: {  	[sflag:s7] =	ssyncset.done $0x0  }
0x7a: {  	[sflag:s7] =	ssyncadd.s32 $0xFFFFC000  }
0x7b: {  	[tilespmem:s11], [sflag:$0x3] =	stream.indirect.gather [hbm4b:s4+s14], $0x80, s25, s14, $0xb8;
	[tilespmem:$0x10900] =	vst v63  }
0x7c: {  	_ =	swait.ge [sflag:s18], $0x4000  }
0x7d: {  	[sflag:s18] =	ssyncset.done $0x0  }
0x7e: {  	s1 =	rddreg [dreg:$0x14];
	[sflag:s18] =	ssyncadd.s32 $0xFFFFC000  }
0x7f: {  	[hbm4b:s1+s2] =	stream.linear.scatter [tilespmem:s17], [sflag:$0x5], $0x4000, $0x38;
	[tilespmem:$0x10900] =	vst v63  }
0x80: {  	_ =	swait.ge [sflag:s6], $0x4000  }
0x81: {  	[sflag:s6] =	ssyncset.done $0x0  }
0x82: {  	[sflag:s6] =	ssyncadd.s32 $0xFFFFC000  }
0x83: {  	[tilespmem:s10], [sflag:$0x4] =	stream.indirect.gather [hbm4b:s3+s14], $0x80, s25, s14, $0xb8;
	[tilespmem:$0x10900] =	vst v63  }
0x84: {  	_ =	swait.ge [sflag:s16], $0x4000  }
0x85: {  	[sflag:s16] =	ssyncset.done $0x0  }
0x86: {  	s1 =	rddreg [dreg:$0x15];
	[sflag:s16] =	ssyncadd.s32 $0xFFFFC000  }
0x87: {  	[hbm4b:s1+s2] =	stream.linear.scatter [tilespmem:s12], [sflag:$0x6], $0x4000, $0x38;
	[tilespmem:$0x10900] =	vst v63  }
0x88: {  	_ =	swait.ge [sflag:s9], $0x4000  }
0x89: {  	[sflag:s9] =	ssyncset.done $0x0  }
0x8a: {  	[sflag:s9] =	ssyncadd.s32 $0xFFFFC000  }
0x8b: {  	[tilespmem:s17], [sflag:$0x1] =	stream.indirect.gather [hbm4b:s4+s14], $0x80, s24, s14, $0xb8;
	[tilespmem:$0x10900] =	vst v63  }
0x8c: {  	_ =	swait.ge [sflag:s15], $0x4000  }
0x8d: {  	[sflag:s15] =	ssyncset.done $0x0  }
0x8e: {  	s1 =	rddreg [dreg:$0x16];
	[sflag:s15] =	ssyncadd.s32 $0xFFFFC000  }
0x8f: {  	[hbm4b:s1+s2] =	stream.linear.scatter [tilespmem:s11], [sflag:$0x7], $0x4000, $0x38;
	[tilespmem:$0x10900] =	vst v63  }
0x90: {  	_ =	swait.ge [sflag:s8], $0x4000  }
0x91: {  	[sflag:s8] =	ssyncset.done $0x0  }
0x92: {  	[sflag:s8] =	ssyncadd.s32 $0xFFFFC000  }
0x93: {  	[tilespmem:s12], [sflag:$0x2] =	stream.indirect.gather [hbm4b:s3+s14], $0x80, s24, s14, $0xb8;
	[tilespmem:$0x10900] =	vst v63  }
0x94: {  	_ =	swait.ge [sflag:s13], $0x4000  }
0x95: {  	[sflag:s13] =	ssyncset.done $0x0  }
0x96: {  	s1 =	rddreg [dreg:$0x17];
	[sflag:s13] =	ssyncadd.s32 $0xFFFFC000  }
0x97: {  	[hbm4b:s1+s2] =	stream.linear.scatter [tilespmem:s10], [sflag:$0x8], $0x4000, $0x38;
	[tilespmem:$0x10900] =	vst v63  }
0x98: {  	_ =	swait.ge [sflag:s7], $0x4000  }
0x99: {  	[sflag:s7] =	ssyncset.done $0x0  }
0x9a: {  	[sflag:s7] =	ssyncadd.s32 $0xFFFFC000  }
0x9b: {  	[tilespmem:s11], [sflag:$0x3] =	stream.indirect.gather [hbm4b:s4+s14], $0x80, s23, s14, $0xb8;
	[tilespmem:$0x10900] =	vst v63  }
0x9c: {  	_ =	swait.ge [sflag:s18], $0x4000  }
0x9d: {  	[sflag:s18] =	ssyncset.done $0x0  }
0x9e: {  	s1 =	rddreg [dreg:$0x18];
	[sflag:s18] =	ssyncadd.s32 $0xFFFFC000  }
0x9f: {  	[hbm4b:s1+s2] =	stream.linear.scatter [tilespmem:s17], [sflag:$0x5], $0x4000, $0x38;
	[tilespmem:$0x10900] =	vst v63  }
0xa0: {  	_ =	swait.ge [sflag:s6], $0x4000  }
0xa1: {  	[sflag:s6] =	ssyncset.done $0x0  }
0xa2: {  	[sflag:s6] =	ssyncadd.s32 $0xFFFFC000  }
0xa3: {  	[tilespmem:s10], [sflag:$0x4] =	stream.indirect.gather [hbm4b:s3+s14], $0x80, s23, s14, $0xb8;
	[tilespmem:$0x10900] =	vst v63  }
0xa4: {  	_ =	swait.ge [sflag:s16], $0x4000  }
0xa5: {  	[sflag:s16] =	ssyncset.done $0x0  }
0xa6: {  	s1 =	rddreg [dreg:$0x19];
	[sflag:s16] =	ssyncadd.s32 $0xFFFFC000  }
0xa7: {  	[hbm4b:s1+s2] =	stream.linear.scatter [tilespmem:s12], [sflag:$0x6], $0x4000, $0x38;
	[tilespmem:$0x10900] =	vst v63  }
0xa8: {  	_ =	swait.ge [sflag:s9], $0x4000  }
0xa9: {  	[sflag:s9] =	ssyncset.done $0x0  }
0xaa: {  	[sflag:s9] =	ssyncadd.s32 $0xFFFFC000  }
0xab: {  	[tilespmem:s17], [sflag:$0x1] =	stream.indirect.gather [hbm4b:s4+s14], $0x80, s22, s14, $0xb8;
	[tilespmem:$0x10900] =	vst v63  }
0xac: {  	_ =	swait.ge [sflag:s15], $0x4000  }
0xad: {  	[sflag:s15] =	ssyncset.done $0x0  }
0xae: {  	s1 =	rddreg [dreg:$0x1a];
	[sflag:s15] =	ssyncadd.s32 $0xFFFFC000  }
0xaf: {  	[hbm4b:s1+s2] =	stream.linear.scatter [tilespmem:s11], [sflag:$0x7], $0x4000, $0x38;
	[tilespmem:$0x10900] =	vst v63  }
0xb0: {  	_ =	swait.ge [sflag:s8], $0x4000  }
0xb1: {  	[sflag:s8] =	ssyncset.done $0x0  }
0xb2: {  	[sflag:s8] =	ssyncadd.s32 $0xFFFFC000  }
0xb3: {  	[tilespmem:s12], [sflag:$0x2] =	stream.indirect.gather [hbm4b:s3+s14], $0x80, s22, s14, $0xb8;
	[tilespmem:$0x10900] =	vst v63  }
0xb4: {  	_ =	swait.ge [sflag:s13], $0x4000  }
0xb5: {  	[sflag:s13] =	ssyncset.done $0x0  }
0xb6: {  	s1 =	rddreg [dreg:$0x1b];
	[sflag:s13] =	ssyncadd.s32 $0xFFFFC000  }
0xb7: {  	[hbm4b:s1+s2] =	stream.linear.scatter [tilespmem:s10], [sflag:$0x8], $0x4000, $0x38;
	[tilespmem:$0x10900] =	vst v63  }
0xb8: {  	_ =	swait.ge [sflag:s7], $0x4000  }
0xb9: {  	[sflag:s7] =	ssyncset.done $0x0  }
0xba: {  	[sflag:s7] =	ssyncadd.s32 $0xFFFFC000  }
0xbb: {  	[tilespmem:s11], [sflag:$0x3] =	stream.indirect.gather [hbm4b:s4+s14], $0x80, s21, s14, $0xb8;
	[tilespmem:$0x10900] =	vst v63  }
0xbc: {  	_ =	swait.ge [sflag:s18], $0x4000  }
0xbd: {  	[sflag:s18] =	ssyncset.done $0x0  }
0xbe: {  	s1 =	rddreg [dreg:$0x1c];
	[sflag:s18] =	ssyncadd.s32 $0xFFFFC000  }
0xbf: {  	[hbm4b:s1+s2] =	stream.linear.scatter [tilespmem:s17], [sflag:$0x5], $0x4000, $0x38;
	[tilespmem:$0x10900] =	vst v63  }
0xc0: {  	_ =	swait.ge [sflag:s6], $0x4000  }
0xc1: {  	[sflag:s6] =	ssyncset.done $0x0  }
0xc2: {  	[sflag:s6] =	ssyncadd.s32 $0xFFFFC000  }
0xc3: {  	[tilespmem:s10], [sflag:$0x4] =	stream.indirect.gather [hbm4b:s3+s14], $0x80, s21, s14, $0xb8;
	[tilespmem:$0x10900] =	vst v63  }
0xc4: {  	_ =	swait.ge [sflag:s16], $0x4000  }
0xc5: {  	[sflag:s16] =	ssyncset.done $0x0  }
0xc6: {  	s1 =	rddreg [dreg:$0x1d];
	[sflag:s16] =	ssyncadd.s32 $0xFFFFC000  }
0xc7: {  	[hbm4b:s1+s2] =	stream.linear.scatter [tilespmem:s12], [sflag:$0x6], $0x4000, $0x38;
	[tilespmem:$0x10900] =	vst v63  }
0xc8: {  	_ =	swait.ge [sflag:s9], $0x4000  }
0xc9: {  	[sflag:s9] =	ssyncset.done $0x0  }
0xca: {  	[sflag:s9] =	ssyncadd.s32 $0xFFFFC000  }
0xcb: {  	[tilespmem:s17], [sflag:$0x1] =	stream.indirect.gather [hbm4b:s4+s14], $0x80, s20, s14, $0xb8;
	[tilespmem:$0x10900] =	vst v63  }
0xcc: {  	_ =	swait.ge [sflag:s15], $0x4000  }
0xcd: {  	[sflag:s15] =	ssyncset.done $0x0  }
0xce: {  	s1 =	rddreg [dreg:$0x1e];
	[sflag:s15] =	ssyncadd.s32 $0xFFFFC000  }
0xcf: {  	[hbm4b:s1+s2] =	stream.linear.scatter [tilespmem:s11], [sflag:$0x7], $0x4000, $0x38;
	[tilespmem:$0x10900] =	vst v63  }
0xd0: {  	_ =	swait.ge [sflag:s8], $0x4000  }
0xd1: {  	[sflag:s8] =	ssyncset.done $0x0  }
0xd2: {  	[sflag:s8] =	ssyncadd.s32 $0xFFFFC000  }
0xd3: {  	[tilespmem:s12], [sflag:$0x2] =	stream.indirect.gather [hbm4b:s3+s14], $0x80, s20, s14, $0xb8;
	[tilespmem:$0x10900] =	vst v63  }
0xd4: {  	_ =	swait.ge [sflag:s13], $0x4000  }
0xd5: {  	[sflag:s13] =	ssyncset.done $0x0  }
0xd6: {  	s1 =	rddreg [dreg:$0x1f];
	[sflag:s13] =	ssyncadd.s32 $0xFFFFC000  }
0xd7: {  	[hbm4b:s1+s2] =	stream.linear.scatter [tilespmem:s10], [sflag:$0x8], $0x4000, $0x38;
	[tilespmem:$0x10900] =	vst v63  }
0xd8: {  	_ =	swait.ge [sflag:s7], $0x4000  }
0xd9: {  	[sflag:s7] =	ssyncset.done $0x0  }
0xda: {  	[sflag:s7] =	ssyncadd.s32 $0xFFFFC000  }
0xdb: {  	[tilespmem:s11], [sflag:$0x3] =	stream.indirect.gather [hbm4b:s4+s14], $0x80, s19, s14, $0xb8;
	[tilespmem:$0x10900] =	vst v63  }
0xdc: {  	_ =	swait.ge [sflag:s18], $0x4000  }
0xdd: {  	s1 =	sld [smem:$0x7FB]  }
0xde: {  	[sflag:s18] =	ssyncset.done $0x0  }
0xdf: {  	[sflag:s18] =	ssyncadd.s32 $0xFFFFC000  }
0xe0: {  	[hbm4b:s1+s2] =	stream.linear.scatter [tilespmem:s17], [sflag:$0x5], $0x4000, $0x38;
	[tilespmem:$0x10900] =	vst v63  }
0xe1: {  	_ =	swait.ge [sflag:s6], $0x4000  }
0xe2: {  	[sflag:s6] =	ssyncset.done $0x0  }
0xe3: {  	[sflag:s6] =	ssyncadd.s32 $0xFFFFC000  }
0xe4: {  	[tilespmem:s10], [sflag:$0x4] =	stream.indirect.gather [hbm4b:s3+s14], $0x80, s19, s14, $0xb8;
	[tilespmem:$0x10900] =	vst v63  }
0xe5: {  	_ =	swait.ge [sflag:s16], $0x4000  }
0xe6: {  	s1 =	sld [smem:$0x7FC]  }
0xe7: {  	[sflag:s16] =	ssyncset.done $0x0  }
0xe8: {  	[sflag:s16] =	ssyncadd.s32 $0xFFFFC000  }
0xe9: {  	[hbm4b:s1+s2] =	stream.linear.scatter [tilespmem:s12], [sflag:$0x6], $0x4000, $0x38;
	[tilespmem:$0x10900] =	vst v63  }
0xea: {  	_ =	swait.ge [sflag:s15], $0x4000  }
0xeb: {  	s1 =	sld [smem:$0x7FD]  }
0xec: {  	[sflag:s15] =	ssyncset.done $0x0  }
0xed: {  	[sflag:s15] =	ssyncadd.s32 $0xFFFFC000  }
0xee: {  	[hbm4b:s1+s2] =	stream.linear.scatter [tilespmem:s11], [sflag:$0x7], $0x4000, $0x38;
	[tilespmem:$0x10900] =	vst v63  }
0xef: {  	_ =	swait.ge [sflag:s13], $0x4000  }
0xf0: {  	[sflag:s13] =	ssyncset.done $0x0  }
0xf1: {  	[sflag:s13] =	ssyncadd.s32 $0xFFFFC000  }
0xf2: {  	[hbm4b:s5+s2] =	stream.linear.scatter [tilespmem:s10], [sflag:$0x8], $0x4000, $0x38;
	[tilespmem:$0x10900] =	vst v63  }
0xf3: {  	_ =	swait.ge [sflag:s9], $0x4000  }
0xf4: {  	[sflag:s9] =	ssyncset.done $0x0  }
0xf5: {  	[sflag:s9] =	ssyncadd.s32 $0xFFFFC000  }
0xf6: {  	_ =	swait.ge [sflag:s8], $0x4000  }
0xf7: {  	[sflag:s8] =	ssyncset.done $0x0  }
0xf8: {  	[sflag:s8] =	ssyncadd.s32 $0xFFFFC000  }
0xf9: {  	_ =	swait.ge [sflag:s7], $0x4000  }
0xfa: {  	s1 =	sld [smem:$0x7FA];
	_ =	sdelay $0x2  }
0xfb: {  	p1 =	sne.s32 s1, $0x1  }
.Ltmp1:
0xfc: {  	_ = 	snop;
	(pc) =	sbr.rel @!p1 .LBB2_3-.Ltmp1, $4  }
0xfd: {  	[sflag:s7] =	ssyncset.done $0x0  }
0xfe: {  	[sflag:s7] =	ssyncadd.s32 $0xFFFFC000  }
0xff: {  	p0 =	por $0x1, $0x1;
	_ =	swait.ge [sflag:s6], $0x4000  }
0x100: {  	s1 =	sadd.s32 $0xFFFFFFFF, s1;
	s0 =	rddreg [dreg:$0x9];
	[sflag:s6] =	ssyncset.done $0x0  }
.LBB2_2:
0x101: {  	[sflag:s6] =	ssyncadd.s32 $0xFFFFC000  }
0x102: {  	[tilespmem:s2], [sflag:$0x9] =	stream.linear.gather [hbm4b:s0+s2], $0x40, $0x38;
	[tilespmem:$0x10900] =	vst v63  }
0x103: {  	_ =	swait.ge [sflag:s31], $0x40  }
0x104: {  	[sflag:s31] =	ssyncset.done $0x0  }
0x105: {  	s19 =	rddreg [dreg:$0xa];
	[sflag:s31] =	ssyncadd.s32 $0xFFFFFFC0  }
0x106: {  	[tilespmem:s14], [sflag:$0x9] =	stream.linear.gather [hbm4b:s19+s2], $0x40, $0x38;
	[tilespmem:$0x10900] =	vst v63  }
0x107: {  	_ =	swait.ge [sflag:s31], $0x40  }
0x108: {  	[sflag:s31] =	ssyncset.done $0x0  }
0x109: {  	s19 =	rddreg [dreg:$0xb];
	[sflag:s31] =	ssyncadd.s32 $0xFFFFFFC0  }
0x10a: {  	[tilespmem:s29], [sflag:$0x9] =	stream.linear.gather [hbm4b:s19+s2], $0x500, $0x38;
	[tilespmem:$0x10900] =	vst v63  }
0x10b: {  	_ =	swait.ge [sflag:s31], $0x500  }
0x10c: {  	[sflag:s31] =	ssyncset.done $0x0  }
0x10d: {  	s0 =	rddreg [dreg:$0x7];
	[sflag:s31] =	ssyncadd.s32 $0xFFFFFB00  }
0x10e: {  	[tilespmem:s17], [sflag:$0x1] =	stream.indirect.gather [hbm4b:s0+s30], $0x80, s2, s30, $0xb8;
	[tilespmem:$0x10900] =	vst v63  }
0x10f: {  	s19 =	smov.u32 s5;
	s5 =	rddreg [dreg:$0x8]  }
0x110: {  	[tilespmem:s12], [sflag:$0x2] =	stream.indirect.gather [hbm4b:s5+s30], $0x80, s2, s30, $0xb8;
	[tilespmem:$0x10900] =	vst v63  }
0x111: {  	_ = 	snop  }
0x112: {  	[tilespmem:s11], [sflag:$0x3] =	stream.indirect.gather [hbm4b:s4+s30], $0x80, s14, s30, $0xb8;
	[tilespmem:$0x10900] =	vst v63  }
0x113: {  	_ =	swait.ge [sflag:s18], $0x2000  }
0x114: {  	[sflag:s18] =	ssyncset.done $0x0  }
0x115: {  	s0 =	rddreg [dreg:$0xc];
	[sflag:s18] =	ssyncadd.s32 $0xFFFFE000  }
0x116: {  	[hbm4b:s0+s2] =	stream.linear.scatter [tilespmem:s17], [sflag:$0x5], $0x2000, $0x38;
	[tilespmem:$0x10900] =	vst v63  }
0x117: {  	_ = 	snop  }
0x118: {  	[tilespmem:s10], [sflag:$0x4] =	stream.indirect.gather [hbm4b:s3+s30], $0x80, s14, s30, $0xb8;
	[tilespmem:$0x10900] =	vst v63  }
0x119: {  	_ =	swait.ge [sflag:s16], $0x2000  }
0x11a: {  	[sflag:s16] =	ssyncset.done $0x0  }
0x11b: {  	s0 =	rddreg [dreg:$0xd];
	[sflag:s16] =	ssyncadd.s32 $0xFFFFE000  }
0x11c: {  	[hbm4b:s0+s2] =	stream.linear.scatter [tilespmem:s12], [sflag:$0x6], $0x2000, $0x38;
	[tilespmem:$0x10900] =	vst v63  }
0x11d: {  	_ =	swait.ge [sflag:s9], $0x2000  }
0x11e: {  	[sflag:s9] =	ssyncset.done $0x0  }
0x11f: {  	[sflag:s9] =	ssyncadd.s32 $0xFFFFE000  }
0x120: {  	[tilespmem:s17], [sflag:$0x1] =	stream.indirect.gather [hbm4b:s4+s14], $0x80, s29, s14, $0xb8;
	[tilespmem:$0x10900] =	vst v63  }
0x121: {  	_ =	swait.ge [sflag:s15], $0x2000  }
0x122: {  	[sflag:s15] =	ssyncset.done $0x0  }
0x123: {  	s0 =	rddreg [dreg:$0xe];
	[sflag:s15] =	ssyncadd.s32 $0xFFFFE000  }
0x124: {  	[hbm4b:s0+s2] =	stream.linear.scatter [tilespmem:s11], [sflag:$0x7], $0x2000, $0x38;
	[tilespmem:$0x10900] =	vst v63  }
0x125: {  	_ =	swait.ge [sflag:s8], $0x2000  }
0x126: {  	[sflag:s8] =	ssyncset.done $0x0  }
0x127: {  	[sflag:s8] =	ssyncadd.s32 $0xFFFFE000  }
0x128: {  	[tilespmem:s12], [sflag:$0x2] =	stream.indirect.gather [hbm4b:s3+s14], $0x80, s29, s14, $0xb8;
	[tilespmem:$0x10900] =	vst v63  }
0x129: {  	_ =	swait.ge [sflag:s13], $0x2000  }
0x12a: {  	[sflag:s13] =	ssyncset.done $0x0  }
0x12b: {  	s0 =	rddreg [dreg:$0xf];
	[sflag:s13] =	ssyncadd.s32 $0xFFFFE000  }
0x12c: {  	[hbm4b:s0+s2] =	stream.linear.scatter [tilespmem:s10], [sflag:$0x8], $0x2000, $0x38;
	[tilespmem:$0x10900] =	vst v63  }
0x12d: {  	_ =	swait.ge [sflag:s7], $0x2000  }
0x12e: {  	[sflag:s7] =	ssyncset.done $0x0  }
0x12f: {  	[sflag:s7] =	ssyncadd.s32 $0xFFFFE000  }
0x130: {  	[tilespmem:s11], [sflag:$0x3] =	stream.indirect.gather [hbm4b:s4+s14], $0x80, s28, s14, $0xb8;
	[tilespmem:$0x10900] =	vst v63  }
0x131: {  	_ =	swait.ge [sflag:s18], $0x4000  }
0x132: {  	[sflag:s18] =	ssyncset.done $0x0  }
0x133: {  	s0 =	rddreg [dreg:$0x10];
	[sflag:s18] =	ssyncadd.s32 $0xFFFFC000  }
0x134: {  	[hbm4b:s0+s2] =	stream.linear.scatter [tilespmem:s17], [sflag:$0x5], $0x4000, $0x38;
	[tilespmem:$0x10900] =	vst v63  }
0x135: {  	_ =	swait.ge [sflag:s6], $0x2000  }
0x136: {  	[sflag:s6] =	ssyncset.done $0x0  }
0x137: {  	[sflag:s6] =	ssyncadd.s32 $0xFFFFE000  }
0x138: {  	[tilespmem:s10], [sflag:$0x4] =	stream.indirect.gather [hbm4b:s3+s14], $0x80, s28, s14, $0xb8;
	[tilespmem:$0x10900] =	vst v63  }
0x139: {  	_ =	swait.ge [sflag:s16], $0x4000  }
0x13a: {  	[sflag:s16] =	ssyncset.done $0x0  }
0x13b: {  	s0 =	rddreg [dreg:$0x11];
	[sflag:s16] =	ssyncadd.s32 $0xFFFFC000  }
0x13c: {  	[hbm4b:s0+s2] =	stream.linear.scatter [tilespmem:s12], [sflag:$0x6], $0x4000, $0x38;
	[tilespmem:$0x10900] =	vst v63  }
0x13d: {  	_ =	swait.ge [sflag:s9], $0x4000  }
0x13e: {  	[sflag:s9] =	ssyncset.done $0x0  }
0x13f: {  	[sflag:s9] =	ssyncadd.s32 $0xFFFFC000  }
0x140: {  	[tilespmem:s17], [sflag:$0x1] =	stream.indirect.gather [hbm4b:s4+s14], $0x80, s26, s14, $0xb8;
	[tilespmem:$0x10900] =	vst v63  }
0x141: {  	_ =	swait.ge [sflag:s15], $0x4000  }
0x142: {  	[sflag:s15] =	ssyncset.done $0x0  }
0x143: {  	s0 =	rddreg [dreg:$0x12];
	[sflag:s15] =	ssyncadd.s32 $0xFFFFC000  }
0x144: {  	[hbm4b:s0+s2] =	stream.linear.scatter [tilespmem:s11], [sflag:$0x7], $0x4000, $0x38;
	[tilespmem:$0x10900] =	vst v63  }
0x145: {  	_ =	swait.ge [sflag:s8], $0x4000  }
0x146: {  	[sflag:s8] =	ssyncset.done $0x0  }
0x147: {  	[sflag:s8] =	ssyncadd.s32 $0xFFFFC000  }
0x148: {  	[tilespmem:s12], [sflag:$0x2] =	stream.indirect.gather [hbm4b:s3+s14], $0x80, s26, s14, $0xb8;
	[tilespmem:$0x10900] =	vst v63  }
0x149: {  	_ =	swait.ge [sflag:s13], $0x4000  }
0x14a: {  	[sflag:s13] =	ssyncset.done $0x0  }
0x14b: {  	s0 =	rddreg [dreg:$0x13];
	[sflag:s13] =	ssyncadd.s32 $0xFFFFC000  }
0x14c: {  	[hbm4b:s0+s2] =	stream.linear.scatter [tilespmem:s10], [sflag:$0x8], $0x4000, $0x38;
	[tilespmem:$0x10900] =	vst v63  }
0x14d: {  	_ =	swait.ge [sflag:s7], $0x4000  }
0x14e: {  	[sflag:s7] =	ssyncset.done $0x0  }
0x14f: {  	[sflag:s7] =	ssyncadd.s32 $0xFFFFC000  }
0x150: {  	[tilespmem:s11], [sflag:$0x3] =	stream.indirect.gather [hbm4b:s4+s14], $0x80, s25, s14, $0xb8;
	[tilespmem:$0x10900] =	vst v63  }
0x151: {  	_ =	swait.ge [sflag:s18], $0x4000  }
0x152: {  	[sflag:s18] =	ssyncset.done $0x0  }
0x153: {  	s0 =	rddreg [dreg:$0x14];
	[sflag:s18] =	ssyncadd.s32 $0xFFFFC000  }
0x154: {  	[hbm4b:s0+s2] =	stream.linear.scatter [tilespmem:s17], [sflag:$0x5], $0x4000, $0x38;
	[tilespmem:$0x10900] =	vst v63  }
0x155: {  	_ =	swait.ge [sflag:s6], $0x4000  }
0x156: {  	[sflag:s6] =	ssyncset.done $0x0  }
0x157: {  	[sflag:s6] =	ssyncadd.s32 $0xFFFFC000  }
0x158: {  	[tilespmem:s10], [sflag:$0x4] =	stream.indirect.gather [hbm4b:s3+s14], $0x80, s25, s14, $0xb8;
	[tilespmem:$0x10900] =	vst v63  }
0x159: {  	_ =	swait.ge [sflag:s16], $0x4000  }
0x15a: {  	[sflag:s16] =	ssyncset.done $0x0  }
0x15b: {  	s0 =	rddreg [dreg:$0x15];
	[sflag:s16] =	ssyncadd.s32 $0xFFFFC000  }
0x15c: {  	[hbm4b:s0+s2] =	stream.linear.scatter [tilespmem:s12], [sflag:$0x6], $0x4000, $0x38;
	[tilespmem:$0x10900] =	vst v63  }
0x15d: {  	_ =	swait.ge [sflag:s9], $0x4000  }
0x15e: {  	[sflag:s9] =	ssyncset.done $0x0  }
0x15f: {  	[sflag:s9] =	ssyncadd.s32 $0xFFFFC000  }
0x160: {  	[tilespmem:s17], [sflag:$0x1] =	stream.indirect.gather [hbm4b:s4+s14], $0x80, s24, s14, $0xb8;
	[tilespmem:$0x10900] =	vst v63  }
0x161: {  	_ =	swait.ge [sflag:s15], $0x4000  }
0x162: {  	[sflag:s15] =	ssyncset.done $0x0  }
0x163: {  	s0 =	rddreg [dreg:$0x16];
	[sflag:s15] =	ssyncadd.s32 $0xFFFFC000  }
0x164: {  	[hbm4b:s0+s2] =	stream.linear.scatter [tilespmem:s11], [sflag:$0x7], $0x4000, $0x38;
	[tilespmem:$0x10900] =	vst v63  }
0x165: {  	_ =	swait.ge [sflag:s8], $0x4000  }
0x166: {  	[sflag:s8] =	ssyncset.done $0x0  }
0x167: {  	[sflag:s8] =	ssyncadd.s32 $0xFFFFC000  }
0x168: {  	[tilespmem:s12], [sflag:$0x2] =	stream.indirect.gather [hbm4b:s3+s14], $0x80, s24, s14, $0xb8;
	[tilespmem:$0x10900] =	vst v63  }
0x169: {  	_ =	swait.ge [sflag:s13], $0x4000  }
0x16a: {  	[sflag:s13] =	ssyncset.done $0x0  }
0x16b: {  	s0 =	rddreg [dreg:$0x17];
	[sflag:s13] =	ssyncadd.s32 $0xFFFFC000  }
0x16c: {  	[hbm4b:s0+s2] =	stream.linear.scatter [tilespmem:s10], [sflag:$0x8], $0x4000, $0x38;
	[tilespmem:$0x10900] =	vst v63  }
0x16d: {  	_ =	swait.ge [sflag:s7], $0x4000  }
0x16e: {  	[sflag:s7] =	ssyncset.done $0x0  }
0x16f: {  	[sflag:s7] =	ssyncadd.s32 $0xFFFFC000  }
0x170: {  	[tilespmem:s11], [sflag:$0x3] =	stream.indirect.gather [hbm4b:s4+s14], $0x80, s23, s14, $0xb8;
	[tilespmem:$0x10900] =	vst v63  }
0x171: {  	_ =	swait.ge [sflag:s18], $0x4000  }
0x172: {  	[sflag:s18] =	ssyncset.done $0x0  }
0x173: {  	s0 =	rddreg [dreg:$0x18];
	[sflag:s18] =	ssyncadd.s32 $0xFFFFC000  }
0x174: {  	[hbm4b:s0+s2] =	stream.linear.scatter [tilespmem:s17], [sflag:$0x5], $0x4000, $0x38;
	[tilespmem:$0x10900] =	vst v63  }
0x175: {  	_ =	swait.ge [sflag:s6], $0x4000  }
0x176: {  	[sflag:s6] =	ssyncset.done $0x0  }
0x177: {  	[sflag:s6] =	ssyncadd.s32 $0xFFFFC000  }
0x178: {  	[tilespmem:s10], [sflag:$0x4] =	stream.indirect.gather [hbm4b:s3+s14], $0x80, s23, s14, $0xb8;
	[tilespmem:$0x10900] =	vst v63  }
0x179: {  	_ =	swait.ge [sflag:s16], $0x4000  }
0x17a: {  	[sflag:s16] =	ssyncset.done $0x0  }
0x17b: {  	s0 =	rddreg [dreg:$0x19];
	[sflag:s16] =	ssyncadd.s32 $0xFFFFC000  }
0x17c: {  	[hbm4b:s0+s2] =	stream.linear.scatter [tilespmem:s12], [sflag:$0x6], $0x4000, $0x38;
	[tilespmem:$0x10900] =	vst v63  }
0x17d: {  	_ =	swait.ge [sflag:s9], $0x4000  }
0x17e: {  	[sflag:s9] =	ssyncset.done $0x0  }
0x17f: {  	[sflag:s9] =	ssyncadd.s32 $0xFFFFC000  }
0x180: {  	[tilespmem:s17], [sflag:$0x1] =	stream.indirect.gather [hbm4b:s4+s14], $0x80, s22, s14, $0xb8;
	[tilespmem:$0x10900] =	vst v63  }
0x181: {  	_ =	swait.ge [sflag:s15], $0x4000  }
0x182: {  	[sflag:s15] =	ssyncset.done $0x0  }
0x183: {  	s0 =	rddreg [dreg:$0x1a];
	[sflag:s15] =	ssyncadd.s32 $0xFFFFC000  }
0x184: {  	[hbm4b:s0+s2] =	stream.linear.scatter [tilespmem:s11], [sflag:$0x7], $0x4000, $0x38;
	[tilespmem:$0x10900] =	vst v63  }
0x185: {  	_ =	swait.ge [sflag:s8], $0x4000  }
0x186: {  	[sflag:s8] =	ssyncset.done $0x0  }
0x187: {  	[sflag:s8] =	ssyncadd.s32 $0xFFFFC000  }
0x188: {  	[tilespmem:s12], [sflag:$0x2] =	stream.indirect.gather [hbm4b:s3+s14], $0x80, s22, s14, $0xb8;
	[tilespmem:$0x10900] =	vst v63  }
0x189: {  	_ =	swait.ge [sflag:s13], $0x4000  }
0x18a: {  	[sflag:s13] =	ssyncset.done $0x0  }
0x18b: {  	s0 =	rddreg [dreg:$0x1b];
	[sflag:s13] =	ssyncadd.s32 $0xFFFFC000  }
0x18c: {  	[hbm4b:s0+s2] =	stream.linear.scatter [tilespmem:s10], [sflag:$0x8], $0x4000, $0x38;
	[tilespmem:$0x10900] =	vst v63  }
0x18d: {  	_ =	swait.ge [sflag:s7], $0x4000  }
0x18e: {  	[sflag:s7] =	ssyncset.done $0x0  }
0x18f: {  	[sflag:s7] =	ssyncadd.s32 $0xFFFFC000  }
0x190: {  	[tilespmem:s11], [sflag:$0x3] =	stream.indirect.gather [hbm4b:s4+s14], $0x80, s21, s14, $0xb8;
	[tilespmem:$0x10900] =	vst v63  }
0x191: {  	_ =	swait.ge [sflag:s18], $0x4000  }
0x192: {  	[sflag:s18] =	ssyncset.done $0x0  }
0x193: {  	s0 =	rddreg [dreg:$0x1c];
	[sflag:s18] =	ssyncadd.s32 $0xFFFFC000  }
0x194: {  	[hbm4b:s0+s2] =	stream.linear.scatter [tilespmem:s17], [sflag:$0x5], $0x4000, $0x38;
	[tilespmem:$0x10900] =	vst v63  }
0x195: {  	_ =	swait.ge [sflag:s6], $0x4000  }
0x196: {  	[sflag:s6] =	ssyncset.done $0x0  }
0x197: {  	[sflag:s6] =	ssyncadd.s32 $0xFFFFC000  }
0x198: {  	[tilespmem:s10], [sflag:$0x4] =	stream.indirect.gather [hbm4b:s3+s14], $0x80, s21, s14, $0xb8;
	[tilespmem:$0x10900] =	vst v63  }
0x199: {  	_ =	swait.ge [sflag:s16], $0x4000  }
0x19a: {  	[sflag:s16] =	ssyncset.done $0x0  }
0x19b: {  	s0 =	rddreg [dreg:$0x1d];
	[sflag:s16] =	ssyncadd.s32 $0xFFFFC000  }
0x19c: {  	[hbm4b:s0+s2] =	stream.linear.scatter [tilespmem:s12], [sflag:$0x6], $0x4000, $0x38;
	[tilespmem:$0x10900] =	vst v63  }
0x19d: {  	_ =	swait.ge [sflag:s9], $0x4000  }
0x19e: {  	[sflag:s9] =	ssyncset.done $0x0  }
0x19f: {  	[sflag:s9] =	ssyncadd.s32 $0xFFFFC000  }
0x1a0: {  	[tilespmem:s17], [sflag:$0x1] =	stream.indirect.gather [hbm4b:s4+s14], $0x80, s20, s14, $0xb8;
	[tilespmem:$0x10900] =	vst v63  }
0x1a1: {  	_ =	swait.ge [sflag:s15], $0x4000  }
0x1a2: {  	[sflag:s15] =	ssyncset.done $0x0  }
0x1a3: {  	s0 =	rddreg [dreg:$0x1e];
	[sflag:s15] =	ssyncadd.s32 $0xFFFFC000  }
0x1a4: {  	[hbm4b:s0+s2] =	stream.linear.scatter [tilespmem:s11], [sflag:$0x7], $0x4000, $0x38;
	[tilespmem:$0x10900] =	vst v63  }
0x1a5: {  	_ =	swait.ge [sflag:s8], $0x4000  }
0x1a6: {  	[sflag:s8] =	ssyncset.done $0x0  }
0x1a7: {  	[sflag:s8] =	ssyncadd.s32 $0xFFFFC000  }
0x1a8: {  	[tilespmem:s12], [sflag:$0x2] =	stream.indirect.gather [hbm4b:s3+s14], $0x80, s20, s14, $0xb8;
	[tilespmem:$0x10900] =	vst v63  }
0x1a9: {  	_ =	swait.ge [sflag:s13], $0x4000  }
0x1aa: {  	[sflag:s13] =	ssyncset.done $0x0  }
0x1ab: {  	s0 =	rddreg [dreg:$0x1f];
	[sflag:s13] =	ssyncadd.s32 $0xFFFFC000  }
0x1ac: {  	[hbm4b:s0+s2] =	stream.linear.scatter [tilespmem:s10], [sflag:$0x8], $0x4000, $0x38;
	[tilespmem:$0x10900] =	vst v63  }
0x1ad: {  	_ =	swait.ge [sflag:s7], $0x4000  }
0x1ae: {  	[sflag:s7] =	ssyncset.done $0x0  }
0x1af: {  	s5 =	smov.u32 s19;
	s19 =	simm.s32 $0x580;
	[sflag:s7] =	ssyncadd.s32 $0xFFFFC000  }
0x1b0: {  	[tilespmem:s11], [sflag:$0x3] =	stream.indirect.gather [hbm4b:s4+s14], $0x80, s19, s14, $0xb8;
	[tilespmem:$0x10900] =	vst v63  }
0x1b1: {  	_ =	swait.ge [sflag:s18], $0x4000  }
0x1b2: {  	s0 =	sld [smem:$0x7FB]  }
0x1b3: {  	[sflag:s18] =	ssyncset.done $0x0  }
0x1b4: {  	[sflag:s18] =	ssyncadd.s32 $0xFFFFC000  }
0x1b5: {  	[hbm4b:s0+s2] =	stream.linear.scatter [tilespmem:s17], [sflag:$0x5], $0x4000, $0x38;
	[tilespmem:$0x10900] =	vst v63  }
0x1b6: {  	_ =	swait.ge [sflag:s6], $0x4000  }
0x1b7: {  	[sflag:s6] =	ssyncset.done $0x0  }
0x1b8: {  	[sflag:s6] =	ssyncadd.s32 $0xFFFFC000  }
0x1b9: {  	[tilespmem:s10], [sflag:$0x4] =	stream.indirect.gather [hbm4b:s3+s14], $0x80, s19, s14, $0xb8;
	[tilespmem:$0x10900] =	vst v63  }
0x1ba: {  	_ =	swait.ge [sflag:s16], $0x4000  }
0x1bb: {  	s0 =	sld [smem:$0x7FC]  }
0x1bc: {  	[sflag:s16] =	ssyncset.done $0x0  }
0x1bd: {  	[sflag:s16] =	ssyncadd.s32 $0xFFFFC000  }
0x1be: {  	[hbm4b:s0+s2] =	stream.linear.scatter [tilespmem:s12], [sflag:$0x6], $0x4000, $0x38;
	[tilespmem:$0x10900] =	vst v63  }
0x1bf: {  	_ =	swait.ge [sflag:s15], $0x4000  }
0x1c0: {  	s0 =	sld [smem:$0x7FD]  }
0x1c1: {  	[sflag:s15] =	ssyncset.done $0x0  }
0x1c2: {  	[sflag:s15] =	ssyncadd.s32 $0xFFFFC000  }
0x1c3: {  	[hbm4b:s0+s2] =	stream.linear.scatter [tilespmem:s11], [sflag:$0x7], $0x4000, $0x38;
	[tilespmem:$0x10900] =	vst v63  }
0x1c4: {  	_ =	swait.ge [sflag:s13], $0x4000  }
0x1c5: {  	[sflag:s13] =	ssyncset.done $0x0  }
0x1c6: {  	[sflag:s13] =	ssyncadd.s32 $0xFFFFC000  }
0x1c7: {  	[hbm4b:s5+s2] =	stream.linear.scatter [tilespmem:s10], [sflag:$0x8], $0x4000, $0x38;
	[tilespmem:$0x10900] =	vst v63  }
0x1c8: {  	_ =	swait.ge [sflag:s9], $0x4000  }
0x1c9: {  	[sflag:s9] =	ssyncset.done $0x0  }
0x1ca: {  	[sflag:s9] =	ssyncadd.s32 $0xFFFFC000  }
0x1cb: {  	_ =	swait.ge [sflag:s8], $0x4000  }
0x1cc: {  	[sflag:s8] =	ssyncset.done $0x0  }
0x1cd: {  	p1 =	sne.s32 s1, $0x1;
	[sflag:s8] =	ssyncadd.s32 $0xFFFFC000  }
.Ltmp2:
0x1ce: {  	_ =	swait.ge [sflag:s7], $0x4000;
	(pc) =	sbr.rel @p1 .LBB2_2-.Ltmp2, $4  }
0x1cf: {  	[sflag:s7] =	ssyncset.done $0x0  }
0x1d0: {  	[sflag:s7] =	ssyncadd.s32 $0xFFFFC000  }
0x1d1: {  	_ =	swait.ge [sflag:s6], $0x4000  }
0x1d2: {  	s1 =	sadd.s32 $0xFFFFFFFF, s1;
	s0 =	rddreg [dreg:$0x9];
	[sflag:s6] =	ssyncset.done $0x0  }
.LBB2_3:
0x1d3: {  	[sflag:s6] =	ssyncadd.s32 @p0 $0xFFFFC000  }
0x1d4: {  	[tilespmem:s2], [sflag:$0x9] =	stream.linear.gather [hbm4b:s0+s2], $0x40, $0x38;
	[tilespmem:$0x10900] =	vst v63  }
0x1d5: {  	_ =	swait.ge [sflag:s31], $0x40  }
0x1d6: {  	[sflag:s31] =	ssyncset.done $0x0  }
0x1d7: {  	s1 =	rddreg [dreg:$0xa];
	[sflag:s31] =	ssyncadd.s32 $0xFFFFFFC0  }
0x1d8: {  	[tilespmem:s14], [sflag:$0x9] =	stream.linear.gather [hbm4b:s1+s2], $0x40, $0x38;
	[tilespmem:$0x10900] =	vst v63  }
0x1d9: {  	_ =	swait.ge [sflag:s31], $0x40  }
0x1da: {  	[sflag:s31] =	ssyncset.done $0x0  }
0x1db: {  	s1 =	rddreg [dreg:$0xb];
	[sflag:s31] =	ssyncadd.s32 $0xFFFFFFC0  }
0x1dc: {  	[tilespmem:s29], [sflag:$0x9] =	stream.linear.gather [hbm4b:s1+s2], $0x500, $0x38;
	[tilespmem:$0x10900] =	vst v63  }
0x1dd: {  	_ =	swait.ge [sflag:s31], $0x500  }
0x1de: {  	[sflag:s31] =	ssyncset.done $0x0  }
0x1df: {  	s0 =	rddreg [dreg:$0x7];
	[sflag:s31] =	ssyncadd.s32 $0xFFFFFB00  }
0x1e0: {  	[tilespmem:s17], [sflag:$0x1] =	stream.indirect.gather [hbm4b:s0+s30], $0x80, s2, s30, $0xb8;
	[tilespmem:$0x10900] =	vst v63  }
0x1e1: {  	s1 =	rddreg [dreg:$0x8]  }
0x1e2: {  	[tilespmem:s12], [sflag:$0x2] =	stream.indirect.gather [hbm4b:s1+s30], $0x80, s2, s30, $0xb8;
	[tilespmem:$0x10900] =	vst v63  }
0x1e3: {  	_ = 	snop  }
0x1e4: {  	[tilespmem:s11], [sflag:$0x3] =	stream.indirect.gather [hbm4b:s4+s30], $0x80, s14, s30, $0xb8;
	[tilespmem:$0x10900] =	vst v63  }
0x1e5: {  	_ =	swait.ge [sflag:s18], $0x2000  }
0x1e6: {  	[sflag:s18] =	ssyncset.done $0x0  }
0x1e7: {  	s31 =	rddreg [dreg:$0xc];
	[sflag:s18] =	ssyncadd.s32 $0xFFFFE000  }
0x1e8: {  	[hbm4b:s31+s2] =	stream.linear.scatter [tilespmem:s17], [sflag:$0x5], $0x2000, $0x38;
	[tilespmem:$0x10900] =	vst v63  }
0x1e9: {  	_ = 	snop  }
0x1ea: {  	[tilespmem:s10], [sflag:$0x4] =	stream.indirect.gather [hbm4b:s3+s30], $0x80, s14, s30, $0xb8;
	[tilespmem:$0x10900] =	vst v63  }
0x1eb: {  	_ =	swait.ge [sflag:s16], $0x2000  }
0x1ec: {  	[sflag:s16] =	ssyncset.done $0x0  }
0x1ed: {  	s1 =	rddreg [dreg:$0xd];
	[sflag:s16] =	ssyncadd.s32 $0xFFFFE000  }
0x1ee: {  	[hbm4b:s1+s2] =	stream.linear.scatter [tilespmem:s12], [sflag:$0x6], $0x2000, $0x38;
	[tilespmem:$0x10900] =	vst v63  }
0x1ef: {  	_ =	swait.ge [sflag:s9], $0x2000  }
0x1f0: {  	[sflag:s9] =	ssyncset.done $0x0  }
0x1f1: {  	[sflag:s9] =	ssyncadd.s32 $0xFFFFE000  }
0x1f2: {  	[tilespmem:s17], [sflag:$0x1] =	stream.indirect.gather [hbm4b:s4+s14], $0x80, s29, s14, $0xb8;
	[tilespmem:$0x10900] =	vst v63  }
0x1f3: {  	_ =	swait.ge [sflag:s15], $0x2000  }
0x1f4: {  	[sflag:s15] =	ssyncset.done $0x0  }
0x1f5: {  	s30 =	rddreg [dreg:$0xe];
	[sflag:s15] =	ssyncadd.s32 $0xFFFFE000  }
0x1f6: {  	[hbm4b:s30+s2] =	stream.linear.scatter [tilespmem:s11], [sflag:$0x7], $0x2000, $0x38;
	[tilespmem:$0x10900] =	vst v63  }
0x1f7: {  	_ =	swait.ge [sflag:s8], $0x2000  }
0x1f8: {  	[sflag:s8] =	ssyncset.done $0x0  }
0x1f9: {  	[sflag:s8] =	ssyncadd.s32 $0xFFFFE000  }
0x1fa: {  	[tilespmem:s12], [sflag:$0x2] =	stream.indirect.gather [hbm4b:s3+s14], $0x80, s29, s14, $0xb8;
	[tilespmem:$0x10900] =	vst v63  }
0x1fb: {  	_ =	swait.ge [sflag:s13], $0x2000  }
0x1fc: {  	[sflag:s13] =	ssyncset.done $0x0  }
0x1fd: {  	s31 =	rddreg [dreg:$0xf];
	[sflag:s13] =	ssyncadd.s32 $0xFFFFE000  }
0x1fe: {  	[hbm4b:s31+s2] =	stream.linear.scatter [tilespmem:s10], [sflag:$0x8], $0x2000, $0x38;
	[tilespmem:$0x10900] =	vst v63  }
0x1ff: {  	_ =	swait.ge [sflag:s7], $0x2000  }
0x200: {  	[sflag:s7] =	ssyncset.done $0x0  }
0x201: {  	[sflag:s7] =	ssyncadd.s32 $0xFFFFE000  }
0x202: {  	[tilespmem:s11], [sflag:$0x3] =	stream.indirect.gather [hbm4b:s4+s14], $0x80, s28, s14, $0xb8;
	[tilespmem:$0x10900] =	vst v63  }
0x203: {  	_ =	swait.ge [sflag:s18], $0x4000  }
0x204: {  	[sflag:s18] =	ssyncset.done $0x0  }
0x205: {  	s1 =	rddreg [dreg:$0x10];
	[sflag:s18] =	ssyncadd.s32 $0xFFFFC000  }
0x206: {  	[hbm4b:s1+s2] =	stream.linear.scatter [tilespmem:s17], [sflag:$0x5], $0x4000, $0x38;
	[tilespmem:$0x10900] =	vst v63  }
0x207: {  	_ =	swait.ge [sflag:s6], $0x2000  }
0x208: {  	[sflag:s6] =	ssyncset.done $0x0  }
0x209: {  	[sflag:s6] =	ssyncadd.s32 $0xFFFFE000  }
0x20a: {  	[tilespmem:s10], [sflag:$0x4] =	stream.indirect.gather [hbm4b:s3+s14], $0x80, s28, s14, $0xb8;
	[tilespmem:$0x10900] =	vst v63  }
0x20b: {  	_ =	swait.ge [sflag:s16], $0x4000  }
0x20c: {  	[sflag:s16] =	ssyncset.done $0x0  }
0x20d: {  	s29 =	rddreg [dreg:$0x11];
	[sflag:s16] =	ssyncadd.s32 $0xFFFFC000  }
0x20e: {  	[hbm4b:s29+s2] =	stream.linear.scatter [tilespmem:s12], [sflag:$0x6], $0x4000, $0x38;
	[tilespmem:$0x10900] =	vst v63  }
0x20f: {  	_ =	swait.ge [sflag:s9], $0x4000  }
0x210: {  	[sflag:s9] =	ssyncset.done $0x0  }
0x211: {  	[sflag:s9] =	ssyncadd.s32 $0xFFFFC000  }
0x212: {  	[tilespmem:s17], [sflag:$0x1] =	stream.indirect.gather [hbm4b:s4+s14], $0x80, s26, s14, $0xb8;
	[tilespmem:$0x10900] =	vst v63  }
0x213: {  	_ =	swait.ge [sflag:s15], $0x4000  }
0x214: {  	[sflag:s15] =	ssyncset.done $0x0  }
0x215: {  	s30 =	rddreg [dreg:$0x12];
	[sflag:s15] =	ssyncadd.s32 $0xFFFFC000  }
0x216: {  	[hbm4b:s30+s2] =	stream.linear.scatter [tilespmem:s11], [sflag:$0x7], $0x4000, $0x38;
	[tilespmem:$0x10900] =	vst v63  }
0x217: {  	_ =	swait.ge [sflag:s8], $0x4000  }
0x218: {  	[sflag:s8] =	ssyncset.done $0x0  }
0x219: {  	[sflag:s8] =	ssyncadd.s32 $0xFFFFC000  }
0x21a: {  	[tilespmem:s12], [sflag:$0x2] =	stream.indirect.gather [hbm4b:s3+s14], $0x80, s26, s14, $0xb8;
	[tilespmem:$0x10900] =	vst v63  }
0x21b: {  	_ =	swait.ge [sflag:s13], $0x4000  }
0x21c: {  	[sflag:s13] =	ssyncset.done $0x0  }
0x21d: {  	s31 =	rddreg [dreg:$0x13];
	[sflag:s13] =	ssyncadd.s32 $0xFFFFC000  }
0x21e: {  	[hbm4b:s31+s2] =	stream.linear.scatter [tilespmem:s10], [sflag:$0x8], $0x4000, $0x38;
	[tilespmem:$0x10900] =	vst v63  }
0x21f: {  	_ =	swait.ge [sflag:s7], $0x4000  }
0x220: {  	[sflag:s7] =	ssyncset.done $0x0  }
0x221: {  	[sflag:s7] =	ssyncadd.s32 $0xFFFFC000  }
0x222: {  	[tilespmem:s11], [sflag:$0x3] =	stream.indirect.gather [hbm4b:s4+s14], $0x80, s25, s14, $0xb8;
	[tilespmem:$0x10900] =	vst v63  }
0x223: {  	_ =	swait.ge [sflag:s18], $0x4000  }
0x224: {  	[sflag:s18] =	ssyncset.done $0x0  }
0x225: {  	s1 =	rddreg [dreg:$0x14];
	[sflag:s18] =	ssyncadd.s32 $0xFFFFC000  }
0x226: {  	[hbm4b:s1+s2] =	stream.linear.scatter [tilespmem:s17], [sflag:$0x5], $0x4000, $0x38;
	[tilespmem:$0x10900] =	vst v63  }
0x227: {  	_ =	swait.ge [sflag:s6], $0x4000  }
0x228: {  	[sflag:s6] =	ssyncset.done $0x0  }
0x229: {  	[sflag:s6] =	ssyncadd.s32 $0xFFFFC000  }
0x22a: {  	[tilespmem:s10], [sflag:$0x4] =	stream.indirect.gather [hbm4b:s3+s14], $0x80, s25, s14, $0xb8;
	[tilespmem:$0x10900] =	vst v63  }
0x22b: {  	_ =	swait.ge [sflag:s16], $0x4000  }
0x22c: {  	[sflag:s16] =	ssyncset.done $0x0  }
0x22d: {  	s26 =	rddreg [dreg:$0x15];
	[sflag:s16] =	ssyncadd.s32 $0xFFFFC000  }
0x22e: {  	[hbm4b:s26+s2] =	stream.linear.scatter [tilespmem:s12], [sflag:$0x6], $0x4000, $0x38;
	[tilespmem:$0x10900] =	vst v63  }
0x22f: {  	_ =	swait.ge [sflag:s9], $0x4000  }
0x230: {  	[sflag:s9] =	ssyncset.done $0x0  }
0x231: {  	[sflag:s9] =	ssyncadd.s32 $0xFFFFC000  }
0x232: {  	[tilespmem:s17], [sflag:$0x1] =	stream.indirect.gather [hbm4b:s4+s14], $0x80, s24, s14, $0xb8;
	[tilespmem:$0x10900] =	vst v63  }
0x233: {  	_ =	swait.ge [sflag:s15], $0x4000  }
0x234: {  	[sflag:s15] =	ssyncset.done $0x0  }
0x235: {  	s28 =	rddreg [dreg:$0x16];
	[sflag:s15] =	ssyncadd.s32 $0xFFFFC000  }
0x236: {  	[hbm4b:s28+s2] =	stream.linear.scatter [tilespmem:s11], [sflag:$0x7], $0x4000, $0x38;
	[tilespmem:$0x10900] =	vst v63  }
0x237: {  	_ =	swait.ge [sflag:s8], $0x4000  }
0x238: {  	[sflag:s8] =	ssyncset.done $0x0  }
0x239: {  	[sflag:s8] =	ssyncadd.s32 $0xFFFFC000  }
0x23a: {  	[tilespmem:s12], [sflag:$0x2] =	stream.indirect.gather [hbm4b:s3+s14], $0x80, s24, s14, $0xb8;
	[tilespmem:$0x10900] =	vst v63  }
0x23b: {  	_ =	swait.ge [sflag:s13], $0x4000  }
0x23c: {  	[sflag:s13] =	ssyncset.done $0x0  }
0x23d: {  	s29 =	rddreg [dreg:$0x17];
	[sflag:s13] =	ssyncadd.s32 $0xFFFFC000  }
0x23e: {  	[hbm4b:s29+s2] =	stream.linear.scatter [tilespmem:s10], [sflag:$0x8], $0x4000, $0x38;
	[tilespmem:$0x10900] =	vst v63  }
0x23f: {  	_ =	swait.ge [sflag:s7], $0x4000  }
0x240: {  	[sflag:s7] =	ssyncset.done $0x0  }
0x241: {  	[sflag:s7] =	ssyncadd.s32 $0xFFFFC000  }
0x242: {  	[tilespmem:s11], [sflag:$0x3] =	stream.indirect.gather [hbm4b:s4+s14], $0x80, s23, s14, $0xb8;
	[tilespmem:$0x10900] =	vst v63  }
0x243: {  	_ =	swait.ge [sflag:s18], $0x4000  }
0x244: {  	[sflag:s18] =	ssyncset.done $0x0  }
0x245: {  	s30 =	rddreg [dreg:$0x18];
	[sflag:s18] =	ssyncadd.s32 $0xFFFFC000  }
0x246: {  	[hbm4b:s30+s2] =	stream.linear.scatter [tilespmem:s17], [sflag:$0x5], $0x4000, $0x38;
	[tilespmem:$0x10900] =	vst v63  }
0x247: {  	_ =	swait.ge [sflag:s6], $0x4000  }
0x248: {  	[sflag:s6] =	ssyncset.done $0x0  }
0x249: {  	[sflag:s6] =	ssyncadd.s32 $0xFFFFC000  }
0x24a: {  	[tilespmem:s10], [sflag:$0x4] =	stream.indirect.gather [hbm4b:s3+s14], $0x80, s23, s14, $0xb8;
	[tilespmem:$0x10900] =	vst v63  }
0x24b: {  	_ =	swait.ge [sflag:s16], $0x4000  }
0x24c: {  	[sflag:s16] =	ssyncset.done $0x0  }
0x24d: {  	s31 =	rddreg [dreg:$0x19];
	[sflag:s16] =	ssyncadd.s32 $0xFFFFC000  }
0x24e: {  	[hbm4b:s31+s2] =	stream.linear.scatter [tilespmem:s12], [sflag:$0x6], $0x4000, $0x38;
	[tilespmem:$0x10900] =	vst v63  }
0x24f: {  	_ =	swait.ge [sflag:s9], $0x4000  }
0x250: {  	[sflag:s9] =	ssyncset.done $0x0  }
0x251: {  	[sflag:s9] =	ssyncadd.s32 $0xFFFFC000  }
0x252: {  	[tilespmem:s17], [sflag:$0x1] =	stream.indirect.gather [hbm4b:s4+s14], $0x80, s22, s14, $0xb8;
	[tilespmem:$0x10900] =	vst v63  }
0x253: {  	_ =	swait.ge [sflag:s15], $0x4000  }
0x254: {  	[sflag:s15] =	ssyncset.done $0x0  }
0x255: {  	s1 =	rddreg [dreg:$0x1a];
	[sflag:s15] =	ssyncadd.s32 $0xFFFFC000  }
0x256: {  	[hbm4b:s1+s2] =	stream.linear.scatter [tilespmem:s11], [sflag:$0x7], $0x4000, $0x38;
	[tilespmem:$0x10900] =	vst v63  }
0x257: {  	_ =	swait.ge [sflag:s8], $0x4000  }
0x258: {  	[sflag:s8] =	ssyncset.done $0x0  }
0x259: {  	[sflag:s8] =	ssyncadd.s32 $0xFFFFC000  }
0x25a: {  	[tilespmem:s12], [sflag:$0x2] =	stream.indirect.gather [hbm4b:s3+s14], $0x80, s22, s14, $0xb8;
	[tilespmem:$0x10900] =	vst v63  }
0x25b: {  	_ =	swait.ge [sflag:s13], $0x4000  }
0x25c: {  	[sflag:s13] =	ssyncset.done $0x0  }
0x25d: {  	s22 =	rddreg [dreg:$0x1b];
	[sflag:s13] =	ssyncadd.s32 $0xFFFFC000  }
0x25e: {  	[hbm4b:s22+s2] =	stream.linear.scatter [tilespmem:s10], [sflag:$0x8], $0x4000, $0x38;
	[tilespmem:$0x10900] =	vst v63  }
0x25f: {  	_ =	swait.ge [sflag:s7], $0x4000  }
0x260: {  	[sflag:s7] =	ssyncset.done $0x0  }
0x261: {  	[sflag:s7] =	ssyncadd.s32 $0xFFFFC000  }
0x262: {  	[tilespmem:s11], [sflag:$0x3] =	stream.indirect.gather [hbm4b:s4+s14], $0x80, s21, s14, $0xb8;
	[tilespmem:$0x10900] =	vst v63  }
0x263: {  	_ =	swait.ge [sflag:s18], $0x4000  }
0x264: {  	[sflag:s18] =	ssyncset.done $0x0  }
0x265: {  	s23 =	rddreg [dreg:$0x1c];
	[sflag:s18] =	ssyncadd.s32 $0xFFFFC000  }
0x266: {  	[hbm4b:s23+s2] =	stream.linear.scatter [tilespmem:s17], [sflag:$0x5], $0x4000, $0x38;
	[tilespmem:$0x10900] =	vst v63  }
0x267: {  	_ =	swait.ge [sflag:s6], $0x4000  }
0x268: {  	[sflag:s6] =	ssyncset.done $0x0  }
0x269: {  	[sflag:s6] =	ssyncadd.s32 $0xFFFFC000  }
0x26a: {  	[tilespmem:s10], [sflag:$0x4] =	stream.indirect.gather [hbm4b:s3+s14], $0x80, s21, s14, $0xb8;
	[tilespmem:$0x10900] =	vst v63  }
0x26b: {  	_ =	swait.ge [sflag:s16], $0x4000  }
0x26c: {  	[sflag:s16] =	ssyncset.done $0x0  }
0x26d: {  	s24 =	rddreg [dreg:$0x1d];
	[sflag:s16] =	ssyncadd.s32 $0xFFFFC000  }
0x26e: {  	[hbm4b:s24+s2] =	stream.linear.scatter [tilespmem:s12], [sflag:$0x6], $0x4000, $0x38;
	[tilespmem:$0x10900] =	vst v63  }
0x26f: {  	_ =	swait.ge [sflag:s9], $0x4000  }
0x270: {  	[sflag:s9] =	ssyncset.done $0x0  }
0x271: {  	[sflag:s9] =	ssyncadd.s32 $0xFFFFC000  }
0x272: {  	[tilespmem:s17], [sflag:$0x1] =	stream.indirect.gather [hbm4b:s4+s14], $0x80, s20, s14, $0xb8;
	[tilespmem:$0x10900] =	vst v63  }
0x273: {  	_ =	swait.ge [sflag:s15], $0x4000  }
0x274: {  	[sflag:s15] =	ssyncset.done $0x0  }
0x275: {  	s25 =	rddreg [dreg:$0x1e];
	[sflag:s15] =	ssyncadd.s32 $0xFFFFC000  }
0x276: {  	[hbm4b:s25+s2] =	stream.linear.scatter [tilespmem:s11], [sflag:$0x7], $0x4000, $0x38;
	[tilespmem:$0x10900] =	vst v63  }
0x277: {  	_ =	swait.ge [sflag:s8], $0x4000  }
0x278: {  	[sflag:s8] =	ssyncset.done $0x0  }
0x279: {  	[sflag:s8] =	ssyncadd.s32 $0xFFFFC000  }
0x27a: {  	[tilespmem:s12], [sflag:$0x2] =	stream.indirect.gather [hbm4b:s3+s14], $0x80, s20, s14, $0xb8;
	[tilespmem:$0x10900] =	vst v63  }
0x27b: {  	_ =	swait.ge [sflag:s13], $0x4000  }
0x27c: {  	[sflag:s13] =	ssyncset.done $0x0  }
0x27d: {  	s26 =	rddreg [dreg:$0x1f];
	[sflag:s13] =	ssyncadd.s32 $0xFFFFC000  }
0x27e: {  	[hbm4b:s26+s2] =	stream.linear.scatter [tilespmem:s10], [sflag:$0x8], $0x4000, $0x38;
	[tilespmem:$0x10900] =	vst v63  }
0x27f: {  	_ =	swait.ge [sflag:s7], $0x4000  }
0x280: {  	[sflag:s7] =	ssyncset.done $0x0  }
0x281: {  	[sflag:s7] =	ssyncadd.s32 $0xFFFFC000  }
0x282: {  	[tilespmem:s11], [sflag:$0x3] =	stream.indirect.gather [hbm4b:s4+s14], $0x80, s19, s14, $0xb8;
	[tilespmem:$0x10900] =	vst v63  }
0x283: {  	_ =	swait.ge [sflag:s18], $0x4000  }
0x284: {  	s28 =	sld [smem:$0x7FB]  }
0x285: {  	[sflag:s18] =	ssyncset.done $0x0  }
0x286: {  	[sflag:s18] =	ssyncadd.s32 $0xFFFFC000  }
0x287: {  	[hbm4b:s28+s2] =	stream.linear.scatter [tilespmem:s17], [sflag:$0x5], $0x4000, $0x38;
	[tilespmem:$0x10900] =	vst v63  }
0x288: {  	_ =	swait.ge [sflag:s6], $0x4000  }
0x289: {  	[sflag:s6] =	ssyncset.done $0x0  }
0x28a: {  	[sflag:s6] =	ssyncadd.s32 $0xFFFFC000  }
0x28b: {  	[tilespmem:s10], [sflag:$0x4] =	stream.indirect.gather [hbm4b:s3+s14], $0x80, s19, s14, $0xb8;
	[tilespmem:$0x10900] =	vst v63  }
0x28c: {  	_ =	swait.ge [sflag:s16], $0x4000  }
0x28d: {  	s29 =	sld [smem:$0x7FC]  }
0x28e: {  	[sflag:s16] =	ssyncset.done $0x0  }
0x28f: {  	[sflag:s16] =	ssyncadd.s32 $0xFFFFC000  }
0x290: {  	[hbm4b:s29+s2] =	stream.linear.scatter [tilespmem:s12], [sflag:$0x6], $0x4000, $0x38;
	[tilespmem:$0x10900] =	vst v63  }
0x291: {  	_ =	swait.ge [sflag:s15], $0x4000  }
0x292: {  	s30 =	sld [smem:$0x7FD]  }
0x293: {  	[sflag:s15] =	ssyncset.done $0x0  }
0x294: {  	[sflag:s15] =	ssyncadd.s32 $0xFFFFC000  }
0x295: {  	[hbm4b:s30+s2] =	stream.linear.scatter [tilespmem:s11], [sflag:$0x7], $0x4000, $0x38;
	[tilespmem:$0x10900] =	vst v63  }
0x296: {  	_ =	swait.ge [sflag:s13], $0x4000  }
0x297: {  	[sflag:s13] =	ssyncset.done $0x0  }
0x298: {  	[sflag:s13] =	ssyncadd.s32 $0xFFFFC000  }
0x299: {  	[hbm4b:s5+s2] =	stream.linear.scatter [tilespmem:s10], [sflag:$0x8], $0x4000, $0x38;
	[tilespmem:$0x10900] =	vst v63  }
0x29a: {  	_ =	swait.ge [sflag:s9], $0x4000  }
0x29b: {  	[sflag:s9] =	ssyncset.done $0x0  }
0x29c: {  	[sflag:s9] =	ssyncadd.s32 $0xFFFFC000  }
0x29d: {  	_ =	swait.ge [sflag:s8], $0x4000  }
0x29e: {  	[sflag:s8] =	ssyncset.done $0x0  }
0x29f: {  	[sflag:s8] =	ssyncadd.s32 $0xFFFFC000  }
0x2a0: {  	_ =	swait.ge [sflag:s7], $0x4000  }
0x2a1: {  	[sflag:s7] =	ssyncset.done $0x0  }
0x2a2: {  	[sflag:s7] =	ssyncadd.s32 $0xFFFFC000  }
0x2a3: {  	_ =	swait.ge [sflag:s6], $0x4000  }
0x2a4: {  	[sflag:s6] =	ssyncset.done $0x0  }
0x2a5: {  	[sflag:s6] =	ssyncadd.s32 $0xFFFFC000  }
0x2a6: {  	_ =	sfence.sel $0x180000  }
0x2a7: {  	[bflag:$0x0] =	sbarrier.arrive $0xFFFF  }
0x2a8: {  	_ =	strace $0x9000004A  }
0x2a9: {  	s31 =	stileid.u32;
	[bflag:$0x2] =	sbarrier.arrive $0xFFFF  }
0x2aa: {  	p0 =	sne.s32 s31, $0x0;
	s0 =	rddreg [dreg:$0x6]  }
0x2ab: {  	s0 =	sadd.s32 @!p0 $0x100000, s0  }
0x2ac: {  	[sflag:s0] =	ssyncadd.tile.s32 @!p0 $0x1;
	_ =	shalt  }
.Lfunc_end2:
_tile_overlayer_lowered:
.L_overlay_start_2:
0x2ad: {  	(tag) =	ssettag $0x2  }
0x2ae: {  	s0 =	rddreg [dreg:$0x0];
	s2 =	stileid.u32  }
0x2af: {  	s1 =	rddreg [dreg:$0x1];
	p0 =	sne.s32 s2, $0x0  }
0x2b0: {  	s3 =	rddreg [dreg:$0x2];
	[bflag:$0x3] =	sbarrier.arrive $0xFFFF;
	s2 =	simm.s32 @!p0 $0x1C09  }
0x2b1: {  	[timem:s3], [sflag:s2] =	dma.local @!p0 [hbm:s0], s1  }
0x2b2: {  	s0 =	simm.s32 @!p0 $0x9  }
0x2b3: {  	_ =	swait.ge @!p0 [sflag:s0], s1  }
0x2b4: {  	s1 =	ssub.s32 @!p0 $0x0, s1;
	[sflag:s0] =	ssyncset.done @!p0 $0x0  }
0x2b5: {  	[sflag:s0] =	ssyncadd.s32 @!p0 s1  }
0x2b6: {  	[bflag:$0x3] =	sbarrier.arrive $0xFFFF  }
0x2b7: {  	_ =	shalt  }

// kernel: kernel.9.cloned.1.call-start
scs
__scs_entry_jumppad:
0x0: {  	(pc) =	sbr.rel $0x88, $3  }
0x1: {  	(tag) =	ssettag $0x0;
	lr =	simm.s32 $0x1  }
0x2: {  	[smem:$0x3F98] =	sst lr;
	_ =	strace $0xD0000000  }
0x3: {  	_ = 	snop  }
0x4: {  	_ = 	snop  }
0x5: {  	_ = 	snop  }
0x6: {  	_ = 	snop  }
0x7: {  	_ = 	snop  }
__scs_overlays_trampoline_lowered:
0x8: {  	[smem:$0x3FA7] =	sst s0  }
0x9: {  	[smem:$0x3FA8] =	sst s1  }
0xa: {  	[smem:$0x3FA9] =	sst s2  }
0xb: {  	[smem:$0x3FAA] =	sst s3  }
0xc: {  	[smem:$0x3FAB] =	sst s4  }
0xd: {  	[smem:$0x3FAC] =	sst s5  }
0xe: {  	[smem:$0x3FAD] =	sst s6  }
0xf: {  	[smem:$0x3FAE] =	sst s7  }
0x10: {  	[smem:$0x3FAF] =	sst s8  }
0x11: {  	[smem:$0x3FB0] =	sst s9;
	s0 =	simm.s32 @!p0 $0x0  }
0x12: {  	s1 =	sld [smem:$0x3F96];
	s0 =	simm.s32 @p0 $0x1  }
0x13: {  	[smem:$0x3FB1] =	sst s0;
	s0 =	simm.s32 @!p1 $0x0  }
0x14: {  	s2 =	sld [smem:$0x3F95];
	s0 =	simm.s32 @p1 $0x1  }
0x15: {  	[smem:$0x3FB2] =	sst s0;
	s0 =	simm.s32 @!p2 $0x0  }
0x16: {  	s3 =	sld [smem:$0x3FDB];
	s0 =	simm.s32 @p2 $0x1  }
0x17: {  	s4 =	simm.s32 $0x1BF5;
	[smem:$0x3FB4] =	sst s0  }
0x18: {  	s0 =	sld [smem:$0x3F97];
	_ =	swait.ge [sflag:s4], $0x0  }
0x19: {  	s7 =	sld [smem:$0x3F98]  }
0x1a: {  	s8 =	sadd.s32 $0xFFFFE003, lr  }
0x1b: {  	s9 =	sadd.s32 $0xFFFFFEF7, lr;
	s5 =	simm.s32 $0xFFFFFFFF;
	p2 =	slt.u32 s8, $0xFFFFF086  }
0x1c: {  	p1 =	slt.u32 s9, $0xF7A;
	s5 =	simm.s32 @!p2 $0x0  }
0x1d: {  	s5 =	simm.s32 @p1 $0x1;
	p0 =	seq.s32 s7, s2  }
0x1e: {  	s7 =	smul.u32 @!p0 $0xF7A, s2;
	p2 =	seq.s32 @!p0 s5, $0x0  }
0x1f: {  	s9 =	smul.u32 $0xF7A, s1;
	s8 =	simm.s32 @!p0 $0x1BF5;
	p2 =	por !p2, p0  }
0x20: {  	[sflag:s8] =	ssyncset.s32 @!p0 $0xFFFFF086;
	s6 =	sadd.s32 @!p0 s3, s7;
	s7 =	simm.s32 @!p0 $0x108  }
0x21: {  	s3 =	sadd.s32 s3, s9;
	s6 =	sadd.s32 @!p0 $0x88, s6;
	s7 =	simm.s32 @p2 $0x1082  }
0x22: {  	[simem:s7], [sflag:s8] =	dma.local @!p0 [hbm:s6], $0xF7A  }
0x23: {  	s9 =	sor.u32 $0xD0000000, s2;
	s6 =	simm.s32 $0x108;
	_ =	swait.ge @!p0 [sflag:s8], $0x0  }
0x24: {  	s3 =	sadd.s32 $0x88, s3;
	s6 =	simm.s32 @!p1 $0x1082;
	[sflag:s4] =	ssyncset.s32 $0xFFFFF086  }
0x25: {  	[simem:s6], [sflag:s4] =	dma.local [hbm:s3], $0xF7A  }
0x26: {  	[smem:$0x3F98] =	sst s1;
	(tag) =	ssettag s2;
	_ =	strace s9  }
0x27: {  	s1 =	sld [smem:$0x3FA8]  }
0x28: {  	s2 =	sld [smem:$0x3FA9]  }
0x29: {  	s4 =	sld [smem:$0x3FAB]  }
0x2a: {  	p0 =	seq.s32 s5, $0x0;
	s5 =	sld [smem:$0x3FAC]  }
0x2b: {  	s6 =	sld [smem:$0x3FAD]  }
0x2c: {  	s7 =	sld [smem:$0x3FAE]  }
0x2d: {  	s3 =	simm.s32 $0x108;
	s8 =	sld [smem:$0x3FAF]  }
0x2e: {  	s3 =	simm.s32 @!p0 $0x1082;
	s9 =	sld [smem:$0x3FB0]  }
0x2f: {  	lr =	sadd.s32 s0, s3;
	s0 =	sld [smem:$0x3FA7]  }
0x30: {  	s3 =	sld [smem:$0x3FAA]  }
0x31: {  	[smem:$0x3FB3] =	sst s10  }
0x32: {  	s10 =	sld [smem:$0x3FB1];
	_ =	sdelay $0x3  }
0x33: {  	p0 =	seq.s32 s10, $0x1;
	s10 =	sld [smem:$0x3FB3];
	_ =	sdelay $0x3  }
0x34: {  	[smem:$0x3FB3] =	sst s10  }
0x35: {  	s10 =	sld [smem:$0x3FB2];
	_ =	sdelay $0x3  }
0x36: {  	p1 =	seq.s32 s10, $0x1;
	s10 =	sld [smem:$0x3FB3];
	_ =	sdelay $0x3  }
0x37: {  	[smem:$0x3FB3] =	sst s10  }
0x38: {  	s10 =	sld [smem:$0x3FB4]  }
0x39: {  	_ = 	snop;
	(pc) =	sbr.ind lr, $3  }
0x3a: {  	_ = 	snop  }
0x3b: {  	_ = 	snop  }
0x3c: {  	p2 =	seq.s32 s10, $0x1;
	s10 =	sld [smem:$0x3FB3]  }
0x3d: {  	_ =	shalt  }
0x3e: {  	_ =	shalt  }
0x3f: {  	_ =	shalt  }
0x40: {  	_ =	shalt  }
0x41: {  	_ =	shalt  }
0x42: {  	_ =	shalt  }
0x43: {  	_ =	shalt  }
0x44: {  	_ =	shalt  }
0x45: {  	_ =	shalt  }
0x46: {  	_ =	shalt  }
0x47: {  	_ =	shalt  }
0x48: {  	_ =	shalt  }
0x49: {  	_ =	shalt  }
0x4a: {  	_ =	shalt  }
0x4b: {  	_ =	shalt  }
0x4c: {  	_ =	shalt  }
0x4d: {  	_ =	shalt  }
0x4e: {  	_ =	shalt  }
0x4f: {  	_ =	shalt  }
0x50: {  	_ =	shalt  }
0x51: {  	_ =	shalt  }
0x52: {  	_ =	shalt  }
0x53: {  	_ =	shalt  }
0x54: {  	_ =	shalt  }
0x55: {  	_ =	shalt  }
0x56: {  	_ =	shalt  }
0x57: {  	_ =	shalt  }
0x58: {  	_ =	shalt  }
0x59: {  	_ =	shalt  }
0x5a: {  	_ =	shalt  }
0x5b: {  	_ =	shalt  }
0x5c: {  	_ =	shalt  }
0x5d: {  	_ =	shalt  }
0x5e: {  	_ =	shalt  }
0x5f: {  	_ =	shalt  }
0x60: {  	_ =	shalt  }
0x61: {  	_ =	shalt  }
0x62: {  	_ =	shalt  }
0x63: {  	_ =	shalt  }
0x64: {  	_ =	shalt  }
0x65: {  	_ =	shalt  }
0x66: {  	_ =	shalt  }
0x67: {  	_ =	shalt  }
0x68: {  	_ =	shalt  }
0x69: {  	_ =	shalt  }
0x6a: {  	_ =	shalt  }
0x6b: {  	_ =	shalt  }
0x6c: {  	_ =	shalt  }
0x6d: {  	_ =	shalt  }
0x6e: {  	_ =	shalt  }
0x6f: {  	_ =	shalt  }
0x70: {  	_ =	shalt  }
0x71: {  	_ =	shalt  }
0x72: {  	_ =	shalt  }
0x73: {  	_ =	shalt  }
0x74: {  	_ =	shalt  }
0x75: {  	_ =	shalt  }
0x76: {  	_ =	shalt  }
0x77: {  	_ =	shalt  }
0x78: {  	_ =	shalt  }
0x79: {  	_ =	shalt  }
0x7a: {  	_ =	shalt  }
0x7b: {  	_ =	shalt  }
0x7c: {  	_ =	shalt  }
0x7d: {  	_ =	shalt  }
0x7e: {  	_ =	shalt  }
0x7f: {  	_ =	shalt  }
0x80: {  	_ =	shalt  }
0x81: {  	_ =	shalt  }
0x82: {  	_ =	shalt  }
0x83: {  	_ =	shalt  }
0x84: {  	_ =	shalt  }
0x85: {  	_ =	shalt  }
0x86: {  	_ =	shalt  }
0x87: {  	_ =	shalt  }
.Lfunc_end0:
.L_simem_size_0:
called_computation.1_lowered:
.L_overlay_start_0:
0x88: {  	s2 =	sld [smem:$0x3FD9]  }
0x89: {  	s3 =	sld [smem:$0x3FFE];
	_ =	sdelay $0x1  }
0x8a: {  	s1 =	srdreg.scid  }
0x8b: {  	s0 =	sand.u32 $0x1, s1  }
0x8c: {  	s14 =	sshll.u32 s0, $0xA;
	s2 =	sadd.s32 s3, s2  }
0x8d: {  	s2 =	sadd.s32 s2, s14  }
0x8e: {  	[smem:$0x3FBF] =	sst s2  }
0x8f: {  	_ = 	snop  }
0x90: {  	s2 =	sld [smem:$0x3FC6]  }
0x91: {  	s15 =	sld [smem:$0x3FD0]  }
0x92: {  	s4 =	sld [smem:$0x3FC5]  }
0x93: {  	s5 =	sld [smem:$0x3FC4]  }
0x94: {  	s7 =	simm.s32 $0xB;
	s8 =	simm.s32 $0x10;
	s6 =	sld [smem:$0x3FC3]  }
0x95: {  	[smem:s8], [sflag:s7] =	dma.local [hbm:s15], $0x1  }
0x96: {  	_ =	swait.eq [sflag:s7], $0x1  }
0x97: {  	[sflag:s7] =	ssyncset.done $0x0  }
0x98: {  	[sflag:s7] =	ssyncadd.s32 $0xFFFFFFFF  }
0x99: {  	s16 =	sld [smem:$0x11];
	(tm) =	ssettm $0x1  }
0x9a: {  	s17 =	sld [smem:$0x3FFB];
	_ =	sdelay $0x3  }
0x9b: {  	_ =	strace s17  }
0x9c: {  	s7 =	sld [smem:$0x3FFC];
	_ =	sdelay $0x3  }
0x9d: {  	_ =	strace s7  }
0x9e: {  	s7 =	sld [smem:$0x3FFD];
	_ =	sdelay $0x3  }
0x9f: {  	_ =	strace s7  }
0xa0: {  	_ =	strace $0x8FFFFFFF  }
0xa1: {  	s18 =	sld [smem:$0x3FDB];
	_ =	sdelay $0x1  }
0xa2: {  	s19 =	simm.s32 $_scs_section_size  }
0xa3: {  	s9 =	simm.s32 $_size__tile_overlayer_lowered;
	s10 =	simm.s32 $_tile_overlayer_lowered  }
0xa4: {  	s22 =	simm.s32 $0x1BFF;
	s21 =	sshll.u32 s10, $0x1;
	s7 =	sadd.s32 s19, s18  }
0xa5: {  	s11 =	simm.s32 $0x0;
	s20 =	sshll.u32 s9, $0x1;
	s9 =	sadd.s32 s21, s7  }
0xa6: {  	[timem:s11], [sflag:s22] =	dma.local [hbm:s9], s20  }
0xa7: {  	_ =	swait.ge [sflag:s22], s20  }
0xa8: {  	s8 =	ssub.s32 $0x0, s20;
	[sflag:s22] =	ssyncset.done $0x0  }
0xa9: {  	[sflag:s22] =	ssyncadd.s32 s8;
	_ =	sdelay $0x1  }
0xaa: {  	s23 =	simm.s32 $0x1B8B  }
0xab: {  	_ =	swait.ge [sflag:s23], $0x1  }
0xac: {  	[sflag:s23] =	ssyncset.done $0x0  }
0xad: {  	s25 =	simm.s32 $0x1B8E;
	s24 =	sld [smem:$0x3FFE];
	[sflag:s23] =	ssyncadd.s32 $0xFFFFFFFF  }
0xae: {  	s26 =	simm.s32 $execute0_lowered;
	[smem:$0x3FD2] =	sst s25  }
0xaf: {  	s9 =	sshll.u32 s26, $0x1;
	_ =	strace $0x80000046;
	[dreg:$0x1] =	wrdreg $0xFFFFFFFF  }
0xb0: {  	s28 =	simm.s32 $_size_execute0_lowered;
	s7 =	sadd.s32 s7, s9;
	[dreg:$0x0] =	wrdreg $0x0  }
0xb1: {  	s9 =	sshll.u32 s28, $0x1;
	[dreg:$0x2] =	wrdreg s7  }
0xb2: {  	[dreg:$0x3] =	wrdreg s9  }
0xb3: {  	[dreg:$0x4] =	wrdreg $0xC0  }
0xb4: {  	_ =	task [dreg:s11], $0x5FFFF  }
0xb5: {  	[dreg:$0x1] =	wrdreg $0xFFFFFFFF  }
0xb6: {  	[dreg:$0x0] =	wrdreg $0x60  }
0xb7: {  	[dreg:$0x2] =	wrdreg s24  }
0xb8: {  	[dreg:$0x3] =	wrdreg s16  }
0xb9: {  	[dreg:$0x4] =	wrdreg s4  }
0xba: {  	[dreg:$0x5] =	wrdreg s2  }
0xbb: {  	[dreg:$0x6] =	wrdreg s6  }
0xbc: {  	[dreg:$0x7] =	wrdreg s5  }
0xbd: {  	[dreg:$0x8] =	wrdreg $0xA  }
0xbe: {  	_ =	task.clear_ibuf [dreg:s11], $0x9FFFF;
	_ =	strace $0x90000046  }
0xbf: {  	s29 =	simm.s32 $0xA;
	_ =	strace $0x80000048  }
0xc0: {  	_ =	swait.ge [sflag:s29], $0x1  }
0xc1: {  	[sflag:s29] =	ssyncadd.s32 $0xFFFFFFFF  }
0xc2: {  	_ =	strace $0x90000048  }
0xc3: {  	_ =	sfence  }
0xc4: {  	s30 =	sld [smem:$0x0];
	_ =	sdelay $0x2  }
0xc5: {  	s31 =	sshll.u32 s1, $0xD;
	s1 =	sshrl.u32 s1, $0x2  }
0xc6: {  	s3 =	sand.u32 $0x4000, s31;
	s1 =	sadd.s32 s1, s30  }
0xc7: {  	s0 =	sor.u32 s3, s0;
	s1 =	sshll.u32 s1, $0x11  }
0xc8: {  	s0 =	sor.u32 s1, s0  }
0xc9: {  	s0 =	sadd.s32 $0x8F2B, s0  }
0xca: {  	[sflag:s0] =	ssyncadd.remote.s32 $0x1  }
0xcb: {  	_ =	sfence.sel $0xFFFF  }
0xcc: {  	[dreg:$0x0] =	wrdreg $0xFFFFFFFF;
	(pc) =	sbr.abs _section_cstart, $3  }
0xcd: {  	[dreg:$0x1] =	wrdreg $0xFFFFFFFF  }
0xce: {  	_ =	task.clear_ibuf [dreg:s11], $0x2FFFF;
	_ =	strace $0x9FFFFFFF  }
0xcf: {  	(tm) =	ssettm $0x7FFFFFFF  }
tec
execute0_lowered:
.L_overlay_start_1:
0x0: {  	(tag) =	ssettag $0x1  }
0x1: {  	s0 =	rddreg [dreg:$0x0]  }
0x2: {  	s5 =	rddreg [dreg:$0x1]  }
0x3: {  	s1 =	rddreg [dreg:$0x2]  }
0x4: {  	s24 =	rddreg [dreg:$0x3]  }
0x5: {  	s25 =	srdreg.scid;
	s4 =	rddreg [dreg:$0x4]  }
0x6: {  	s2 =	stileid.u32;
	s3 =	rddreg [dreg:$0x5]  }
0x7: {  	s31 =	simm.s32 $0x9;
	s29 =	simm.s32 $0x100;
	s30 =	simm.s32 $0x40  }
0x8: {  	s28 =	simm.s32 $0x180;
	p0 =	por $0x0, $0x0;
	[dreg:$0x7] =	wrdreg s1  }
0x9: {  	[dreg:$0x8] =	wrdreg s24;
	s1 =	sand.u32 $0x1, s25;
	s2 =	sshll.u32 s2, $0x1  }
0xa: {  	s6 =	sor.u32 s1, s2;
	s2 =	simm.s32 $0x0;
	s1 =	ssub.s32 $0x2, s1  }
0xb: {  	s7 =	sshll.u32 s6, $0x3;
	[smem:$0x7FF] =	sst s2;
	s26 =	sshll.u32 s6, $0x8  }
0xc: {  	s8 =	sshll.u32 s6, $0xA;
	s7 =	sadd.s32 s7, s0;
	s5 =	sadd.s32 s5, s26  }
0xd: {  	_ =	strace $0x80000047;
	s9 =	sadd.s32 $0x3200, s7;
	[dreg:$0xb] =	wrdreg s5  }
0xe: {  	s8 =	sadd.s32 s8, s0;
	s7 =	sadd.s32 $0x3000, s7;
	[dreg:$0x9] =	wrdreg s9  }
0xf: {  	s12 =	smul.u32 $0x5000, s6;
	s10 =	sadd.s32 $0xB600, s8;
	[dreg:$0xa] =	wrdreg s7  }
0x10: {  	s6 =	smul.u32 $0x28000, s6;
	s11 =	sadd.s32 $0x13600, s8;
	[dreg:$0xd] =	wrdreg s10  }
0x11: {  	s13 =	sadd.s32 $0x1B600, s8;
	s16 =	sor.u32 $0x800, s12;
	[dreg:$0xe] =	wrdreg s11  }
0x12: {  	s9 =	sadd.s32 $0x3600, s8;
	s7 =	sadd.s32 $0x23600, s0;
	[dreg:$0xf] =	wrdreg s13  }
0x13: {  	s0 =	sadd.s32 $0xC3600, s0;
	[dreg:$0xc] =	wrdreg s9;
	s14 =	sadd.s32 s7, s12  }
0x14: {  	s6 =	sshrl.u32 s6, $0x3;
	s15 =	sadd.s32 s0, s12;
	[dreg:$0x10] =	wrdreg s14  }
0x15: {  	s19 =	sadd.s32 $0x1000, s6;
	s17 =	sadd.s32 s7, s16;
	[dreg:$0x11] =	wrdreg s15  }
0x16: {  	s22 =	sadd.s32 $0x1800, s6;
	s18 =	sadd.s32 s0, s16;
	[dreg:$0x12] =	wrdreg s17  }
0x17: {  	s25 =	sadd.s32 $0x2000, s6;
	s20 =	sadd.s32 s7, s19;
	[dreg:$0x13] =	wrdreg s18  }
0x18: {  	s10 =	sadd.s32 $0x2800, s6;
	s21 =	sadd.s32 s0, s19;
	[dreg:$0x14] =	wrdreg s20  }
0x19: {  	s13 =	sadd.s32 $0x3000, s6;
	s23 =	sadd.s32 s7, s22;
	[dreg:$0x15] =	wrdreg s21  }
0x1a: {  	s8 =	simm.s32 $0x6;
	s24 =	sadd.s32 s0, s22;
	[dreg:$0x16] =	wrdreg s23  }
0x1b: {  	s26 =	sadd.s32 s7, s25;
	s9 =	sadd.s32 s0, s25;
	[dreg:$0x17] =	wrdreg s24  }
0x1c: {  	s11 =	sadd.s32 s7, s10;
	s12 =	sadd.s32 s0, s10;
	[dreg:$0x18] =	wrdreg s26  }
0x1d: {  	s16 =	sadd.s32 $0x3800, s6;
	s19 =	sadd.s32 $0x4000, s6;
	[dreg:$0x19] =	wrdreg s9  }
0x1e: {  	s6 =	sadd.s32 $0x4800, s6;
	s22 =	sshrl.u32 s1, $0x1;
	[dreg:$0x1a] =	wrdreg s11  }
0x1f: {  	s10 =	simm.s32 $0xC900;
	s25 =	simm.s32 $0x280;
	[dreg:$0x1b] =	wrdreg s12  }
0x20: {  	s14 =	sadd.s32 s7, s13;
	s15 =	sadd.s32 s0, s13;
	s17 =	sadd.s32 s7, s16  }
0x21: {  	s18 =	sadd.s32 s0, s16;
	s20 =	sadd.s32 s7, s19;
	s21 =	sadd.s32 s0, s19  }
0x22: {  	s23 =	sadd.s32 s7, s6;
	s5 =	sadd.s32 s0, s6;
	s0 =	rddreg [dreg:$0x9]  }
0x23: {  	s1 =	ssub.s32 s1, s22;
	s12 =	simm.s32 $0x4900;
	[dreg:$0x1c] =	wrdreg s14  }
0x24: {  	s11 =	simm.s32 $0x8900;
	s16 =	simm.s32 $0x2;
	[dreg:$0x1d] =	wrdreg s15  }
0x25: {  	s9 =	simm.s32 $0x5;
	s13 =	simm.s32 $0x4;
	[dreg:$0x1e] =	wrdreg s17  }
0x26: {  	s7 =	simm.s32 $0x7;
	[dreg:$0x1f] =	wrdreg s18;
	s24 =	smax.u32 s1, $0x1  }
0x27: {  	s6 =	simm.s32 $0x8;
	[smem:$0x7FB] =	sst s20;
	p1 =	sne.s32 s24, $0x1  }
.Ltmp0:
0x28: {  	s26 =	simm.s32 $0x200;
	[smem:$0x7FC] =	sst s21;
	(pc) =	sbr.rel @!p1 .LBB2_3-.Ltmp0, $4  }
0x29: {  	s22 =	simm.s32 $0x400;
	s19 =	simm.s32 $0x580;
	[smem:$0x7FD] =	sst s23  }
0x2a: {  	s14 =	simm.s32 $0x80;
	s17 =	simm.s32 $0x900;
	s18 =	simm.s32 $0x1  }
0x2b: {  	s15 =	simm.s32 $0x3;
	s23 =	simm.s32 $0x380;
	s21 =	simm.s32 $0x480  }
0x2c: {  	s20 =	simm.s32 $0x500;
	s1 =	sadd.s32 $0xFFFFFFFF, s24;
	s24 =	simm.s32 $0x300  }
0x2d: {  	[tilespmem:s2], [sflag:$0x9] =	stream.linear.gather [hbm4b:s0+s2], $0x40, $0x38;
	[tilespmem:$0x10900] =	vst v63  }
0x2e: {  	_ =	swait.ge [sflag:s31], $0x40  }
0x2f: {  	[sflag:s31] =	ssyncset.done $0x0  }
0x30: {  	s0 =	rddreg [dreg:$0xa];
	[sflag:s31] =	ssyncadd.s32 $0xFFFFFFC0  }
0x31: {  	[tilespmem:s14], [sflag:$0x9] =	stream.linear.gather [hbm4b:s0+s2], $0x40, $0x38;
	[tilespmem:$0x10900] =	vst v63  }
0x32: {  	_ =	swait.ge [sflag:s31], $0x40  }
0x33: {  	[sflag:s31] =	ssyncset.done $0x0  }
0x34: {  	s0 =	rddreg [dreg:$0xb];
	[sflag:s31] =	ssyncadd.s32 $0xFFFFFFC0  }
0x35: {  	[tilespmem:s29], [sflag:$0x9] =	stream.linear.gather [hbm4b:s0+s2], $0x500, $0x38;
	[tilespmem:$0x10900] =	vst v63  }
0x36: {  	_ =	swait.ge [sflag:s31], $0x500  }
0x37: {  	s0 =	rddreg [dreg:$0x7];
	[sflag:s31] =	ssyncset.done $0x0  }
0x38: {  	[smem:$0x7FA] =	sst s1;
	[sflag:s31] =	ssyncadd.s32 $0xFFFFFB00  }
0x39: {  	[tilespmem:s17], [sflag:$0x1] =	stream.indirect.gather [hbm4b:s0+s30], $0x80, s2, s30, $0xb8;
	[tilespmem:$0x10900] =	vst v63  }
0x3a: {  	s1 =	rddreg [dreg:$0x8]  }
0x3b: {  	[tilespmem:s12], [sflag:$0x2] =	stream.indirect.gather [hbm4b:s1+s30], $0x80, s2, s30, $0xb8;
	[tilespmem:$0x10900] =	vst v63  }
0x3c: {  	_ = 	snop  }
0x3d: {  	[tilespmem:s11], [sflag:$0x3] =	stream.indirect.gather [hbm4b:s4+s30], $0x80, s14, s30, $0xb8;
	[tilespmem:$0x10900] =	vst v63  }
0x3e: {  	_ =	swait.ge [sflag:s18], $0x2000  }
0x3f: {  	[sflag:s18] =	ssyncset.done $0x0  }
0x40: {  	s1 =	rddreg [dreg:$0xc];
	[sflag:s18] =	ssyncadd.s32 $0xFFFFE000  }
0x41: {  	[hbm4b:s1+s2] =	stream.linear.scatter [tilespmem:s17], [sflag:$0x5], $0x2000, $0x38;
	[tilespmem:$0x10900] =	vst v63  }
0x42: {  	_ = 	snop  }
0x43: {  	[tilespmem:s10], [sflag:$0x4] =	stream.indirect.gather [hbm4b:s3+s30], $0x80, s14, s30, $0xb8;
	[tilespmem:$0x10900] =	vst v63  }
0x44: {  	_ =	swait.ge [sflag:s16], $0x2000  }
0x45: {  	[sflag:s16] =	ssyncset.done $0x0  }
0x46: {  	s1 =	rddreg [dreg:$0xd];
	[sflag:s16] =	ssyncadd.s32 $0xFFFFE000  }
0x47: {  	[hbm4b:s1+s2] =	stream.linear.scatter [tilespmem:s12], [sflag:$0x6], $0x2000, $0x38;
	[tilespmem:$0x10900] =	vst v63  }
0x48: {  	_ =	swait.ge [sflag:s9], $0x2000  }
0x49: {  	[sflag:s9] =	ssyncset.done $0x0  }
0x4a: {  	[sflag:s9] =	ssyncadd.s32 $0xFFFFE000  }
0x4b: {  	[tilespmem:s17], [sflag:$0x1] =	stream.indirect.gather [hbm4b:s4+s14], $0x80, s29, s14, $0xb8;
	[tilespmem:$0x10900] =	vst v63  }
0x4c: {  	_ =	swait.ge [sflag:s15], $0x2000  }
0x4d: {  	[sflag:s15] =	ssyncset.done $0x0  }
0x4e: {  	s1 =	rddreg [dreg:$0xe];
	[sflag:s15] =	ssyncadd.s32 $0xFFFFE000  }
0x4f: {  	[hbm4b:s1+s2] =	stream.linear.scatter [tilespmem:s11], [sflag:$0x7], $0x2000, $0x38;
	[tilespmem:$0x10900] =	vst v63  }
0x50: {  	_ =	swait.ge [sflag:s8], $0x2000  }
0x51: {  	[sflag:s8] =	ssyncset.done $0x0  }
0x52: {  	[sflag:s8] =	ssyncadd.s32 $0xFFFFE000  }
0x53: {  	[tilespmem:s12], [sflag:$0x2] =	stream.indirect.gather [hbm4b:s3+s14], $0x80, s29, s14, $0xb8;
	[tilespmem:$0x10900] =	vst v63  }
0x54: {  	_ =	swait.ge [sflag:s13], $0x2000  }
0x55: {  	[sflag:s13] =	ssyncset.done $0x0  }
0x56: {  	s1 =	rddreg [dreg:$0xf];
	[sflag:s13] =	ssyncadd.s32 $0xFFFFE000  }
0x57: {  	[hbm4b:s1+s2] =	stream.linear.scatter [tilespmem:s10], [sflag:$0x8], $0x2000, $0x38;
	[tilespmem:$0x10900] =	vst v63  }
0x58: {  	_ =	swait.ge [sflag:s7], $0x2000  }
0x59: {  	[sflag:s7] =	ssyncset.done $0x0  }
0x5a: {  	[sflag:s7] =	ssyncadd.s32 $0xFFFFE000  }
0x5b: {  	[tilespmem:s11], [sflag:$0x3] =	stream.indirect.gather [hbm4b:s4+s14], $0x80, s28, s14, $0xb8;
	[tilespmem:$0x10900] =	vst v63  }
0x5c: {  	_ =	swait.ge [sflag:s18], $0x4000  }
0x5d: {  	[sflag:s18] =	ssyncset.done $0x0  }
0x5e: {  	s1 =	rddreg [dreg:$0x10];
	[sflag:s18] =	ssyncadd.s32 $0xFFFFC000  }
0x5f: {  	[hbm4b:s1+s2] =	stream.linear.scatter [tilespmem:s17], [sflag:$0x5], $0x4000, $0x38;
	[tilespmem:$0x10900] =	vst v63  }
0x60: {  	_ =	swait.ge [sflag:s6], $0x2000  }
0x61: {  	[sflag:s6] =	ssyncset.done $0x0  }
0x62: {  	[sflag:s6] =	ssyncadd.s32 $0xFFFFE000  }
0x63: {  	[tilespmem:s10], [sflag:$0x4] =	stream.indirect.gather [hbm4b:s3+s14], $0x80, s28, s14, $0xb8;
	[tilespmem:$0x10900] =	vst v63  }
0x64: {  	_ =	swait.ge [sflag:s16], $0x4000  }
0x65: {  	[sflag:s16] =	ssyncset.done $0x0  }
0x66: {  	s1 =	rddreg [dreg:$0x11];
	[sflag:s16] =	ssyncadd.s32 $0xFFFFC000  }
0x67: {  	[hbm4b:s1+s2] =	stream.linear.scatter [tilespmem:s12], [sflag:$0x6], $0x4000, $0x38;
	[tilespmem:$0x10900] =	vst v63  }
0x68: {  	_ =	swait.ge [sflag:s9], $0x4000  }
0x69: {  	[sflag:s9] =	ssyncset.done $0x0  }
0x6a: {  	[sflag:s9] =	ssyncadd.s32 $0xFFFFC000  }
0x6b: {  	[tilespmem:s17], [sflag:$0x1] =	stream.indirect.gather [hbm4b:s4+s14], $0x80, s26, s14, $0xb8;
	[tilespmem:$0x10900] =	vst v63  }
0x6c: {  	_ =	swait.ge [sflag:s15], $0x4000  }
0x6d: {  	[sflag:s15] =	ssyncset.done $0x0  }
0x6e: {  	s1 =	rddreg [dreg:$0x12];
	[sflag:s15] =	ssyncadd.s32 $0xFFFFC000  }
0x6f: {  	[hbm4b:s1+s2] =	stream.linear.scatter [tilespmem:s11], [sflag:$0x7], $0x4000, $0x38;
	[tilespmem:$0x10900] =	vst v63  }
0x70: {  	_ =	swait.ge [sflag:s8], $0x4000  }
0x71: {  	[sflag:s8] =	ssyncset.done $0x0  }
0x72: {  	[sflag:s8] =	ssyncadd.s32 $0xFFFFC000  }
0x73: {  	[tilespmem:s12], [sflag:$0x2] =	stream.indirect.gather [hbm4b:s3+s14], $0x80, s26, s14, $0xb8;
	[tilespmem:$0x10900] =	vst v63  }
0x74: {  	_ =	swait.ge [sflag:s13], $0x4000  }
0x75: {  	[sflag:s13] =	ssyncset.done $0x0  }
0x76: {  	s1 =	rddreg [dreg:$0x13];
	[sflag:s13] =	ssyncadd.s32 $0xFFFFC000  }
0x77: {  	[hbm4b:s1+s2] =	stream.linear.scatter [tilespmem:s10], [sflag:$0x8], $0x4000, $0x38;
	[tilespmem:$0x10900] =	vst v63  }
0x78: {  	_ =	swait.ge [sflag:s7], $0x4000  }
0x79: {  	[sflag:s7] =	ssyncset.done $0x0  }
0x7a: {  	[sflag:s7] =	ssyncadd.s32 $0xFFFFC000  }
0x7b: {  	[tilespmem:s11], [sflag:$0x3] =	stream.indirect.gather [hbm4b:s4+s14], $0x80, s25, s14, $0xb8;
	[tilespmem:$0x10900] =	vst v63  }
0x7c: {  	_ =	swait.ge [sflag:s18], $0x4000  }
0x7d: {  	[sflag:s18] =	ssyncset.done $0x0  }
0x7e: {  	s1 =	rddreg [dreg:$0x14];
	[sflag:s18] =	ssyncadd.s32 $0xFFFFC000  }
0x7f: {  	[hbm4b:s1+s2] =	stream.linear.scatter [tilespmem:s17], [sflag:$0x5], $0x4000, $0x38;
	[tilespmem:$0x10900] =	vst v63  }
0x80: {  	_ =	swait.ge [sflag:s6], $0x4000  }
0x81: {  	[sflag:s6] =	ssyncset.done $0x0  }
0x82: {  	[sflag:s6] =	ssyncadd.s32 $0xFFFFC000  }
0x83: {  	[tilespmem:s10], [sflag:$0x4] =	stream.indirect.gather [hbm4b:s3+s14], $0x80, s25, s14, $0xb8;
	[tilespmem:$0x10900] =	vst v63  }
0x84: {  	_ =	swait.ge [sflag:s16], $0x4000  }
0x85: {  	[sflag:s16] =	ssyncset.done $0x0  }
0x86: {  	s1 =	rddreg [dreg:$0x15];
	[sflag:s16] =	ssyncadd.s32 $0xFFFFC000  }
0x87: {  	[hbm4b:s1+s2] =	stream.linear.scatter [tilespmem:s12], [sflag:$0x6], $0x4000, $0x38;
	[tilespmem:$0x10900] =	vst v63  }
0x88: {  	_ =	swait.ge [sflag:s9], $0x4000  }
0x89: {  	[sflag:s9] =	ssyncset.done $0x0  }
0x8a: {  	[sflag:s9] =	ssyncadd.s32 $0xFFFFC000  }
0x8b: {  	[tilespmem:s17], [sflag:$0x1] =	stream.indirect.gather [hbm4b:s4+s14], $0x80, s24, s14, $0xb8;
	[tilespmem:$0x10900] =	vst v63  }
0x8c: {  	_ =	swait.ge [sflag:s15], $0x4000  }
0x8d: {  	[sflag:s15] =	ssyncset.done $0x0  }
0x8e: {  	s1 =	rddreg [dreg:$0x16];
	[sflag:s15] =	ssyncadd.s32 $0xFFFFC000  }
0x8f: {  	[hbm4b:s1+s2] =	stream.linear.scatter [tilespmem:s11], [sflag:$0x7], $0x4000, $0x38;
	[tilespmem:$0x10900] =	vst v63  }
0x90: {  	_ =	swait.ge [sflag:s8], $0x4000  }
0x91: {  	[sflag:s8] =	ssyncset.done $0x0  }
0x92: {  	[sflag:s8] =	ssyncadd.s32 $0xFFFFC000  }
0x93: {  	[tilespmem:s12], [sflag:$0x2] =	stream.indirect.gather [hbm4b:s3+s14], $0x80, s24, s14, $0xb8;
	[tilespmem:$0x10900] =	vst v63  }
0x94: {  	_ =	swait.ge [sflag:s13], $0x4000  }
0x95: {  	[sflag:s13] =	ssyncset.done $0x0  }
0x96: {  	s1 =	rddreg [dreg:$0x17];
	[sflag:s13] =	ssyncadd.s32 $0xFFFFC000  }
0x97: {  	[hbm4b:s1+s2] =	stream.linear.scatter [tilespmem:s10], [sflag:$0x8], $0x4000, $0x38;
	[tilespmem:$0x10900] =	vst v63  }
0x98: {  	_ =	swait.ge [sflag:s7], $0x4000  }
0x99: {  	[sflag:s7] =	ssyncset.done $0x0  }
0x9a: {  	[sflag:s7] =	ssyncadd.s32 $0xFFFFC000  }
0x9b: {  	[tilespmem:s11], [sflag:$0x3] =	stream.indirect.gather [hbm4b:s4+s14], $0x80, s23, s14, $0xb8;
	[tilespmem:$0x10900] =	vst v63  }
0x9c: {  	_ =	swait.ge [sflag:s18], $0x4000  }
0x9d: {  	[sflag:s18] =	ssyncset.done $0x0  }
0x9e: {  	s1 =	rddreg [dreg:$0x18];
	[sflag:s18] =	ssyncadd.s32 $0xFFFFC000  }
0x9f: {  	[hbm4b:s1+s2] =	stream.linear.scatter [tilespmem:s17], [sflag:$0x5], $0x4000, $0x38;
	[tilespmem:$0x10900] =	vst v63  }
0xa0: {  	_ =	swait.ge [sflag:s6], $0x4000  }
0xa1: {  	[sflag:s6] =	ssyncset.done $0x0  }
0xa2: {  	[sflag:s6] =	ssyncadd.s32 $0xFFFFC000  }
0xa3: {  	[tilespmem:s10], [sflag:$0x4] =	stream.indirect.gather [hbm4b:s3+s14], $0x80, s23, s14, $0xb8;
	[tilespmem:$0x10900] =	vst v63  }
0xa4: {  	_ =	swait.ge [sflag:s16], $0x4000  }
0xa5: {  	[sflag:s16] =	ssyncset.done $0x0  }
0xa6: {  	s1 =	rddreg [dreg:$0x19];
	[sflag:s16] =	ssyncadd.s32 $0xFFFFC000  }
0xa7: {  	[hbm4b:s1+s2] =	stream.linear.scatter [tilespmem:s12], [sflag:$0x6], $0x4000, $0x38;
	[tilespmem:$0x10900] =	vst v63  }
0xa8: {  	_ =	swait.ge [sflag:s9], $0x4000  }
0xa9: {  	[sflag:s9] =	ssyncset.done $0x0  }
0xaa: {  	[sflag:s9] =	ssyncadd.s32 $0xFFFFC000  }
0xab: {  	[tilespmem:s17], [sflag:$0x1] =	stream.indirect.gather [hbm4b:s4+s14], $0x80, s22, s14, $0xb8;
	[tilespmem:$0x10900] =	vst v63  }
0xac: {  	_ =	swait.ge [sflag:s15], $0x4000  }
0xad: {  	[sflag:s15] =	ssyncset.done $0x0  }
0xae: {  	s1 =	rddreg [dreg:$0x1a];
	[sflag:s15] =	ssyncadd.s32 $0xFFFFC000  }
0xaf: {  	[hbm4b:s1+s2] =	stream.linear.scatter [tilespmem:s11], [sflag:$0x7], $0x4000, $0x38;
	[tilespmem:$0x10900] =	vst v63  }
0xb0: {  	_ =	swait.ge [sflag:s8], $0x4000  }
0xb1: {  	[sflag:s8] =	ssyncset.done $0x0  }
0xb2: {  	[sflag:s8] =	ssyncadd.s32 $0xFFFFC000  }
0xb3: {  	[tilespmem:s12], [sflag:$0x2] =	stream.indirect.gather [hbm4b:s3+s14], $0x80, s22, s14, $0xb8;
	[tilespmem:$0x10900] =	vst v63  }
0xb4: {  	_ =	swait.ge [sflag:s13], $0x4000  }
0xb5: {  	[sflag:s13] =	ssyncset.done $0x0  }
0xb6: {  	s1 =	rddreg [dreg:$0x1b];
	[sflag:s13] =	ssyncadd.s32 $0xFFFFC000  }
0xb7: {  	[hbm4b:s1+s2] =	stream.linear.scatter [tilespmem:s10], [sflag:$0x8], $0x4000, $0x38;
	[tilespmem:$0x10900] =	vst v63  }
0xb8: {  	_ =	swait.ge [sflag:s7], $0x4000  }
0xb9: {  	[sflag:s7] =	ssyncset.done $0x0  }
0xba: {  	[sflag:s7] =	ssyncadd.s32 $0xFFFFC000  }
0xbb: {  	[tilespmem:s11], [sflag:$0x3] =	stream.indirect.gather [hbm4b:s4+s14], $0x80, s21, s14, $0xb8;
	[tilespmem:$0x10900] =	vst v63  }
0xbc: {  	_ =	swait.ge [sflag:s18], $0x4000  }
0xbd: {  	[sflag:s18] =	ssyncset.done $0x0  }
0xbe: {  	s1 =	rddreg [dreg:$0x1c];
	[sflag:s18] =	ssyncadd.s32 $0xFFFFC000  }
0xbf: {  	[hbm4b:s1+s2] =	stream.linear.scatter [tilespmem:s17], [sflag:$0x5], $0x4000, $0x38;
	[tilespmem:$0x10900] =	vst v63  }
0xc0: {  	_ =	swait.ge [sflag:s6], $0x4000  }
0xc1: {  	[sflag:s6] =	ssyncset.done $0x0  }
0xc2: {  	[sflag:s6] =	ssyncadd.s32 $0xFFFFC000  }
0xc3: {  	[tilespmem:s10], [sflag:$0x4] =	stream.indirect.gather [hbm4b:s3+s14], $0x80, s21, s14, $0xb8;
	[tilespmem:$0x10900] =	vst v63  }
0xc4: {  	_ =	swait.ge [sflag:s16], $0x4000  }
0xc5: {  	[sflag:s16] =	ssyncset.done $0x0  }
0xc6: {  	s1 =	rddreg [dreg:$0x1d];
	[sflag:s16] =	ssyncadd.s32 $0xFFFFC000  }
0xc7: {  	[hbm4b:s1+s2] =	stream.linear.scatter [tilespmem:s12], [sflag:$0x6], $0x4000, $0x38;
	[tilespmem:$0x10900] =	vst v63  }
0xc8: {  	_ =	swait.ge [sflag:s9], $0x4000  }
0xc9: {  	[sflag:s9] =	ssyncset.done $0x0  }
0xca: {  	[sflag:s9] =	ssyncadd.s32 $0xFFFFC000  }
0xcb: {  	[tilespmem:s17], [sflag:$0x1] =	stream.indirect.gather [hbm4b:s4+s14], $0x80, s20, s14, $0xb8;
	[tilespmem:$0x10900] =	vst v63  }
0xcc: {  	_ =	swait.ge [sflag:s15], $0x4000  }
0xcd: {  	[sflag:s15] =	ssyncset.done $0x0  }
0xce: {  	s1 =	rddreg [dreg:$0x1e];
	[sflag:s15] =	ssyncadd.s32 $0xFFFFC000  }
0xcf: {  	[hbm4b:s1+s2] =	stream.linear.scatter [tilespmem:s11], [sflag:$0x7], $0x4000, $0x38;
	[tilespmem:$0x10900] =	vst v63  }
0xd0: {  	_ =	swait.ge [sflag:s8], $0x4000  }
0xd1: {  	[sflag:s8] =	ssyncset.done $0x0  }
0xd2: {  	[sflag:s8] =	ssyncadd.s32 $0xFFFFC000  }
0xd3: {  	[tilespmem:s12], [sflag:$0x2] =	stream.indirect.gather [hbm4b:s3+s14], $0x80, s20, s14, $0xb8;
	[tilespmem:$0x10900] =	vst v63  }
0xd4: {  	_ =	swait.ge [sflag:s13], $0x4000  }
0xd5: {  	[sflag:s13] =	ssyncset.done $0x0  }
0xd6: {  	s1 =	rddreg [dreg:$0x1f];
	[sflag:s13] =	ssyncadd.s32 $0xFFFFC000  }
0xd7: {  	[hbm4b:s1+s2] =	stream.linear.scatter [tilespmem:s10], [sflag:$0x8], $0x4000, $0x38;
	[tilespmem:$0x10900] =	vst v63  }
0xd8: {  	_ =	swait.ge [sflag:s7], $0x4000  }
0xd9: {  	[sflag:s7] =	ssyncset.done $0x0  }
0xda: {  	[sflag:s7] =	ssyncadd.s32 $0xFFFFC000  }
0xdb: {  	[tilespmem:s11], [sflag:$0x3] =	stream.indirect.gather [hbm4b:s4+s14], $0x80, s19, s14, $0xb8;
	[tilespmem:$0x10900] =	vst v63  }
0xdc: {  	_ =	swait.ge [sflag:s18], $0x4000  }
0xdd: {  	s1 =	sld [smem:$0x7FB]  }
0xde: {  	[sflag:s18] =	ssyncset.done $0x0  }
0xdf: {  	[sflag:s18] =	ssyncadd.s32 $0xFFFFC000  }
0xe0: {  	[hbm4b:s1+s2] =	stream.linear.scatter [tilespmem:s17], [sflag:$0x5], $0x4000, $0x38;
	[tilespmem:$0x10900] =	vst v63  }
0xe1: {  	_ =	swait.ge [sflag:s6], $0x4000  }
0xe2: {  	[sflag:s6] =	ssyncset.done $0x0  }
0xe3: {  	[sflag:s6] =	ssyncadd.s32 $0xFFFFC000  }
0xe4: {  	[tilespmem:s10], [sflag:$0x4] =	stream.indirect.gather [hbm4b:s3+s14], $0x80, s19, s14, $0xb8;
	[tilespmem:$0x10900] =	vst v63  }
0xe5: {  	_ =	swait.ge [sflag:s16], $0x4000  }
0xe6: {  	s1 =	sld [smem:$0x7FC]  }
0xe7: {  	[sflag:s16] =	ssyncset.done $0x0  }
0xe8: {  	[sflag:s16] =	ssyncadd.s32 $0xFFFFC000  }
0xe9: {  	[hbm4b:s1+s2] =	stream.linear.scatter [tilespmem:s12], [sflag:$0x6], $0x4000, $0x38;
	[tilespmem:$0x10900] =	vst v63  }
0xea: {  	_ =	swait.ge [sflag:s15], $0x4000  }
0xeb: {  	s1 =	sld [smem:$0x7FD]  }
0xec: {  	[sflag:s15] =	ssyncset.done $0x0  }
0xed: {  	[sflag:s15] =	ssyncadd.s32 $0xFFFFC000  }
0xee: {  	[hbm4b:s1+s2] =	stream.linear.scatter [tilespmem:s11], [sflag:$0x7], $0x4000, $0x38;
	[tilespmem:$0x10900] =	vst v63  }
0xef: {  	_ =	swait.ge [sflag:s13], $0x4000  }
0xf0: {  	[sflag:s13] =	ssyncset.done $0x0  }
0xf1: {  	[sflag:s13] =	ssyncadd.s32 $0xFFFFC000  }
0xf2: {  	[hbm4b:s5+s2] =	stream.linear.scatter [tilespmem:s10], [sflag:$0x8], $0x4000, $0x38;
	[tilespmem:$0x10900] =	vst v63  }
0xf3: {  	_ =	swait.ge [sflag:s9], $0x4000  }
0xf4: {  	[sflag:s9] =	ssyncset.done $0x0  }
0xf5: {  	[sflag:s9] =	ssyncadd.s32 $0xFFFFC000  }
0xf6: {  	_ =	swait.ge [sflag:s8], $0x4000  }
0xf7: {  	[sflag:s8] =	ssyncset.done $0x0  }
0xf8: {  	[sflag:s8] =	ssyncadd.s32 $0xFFFFC000  }
0xf9: {  	_ =	swait.ge [sflag:s7], $0x4000  }
0xfa: {  	s1 =	sld [smem:$0x7FA];
	_ =	sdelay $0x2  }
0xfb: {  	p1 =	sne.s32 s1, $0x1  }
.Ltmp1:
0xfc: {  	_ = 	snop;
	(pc) =	sbr.rel @!p1 .LBB2_3-.Ltmp1, $4  }
0xfd: {  	[sflag:s7] =	ssyncset.done $0x0  }
0xfe: {  	[sflag:s7] =	ssyncadd.s32 $0xFFFFC000  }
0xff: {  	p0 =	por $0x1, $0x1;
	_ =	swait.ge [sflag:s6], $0x4000  }
0x100: {  	s1 =	sadd.s32 $0xFFFFFFFF, s1;
	s0 =	rddreg [dreg:$0x9];
	[sflag:s6] =	ssyncset.done $0x0  }
.LBB2_2:
0x101: {  	[sflag:s6] =	ssyncadd.s32 $0xFFFFC000  }
0x102: {  	[tilespmem:s2], [sflag:$0x9] =	stream.linear.gather [hbm4b:s0+s2], $0x40, $0x38;
	[tilespmem:$0x10900] =	vst v63  }
0x103: {  	_ =	swait.ge [sflag:s31], $0x40  }
0x104: {  	[sflag:s31] =	ssyncset.done $0x0  }
0x105: {  	s19 =	rddreg [dreg:$0xa];
	[sflag:s31] =	ssyncadd.s32 $0xFFFFFFC0  }
0x106: {  	[tilespmem:s14], [sflag:$0x9] =	stream.linear.gather [hbm4b:s19+s2], $0x40, $0x38;
	[tilespmem:$0x10900] =	vst v63  }
0x107: {  	_ =	swait.ge [sflag:s31], $0x40  }
0x108: {  	[sflag:s31] =	ssyncset.done $0x0  }
0x109: {  	s19 =	rddreg [dreg:$0xb];
	[sflag:s31] =	ssyncadd.s32 $0xFFFFFFC0  }
0x10a: {  	[tilespmem:s29], [sflag:$0x9] =	stream.linear.gather [hbm4b:s19+s2], $0x500, $0x38;
	[tilespmem:$0x10900] =	vst v63  }
0x10b: {  	_ =	swait.ge [sflag:s31], $0x500  }
0x10c: {  	[sflag:s31] =	ssyncset.done $0x0  }
0x10d: {  	s0 =	rddreg [dreg:$0x7];
	[sflag:s31] =	ssyncadd.s32 $0xFFFFFB00  }
0x10e: {  	[tilespmem:s17], [sflag:$0x1] =	stream.indirect.gather [hbm4b:s0+s30], $0x80, s2, s30, $0xb8;
	[tilespmem:$0x10900] =	vst v63  }
0x10f: {  	s19 =	smov.u32 s5;
	s5 =	rddreg [dreg:$0x8]  }
0x110: {  	[tilespmem:s12], [sflag:$0x2] =	stream.indirect.gather [hbm4b:s5+s30], $0x80, s2, s30, $0xb8;
	[tilespmem:$0x10900] =	vst v63  }
0x111: {  	_ = 	snop  }
0x112: {  	[tilespmem:s11], [sflag:$0x3] =	stream.indirect.gather [hbm4b:s4+s30], $0x80, s14, s30, $0xb8;
	[tilespmem:$0x10900] =	vst v63  }
0x113: {  	_ =	swait.ge [sflag:s18], $0x2000  }
0x114: {  	[sflag:s18] =	ssyncset.done $0x0  }
0x115: {  	s0 =	rddreg [dreg:$0xc];
	[sflag:s18] =	ssyncadd.s32 $0xFFFFE000  }
0x116: {  	[hbm4b:s0+s2] =	stream.linear.scatter [tilespmem:s17], [sflag:$0x5], $0x2000, $0x38;
	[tilespmem:$0x10900] =	vst v63  }
0x117: {  	_ = 	snop  }
0x118: {  	[tilespmem:s10], [sflag:$0x4] =	stream.indirect.gather [hbm4b:s3+s30], $0x80, s14, s30, $0xb8;
	[tilespmem:$0x10900] =	vst v63  }
0x119: {  	_ =	swait.ge [sflag:s16], $0x2000  }
0x11a: {  	[sflag:s16] =	ssyncset.done $0x0  }
0x11b: {  	s0 =	rddreg [dreg:$0xd];
	[sflag:s16] =	ssyncadd.s32 $0xFFFFE000  }
0x11c: {  	[hbm4b:s0+s2] =	stream.linear.scatter [tilespmem:s12], [sflag:$0x6], $0x2000, $0x38;
	[tilespmem:$0x10900] =	vst v63  }
0x11d: {  	_ =	swait.ge [sflag:s9], $0x2000  }
0x11e: {  	[sflag:s9] =	ssyncset.done $0x0  }
0x11f: {  	[sflag:s9] =	ssyncadd.s32 $0xFFFFE000  }
0x120: {  	[tilespmem:s17], [sflag:$0x1] =	stream.indirect.gather [hbm4b:s4+s14], $0x80, s29, s14, $0xb8;
	[tilespmem:$0x10900] =	vst v63  }
0x121: {  	_ =	swait.ge [sflag:s15], $0x2000  }
0x122: {  	[sflag:s15] =	ssyncset.done $0x0  }
0x123: {  	s0 =	rddreg [dreg:$0xe];
	[sflag:s15] =	ssyncadd.s32 $0xFFFFE000  }
0x124: {  	[hbm4b:s0+s2] =	stream.linear.scatter [tilespmem:s11], [sflag:$0x7], $0x2000, $0x38;
	[tilespmem:$0x10900] =	vst v63  }
0x125: {  	_ =	swait.ge [sflag:s8], $0x2000  }
0x126: {  	[sflag:s8] =	ssyncset.done $0x0  }
0x127: {  	[sflag:s8] =	ssyncadd.s32 $0xFFFFE000  }
0x128: {  	[tilespmem:s12], [sflag:$0x2] =	stream.indirect.gather [hbm4b:s3+s14], $0x80, s29, s14, $0xb8;
	[tilespmem:$0x10900] =	vst v63  }
0x129: {  	_ =	swait.ge [sflag:s13], $0x2000  }
0x12a: {  	[sflag:s13] =	ssyncset.done $0x0  }
0x12b: {  	s0 =	rddreg [dreg:$0xf];
	[sflag:s13] =	ssyncadd.s32 $0xFFFFE000  }
0x12c: {  	[hbm4b:s0+s2] =	stream.linear.scatter [tilespmem:s10], [sflag:$0x8], $0x2000, $0x38;
	[tilespmem:$0x10900] =	vst v63  }
0x12d: {  	_ =	swait.ge [sflag:s7], $0x2000  }
0x12e: {  	[sflag:s7] =	ssyncset.done $0x0  }
0x12f: {  	[sflag:s7] =	ssyncadd.s32 $0xFFFFE000  }
0x130: {  	[tilespmem:s11], [sflag:$0x3] =	stream.indirect.gather [hbm4b:s4+s14], $0x80, s28, s14, $0xb8;
	[tilespmem:$0x10900] =	vst v63  }
0x131: {  	_ =	swait.ge [sflag:s18], $0x4000  }
0x132: {  	[sflag:s18] =	ssyncset.done $0x0  }
0x133: {  	s0 =	rddreg [dreg:$0x10];
	[sflag:s18] =	ssyncadd.s32 $0xFFFFC000  }
0x134: {  	[hbm4b:s0+s2] =	stream.linear.scatter [tilespmem:s17], [sflag:$0x5], $0x4000, $0x38;
	[tilespmem:$0x10900] =	vst v63  }
0x135: {  	_ =	swait.ge [sflag:s6], $0x2000  }
0x136: {  	[sflag:s6] =	ssyncset.done $0x0  }
0x137: {  	[sflag:s6] =	ssyncadd.s32 $0xFFFFE000  }
0x138: {  	[tilespmem:s10], [sflag:$0x4] =	stream.indirect.gather [hbm4b:s3+s14], $0x80, s28, s14, $0xb8;
	[tilespmem:$0x10900] =	vst v63  }
0x139: {  	_ =	swait.ge [sflag:s16], $0x4000  }
0x13a: {  	[sflag:s16] =	ssyncset.done $0x0  }
0x13b: {  	s0 =	rddreg [dreg:$0x11];
	[sflag:s16] =	ssyncadd.s32 $0xFFFFC000  }
0x13c: {  	[hbm4b:s0+s2] =	stream.linear.scatter [tilespmem:s12], [sflag:$0x6], $0x4000, $0x38;
	[tilespmem:$0x10900] =	vst v63  }
0x13d: {  	_ =	swait.ge [sflag:s9], $0x4000  }
0x13e: {  	[sflag:s9] =	ssyncset.done $0x0  }
0x13f: {  	[sflag:s9] =	ssyncadd.s32 $0xFFFFC000  }
0x140: {  	[tilespmem:s17], [sflag:$0x1] =	stream.indirect.gather [hbm4b:s4+s14], $0x80, s26, s14, $0xb8;
	[tilespmem:$0x10900] =	vst v63  }
0x141: {  	_ =	swait.ge [sflag:s15], $0x4000  }
0x142: {  	[sflag:s15] =	ssyncset.done $0x0  }
0x143: {  	s0 =	rddreg [dreg:$0x12];
	[sflag:s15] =	ssyncadd.s32 $0xFFFFC000  }
0x144: {  	[hbm4b:s0+s2] =	stream.linear.scatter [tilespmem:s11], [sflag:$0x7], $0x4000, $0x38;
	[tilespmem:$0x10900] =	vst v63  }
0x145: {  	_ =	swait.ge [sflag:s8], $0x4000  }
0x146: {  	[sflag:s8] =	ssyncset.done $0x0  }
0x147: {  	[sflag:s8] =	ssyncadd.s32 $0xFFFFC000  }
0x148: {  	[tilespmem:s12], [sflag:$0x2] =	stream.indirect.gather [hbm4b:s3+s14], $0x80, s26, s14, $0xb8;
	[tilespmem:$0x10900] =	vst v63  }
0x149: {  	_ =	swait.ge [sflag:s13], $0x4000  }
0x14a: {  	[sflag:s13] =	ssyncset.done $0x0  }
0x14b: {  	s0 =	rddreg [dreg:$0x13];
	[sflag:s13] =	ssyncadd.s32 $0xFFFFC000  }
0x14c: {  	[hbm4b:s0+s2] =	stream.linear.scatter [tilespmem:s10], [sflag:$0x8], $0x4000, $0x38;
	[tilespmem:$0x10900] =	vst v63  }
0x14d: {  	_ =	swait.ge [sflag:s7], $0x4000  }
0x14e: {  	[sflag:s7] =	ssyncset.done $0x0  }
0x14f: {  	[sflag:s7] =	ssyncadd.s32 $0xFFFFC000  }
0x150: {  	[tilespmem:s11], [sflag:$0x3] =	stream.indirect.gather [hbm4b:s4+s14], $0x80, s25, s14, $0xb8;
	[tilespmem:$0x10900] =	vst v63  }
0x151: {  	_ =	swait.ge [sflag:s18], $0x4000  }
0x152: {  	[sflag:s18] =	ssyncset.done $0x0  }
0x153: {  	s0 =	rddreg [dreg:$0x14];
	[sflag:s18] =	ssyncadd.s32 $0xFFFFC000  }
0x154: {  	[hbm4b:s0+s2] =	stream.linear.scatter [tilespmem:s17], [sflag:$0x5], $0x4000, $0x38;
	[tilespmem:$0x10900] =	vst v63  }
0x155: {  	_ =	swait.ge [sflag:s6], $0x4000  }
0x156: {  	[sflag:s6] =	ssyncset.done $0x0  }
0x157: {  	[sflag:s6] =	ssyncadd.s32 $0xFFFFC000  }
0x158: {  	[tilespmem:s10], [sflag:$0x4] =	stream.indirect.gather [hbm4b:s3+s14], $0x80, s25, s14, $0xb8;
	[tilespmem:$0x10900] =	vst v63  }
0x159: {  	_ =	swait.ge [sflag:s16], $0x4000  }
0x15a: {  	[sflag:s16] =	ssyncset.done $0x0  }
0x15b: {  	s0 =	rddreg [dreg:$0x15];
	[sflag:s16] =	ssyncadd.s32 $0xFFFFC000  }
0x15c: {  	[hbm4b:s0+s2] =	stream.linear.scatter [tilespmem:s12], [sflag:$0x6], $0x4000, $0x38;
	[tilespmem:$0x10900] =	vst v63  }
0x15d: {  	_ =	swait.ge [sflag:s9], $0x4000  }
0x15e: {  	[sflag:s9] =	ssyncset.done $0x0  }
0x15f: {  	[sflag:s9] =	ssyncadd.s32 $0xFFFFC000  }
0x160: {  	[tilespmem:s17], [sflag:$0x1] =	stream.indirect.gather [hbm4b:s4+s14], $0x80, s24, s14, $0xb8;
	[tilespmem:$0x10900] =	vst v63  }
0x161: {  	_ =	swait.ge [sflag:s15], $0x4000  }
0x162: {  	[sflag:s15] =	ssyncset.done $0x0  }
0x163: {  	s0 =	rddreg [dreg:$0x16];
	[sflag:s15] =	ssyncadd.s32 $0xFFFFC000  }
0x164: {  	[hbm4b:s0+s2] =	stream.linear.scatter [tilespmem:s11], [sflag:$0x7], $0x4000, $0x38;
	[tilespmem:$0x10900] =	vst v63  }
0x165: {  	_ =	swait.ge [sflag:s8], $0x4000  }
0x166: {  	[sflag:s8] =	ssyncset.done $0x0  }
0x167: {  	[sflag:s8] =	ssyncadd.s32 $0xFFFFC000  }
0x168: {  	[tilespmem:s12], [sflag:$0x2] =	stream.indirect.gather [hbm4b:s3+s14], $0x80, s24, s14, $0xb8;
	[tilespmem:$0x10900] =	vst v63  }
0x169: {  	_ =	swait.ge [sflag:s13], $0x4000  }
0x16a: {  	[sflag:s13] =	ssyncset.done $0x0  }
0x16b: {  	s0 =	rddreg [dreg:$0x17];
	[sflag:s13] =	ssyncadd.s32 $0xFFFFC000  }
0x16c: {  	[hbm4b:s0+s2] =	stream.linear.scatter [tilespmem:s10], [sflag:$0x8], $0x4000, $0x38;
	[tilespmem:$0x10900] =	vst v63  }
0x16d: {  	_ =	swait.ge [sflag:s7], $0x4000  }
0x16e: {  	[sflag:s7] =	ssyncset.done $0x0  }
0x16f: {  	[sflag:s7] =	ssyncadd.s32 $0xFFFFC000  }
0x170: {  	[tilespmem:s11], [sflag:$0x3] =	stream.indirect.gather [hbm4b:s4+s14], $0x80, s23, s14, $0xb8;
	[tilespmem:$0x10900] =	vst v63  }
0x171: {  	_ =	swait.ge [sflag:s18], $0x4000  }
0x172: {  	[sflag:s18] =	ssyncset.done $0x0  }
0x173: {  	s0 =	rddreg [dreg:$0x18];
	[sflag:s18] =	ssyncadd.s32 $0xFFFFC000  }
0x174: {  	[hbm4b:s0+s2] =	stream.linear.scatter [tilespmem:s17], [sflag:$0x5], $0x4000, $0x38;
	[tilespmem:$0x10900] =	vst v63  }
0x175: {  	_ =	swait.ge [sflag:s6], $0x4000  }
0x176: {  	[sflag:s6] =	ssyncset.done $0x0  }
0x177: {  	[sflag:s6] =	ssyncadd.s32 $0xFFFFC000  }
0x178: {  	[tilespmem:s10], [sflag:$0x4] =	stream.indirect.gather [hbm4b:s3+s14], $0x80, s23, s14, $0xb8;
	[tilespmem:$0x10900] =	vst v63  }
0x179: {  	_ =	swait.ge [sflag:s16], $0x4000  }
0x17a: {  	[sflag:s16] =	ssyncset.done $0x0  }
0x17b: {  	s0 =	rddreg [dreg:$0x19];
	[sflag:s16] =	ssyncadd.s32 $0xFFFFC000  }
0x17c: {  	[hbm4b:s0+s2] =	stream.linear.scatter [tilespmem:s12], [sflag:$0x6], $0x4000, $0x38;
	[tilespmem:$0x10900] =	vst v63  }
0x17d: {  	_ =	swait.ge [sflag:s9], $0x4000  }
0x17e: {  	[sflag:s9] =	ssyncset.done $0x0  }
0x17f: {  	[sflag:s9] =	ssyncadd.s32 $0xFFFFC000  }
0x180: {  	[tilespmem:s17], [sflag:$0x1] =	stream.indirect.gather [hbm4b:s4+s14], $0x80, s22, s14, $0xb8;
	[tilespmem:$0x10900] =	vst v63  }
0x181: {  	_ =	swait.ge [sflag:s15], $0x4000  }
0x182: {  	[sflag:s15] =	ssyncset.done $0x0  }
0x183: {  	s0 =	rddreg [dreg:$0x1a];
	[sflag:s15] =	ssyncadd.s32 $0xFFFFC000  }
0x184: {  	[hbm4b:s0+s2] =	stream.linear.scatter [tilespmem:s11], [sflag:$0x7], $0x4000, $0x38;
	[tilespmem:$0x10900] =	vst v63  }
0x185: {  	_ =	swait.ge [sflag:s8], $0x4000  }
0x186: {  	[sflag:s8] =	ssyncset.done $0x0  }
0x187: {  	[sflag:s8] =	ssyncadd.s32 $0xFFFFC000  }
0x188: {  	[tilespmem:s12], [sflag:$0x2] =	stream.indirect.gather [hbm4b:s3+s14], $0x80, s22, s14, $0xb8;
	[tilespmem:$0x10900] =	vst v63  }
0x189: {  	_ =	swait.ge [sflag:s13], $0x4000  }
0x18a: {  	[sflag:s13] =	ssyncset.done $0x0  }
0x18b: {  	s0 =	rddreg [dreg:$0x1b];
	[sflag:s13] =	ssyncadd.s32 $0xFFFFC000  }
0x18c: {  	[hbm4b:s0+s2] =	stream.linear.scatter [tilespmem:s10], [sflag:$0x8], $0x4000, $0x38;
	[tilespmem:$0x10900] =	vst v63  }
0x18d: {  	_ =	swait.ge [sflag:s7], $0x4000  }
0x18e: {  	[sflag:s7] =	ssyncset.done $0x0  }
0x18f: {  	[sflag:s7] =	ssyncadd.s32 $0xFFFFC000  }
0x190: {  	[tilespmem:s11], [sflag:$0x3] =	stream.indirect.gather [hbm4b:s4+s14], $0x80, s21, s14, $0xb8;
	[tilespmem:$0x10900] =	vst v63  }
0x191: {  	_ =	swait.ge [sflag:s18], $0x4000  }
0x192: {  	[sflag:s18] =	ssyncset.done $0x0  }
0x193: {  	s0 =	rddreg [dreg:$0x1c];
	[sflag:s18] =	ssyncadd.s32 $0xFFFFC000  }
0x194: {  	[hbm4b:s0+s2] =	stream.linear.scatter [tilespmem:s17], [sflag:$0x5], $0x4000, $0x38;
	[tilespmem:$0x10900] =	vst v63  }
0x195: {  	_ =	swait.ge [sflag:s6], $0x4000  }
0x196: {  	[sflag:s6] =	ssyncset.done $0x0  }
0x197: {  	[sflag:s6] =	ssyncadd.s32 $0xFFFFC000  }
0x198: {  	[tilespmem:s10], [sflag:$0x4] =	stream.indirect.gather [hbm4b:s3+s14], $0x80, s21, s14, $0xb8;
	[tilespmem:$0x10900] =	vst v63  }
0x199: {  	_ =	swait.ge [sflag:s16], $0x4000  }
0x19a: {  	[sflag:s16] =	ssyncset.done $0x0  }
0x19b: {  	s0 =	rddreg [dreg:$0x1d];
	[sflag:s16] =	ssyncadd.s32 $0xFFFFC000  }
0x19c: {  	[hbm4b:s0+s2] =	stream.linear.scatter [tilespmem:s12], [sflag:$0x6], $0x4000, $0x38;
	[tilespmem:$0x10900] =	vst v63  }
0x19d: {  	_ =	swait.ge [sflag:s9], $0x4000  }
0x19e: {  	[sflag:s9] =	ssyncset.done $0x0  }
0x19f: {  	[sflag:s9] =	ssyncadd.s32 $0xFFFFC000  }
0x1a0: {  	[tilespmem:s17], [sflag:$0x1] =	stream.indirect.gather [hbm4b:s4+s14], $0x80, s20, s14, $0xb8;
	[tilespmem:$0x10900] =	vst v63  }
0x1a1: {  	_ =	swait.ge [sflag:s15], $0x4000  }
0x1a2: {  	[sflag:s15] =	ssyncset.done $0x0  }
0x1a3: {  	s0 =	rddreg [dreg:$0x1e];
	[sflag:s15] =	ssyncadd.s32 $0xFFFFC000  }
0x1a4: {  	[hbm4b:s0+s2] =	stream.linear.scatter [tilespmem:s11], [sflag:$0x7], $0x4000, $0x38;
	[tilespmem:$0x10900] =	vst v63  }
0x1a5: {  	_ =	swait.ge [sflag:s8], $0x4000  }
0x1a6: {  	[sflag:s8] =	ssyncset.done $0x0  }
0x1a7: {  	[sflag:s8] =	ssyncadd.s32 $0xFFFFC000  }
0x1a8: {  	[tilespmem:s12], [sflag:$0x2] =	stream.indirect.gather [hbm4b:s3+s14], $0x80, s20, s14, $0xb8;
	[tilespmem:$0x10900] =	vst v63  }
0x1a9: {  	_ =	swait.ge [sflag:s13], $0x4000  }
0x1aa: {  	[sflag:s13] =	ssyncset.done $0x0  }
0x1ab: {  	s0 =	rddreg [dreg:$0x1f];
	[sflag:s13] =	ssyncadd.s32 $0xFFFFC000  }
0x1ac: {  	[hbm4b:s0+s2] =	stream.linear.scatter [tilespmem:s10], [sflag:$0x8], $0x4000, $0x38;
	[tilespmem:$0x10900] =	vst v63  }
0x1ad: {  	_ =	swait.ge [sflag:s7], $0x4000  }
0x1ae: {  	[sflag:s7] =	ssyncset.done $0x0  }
0x1af: {  	s5 =	smov.u32 s19;
	s19 =	simm.s32 $0x580;
	[sflag:s7] =	ssyncadd.s32 $0xFFFFC000  }
0x1b0: {  	[tilespmem:s11], [sflag:$0x3] =	stream.indirect.gather [hbm4b:s4+s14], $0x80, s19, s14, $0xb8;
	[tilespmem:$0x10900] =	vst v63  }
0x1b1: {  	_ =	swait.ge [sflag:s18], $0x4000  }
0x1b2: {  	s0 =	sld [smem:$0x7FB]  }
0x1b3: {  	[sflag:s18] =	ssyncset.done $0x0  }
0x1b4: {  	[sflag:s18] =	ssyncadd.s32 $0xFFFFC000  }
0x1b5: {  	[hbm4b:s0+s2] =	stream.linear.scatter [tilespmem:s17], [sflag:$0x5], $0x4000, $0x38;
	[tilespmem:$0x10900] =	vst v63  }
0x1b6: {  	_ =	swait.ge [sflag:s6], $0x4000  }
0x1b7: {  	[sflag:s6] =	ssyncset.done $0x0  }
0x1b8: {  	[sflag:s6] =	ssyncadd.s32 $0xFFFFC000  }
0x1b9: {  	[tilespmem:s10], [sflag:$0x4] =	stream.indirect.gather [hbm4b:s3+s14], $0x80, s19, s14, $0xb8;
	[tilespmem:$0x10900] =	vst v63  }
0x1ba: {  	_ =	swait.ge [sflag:s16], $0x4000  }
0x1bb: {  	s0 =	sld [smem:$0x7FC]  }
0x1bc: {  	[sflag:s16] =	ssyncset.done $0x0  }
0x1bd: {  	[sflag:s16] =	ssyncadd.s32 $0xFFFFC000  }
0x1be: {  	[hbm4b:s0+s2] =	stream.linear.scatter [tilespmem:s12], [sflag:$0x6], $0x4000, $0x38;
	[tilespmem:$0x10900] =	vst v63  }
0x1bf: {  	_ =	swait.ge [sflag:s15], $0x4000  }
0x1c0: {  	s0 =	sld [smem:$0x7FD]  }
0x1c1: {  	[sflag:s15] =	ssyncset.done $0x0  }
0x1c2: {  	[sflag:s15] =	ssyncadd.s32 $0xFFFFC000  }
0x1c3: {  	[hbm4b:s0+s2] =	stream.linear.scatter [tilespmem:s11], [sflag:$0x7], $0x4000, $0x38;
	[tilespmem:$0x10900] =	vst v63  }
0x1c4: {  	_ =	swait.ge [sflag:s13], $0x4000  }
0x1c5: {  	[sflag:s13] =	ssyncset.done $0x0  }
0x1c6: {  	[sflag:s13] =	ssyncadd.s32 $0xFFFFC000  }
0x1c7: {  	[hbm4b:s5+s2] =	stream.linear.scatter [tilespmem:s10], [sflag:$0x8], $0x4000, $0x38;
	[tilespmem:$0x10900] =	vst v63  }
0x1c8: {  	_ =	swait.ge [sflag:s9], $0x4000  }
0x1c9: {  	[sflag:s9] =	ssyncset.done $0x0  }
0x1ca: {  	[sflag:s9] =	ssyncadd.s32 $0xFFFFC000  }
0x1cb: {  	_ =	swait.ge [sflag:s8], $0x4000  }
0x1cc: {  	[sflag:s8] =	ssyncset.done $0x0  }
0x1cd: {  	p1 =	sne.s32 s1, $0x1;
	[sflag:s8] =	ssyncadd.s32 $0xFFFFC000  }
.Ltmp2:
0x1ce: {  	_ =	swait.ge [sflag:s7], $0x4000;
	(pc) =	sbr.rel @p1 .LBB2_2-.Ltmp2, $4  }
0x1cf: {  	[sflag:s7] =	ssyncset.done $0x0  }
0x1d0: {  	[sflag:s7] =	ssyncadd.s32 $0xFFFFC000  }
0x1d1: {  	_ =	swait.ge [sflag:s6], $0x4000  }
0x1d2: {  	s1 =	sadd.s32 $0xFFFFFFFF, s1;
	s0 =	rddreg [dreg:$0x9];
	[sflag:s6] =	ssyncset.done $0x0  }
.LBB2_3:
0x1d3: {  	[sflag:s6] =	ssyncadd.s32 @p0 $0xFFFFC000  }
0x1d4: {  	[tilespmem:s2], [sflag:$0x9] =	stream.linear.gather [hbm4b:s0+s2], $0x40, $0x38;
	[tilespmem:$0x10900] =	vst v63  }
0x1d5: {  	_ =	swait.ge [sflag:s31], $0x40  }
0x1d6: {  	[sflag:s31] =	ssyncset.done $0x0  }
0x1d7: {  	s1 =	rddreg [dreg:$0xa];
	[sflag:s31] =	ssyncadd.s32 $0xFFFFFFC0  }
0x1d8: {  	[tilespmem:s14], [sflag:$0x9] =	stream.linear.gather [hbm4b:s1+s2], $0x40, $0x38;
	[tilespmem:$0x10900] =	vst v63  }
0x1d9: {  	_ =	swait.ge [sflag:s31], $0x40  }
0x1da: {  	[sflag:s31] =	ssyncset.done $0x0  }
0x1db: {  	s1 =	rddreg [dreg:$0xb];
	[sflag:s31] =	ssyncadd.s32 $0xFFFFFFC0  }
0x1dc: {  	[tilespmem:s29], [sflag:$0x9] =	stream.linear.gather [hbm4b:s1+s2], $0x500, $0x38;
	[tilespmem:$0x10900] =	vst v63  }
0x1dd: {  	_ =	swait.ge [sflag:s31], $0x500  }
0x1de: {  	[sflag:s31] =	ssyncset.done $0x0  }
0x1df: {  	s0 =	rddreg [dreg:$0x7];
	[sflag:s31] =	ssyncadd.s32 $0xFFFFFB00  }
0x1e0: {  	[tilespmem:s17], [sflag:$0x1] =	stream.indirect.gather [hbm4b:s0+s30], $0x80, s2, s30, $0xb8;
	[tilespmem:$0x10900] =	vst v63  }
0x1e1: {  	s1 =	rddreg [dreg:$0x8]  }
0x1e2: {  	[tilespmem:s12], [sflag:$0x2] =	stream.indirect.gather [hbm4b:s1+s30], $0x80, s2, s30, $0xb8;
	[tilespmem:$0x10900] =	vst v63  }
0x1e3: {  	_ = 	snop  }
0x1e4: {  	[tilespmem:s11], [sflag:$0x3] =	stream.indirect.gather [hbm4b:s4+s30], $0x80, s14, s30, $0xb8;
	[tilespmem:$0x10900] =	vst v63  }
0x1e5: {  	_ =	swait.ge [sflag:s18], $0x2000  }
0x1e6: {  	[sflag:s18] =	ssyncset.done $0x0  }
0x1e7: {  	s31 =	rddreg [dreg:$0xc];
	[sflag:s18] =	ssyncadd.s32 $0xFFFFE000  }
0x1e8: {  	[hbm4b:s31+s2] =	stream.linear.scatter [tilespmem:s17], [sflag:$0x5], $0x2000, $0x38;
	[tilespmem:$0x10900] =	vst v63  }
0x1e9: {  	_ = 	snop  }
0x1ea: {  	[tilespmem:s10], [sflag:$0x4] =	stream.indirect.gather [hbm4b:s3+s30], $0x80, s14, s30, $0xb8;
	[tilespmem:$0x10900] =	vst v63  }
0x1eb: {  	_ =	swait.ge [sflag:s16], $0x2000  }
0x1ec: {  	[sflag:s16] =	ssyncset.done $0x0  }
0x1ed: {  	s1 =	rddreg [dreg:$0xd];
	[sflag:s16] =	ssyncadd.s32 $0xFFFFE000  }
0x1ee: {  	[hbm4b:s1+s2] =	stream.linear.scatter [tilespmem:s12], [sflag:$0x6], $0x2000, $0x38;
	[tilespmem:$0x10900] =	vst v63  }
0x1ef: {  	_ =	swait.ge [sflag:s9], $0x2000  }
0x1f0: {  	[sflag:s9] =	ssyncset.done $0x0  }
0x1f1: {  	[sflag:s9] =	ssyncadd.s32 $0xFFFFE000  }
0x1f2: {  	[tilespmem:s17], [sflag:$0x1] =	stream.indirect.gather [hbm4b:s4+s14], $0x80, s29, s14, $0xb8;
	[tilespmem:$0x10900] =	vst v63  }
0x1f3: {  	_ =	swait.ge [sflag:s15], $0x2000  }
0x1f4: {  	[sflag:s15] =	ssyncset.done $0x0  }
0x1f5: {  	s30 =	rddreg [dreg:$0xe];
	[sflag:s15] =	ssyncadd.s32 $0xFFFFE000  }
0x1f6: {  	[hbm4b:s30+s2] =	stream.linear.scatter [tilespmem:s11], [sflag:$0x7], $0x2000, $0x38;
	[tilespmem:$0x10900] =	vst v63  }
0x1f7: {  	_ =	swait.ge [sflag:s8], $0x2000  }
0x1f8: {  	[sflag:s8] =	ssyncset.done $0x0  }
0x1f9: {  	[sflag:s8] =	ssyncadd.s32 $0xFFFFE000  }
0x1fa: {  	[tilespmem:s12], [sflag:$0x2] =	stream.indirect.gather [hbm4b:s3+s14], $0x80, s29, s14, $0xb8;
	[tilespmem:$0x10900] =	vst v63  }
0x1fb: {  	_ =	swait.ge [sflag:s13], $0x2000  }
0x1fc: {  	[sflag:s13] =	ssyncset.done $0x0  }
0x1fd: {  	s31 =	rddreg [dreg:$0xf];
	[sflag:s13] =	ssyncadd.s32 $0xFFFFE000  }
0x1fe: {  	[hbm4b:s31+s2] =	stream.linear.scatter [tilespmem:s10], [sflag:$0x8], $0x2000, $0x38;
	[tilespmem:$0x10900] =	vst v63  }
0x1ff: {  	_ =	swait.ge [sflag:s7], $0x2000  }
0x200: {  	[sflag:s7] =	ssyncset.done $0x0  }
0x201: {  	[sflag:s7] =	ssyncadd.s32 $0xFFFFE000  }
0x202: {  	[tilespmem:s11], [sflag:$0x3] =	stream.indirect.gather [hbm4b:s4+s14], $0x80, s28, s14, $0xb8;
	[tilespmem:$0x10900] =	vst v63  }
0x203: {  	_ =	swait.ge [sflag:s18], $0x4000  }
0x204: {  	[sflag:s18] =	ssyncset.done $0x0  }
0x205: {  	s1 =	rddreg [dreg:$0x10];
	[sflag:s18] =	ssyncadd.s32 $0xFFFFC000  }
0x206: {  	[hbm4b:s1+s2] =	stream.linear.scatter [tilespmem:s17], [sflag:$0x5], $0x4000, $0x38;
	[tilespmem:$0x10900] =	vst v63  }
0x207: {  	_ =	swait.ge [sflag:s6], $0x2000  }
0x208: {  	[sflag:s6] =	ssyncset.done $0x0  }
0x209: {  	[sflag:s6] =	ssyncadd.s32 $0xFFFFE000  }
0x20a: {  	[tilespmem:s10], [sflag:$0x4] =	stream.indirect.gather [hbm4b:s3+s14], $0x80, s28, s14, $0xb8;
	[tilespmem:$0x10900] =	vst v63  }
0x20b: {  	_ =	swait.ge [sflag:s16], $0x4000  }
0x20c: {  	[sflag:s16] =	ssyncset.done $0x0  }
0x20d: {  	s29 =	rddreg [dreg:$0x11];
	[sflag:s16] =	ssyncadd.s32 $0xFFFFC000  }
0x20e: {  	[hbm4b:s29+s2] =	stream.linear.scatter [tilespmem:s12], [sflag:$0x6], $0x4000, $0x38;
	[tilespmem:$0x10900] =	vst v63  }
0x20f: {  	_ =	swait.ge [sflag:s9], $0x4000  }
0x210: {  	[sflag:s9] =	ssyncset.done $0x0  }
0x211: {  	[sflag:s9] =	ssyncadd.s32 $0xFFFFC000  }
0x212: {  	[tilespmem:s17], [sflag:$0x1] =	stream.indirect.gather [hbm4b:s4+s14], $0x80, s26, s14, $0xb8;
	[tilespmem:$0x10900] =	vst v63  }
0x213: {  	_ =	swait.ge [sflag:s15], $0x4000  }
0x214: {  	[sflag:s15] =	ssyncset.done $0x0  }
0x215: {  	s30 =	rddreg [dreg:$0x12];
	[sflag:s15] =	ssyncadd.s32 $0xFFFFC000  }
0x216: {  	[hbm4b:s30+s2] =	stream.linear.scatter [tilespmem:s11], [sflag:$0x7], $0x4000, $0x38;
	[tilespmem:$0x10900] =	vst v63  }
0x217: {  	_ =	swait.ge [sflag:s8], $0x4000  }
0x218: {  	[sflag:s8] =	ssyncset.done $0x0  }
0x219: {  	[sflag:s8] =	ssyncadd.s32 $0xFFFFC000  }
0x21a: {  	[tilespmem:s12], [sflag:$0x2] =	stream.indirect.gather [hbm4b:s3+s14], $0x80, s26, s14, $0xb8;
	[tilespmem:$0x10900] =	vst v63  }
0x21b: {  	_ =	swait.ge [sflag:s13], $0x4000  }
0x21c: {  	[sflag:s13] =	ssyncset.done $0x0  }
0x21d: {  	s31 =	rddreg [dreg:$0x13];
	[sflag:s13] =	ssyncadd.s32 $0xFFFFC000  }
0x21e: {  	[hbm4b:s31+s2] =	stream.linear.scatter [tilespmem:s10], [sflag:$0x8], $0x4000, $0x38;
	[tilespmem:$0x10900] =	vst v63  }
0x21f: {  	_ =	swait.ge [sflag:s7], $0x4000  }
0x220: {  	[sflag:s7] =	ssyncset.done $0x0  }
0x221: {  	[sflag:s7] =	ssyncadd.s32 $0xFFFFC000  }
0x222: {  	[tilespmem:s11], [sflag:$0x3] =	stream.indirect.gather [hbm4b:s4+s14], $0x80, s25, s14, $0xb8;
	[tilespmem:$0x10900] =	vst v63  }
0x223: {  	_ =	swait.ge [sflag:s18], $0x4000  }
0x224: {  	[sflag:s18] =	ssyncset.done $0x0  }
0x225: {  	s1 =	rddreg [dreg:$0x14];
	[sflag:s18] =	ssyncadd.s32 $0xFFFFC000  }
0x226: {  	[hbm4b:s1+s2] =	stream.linear.scatter [tilespmem:s17], [sflag:$0x5], $0x4000, $0x38;
	[tilespmem:$0x10900] =	vst v63  }
0x227: {  	_ =	swait.ge [sflag:s6], $0x4000  }
0x228: {  	[sflag:s6] =	ssyncset.done $0x0  }
0x229: {  	[sflag:s6] =	ssyncadd.s32 $0xFFFFC000  }
0x22a: {  	[tilespmem:s10], [sflag:$0x4] =	stream.indirect.gather [hbm4b:s3+s14], $0x80, s25, s14, $0xb8;
	[tilespmem:$0x10900] =	vst v63  }
0x22b: {  	_ =	swait.ge [sflag:s16], $0x4000  }
0x22c: {  	[sflag:s16] =	ssyncset.done $0x0  }
0x22d: {  	s26 =	rddreg [dreg:$0x15];
	[sflag:s16] =	ssyncadd.s32 $0xFFFFC000  }
0x22e: {  	[hbm4b:s26+s2] =	stream.linear.scatter [tilespmem:s12], [sflag:$0x6], $0x4000, $0x38;
	[tilespmem:$0x10900] =	vst v63  }
0x22f: {  	_ =	swait.ge [sflag:s9], $0x4000  }
0x230: {  	[sflag:s9] =	ssyncset.done $0x0  }
0x231: {  	[sflag:s9] =	ssyncadd.s32 $0xFFFFC000  }
0x232: {  	[tilespmem:s17], [sflag:$0x1] =	stream.indirect.gather [hbm4b:s4+s14], $0x80, s24, s14, $0xb8;
	[tilespmem:$0x10900] =	vst v63  }
0x233: {  	_ =	swait.ge [sflag:s15], $0x4000  }
0x234: {  	[sflag:s15] =	ssyncset.done $0x0  }
0x235: {  	s28 =	rddreg [dreg:$0x16];
	[sflag:s15] =	ssyncadd.s32 $0xFFFFC000  }
0x236: {  	[hbm4b:s28+s2] =	stream.linear.scatter [tilespmem:s11], [sflag:$0x7], $0x4000, $0x38;
	[tilespmem:$0x10900] =	vst v63  }
0x237: {  	_ =	swait.ge [sflag:s8], $0x4000  }
0x238: {  	[sflag:s8] =	ssyncset.done $0x0  }
0x239: {  	[sflag:s8] =	ssyncadd.s32 $0xFFFFC000  }
0x23a: {  	[tilespmem:s12], [sflag:$0x2] =	stream.indirect.gather [hbm4b:s3+s14], $0x80, s24, s14, $0xb8;
	[tilespmem:$0x10900] =	vst v63  }
0x23b: {  	_ =	swait.ge [sflag:s13], $0x4000  }
0x23c: {  	[sflag:s13] =	ssyncset.done $0x0  }
0x23d: {  	s29 =	rddreg [dreg:$0x17];
	[sflag:s13] =	ssyncadd.s32 $0xFFFFC000  }
0x23e: {  	[hbm4b:s29+s2] =	stream.linear.scatter [tilespmem:s10], [sflag:$0x8], $0x4000, $0x38;
	[tilespmem:$0x10900] =	vst v63  }
0x23f: {  	_ =	swait.ge [sflag:s7], $0x4000  }
0x240: {  	[sflag:s7] =	ssyncset.done $0x0  }
0x241: {  	[sflag:s7] =	ssyncadd.s32 $0xFFFFC000  }
0x242: {  	[tilespmem:s11], [sflag:$0x3] =	stream.indirect.gather [hbm4b:s4+s14], $0x80, s23, s14, $0xb8;
	[tilespmem:$0x10900] =	vst v63  }
0x243: {  	_ =	swait.ge [sflag:s18], $0x4000  }
0x244: {  	[sflag:s18] =	ssyncset.done $0x0  }
0x245: {  	s30 =	rddreg [dreg:$0x18];
	[sflag:s18] =	ssyncadd.s32 $0xFFFFC000  }
0x246: {  	[hbm4b:s30+s2] =	stream.linear.scatter [tilespmem:s17], [sflag:$0x5], $0x4000, $0x38;
	[tilespmem:$0x10900] =	vst v63  }
0x247: {  	_ =	swait.ge [sflag:s6], $0x4000  }
0x248: {  	[sflag:s6] =	ssyncset.done $0x0  }
0x249: {  	[sflag:s6] =	ssyncadd.s32 $0xFFFFC000  }
0x24a: {  	[tilespmem:s10], [sflag:$0x4] =	stream.indirect.gather [hbm4b:s3+s14], $0x80, s23, s14, $0xb8;
	[tilespmem:$0x10900] =	vst v63  }
0x24b: {  	_ =	swait.ge [sflag:s16], $0x4000  }
0x24c: {  	[sflag:s16] =	ssyncset.done $0x0  }
0x24d: {  	s31 =	rddreg [dreg:$0x19];
	[sflag:s16] =	ssyncadd.s32 $0xFFFFC000  }
0x24e: {  	[hbm4b:s31+s2] =	stream.linear.scatter [tilespmem:s12], [sflag:$0x6], $0x4000, $0x38;
	[tilespmem:$0x10900] =	vst v63  }
0x24f: {  	_ =	swait.ge [sflag:s9], $0x4000  }
0x250: {  	[sflag:s9] =	ssyncset.done $0x0  }
0x251: {  	[sflag:s9] =	ssyncadd.s32 $0xFFFFC000  }
0x252: {  	[tilespmem:s17], [sflag:$0x1] =	stream.indirect.gather [hbm4b:s4+s14], $0x80, s22, s14, $0xb8;
	[tilespmem:$0x10900] =	vst v63  }
0x253: {  	_ =	swait.ge [sflag:s15], $0x4000  }
0x254: {  	[sflag:s15] =	ssyncset.done $0x0  }
0x255: {  	s1 =	rddreg [dreg:$0x1a];
	[sflag:s15] =	ssyncadd.s32 $0xFFFFC000  }
0x256: {  	[hbm4b:s1+s2] =	stream.linear.scatter [tilespmem:s11], [sflag:$0x7], $0x4000, $0x38;
	[tilespmem:$0x10900] =	vst v63  }
0x257: {  	_ =	swait.ge [sflag:s8], $0x4000  }
0x258: {  	[sflag:s8] =	ssyncset.done $0x0  }
0x259: {  	[sflag:s8] =	ssyncadd.s32 $0xFFFFC000  }
0x25a: {  	[tilespmem:s12], [sflag:$0x2] =	stream.indirect.gather [hbm4b:s3+s14], $0x80, s22, s14, $0xb8;
	[tilespmem:$0x10900] =	vst v63  }
0x25b: {  	_ =	swait.ge [sflag:s13], $0x4000  }
0x25c: {  	[sflag:s13] =	ssyncset.done $0x0  }
0x25d: {  	s22 =	rddreg [dreg:$0x1b];
	[sflag:s13] =	ssyncadd.s32 $0xFFFFC000  }
0x25e: {  	[hbm4b:s22+s2] =	stream.linear.scatter [tilespmem:s10], [sflag:$0x8], $0x4000, $0x38;
	[tilespmem:$0x10900] =	vst v63  }
0x25f: {  	_ =	swait.ge [sflag:s7], $0x4000  }
0x260: {  	[sflag:s7] =	ssyncset.done $0x0  }
0x261: {  	[sflag:s7] =	ssyncadd.s32 $0xFFFFC000  }
0x262: {  	[tilespmem:s11], [sflag:$0x3] =	stream.indirect.gather [hbm4b:s4+s14], $0x80, s21, s14, $0xb8;
	[tilespmem:$0x10900] =	vst v63  }
0x263: {  	_ =	swait.ge [sflag:s18], $0x4000  }
0x264: {  	[sflag:s18] =	ssyncset.done $0x0  }
0x265: {  	s23 =	rddreg [dreg:$0x1c];
	[sflag:s18] =	ssyncadd.s32 $0xFFFFC000  }
0x266: {  	[hbm4b:s23+s2] =	stream.linear.scatter [tilespmem:s17], [sflag:$0x5], $0x4000, $0x38;
	[tilespmem:$0x10900] =	vst v63  }
0x267: {  	_ =	swait.ge [sflag:s6], $0x4000  }
0x268: {  	[sflag:s6] =	ssyncset.done $0x0  }
0x269: {  	[sflag:s6] =	ssyncadd.s32 $0xFFFFC000  }
0x26a: {  	[tilespmem:s10], [sflag:$0x4] =	stream.indirect.gather [hbm4b:s3+s14], $0x80, s21, s14, $0xb8;
	[tilespmem:$0x10900] =	vst v63  }
0x26b: {  	_ =	swait.ge [sflag:s16], $0x4000  }
0x26c: {  	[sflag:s16] =	ssyncset.done $0x0  }
0x26d: {  	s24 =	rddreg [dreg:$0x1d];
	[sflag:s16] =	ssyncadd.s32 $0xFFFFC000  }
0x26e: {  	[hbm4b:s24+s2] =	stream.linear.scatter [tilespmem:s12], [sflag:$0x6], $0x4000, $0x38;
	[tilespmem:$0x10900] =	vst v63  }
0x26f: {  	_ =	swait.ge [sflag:s9], $0x4000  }
0x270: {  	[sflag:s9] =	ssyncset.done $0x0  }
0x271: {  	[sflag:s9] =	ssyncadd.s32 $0xFFFFC000  }
0x272: {  	[tilespmem:s17], [sflag:$0x1] =	stream.indirect.gather [hbm4b:s4+s14], $0x80, s20, s14, $0xb8;
	[tilespmem:$0x10900] =	vst v63  }
0x273: {  	_ =	swait.ge [sflag:s15], $0x4000  }
0x274: {  	[sflag:s15] =	ssyncset.done $0x0  }
0x275: {  	s25 =	rddreg [dreg:$0x1e];
	[sflag:s15] =	ssyncadd.s32 $0xFFFFC000  }
0x276: {  	[hbm4b:s25+s2] =	stream.linear.scatter [tilespmem:s11], [sflag:$0x7], $0x4000, $0x38;
	[tilespmem:$0x10900] =	vst v63  }
0x277: {  	_ =	swait.ge [sflag:s8], $0x4000  }
0x278: {  	[sflag:s8] =	ssyncset.done $0x0  }
0x279: {  	[sflag:s8] =	ssyncadd.s32 $0xFFFFC000  }
0x27a: {  	[tilespmem:s12], [sflag:$0x2] =	stream.indirect.gather [hbm4b:s3+s14], $0x80, s20, s14, $0xb8;
	[tilespmem:$0x10900] =	vst v63  }
0x27b: {  	_ =	swait.ge [sflag:s13], $0x4000  }
0x27c: {  	[sflag:s13] =	ssyncset.done $0x0  }
0x27d: {  	s26 =	rddreg [dreg:$0x1f];
	[sflag:s13] =	ssyncadd.s32 $0xFFFFC000  }
0x27e: {  	[hbm4b:s26+s2] =	stream.linear.scatter [tilespmem:s10], [sflag:$0x8], $0x4000, $0x38;
	[tilespmem:$0x10900] =	vst v63  }
0x27f: {  	_ =	swait.ge [sflag:s7], $0x4000  }
0x280: {  	[sflag:s7] =	ssyncset.done $0x0  }
0x281: {  	[sflag:s7] =	ssyncadd.s32 $0xFFFFC000  }
0x282: {  	[tilespmem:s11], [sflag:$0x3] =	stream.indirect.gather [hbm4b:s4+s14], $0x80, s19, s14, $0xb8;
	[tilespmem:$0x10900] =	vst v63  }
0x283: {  	_ =	swait.ge [sflag:s18], $0x4000  }
0x284: {  	s28 =	sld [smem:$0x7FB]  }
0x285: {  	[sflag:s18] =	ssyncset.done $0x0  }
0x286: {  	[sflag:s18] =	ssyncadd.s32 $0xFFFFC000  }
0x287: {  	[hbm4b:s28+s2] =	stream.linear.scatter [tilespmem:s17], [sflag:$0x5], $0x4000, $0x38;
	[tilespmem:$0x10900] =	vst v63  }
0x288: {  	_ =	swait.ge [sflag:s6], $0x4000  }
0x289: {  	[sflag:s6] =	ssyncset.done $0x0  }
0x28a: {  	[sflag:s6] =	ssyncadd.s32 $0xFFFFC000  }
0x28b: {  	[tilespmem:s10], [sflag:$0x4] =	stream.indirect.gather [hbm4b:s3+s14], $0x80, s19, s14, $0xb8;
	[tilespmem:$0x10900] =	vst v63  }
0x28c: {  	_ =	swait.ge [sflag:s16], $0x4000  }
0x28d: {  	s29 =	sld [smem:$0x7FC]  }
0x28e: {  	[sflag:s16] =	ssyncset.done $0x0  }
0x28f: {  	[sflag:s16] =	ssyncadd.s32 $0xFFFFC000  }
0x290: {  	[hbm4b:s29+s2] =	stream.linear.scatter [tilespmem:s12], [sflag:$0x6], $0x4000, $0x38;
	[tilespmem:$0x10900] =	vst v63  }
0x291: {  	_ =	swait.ge [sflag:s15], $0x4000  }
0x292: {  	s30 =	sld [smem:$0x7FD]  }
0x293: {  	[sflag:s15] =	ssyncset.done $0x0  }
0x294: {  	[sflag:s15] =	ssyncadd.s32 $0xFFFFC000  }
0x295: {  	[hbm4b:s30+s2] =	stream.linear.scatter [tilespmem:s11], [sflag:$0x7], $0x4000, $0x38;
	[tilespmem:$0x10900] =	vst v63  }
0x296: {  	_ =	swait.ge [sflag:s13], $0x4000  }
0x297: {  	[sflag:s13] =	ssyncset.done $0x0  }
0x298: {  	[sflag:s13] =	ssyncadd.s32 $0xFFFFC000  }
0x299: {  	[hbm4b:s5+s2] =	stream.linear.scatter [tilespmem:s10], [sflag:$0x8], $0x4000, $0x38;
	[tilespmem:$0x10900] =	vst v63  }
0x29a: {  	_ =	swait.ge [sflag:s9], $0x4000  }
0x29b: {  	[sflag:s9] =	ssyncset.done $0x0  }
0x29c: {  	[sflag:s9] =	ssyncadd.s32 $0xFFFFC000  }
0x29d: {  	_ =	swait.ge [sflag:s8], $0x4000  }
0x29e: {  	[sflag:s8] =	ssyncset.done $0x0  }
0x29f: {  	[sflag:s8] =	ssyncadd.s32 $0xFFFFC000  }
0x2a0: {  	_ =	swait.ge [sflag:s7], $0x4000  }
0x2a1: {  	[sflag:s7] =	ssyncset.done $0x0  }
0x2a2: {  	[sflag:s7] =	ssyncadd.s32 $0xFFFFC000  }
0x2a3: {  	_ =	swait.ge [sflag:s6], $0x4000  }
0x2a4: {  	[sflag:s6] =	ssyncset.done $0x0  }
0x2a5: {  	[sflag:s6] =	ssyncadd.s32 $0xFFFFC000  }
0x2a6: {  	_ =	sfence.sel $0x180000  }
0x2a7: {  	[bflag:$0x0] =	sbarrier.arrive $0xFFFF  }
0x2a8: {  	_ =	strace $0x90000047  }
0x2a9: {  	s31 =	stileid.u32;
	[bflag:$0x2] =	sbarrier.arrive $0xFFFF  }
0x2aa: {  	p0 =	sne.s32 s31, $0x0;
	s0 =	rddreg [dreg:$0x6]  }
0x2ab: {  	s0 =	sadd.s32 @!p0 $0x100000, s0  }
0x2ac: {  	[sflag:s0] =	ssyncadd.tile.s32 @!p0 $0x1;
	_ =	shalt  }
.Lfunc_end2:
_tile_overlayer_lowered:
.L_overlay_start_2:
0x2ad: {  	(tag) =	ssettag $0x2  }
0x2ae: {  	s0 =	rddreg [dreg:$0x0];
	s2 =	stileid.u32  }
0x2af: {  	s1 =	rddreg [dreg:$0x1];
	p0 =	sne.s32 s2, $0x0  }
0x2b0: {  	s3 =	rddreg [dreg:$0x2];
	[bflag:$0x3] =	sbarrier.arrive $0xFFFF;
	s2 =	simm.s32 @!p0 $0x1C09  }
0x2b1: {  	[timem:s3], [sflag:s2] =	dma.local @!p0 [hbm:s0], s1  }
0x2b2: {  	s0 =	simm.s32 @!p0 $0x9  }
0x2b3: {  	_ =	swait.ge @!p0 [sflag:s0], s1  }
0x2b4: {  	s1 =	ssub.s32 @!p0 $0x0, s1;
	[sflag:s0] =	ssyncset.done @!p0 $0x0  }
0x2b5: {  	[sflag:s0] =	ssyncadd.s32 @!p0 s1  }
0x2b6: {  	[bflag:$0x3] =	sbarrier.arrive $0xFFFF  }
0x2b7: {  	_ =	shalt  }

</sc_bundles>
